<compile_context>
chip_gen: v7x
topology: tpu7x:2x2x1
jax: 0.10.2.dev20260603
libtpu: 0.0.44.dev20260713+nightly
codegen_flags: <defaults>
</compile_context>

<pallas_src>
import functools

import jax
import jax.numpy as jnp
from jax import lax
from jax.experimental import pallas as pl
from jax.experimental.pallas import tpu as pltpu
from jax.experimental.pallas import tpu_sc as plsc

MAX_POS = 1024
D = 768
L = 16
C = 16


@functools.lru_cache(maxsize=None)
def _make_kernel(N: int, NC: int, NS: int):
  NW = NC * NS
  assert N % NW == 0
  b_per_w = N // NW
  assert b_per_w % (2 * C) == 0
  n_half = b_per_w // (2 * C)
  mesh = plsc.VectorSubcoreMesh(core_axis_name="c", subcore_axis_name="s",
                                num_cores=NC, num_subcores=NS)

  @functools.partial(
      pl.kernel,
      mesh=mesh,
      compiler_params=pltpu.CompilerParams(needs_layout_passes=False),
      out_type=jax.ShapeDtypeStruct((N, D), jnp.float32),
      scratch_types=[
          pltpu.VMEM((b_per_w,), jnp.int32),
          pltpu.VMEM((b_per_w,), jnp.int32),
          pltpu.VMEM((b_per_w,), jnp.int32),
          pltpu.VMEM((b_per_w,), jnp.int32),
          pltpu.VMEM((4 * C,), jnp.int32),
          pltpu.VMEM((4 * C,), jnp.int32),
          pltpu.VMEM((4 * C, D // 2), jnp.int32),
          pltpu.VMEM((4 * C, D // 2), jnp.int32),
          pltpu.VMEM((C, D), jnp.float32),
          pltpu.VMEM((C, D), jnp.float32),
          pltpu.SemaphoreType.DMA,
          pltpu.SemaphoreType.DMA,
          pltpu.SemaphoreType.DMA,
          pltpu.SemaphoreType.DMA,
      ],
  )
  def k(tables, x1s, y1s, x2s, y2s, out,
        ix1, iy1, ix2, iy2, idx0, idx1,
        rows0, rows1, acc0, acc1, sem0, sem1, osem0, osem1):
    wid = lax.axis_index("s") * NC + lax.axis_index("c")
    wbase = wid * b_per_w

    pltpu.sync_copy(x1s.at[pl.ds(wbase, b_per_w)], ix1)
    pltpu.sync_copy(y1s.at[pl.ds(wbase, b_per_w)], iy1)
    pltpu.sync_copy(x2s.at[pl.ds(wbase, b_per_w)], ix2)
    pltpu.sync_copy(y2s.at[pl.ds(wbase, b_per_w)], iy2)

    def build_idx(g, idx):
      cbase = g * C
      for v in range(C // L):
        src = pl.ds(cbase + v * L, L)
        a = ix1[src]
        b = iy1[src]
        idx[pl.ds(v * L, L)] = a
        idx[pl.ds(C + v * L, L)] = b + MAX_POS
        idx[pl.ds(2 * C + v * L, L)] = (ix2[src] - a) + 2 * MAX_POS
        idx[pl.ds(3 * C + v * L, L)] = (iy2[src] - b) + 3 * MAX_POS

    def do_sum(rows, acc):
      hi_mask = jnp.int32(-65536)

      def halves(w):
        lo = plsc.bitcast(w << 16, jnp.float32)
        hi = plsc.bitcast(w & hi_mask, jnp.float32)
        return lo, hi

      @plsc.parallel_loop(0, C)
      def _(c):
        for j in range(D // (2 * L)):
          sl = pl.ds(j * L, L)
          a0, b0 = halves(rows[c, sl])
          a1, b1 = halves(rows[C + c, sl])
          a2, b2 = halves(rows[2 * C + c, sl])
          a3, b3 = halves(rows[3 * C + c, sl])
          acc[c, pl.ds(j * 2 * L, L)] = (a0 + a1) + (a2 + a3)
          acc[c, pl.ds(j * 2 * L + L, L)] = (b0 + b1) + (b2 + b3)

    def out_desc(g, acc, osem):
      return pltpu.make_async_copy(acc, out.at[pl.ds(wbase + g * C, C)], osem)

    build_idx(0, idx0)
    pltpu.async_copy(tables.at[idx0], rows0, sem0)

    def half_body(t, carry):
      ge = 2 * t
      build_idx(ge + 1, idx1)
      pltpu.async_copy(tables.at[idx1], rows1, sem1)
      pltpu.make_async_copy(tables.at[idx0], rows0, sem0).wait()

      @pl.when(t > 0)
      def _():
        out_desc(ge - 2, acc0, osem0).wait()
      do_sum(rows0, acc0)
      pltpu.async_copy(acc0, out.at[pl.ds(wbase + ge * C, C)], osem0)

      @pl.when(t + 1 < n_half)
      def _():
        build_idx(ge + 2, idx0)
        pltpu.async_copy(tables.at[idx0], rows0, sem0)
      pltpu.make_async_copy(tables.at[idx1], rows1, sem1).wait()

      @pl.when(t > 0)
      def _():
        out_desc(ge - 1, acc1, osem1).wait()
      do_sum(rows1, acc1)
      pltpu.async_copy(acc1, out.at[pl.ds(wbase + (ge + 1) * C, C)], osem1)
      return carry

    lax.fori_loop(0, n_half, half_body, 0)
    out_desc(2 * n_half - 2, acc0, osem0).wait()
    out_desc(2 * n_half - 1, acc1, osem1).wait()

  return k


def kernel(bboxes, x_table, y_table, h_table, w_table):
  B, S, _ = bboxes.shape
  N = B * S
  bb = bboxes.reshape(N, 4)
  tables = jnp.concatenate([x_table, y_table, w_table, h_table], axis=0)
  tables = (tables.astype(jnp.bfloat16)
            .reshape(4 * MAX_POS, D // 32, 2, 16)
            .transpose(0, 1, 3, 2)
            .reshape(4 * MAX_POS, D // 2, 2))
  tables = lax.bitcast_convert_type(tables, jnp.int32)
  info = plsc.get_sparse_core_info()
  k = _make_kernel(N, info.num_cores, info.num_subcores)
  out = k(tables, bb[:, 0], bb[:, 1], bb[:, 2], bb[:, 3])
  return out.reshape(B, S, D)

# --- scband reference (transcript-rebuilt; emitter-appended) ---
"""Pipeline reference for scband-my-position-embedding-22565758173250 (READ-ONLY COPY).

The authoritative reference and input builder live on the scoring server;
editing this copy changes nothing except your own understanding.
"""

import jax, jax.numpy as jnp
import numpy as np

MAX_POS = 1024
EMBED = 768
B, S = 4, 8192


def setup_inputs(seed: int = 0) -> dict:
    key = jax.random.key(seed)
    kb, kx, ky, kh, kw = jax.random.split(key, 5)
    # sorted along last dim guarantees x1<=y1<=x2<=y2, so w=x2-x1>=0 and h=y2-y1>=0
    bboxes = jnp.sort(jax.random.randint(kb, (B, S, 4), 0, MAX_POS), axis=-1)
    x_table = jax.random.normal(kx, (MAX_POS, EMBED), dtype=jnp.float32) * 0.02
    y_table = jax.random.normal(ky, (MAX_POS, EMBED), dtype=jnp.float32) * 0.02
    h_table = jax.random.normal(kh, (MAX_POS, EMBED), dtype=jnp.float32) * 0.02
    w_table = jax.random.normal(kw, (MAX_POS, EMBED), dtype=jnp.float32) * 0.02
    return {"bboxes": bboxes, "x_table": x_table, "y_table": y_table, "h_table": h_table, "w_table": w_table}


def reference(bboxes, x_table, y_table, h_table, w_table):
    # torch .chunk(4, dim=-1) -> four [B, S, 1] slices
    x1, y1, x2, y2 = jnp.split(bboxes, 4, axis=-1)
    w = x2 - x1
    h = y2 - y1
    embs = (jnp.take(x_table, x1, axis=0)
            + jnp.take(y_table, y1, axis=0)
            + jnp.take(w_table, w, axis=0)
            + jnp.take(h_table, h, axis=0))
    # embs: [B, S, 1, EMBED] -> squeeze(-2) -> [B, S, EMBED]
    return jnp.squeeze(embs, axis=-2)

if __name__ == "__main__":
    import jax
    _d = setup_inputs()
    print(jax.jit(kernel)(*tuple(_d.values())))

</pallas_src>

<mosaic_0001>
#map = affine_map<(d0, d1) -> (0, 0)>
#map1 = affine_map<(d0, d1) -> (0)>
module attributes {stable_mosaic.version = 14 : i64} {
  func.func @k(%arg0: i32, %arg1: i32, %arg2: memref<4096x384xi32, #tpu.memory_space<hbm>>, %arg3: memref<32768xi32, #tpu.memory_space<hbm>>, %arg4: memref<32768xi32, #tpu.memory_space<hbm>>, %arg5: memref<32768xi32, #tpu.memory_space<hbm>>, %arg6: memref<32768xi32, #tpu.memory_space<hbm>>, %arg7: memref<32768x768xf32, #tpu.memory_space<hbm>>, %arg8: memref<1024xi32, #tpu.memory_space<vmem>>, %arg9: memref<1024xi32, #tpu.memory_space<vmem>>, %arg10: memref<1024xi32, #tpu.memory_space<vmem>>, %arg11: memref<1024xi32, #tpu.memory_space<vmem>>, %arg12: memref<64xi32, #tpu.memory_space<vmem>>, %arg13: memref<64xi32, #tpu.memory_space<vmem>>, %arg14: memref<64x384xi32, #tpu.memory_space<vmem>>, %arg15: memref<64x384xi32, #tpu.memory_space<vmem>>, %arg16: memref<16x768xf32, #tpu.memory_space<vmem>>, %arg17: memref<16x768xf32, #tpu.memory_space<vmem>>, %arg18: memref<!tpu.dma_semaphore, #tpu.memory_space<semaphore_mem>>, %arg19: memref<!tpu.dma_semaphore, #tpu.memory_space<semaphore_mem>>, %arg20: memref<!tpu.dma_semaphore, #tpu.memory_space<semaphore_mem>>, %arg21: memref<!tpu.dma_semaphore, #tpu.memory_space<semaphore_mem>>) attributes {dimension_semantics = [#tpu.dimension_semantics<core_parallel>, #tpu.dimension_semantics<subcore_parallel>], iteration_bounds = array<i64: 2, 16>, scalar_prefetch = 0 : i64, scratch_operands = 14 : i64, tpu.core_type = #tpu.core_type<sc_vector_subcore>, window_params = [{transform_indices = #map}, {transform_indices = #map1}, {transform_indices = #map1}, {transform_indices = #map1}, {transform_indices = #map1}, {transform_indices = #map}]} {
    %mul3A = arith.constant 2 : i32
    %mul3A_0 = arith.muli %arg1, %mul3A : i32
    %add3A = arith.addi %mul3A_0, %arg0 : i32
    %mul3A_1 = arith.constant 1024 : i32
    %mul3A_2 = arith.muli %add3A, %mul3A_1 : i32
    "tpu.region"() ({
      %run_scoped3A = tpu.sem_alloc : memref<!tpu.dma_semaphore, #tpu.memory_space<semaphore_mem>>
      %dma_start3A_45 = tpu.memref_slice %arg3[%mul3A_2] : memref<32768xi32, #tpu.memory_space<hbm>> -> memref<1024xi32, #tpu.memory_space<hbm>>
      %dma_start3A_46 = tpu.memref_slice %arg3[%mul3A_2] : memref<32768xi32, #tpu.memory_space<hbm>> -> memref<1024xi32, #tpu.memory_space<hbm>>
      tpu.enqueue_dma source(%dma_start3A_46 : memref<1024xi32, #tpu.memory_space<hbm>>) target(%arg8 : memref<1024xi32, #tpu.memory_space<vmem>>) target_semaphore(%run_scoped3A : memref<!tpu.dma_semaphore, #tpu.memory_space<semaphore_mem>>)
      %dma_wait3A_47 = tpu.memref_slice %arg3[%mul3A_2] : memref<32768xi32, #tpu.memory_space<hbm>> -> memref<1024xi32, #tpu.memory_space<hbm>>
      %dma_wait3A_48 = tpu.memref_slice %arg3[%mul3A_2] : memref<32768xi32, #tpu.memory_space<hbm>> -> memref<1024xi32, #tpu.memory_space<hbm>>
      tpu.wait_dma2 semaphore(%run_scoped3A : memref<!tpu.dma_semaphore, #tpu.memory_space<semaphore_mem>>) src(%dma_wait3A_48 : memref<1024xi32, #tpu.memory_space<hbm>>) dst(%arg8 : memref<1024xi32, #tpu.memory_space<vmem>>)
      tpu.yield
    }) : () -> ()
    "tpu.region"() ({
      %run_scoped3A = tpu.sem_alloc : memref<!tpu.dma_semaphore, #tpu.memory_space<semaphore_mem>>
      %dma_start3A_45 = tpu.memref_slice %arg4[%mul3A_2] : memref<32768xi32, #tpu.memory_space<hbm>> -> memref<1024xi32, #tpu.memory_space<hbm>>
      %dma_start3A_46 = tpu.memref_slice %arg4[%mul3A_2] : memref<32768xi32, #tpu.memory_space<hbm>> -> memref<1024xi32, #tpu.memory_space<hbm>>
      tpu.enqueue_dma source(%dma_start3A_46 : memref<1024xi32, #tpu.memory_space<hbm>>) target(%arg9 : memref<1024xi32, #tpu.memory_space<vmem>>) target_semaphore(%run_scoped3A : memref<!tpu.dma_semaphore, #tpu.memory_space<semaphore_mem>>)
      %dma_wait3A_47 = tpu.memref_slice %arg4[%mul3A_2] : memref<32768xi32, #tpu.memory_space<hbm>> -> memref<1024xi32, #tpu.memory_space<hbm>>
      %dma_wait3A_48 = tpu.memref_slice %arg4[%mul3A_2] : memref<32768xi32, #tpu.memory_space<hbm>> -> memref<1024xi32, #tpu.memory_space<hbm>>
      tpu.wait_dma2 semaphore(%run_scoped3A : memref<!tpu.dma_semaphore, #tpu.memory_space<semaphore_mem>>) src(%dma_wait3A_48 : memref<1024xi32, #tpu.memory_space<hbm>>) dst(%arg9 : memref<1024xi32, #tpu.memory_space<vmem>>)
      tpu.yield
    }) : () -> ()
    "tpu.region"() ({
      %run_scoped3A = tpu.sem_alloc : memref<!tpu.dma_semaphore, #tpu.memory_space<semaphore_mem>>
      %dma_start3A_45 = tpu.memref_slice %arg5[%mul3A_2] : memref<32768xi32, #tpu.memory_space<hbm>> -> memref<1024xi32, #tpu.memory_space<hbm>>
      %dma_start3A_46 = tpu.memref_slice %arg5[%mul3A_2] : memref<32768xi32, #tpu.memory_space<hbm>> -> memref<1024xi32, #tpu.memory_space<hbm>>
      tpu.enqueue_dma source(%dma_start3A_46 : memref<1024xi32, #tpu.memory_space<hbm>>) target(%arg10 : memref<1024xi32, #tpu.memory_space<vmem>>) target_semaphore(%run_scoped3A : memref<!tpu.dma_semaphore, #tpu.memory_space<semaphore_mem>>)
      %dma_wait3A_47 = tpu.memref_slice %arg5[%mul3A_2] : memref<32768xi32, #tpu.memory_space<hbm>> -> memref<1024xi32, #tpu.memory_space<hbm>>
      %dma_wait3A_48 = tpu.memref_slice %arg5[%mul3A_2] : memref<32768xi32, #tpu.memory_space<hbm>> -> memref<1024xi32, #tpu.memory_space<hbm>>
      tpu.wait_dma2 semaphore(%run_scoped3A : memref<!tpu.dma_semaphore, #tpu.memory_space<semaphore_mem>>) src(%dma_wait3A_48 : memref<1024xi32, #tpu.memory_space<hbm>>) dst(%arg10 : memref<1024xi32, #tpu.memory_space<vmem>>)
      tpu.yield
    }) : () -> ()
    "tpu.region"() ({
      %run_scoped3A = tpu.sem_alloc : memref<!tpu.dma_semaphore, #tpu.memory_space<semaphore_mem>>
      %dma_start3A_45 = tpu.memref_slice %arg6[%mul3A_2] : memref<32768xi32, #tpu.memory_space<hbm>> -> memref<1024xi32, #tpu.memory_space<hbm>>
      %dma_start3A_46 = tpu.memref_slice %arg6[%mul3A_2] : memref<32768xi32, #tpu.memory_space<hbm>> -> memref<1024xi32, #tpu.memory_space<hbm>>
      tpu.enqueue_dma source(%dma_start3A_46 : memref<1024xi32, #tpu.memory_space<hbm>>) target(%arg11 : memref<1024xi32, #tpu.memory_space<vmem>>) target_semaphore(%run_scoped3A : memref<!tpu.dma_semaphore, #tpu.memory_space<semaphore_mem>>)
      %dma_wait3A_47 = tpu.memref_slice %arg6[%mul3A_2] : memref<32768xi32, #tpu.memory_space<hbm>> -> memref<1024xi32, #tpu.memory_space<hbm>>
      %dma_wait3A_48 = tpu.memref_slice %arg6[%mul3A_2] : memref<32768xi32, #tpu.memory_space<hbm>> -> memref<1024xi32, #tpu.memory_space<hbm>>
      tpu.wait_dma2 semaphore(%run_scoped3A : memref<!tpu.dma_semaphore, #tpu.memory_space<semaphore_mem>>) src(%dma_wait3A_48 : memref<1024xi32, #tpu.memory_space<hbm>>) dst(%arg11 : memref<1024xi32, #tpu.memory_space<vmem>>)
      tpu.yield
    }) : () -> ()
    %get3A = arith.constant 0 : index
    %get3A_3 = tpu.vector_load %arg8[%get3A] {strides = array<i32>} : memref<1024xi32, #tpu.memory_space<vmem>>, vector<16xi32>,
    %get3A_4 = arith.constant 0 : index
    %get3A_5 = tpu.vector_load %arg9[%get3A_4] {strides = array<i32>} : memref<1024xi32, #tpu.memory_space<vmem>>, vector<16xi32>,
    %swap3A = arith.constant 0 : index
    %swap3A_6 = tpu.vector_load %arg12[%swap3A] {strides = array<i32>} : memref<64xi32, #tpu.memory_space<vmem>>, vector<16xi32>,
    tpu.vector_store %arg12[%swap3A], %get3A_3 {strides = array<i32>} : memref<64xi32, #tpu.memory_space<vmem>>, vector<16xi32>,
    %add3A_7 = arith.constant 1024 : i32
    %add3A_8 = vector.broadcast %add3A_7 : i32 to vector<16xi32>
    %add3A_9 = arith.addi %get3A_5, %add3A_8 : vector<16xi32>
    %swap3A_10 = arith.constant 16 : index
    %swap3A_11 = tpu.vector_load %arg12[%swap3A_10] {strides = array<i32>} : memref<64xi32, #tpu.memory_space<vmem>>, vector<16xi32>,
    tpu.vector_store %arg12[%swap3A_10], %add3A_9 {strides = array<i32>} : memref<64xi32, #tpu.memory_space<vmem>>, vector<16xi32>,
    %get3A_12 = arith.constant 0 : index
    %get3A_13 = tpu.vector_load %arg10[%get3A_12] {strides = array<i32>} : memref<1024xi32, #tpu.memory_space<vmem>>, vector<16xi32>,
    %sub3A = arith.subi %get3A_13, %get3A_3 : vector<16xi32>
    %add3A_14 = arith.constant 2048 : i32
    %add3A_15 = vector.broadcast %add3A_14 : i32 to vector<16xi32>
    %add3A_16 = arith.addi %sub3A, %add3A_15 : vector<16xi32>
    %swap3A_17 = arith.constant 32 : index
    %swap3A_18 = tpu.vector_load %arg12[%swap3A_17] {strides = array<i32>} : memref<64xi32, #tpu.memory_space<vmem>>, vector<16xi32>,
    tpu.vector_store %arg12[%swap3A_17], %add3A_16 {strides = array<i32>} : memref<64xi32, #tpu.memory_space<vmem>>, vector<16xi32>,
    %get3A_19 = arith.constant 0 : index
    %get3A_20 = tpu.vector_load %arg11[%get3A_19] {strides = array<i32>} : memref<1024xi32, #tpu.memory_space<vmem>>, vector<16xi32>,
    %sub3A_21 = arith.subi %get3A_20, %get3A_5 : vector<16xi32>
    %add3A_22 = arith.constant 3072 : i32
    %add3A_23 = vector.broadcast %add3A_22 : i32 to vector<16xi32>
    %add3A_24 = arith.addi %sub3A_21, %add3A_23 : vector<16xi32>
    %swap3A_25 = arith.constant 48 : index
    %swap3A_26 = tpu.vector_load %arg12[%swap3A_25] {strides = array<i32>} : memref<64xi32, #tpu.memory_space<vmem>>, vector<16xi32>,
    tpu.vector_store %arg12[%swap3A_25], %add3A_24 {strides = array<i32>} : memref<64xi32, #tpu.memory_space<vmem>>, vector<16xi32>,
    %dma_start3A = arith.constant 0 : i32
    %dma_start3A_27 = arith.constant 0 : i32
    %dma_start3A_28 = tpu.memref_slice %arg2[%dma_start3A, %dma_start3A_27] : memref<4096x384xi32, #tpu.memory_space<hbm>> -> memref<4096x384xi32, #tpu.memory_space<hbm>>
    tpu.enqueue_indirect_dma source(%dma_start3A_28 : memref<4096x384xi32, #tpu.memory_space<hbm>>) target(%arg14 : memref<64x384xi32, #tpu.memory_space<vmem>>) offsets(%arg12 : memref<64xi32, #tpu.memory_space<vmem>>) semaphore(%arg18 : memref<!tpu.dma_semaphore, #tpu.memory_space<semaphore_mem>>)
    %scan3A = arith.constant 0 : i32
    %scan3A_29 = arith.constant 0 : i32
    %scan3A_30 = arith.constant 32 : i32
    %scan3A_31 = arith.addi %scan3A_29, %scan3A_30 : i32
    %scan3A_32 = arith.constant 1 : i32
    scf.for %scan3A_45 = %scan3A_29 to %scan3A_31 step %scan3A_32  : i32 {
      %mul3A_46 = arith.constant 2 : i32
      %mul3A_47 = arith.muli %mul3A_46, %scan3A_45 : i32
      %add3A_48 = arith.constant 1 : i32
      %add3A_49 = arith.addi %mul3A_47, %add3A_48 : i32
      %mul3A_50 = arith.constant 16 : i32
      %mul3A_51 = arith.muli %add3A_49, %mul3A_50 : i32
      %add3A_52 = arith.constant 0 : i32
      %add3A_53 = arith.addi %mul3A_51, %add3A_52 : i32
      %get3A_54 = arith.index_cast %add3A_53 : i32 to index
      %get3A_55 = tpu.vector_load %arg8[%get3A_54] {strides = array<i32>} : memref<1024xi32, #tpu.memory_space<vmem>>, vector<16xi32>,
      %get3A_56 = arith.index_cast %add3A_53 : i32 to index
      %get3A_57 = tpu.vector_load %arg9[%get3A_56] {strides = array<i32>} : memref<1024xi32, #tpu.memory_space<vmem>>, vector<16xi32>,
      %swap3A_58 = arith.constant 0 : index
      %swap3A_59 = tpu.vector_load %arg13[%swap3A_58] {strides = array<i32>} : memref<64xi32, #tpu.memory_space<vmem>>, vector<16xi32>,
      tpu.vector_store %arg13[%swap3A_58], %get3A_55 {strides = array<i32>} : memref<64xi32, #tpu.memory_space<vmem>>, vector<16xi32>,
      %add3A_60 = arith.constant 1024 : i32
      %add3A_61 = vector.broadcast %add3A_60 : i32 to vector<16xi32>
      %add3A_62 = arith.addi %get3A_57, %add3A_61 : vector<16xi32>
      %swap3A_63 = arith.constant 16 : index
      %swap3A_64 = tpu.vector_load %arg13[%swap3A_63] {strides = array<i32>} : memref<64xi32, #tpu.memory_space<vmem>>, vector<16xi32>,
      tpu.vector_store %arg13[%swap3A_63], %add3A_62 {strides = array<i32>} : memref<64xi32, #tpu.memory_space<vmem>>, vector<16xi32>,
      %get3A_65 = arith.index_cast %add3A_53 : i32 to index
      %get3A_66 = tpu.vector_load %arg10[%get3A_65] {strides = array<i32>} : memref<1024xi32, #tpu.memory_space<vmem>>, vector<16xi32>,
      %sub3A_67 = arith.subi %get3A_66, %get3A_55 : vector<16xi32>
      %add3A_68 = arith.constant 2048 : i32
      %add3A_69 = vector.broadcast %add3A_68 : i32 to vector<16xi32>
      %add3A_70 = arith.addi %sub3A_67, %add3A_69 : vector<16xi32>
      %swap3A_71 = arith.constant 32 : index
      %swap3A_72 = tpu.vector_load %arg13[%swap3A_71] {strides = array<i32>} : memref<64xi32, #tpu.memory_space<vmem>>, vector<16xi32>,
      tpu.vector_store %arg13[%swap3A_71], %add3A_70 {strides = array<i32>} : memref<64xi32, #tpu.memory_space<vmem>>, vector<16xi32>,
      %get3A_73 = arith.index_cast %add3A_53 : i32 to index
      %get3A_74 = tpu.vector_load %arg11[%get3A_73] {strides = array<i32>} : memref<1024xi32, #tpu.memory_space<vmem>>, vector<16xi32>,
      %sub3A_75 = arith.subi %get3A_74, %get3A_57 : vector<16xi32>
      %add3A_76 = arith.constant 3072 : i32
      %add3A_77 = vector.broadcast %add3A_76 : i32 to vector<16xi32>
      %add3A_78 = arith.addi %sub3A_75, %add3A_77 : vector<16xi32>
      %swap3A_79 = arith.constant 48 : index
      %swap3A_80 = tpu.vector_load %arg13[%swap3A_79] {strides = array<i32>} : memref<64xi32, #tpu.memory_space<vmem>>, vector<16xi32>,
      tpu.vector_store %arg13[%swap3A_79], %add3A_78 {strides = array<i32>} : memref<64xi32, #tpu.memory_space<vmem>>, vector<16xi32>,
      %dma_start3A_81 = arith.constant 0 : i32
      %dma_start3A_82 = arith.constant 0 : i32
      %dma_start3A_83 = tpu.memref_slice %arg2[%dma_start3A_81, %dma_start3A_82] : memref<4096x384xi32, #tpu.memory_space<hbm>> -> memref<4096x384xi32, #tpu.memory_space<hbm>>
      tpu.enqueue_indirect_dma source(%dma_start3A_83 : memref<4096x384xi32, #tpu.memory_space<hbm>>) target(%arg15 : memref<64x384xi32, #tpu.memory_space<vmem>>) offsets(%arg13 : memref<64xi32, #tpu.memory_space<vmem>>) semaphore(%arg19 : memref<!tpu.dma_semaphore, #tpu.memory_space<semaphore_mem>>)
      %dma_wait3A_84 = arith.constant 0 : i32
      %dma_wait3A_85 = arith.constant 0 : i32
      %dma_wait3A_86 = tpu.memref_slice %arg2[%dma_wait3A_84, %dma_wait3A_85] : memref<4096x384xi32, #tpu.memory_space<hbm>> -> memref<4096x384xi32, #tpu.memory_space<hbm>>
      tpu.wait_indirect_dma semaphore(%arg18 : memref<!tpu.dma_semaphore, #tpu.memory_space<semaphore_mem>>) src(%dma_wait3A_86 : memref<4096x384xi32, #tpu.memory_space<hbm>>) dst(%arg14 : memref<64x384xi32, #tpu.memory_space<vmem>>)
      %gt3A = arith.constant 0 : i32
      %gt3A_87 = arith.cmpi sgt, %scan3A_45, %gt3A : i32
      %convert_element_type3A = arith.extui %gt3A_87 : i1 to i32
      %cond3A = arith.constant 0 : i32
      %cond3A_88 = arith.cmpi ne, %convert_element_type3A, %cond3A : i32
      scf.if %cond3A_88 {
        %sub3A_126 = arith.constant 2 : i32
        %sub3A_127 = arith.subi %mul3A_47, %sub3A_126 : i32
        %mul3A_128 = arith.constant 16 : i32
        %mul3A_129 = arith.muli %sub3A_127, %mul3A_128 : i32
        %add3A_130 = arith.addi %mul3A_2, %mul3A_129 : i32
        %dma_wait3A_131 = arith.constant 0 : i32
        %dma_wait3A_132 = tpu.memref_slice %arg7[%add3A_130, %dma_wait3A_131] : memref<32768x768xf32, #tpu.memory_space<hbm>> -> memref<16x768xf32, #tpu.memory_space<hbm>>
        %dma_wait3A_133 = arith.constant 0 : i32
        %dma_wait3A_134 = tpu.memref_slice %arg7[%add3A_130, %dma_wait3A_133] : memref<32768x768xf32, #tpu.memory_space<hbm>> -> memref<16x768xf32, #tpu.memory_space<hbm>>
        tpu.wait_dma2 semaphore(%arg20 : memref<!tpu.dma_semaphore, #tpu.memory_space<semaphore_mem>>) src(%arg16 : memref<16x768xf32, #tpu.memory_space<vmem>>) dst(%dma_wait3A_134 : memref<16x768xf32, #tpu.memory_space<hbm>>)
      } else {
      }
      %parallel_loop3A = arith.constant 0 : i32
      %parallel_loop3A_89 = arith.constant 16 : i32
      %parallel_loop3A_90 = arith.constant 1 : i32
      %parallel_loop3A_91 = arith.constant -65536 : i32
      scf.for %parallel_loop3A_126 = %parallel_loop3A to %parallel_loop3A_89 step %parallel_loop3A_90  : i32 {
        %parallel_loop3A_127 = arith.index_cast %parallel_loop3A_126 : i32 to index
        %parallel_loop3A_128 = arith.constant 0 : index
        %parallel_loop3A_129 = tpu.vector_load %arg14[%parallel_loop3A_127, %parallel_loop3A_128] {strides = array<i32>} : memref<64x384xi32, #tpu.memory_space<vmem>>, vector<16xi32>,
        %parallel_loop3A_130 = arith.constant 16 : i32
        %parallel_loop3A_131 = vector.broadcast %parallel_loop3A_130 : i32 to vector<16xi32>
        %parallel_loop3A_132 = arith.shli %parallel_loop3A_129, %parallel_loop3A_131 : vector<16xi32>
        %parallel_loop3A_133 = vector.bitcast %parallel_loop3A_132 : vector<16xi32> to vector<16xf32>
        %parallel_loop3A_134 = vector.broadcast %parallel_loop3A_91 : i32 to vector<16xi32>
        %parallel_loop3A_135 = arith.andi %parallel_loop3A_129, %parallel_loop3A_134 : vector<16xi32>
        %parallel_loop3A_136 = vector.bitcast %parallel_loop3A_135 : vector<16xi32> to vector<16xf32>
        %parallel_loop3A_137 = arith.constant 16 : i32
        %parallel_loop3A_138 = arith.addi %parallel_loop3A_137, %parallel_loop3A_126 : i32
        %parallel_loop3A_139 = arith.index_cast %parallel_loop3A_138 : i32 to index
        %parallel_loop3A_140 = arith.constant 0 : index
        %parallel_loop3A_141 = tpu.vector_load %arg14[%parallel_loop3A_139, %parallel_loop3A_140] {strides = array<i32>} : memref<64x384xi32, #tpu.memory_space<vmem>>, vector<16xi32>,
        %parallel_loop3A_142 = arith.constant 16 : i32
        %parallel_loop3A_143 = vector.broadcast %parallel_loop3A_142 : i32 to vector<16xi32>
        %parallel_loop3A_144 = arith.shli %parallel_loop3A_141, %parallel_loop3A_143 : vector<16xi32>
        %parallel_loop3A_145 = vector.bitcast %parallel_loop3A_144 : vector<16xi32> to vector<16xf32>
        %parallel_loop3A_146 = vector.broadcast %parallel_loop3A_91 : i32 to vector<16xi32>
        %parallel_loop3A_147 = arith.andi %parallel_loop3A_141, %parallel_loop3A_146 : vector<16xi32>
        %parallel_loop3A_148 = vector.bitcast %parallel_loop3A_147 : vector<16xi32> to vector<16xf32>
        %parallel_loop3A_149 = arith.constant 32 : i32
        %parallel_loop3A_150 = arith.addi %parallel_loop3A_149, %parallel_loop3A_126 : i32
        %parallel_loop3A_151 = arith.index_cast %parallel_loop3A_150 : i32 to index
        %parallel_loop3A_152 = arith.constant 0 : index
        %parallel_loop3A_153 = tpu.vector_load %arg14[%parallel_loop3A_151, %parallel_loop3A_152] {strides = array<i32>} : memref<64x384xi32, #tpu.memory_space<vmem>>, vector<16xi32>,
        %parallel_loop3A_154 = arith.constant 16 : i32
        %parallel_loop3A_155 = vector.broadcast %parallel_loop3A_154 : i32 to vector<16xi32>
        %parallel_loop3A_156 = arith.shli %parallel_loop3A_153, %parallel_loop3A_155 : vector<16xi32>
        %parallel_loop3A_157 = vector.bitcast %parallel_loop3A_156 : vector<16xi32> to vector<16xf32>
        %parallel_loop3A_158 = vector.broadcast %parallel_loop3A_91 : i32 to vector<16xi32>
        %parallel_loop3A_159 = arith.andi %parallel_loop3A_153, %parallel_loop3A_158 : vector<16xi32>
        %parallel_loop3A_160 = vector.bitcast %parallel_loop3A_159 : vector<16xi32> to vector<16xf32>
        %parallel_loop3A_161 = arith.constant 48 : i32
        %parallel_loop3A_162 = arith.addi %parallel_loop3A_161, %parallel_loop3A_126 : i32
        %parallel_loop3A_163 = arith.index_cast %parallel_loop3A_162 : i32 to index
        %parallel_loop3A_164 = arith.constant 0 : index
        %parallel_loop3A_165 = tpu.vector_load %arg14[%parallel_loop3A_163, %parallel_loop3A_164] {strides = array<i32>} : memref<64x384xi32, #tpu.memory_space<vmem>>, vector<16xi32>,
        %parallel_loop3A_166 = arith.constant 16 : i32
        %parallel_loop3A_167 = vector.broadcast %parallel_loop3A_166 : i32 to vector<16xi32>
        %parallel_loop3A_168 = arith.shli %parallel_loop3A_165, %parallel_loop3A_167 : vector<16xi32>
        %parallel_loop3A_169 = vector.bitcast %parallel_loop3A_168 : vector<16xi32> to vector<16xf32>
        %parallel_loop3A_170 = vector.broadcast %parallel_loop3A_91 : i32 to vector<16xi32>
        %parallel_loop3A_171 = arith.andi %parallel_loop3A_165, %parallel_loop3A_170 : vector<16xi32>
        %parallel_loop3A_172 = vector.bitcast %parallel_loop3A_171 : vector<16xi32> to vector<16xf32>
        %parallel_loop3A_173 = arith.addf %parallel_loop3A_133, %parallel_loop3A_145 : vector<16xf32>
        %parallel_loop3A_174 = arith.addf %parallel_loop3A_157, %parallel_loop3A_169 : vector<16xf32>
        %parallel_loop3A_175 = arith.addf %parallel_loop3A_173, %parallel_loop3A_174 : vector<16xf32>
        %parallel_loop3A_176 = arith.index_cast %parallel_loop3A_126 : i32 to index
        %parallel_loop3A_177 = arith.constant 0 : index
        %parallel_loop3A_178 = tpu.vector_load %arg16[%parallel_loop3A_176, %parallel_loop3A_177] {strides = array<i32>} : memref<16x768xf32, #tpu.memory_space<vmem>>, vector<16xf32>,
        tpu.vector_store %arg16[%parallel_loop3A_176, %parallel_loop3A_177], %parallel_loop3A_175 {strides = array<i32>} : memref<16x768xf32, #tpu.memory_space<vmem>>, vector<16xf32>,
        %parallel_loop3A_179 = arith.addf %parallel_loop3A_136, %parallel_loop3A_148 : vector<16xf32>
        %parallel_loop3A_180 = arith.addf %parallel_loop3A_160, %parallel_loop3A_172 : vector<16xf32>
        %parallel_loop3A_181 = arith.addf %parallel_loop3A_179, %parallel_loop3A_180 : vector<16xf32>
        %parallel_loop3A_182 = arith.index_cast %parallel_loop3A_126 : i32 to index
        %parallel_loop3A_183 = arith.constant 16 : index
        %parallel_loop3A_184 = tpu.vector_load %arg16[%parallel_loop3A_182, %parallel_loop3A_183] {strides = array<i32>} : memref<16x768xf32, #tpu.memory_space<vmem>>, vector<16xf32>,
        tpu.vector_store %arg16[%parallel_loop3A_182, %parallel_loop3A_183], %parallel_loop3A_181 {strides = array<i32>} : memref<16x768xf32, #tpu.memory_space<vmem>>, vector<16xf32>,
        %parallel_loop3A_185 = arith.index_cast %parallel_loop3A_126 : i32 to index
        %parallel_loop3A_186 = arith.constant 16 : index
        %parallel_loop3A_187 = tpu.vector_load %arg14[%parallel_loop3A_185, %parallel_loop3A_186] {strides = array<i32>} : memref<64x384xi32, #tpu.memory_space<vmem>>, vector<16xi32>,
        %parallel_loop3A_188 = arith.constant 16 : i32
        %parallel_loop3A_189 = vector.broadcast %parallel_loop3A_188 : i32 to vector<16xi32>
        %parallel_loop3A_190 = arith.shli %parallel_loop3A_187, %parallel_loop3A_189 : vector<16xi32>
        %parallel_loop3A_191 = vector.bitcast %parallel_loop3A_190 : vector<16xi32> to vector<16xf32>
        %parallel_loop3A_192 = vector.broadcast %parallel_loop3A_91 : i32 to vector<16xi32>
        %parallel_loop3A_193 = arith.andi %parallel_loop3A_187, %parallel_loop3A_192 : vector<16xi32>
        %parallel_loop3A_194 = vector.bitcast %parallel_loop3A_193 : vector<16xi32> to vector<16xf32>
        %parallel_loop3A_195 = arith.constant 16 : i32
        %parallel_loop3A_196 = arith.addi %parallel_loop3A_195, %parallel_loop3A_126 : i32
        %parallel_loop3A_197 = arith.index_cast %parallel_loop3A_196 : i32 to index
        %parallel_loop3A_198 = arith.constant 16 : index
        %parallel_loop3A_199 = tpu.vector_load %arg14[%parallel_loop3A_197, %parallel_loop3A_198] {strides = array<i32>} : memref<64x384xi32, #tpu.memory_space<vmem>>, vector<16xi32>,
        %parallel_loop3A_200 = arith.constant 16 : i32
        %parallel_loop3A_201 = vector.broadcast %parallel_loop3A_200 : i32 to vector<16xi32>
        %parallel_loop3A_202 = arith.shli %parallel_loop3A_199, %parallel_loop3A_201 : vector<16xi32>
        %parallel_loop3A_203 = vector.bitcast %parallel_loop3A_202 : vector<16xi32> to vector<16xf32>
        %parallel_loop3A_204 = vector.broadcast %parallel_loop3A_91 : i32 to vector<16xi32>
        %parallel_loop3A_205 = arith.andi %parallel_loop3A_199, %parallel_loop3A_204 : vector<16xi32>
        %parallel_loop3A_206 = vector.bitcast %parallel_loop3A_205 : vector<16xi32> to vector<16xf32>
        %parallel_loop3A_207 = arith.constant 32 : i32
        %parallel_loop3A_208 = arith.addi %parallel_loop3A_207, %parallel_loop3A_126 : i32
        %parallel_loop3A_209 = arith.index_cast %parallel_loop3A_208 : i32 to index
        %parallel_loop3A_210 = arith.constant 16 : index
        %parallel_loop3A_211 = tpu.vector_load %arg14[%parallel_loop3A_209, %parallel_loop3A_210] {strides = array<i32>} : memref<64x384xi32, #tpu.memory_space<vmem>>, vector<16xi32>,
        %parallel_loop3A_212 = arith.constant 16 : i32
        %parallel_loop3A_213 = vector.broadcast %parallel_loop3A_212 : i32 to vector<16xi32>
        %parallel_loop3A_214 = arith.shli %parallel_loop3A_211, %parallel_loop3A_213 : vector<16xi32>
        %parallel_loop3A_215 = vector.bitcast %parallel_loop3A_214 : vector<16xi32> to vector<16xf32>
        %parallel_loop3A_216 = vector.broadcast %parallel_loop3A_91 : i32 to vector<16xi32>
        %parallel_loop3A_217 = arith.andi %parallel_loop3A_211, %parallel_loop3A_216 : vector<16xi32>
        %parallel_loop3A_218 = vector.bitcast %parallel_loop3A_217 : vector<16xi32> to vector<16xf32>
        %parallel_loop3A_219 = arith.constant 48 : i32
        %parallel_loop3A_220 = arith.addi %parallel_loop3A_219, %parallel_loop3A_126 : i32
        %parallel_loop3A_221 = arith.index_cast %parallel_loop3A_220 : i32 to index
        %parallel_loop3A_222 = arith.constant 16 : index
        %parallel_loop3A_223 = tpu.vector_load %arg14[%parallel_loop3A_221, %parallel_loop3A_222] {strides = array<i32>} : memref<64x384xi32, #tpu.memory_space<vmem>>, vector<16xi32>,
        %parallel_loop3A_224 = arith.constant 16 : i32
        %parallel_loop3A_225 = vector.broadcast %parallel_loop3A_224 : i32 to vector<16xi32>
        %parallel_loop3A_226 = arith.shli %parallel_loop3A_223, %parallel_loop3A_225 : vector<16xi32>
        %parallel_loop3A_227 = vector.bitcast %parallel_loop3A_226 : vector<16xi32> to vector<16xf32>
        %parallel_loop3A_228 = vector.broadcast %parallel_loop3A_91 : i32 to vector<16xi32>
        %parallel_loop3A_229 = arith.andi %parallel_loop3A_223, %parallel_loop3A_228 : vector<16xi32>
        %parallel_loop3A_230 = vector.bitcast %parallel_loop3A_229 : vector<16xi32> to vector<16xf32>
        %parallel_loop3A_231 = arith.addf %parallel_loop3A_191, %parallel_loop3A_203 : vector<16xf32>
        %parallel_loop3A_232 = arith.addf %parallel_loop3A_215, %parallel_loop3A_227 : vector<16xf32>
        %parallel_loop3A_233 = arith.addf %parallel_loop3A_231, %parallel_loop3A_232 : vector<16xf32>
        %parallel_loop3A_234 = arith.index_cast %parallel_loop3A_126 : i32 to index
        %parallel_loop3A_235 = arith.constant 32 : index
        %parallel_loop3A_236 = tpu.vector_load %arg16[%parallel_loop3A_234, %parallel_loop3A_235] {strides = array<i32>} : memref<16x768xf32, #tpu.memory_space<vmem>>, vector<16xf32>,
        tpu.vector_store %arg16[%parallel_loop3A_234, %parallel_loop3A_235], %parallel_loop3A_233 {strides = array<i32>} : memref<16x768xf32, #tpu.memory_space<vmem>>, vector<16xf32>,
        %parallel_loop3A_237 = arith.addf %parallel_loop3A_194, %parallel_loop3A_206 : vector<16xf32>
        %parallel_loop3A_238 = arith.addf %parallel_loop3A_218, %parallel_loop3A_230 : vector<16xf32>
        %parallel_loop3A_239 = arith.addf %parallel_loop3A_237, %parallel_loop3A_238 : vector<16xf32>
        %parallel_loop3A_240 = arith.index_cast %parallel_loop3A_126 : i32 to index
        %parallel_loop3A_241 = arith.constant 48 : index
        %parallel_loop3A_242 = tpu.vector_load %arg16[%parallel_loop3A_240, %parallel_loop3A_241] {strides = array<i32>} : memref<16x768xf32, #tpu.memory_space<vmem>>, vector<16xf32>,
        tpu.vector_store %arg16[%parallel_loop3A_240, %parallel_loop3A_241], %parallel_loop3A_239 {strides = array<i32>} : memref<16x768xf32, #tpu.memory_space<vmem>>, vector<16xf32>,
        %parallel_loop3A_243 = arith.index_cast %parallel_loop3A_126 : i32 to index
        %parallel_loop3A_244 = arith.constant 32 : index
        %parallel_loop3A_245 = tpu.vector_load %arg14[%parallel_loop3A_243, %parallel_loop3A_244] {strides = array<i32>} : memref<64x384xi32, #tpu.memory_space<vmem>>, vector<16xi32>,
        %parallel_loop3A_246 = arith.constant 16 : i32
        %parallel_loop3A_247 = vector.broadcast %parallel_loop3A_246 : i32 to vector<16xi32>
        %parallel_loop3A_248 = arith.shli %parallel_loop3A_245, %parallel_loop3A_247 : vector<16xi32>
        %parallel_loop3A_249 = vector.bitcast %parallel_loop3A_248 : vector<16xi32> to vector<16xf32>
        %parallel_loop3A_250 = vector.broadcast %parallel_loop3A_91 : i32 to vector<16xi32>
        %parallel_loop3A_251 = arith.andi %parallel_loop3A_245, %parallel_loop3A_250 : vector<16xi32>
        %parallel_loop3A_252 = vector.bitcast %parallel_loop3A_251 : vector<16xi32> to vector<16xf32>
        %parallel_loop3A_253 = arith.constant 16 : i32
        %parallel_loop3A_254 = arith.addi %parallel_loop3A_253, %parallel_loop3A_126 : i32
        %parallel_loop3A_255 = arith.index_cast %parallel_loop3A_254 : i32 to index
        %parallel_loop3A_256 = arith.constant 32 : index
        %parallel_loop3A_257 = tpu.vector_load %arg14[%parallel_loop3A_255, %parallel_loop3A_256] {strides = array<i32>} : memref<64x384xi32, #tpu.memory_space<vmem>>, vector<16xi32>,
        %parallel_loop3A_258 = arith.constant 16 : i32
        %parallel_loop3A_259 = vector.broadcast %parallel_loop3A_258 : i32 to vector<16xi32>
        %parallel_loop3A_260 = arith.shli %parallel_loop3A_257, %parallel_loop3A_259 : vector<16xi32>
        %parallel_loop3A_261 = vector.bitcast %parallel_loop3A_260 : vector<16xi32> to vector<16xf32>
        %parallel_loop3A_262 = vector.broadcast %parallel_loop3A_91 : i32 to vector<16xi32>
        %parallel_loop3A_263 = arith.andi %parallel_loop3A_257, %parallel_loop3A_262 : vector<16xi32>
        %parallel_loop3A_264 = vector.bitcast %parallel_loop3A_263 : vector<16xi32> to vector<16xf32>
        %parallel_loop3A_265 = arith.constant 32 : i32
        %parallel_loop3A_266 = arith.addi %parallel_loop3A_265, %parallel_loop3A_126 : i32
        %parallel_loop3A_267 = arith.index_cast %parallel_loop3A_266 : i32 to index
        %parallel_loop3A_268 = arith.constant 32 : index
        %parallel_loop3A_269 = tpu.vector_load %arg14[%parallel_loop3A_267, %parallel_loop3A_268] {strides = array<i32>} : memref<64x384xi32, #tpu.memory_space<vmem>>, vector<16xi32>,
        %parallel_loop3A_270 = arith.constant 16 : i32
        %parallel_loop3A_271 = vector.broadcast %parallel_loop3A_270 : i32 to vector<16xi32>
        %parallel_loop3A_272 = arith.shli %parallel_loop3A_269, %parallel_loop3A_271 : vector<16xi32>
        %parallel_loop3A_273 = vector.bitcast %parallel_loop3A_272 : vector<16xi32> to vector<16xf32>
        %parallel_loop3A_274 = vector.broadcast %parallel_loop3A_91 : i32 to vector<16xi32>
        %parallel_loop3A_275 = arith.andi %parallel_loop3A_269, %parallel_loop3A_274 : vector<16xi32>
        %parallel_loop3A_276 = vector.bitcast %parallel_loop3A_275 : vector<16xi32> to vector<16xf32>
        %parallel_loop3A_277 = arith.constant 48 : i32
        %parallel_loop3A_278 = arith.addi %parallel_loop3A_277, %parallel_loop3A_126 : i32
        %parallel_loop3A_279 = arith.index_cast %parallel_loop3A_278 : i32 to index
        %parallel_loop3A_280 = arith.constant 32 : index
        %parallel_loop3A_281 = tpu.vector_load %arg14[%parallel_loop3A_279, %parallel_loop3A_280] {strides = array<i32>} : memref<64x384xi32, #tpu.memory_space<vmem>>, vector<16xi32>,
        %parallel_loop3A_282 = arith.constant 16 : i32
        %parallel_loop3A_283 = vector.broadcast %parallel_loop3A_282 : i32 to vector<16xi32>
        %parallel_loop3A_284 = arith.shli %parallel_loop3A_281, %parallel_loop3A_283 : vector<16xi32>
        %parallel_loop3A_285 = vector.bitcast %parallel_loop3A_284 : vector<16xi32> to vector<16xf32>
        %parallel_loop3A_286 = vector.broadcast %parallel_loop3A_91 : i32 to vector<16xi32>
        %parallel_loop3A_287 = arith.andi %parallel_loop3A_281, %parallel_loop3A_286 : vector<16xi32>
        %parallel_loop3A_288 = vector.bitcast %parallel_loop3A_287 : vector<16xi32> to vector<16xf32>
        %parallel_loop3A_289 = arith.addf %parallel_loop3A_249, %parallel_loop3A_261 : vector<16xf32>
        %parallel_loop3A_290 = arith.addf %parallel_loop3A_273, %parallel_loop3A_285 : vector<16xf32>
        %parallel_loop3A_291 = arith.addf %parallel_loop3A_289, %parallel_loop3A_290 : vector<16xf32>
        %parallel_loop3A_292 = arith.index_cast %parallel_loop3A_126 : i32 to index
        %parallel_loop3A_293 = arith.constant 64 : index
        %parallel_loop3A_294 = tpu.vector_load %arg16[%parallel_loop3A_292, %parallel_loop3A_293] {strides = array<i32>} : memref<16x768xf32, #tpu.memory_space<vmem>>, vector<16xf32>,
        tpu.vector_store %arg16[%parallel_loop3A_292, %parallel_loop3A_293], %parallel_loop3A_291 {strides = array<i32>} : memref<16x768xf32, #tpu.memory_space<vmem>>, vector<16xf32>,
        %parallel_loop3A_295 = arith.addf %parallel_loop3A_252, %parallel_loop3A_264 : vector<16xf32>
        %parallel_loop3A_296 = arith.addf %parallel_loop3A_276, %parallel_loop3A_288 : vector<16xf32>
        %parallel_loop3A_297 = arith.addf %parallel_loop3A_295, %parallel_loop3A_296 : vector<16xf32>
        %parallel_loop3A_298 = arith.index_cast %parallel_loop3A_126 : i32 to index
        %parallel_loop3A_299 = arith.constant 80 : index
        %parallel_loop3A_300 = tpu.vector_load %arg16[%parallel_loop3A_298, %parallel_loop3A_299] {strides = array<i32>} : memref<16x768xf32, #tpu.memory_space<vmem>>, vector<16xf32>,
        tpu.vector_store %arg16[%parallel_loop3A_298, %parallel_loop3A_299], %parallel_loop3A_297 {strides = array<i32>} : memref<16x768xf32, #tpu.memory_space<vmem>>, vector<16xf32>,
        %parallel_loop3A_301 = arith.index_cast %parallel_loop3A_126 : i32 to index
        %parallel_loop3A_302 = arith.constant 48 : index
        %parallel_loop3A_303 = tpu.vector_load %arg14[%parallel_loop3A_301, %parallel_loop3A_302] {strides = array<i32>} : memref<64x384xi32, #tpu.memory_space<vmem>>, vector<16xi32>,
        %parallel_loop3A_304 = arith.constant 16 : i32
        %parallel_loop3A_305 = vector.broadcast %parallel_loop3A_304 : i32 to vector<16xi32>
        %parallel_loop3A_306 = arith.shli %parallel_loop3A_303, %parallel_loop3A_305 : vector<16xi32>
        %parallel_loop3A_307 = vector.bitcast %parallel_loop3A_306 : vector<16xi32> to vector<16xf32>
        %parallel_loop3A_308 = vector.broadcast %parallel_loop3A_91 : i32 to vector<16xi32>
        %parallel_loop3A_309 = arith.andi %parallel_loop3A_303, %parallel_loop3A_308 : vector<16xi32>
        %parallel_loop3A_310 = vector.bitcast %parallel_loop3A_309 : vector<16xi32> to vector<16xf32>
        %parallel_loop3A_311 = arith.constant 16 : i32
        %parallel_loop3A_312 = arith.addi %parallel_loop3A_311, %parallel_loop3A_126 : i32
        %parallel_loop3A_313 = arith.index_cast %parallel_loop3A_312 : i32 to index
        %parallel_loop3A_314 = arith.constant 48 : index
        %parallel_loop3A_315 = tpu.vector_load %arg14[%parallel_loop3A_313, %parallel_loop3A_314] {strides = array<i32>} : memref<64x384xi32, #tpu.memory_space<vmem>>, vector<16xi32>,
        %parallel_loop3A_316 = arith.constant 16 : i32
        %parallel_loop3A_317 = vector.broadcast %parallel_loop3A_316 : i32 to vector<16xi32>
        %parallel_loop3A_318 = arith.shli %parallel_loop3A_315, %parallel_loop3A_317 : vector<16xi32>
        %parallel_loop3A_319 = vector.bitcast %parallel_loop3A_318 : vector<16xi32> to vector<16xf32>
        %parallel_loop3A_320 = vector.broadcast %parallel_loop3A_91 : i32 to vector<16xi32>
        %parallel_loop3A_321 = arith.andi %parallel_loop3A_315, %parallel_loop3A_320 : vector<16xi32>
        %parallel_loop3A_322 = vector.bitcast %parallel_loop3A_321 : vector<16xi32> to vector<16xf32>
        %parallel_loop3A_323 = arith.constant 32 : i32
        %parallel_loop3A_324 = arith.addi %parallel_loop3A_323, %parallel_loop3A_126 : i32
        %parallel_loop3A_325 = arith.index_cast %parallel_loop3A_324 : i32 to index
        %parallel_loop3A_326 = arith.constant 48 : index
        %parallel_loop3A_327 = tpu.vector_load %arg14[%parallel_loop3A_325, %parallel_loop3A_326] {strides = array<i32>} : memref<64x384xi32, #tpu.memory_space<vmem>>, vector<16xi32>,
        %parallel_loop3A_328 = arith.constant 16 : i32
        %parallel_loop3A_329 = vector.broadcast %parallel_loop3A_328 : i32 to vector<16xi32>
        %parallel_loop3A_330 = arith.shli %parallel_loop3A_327, %parallel_loop3A_329 : vector<16xi32>
        %parallel_loop3A_331 = vector.bitcast %parallel_loop3A_330 : vector<16xi32> to vector<16xf32>
        %parallel_loop3A_332 = vector.broadcast %parallel_loop3A_91 : i32 to vector<16xi32>
        %parallel_loop3A_333 = arith.andi %parallel_loop3A_327, %parallel_loop3A_332 : vector<16xi32>
        %parallel_loop3A_334 = vector.bitcast %parallel_loop3A_333 : vector<16xi32> to vector<16xf32>
        %parallel_loop3A_335 = arith.constant 48 : i32
        %parallel_loop3A_336 = arith.addi %parallel_loop3A_335, %parallel_loop3A_126 : i32
        %parallel_loop3A_337 = arith.index_cast %parallel_loop3A_336 : i32 to index
        %parallel_loop3A_338 = arith.constant 48 : index
        %parallel_loop3A_339 = tpu.vector_load %arg14[%parallel_loop3A_337, %parallel_loop3A_338] {strides = array<i32>} : memref<64x384xi32, #tpu.memory_space<vmem>>, vector<16xi32>,
        %parallel_loop3A_340 = arith.constant 16 : i32
        %parallel_loop3A_341 = vector.broadcast %parallel_loop3A_340 : i32 to vector<16xi32>
        %parallel_loop3A_342 = arith.shli %parallel_loop3A_339, %parallel_loop3A_341 : vector<16xi32>
        %parallel_loop3A_343 = vector.bitcast %parallel_loop3A_342 : vector<16xi32> to vector<16xf32>
        %parallel_loop3A_344 = vector.broadcast %parallel_loop3A_91 : i32 to vector<16xi32>
        %parallel_loop3A_345 = arith.andi %parallel_loop3A_339, %parallel_loop3A_344 : vector<16xi32>
        %parallel_loop3A_346 = vector.bitcast %parallel_loop3A_345 : vector<16xi32> to vector<16xf32>
        %parallel_loop3A_347 = arith.addf %parallel_loop3A_307, %parallel_loop3A_319 : vector<16xf32>
        %parallel_loop3A_348 = arith.addf %parallel_loop3A_331, %parallel_loop3A_343 : vector<16xf32>
        %parallel_loop3A_349 = arith.addf %parallel_loop3A_347, %parallel_loop3A_348 : vector<16xf32>
        %parallel_loop3A_350 = arith.index_cast %parallel_loop3A_126 : i32 to index
        %parallel_loop3A_351 = arith.constant 96 : index
        %parallel_loop3A_352 = tpu.vector_load %arg16[%parallel_loop3A_350, %parallel_loop3A_351] {strides = array<i32>} : memref<16x768xf32, #tpu.memory_space<vmem>>, vector<16xf32>,
        tpu.vector_store %arg16[%parallel_loop3A_350, %parallel_loop3A_351], %parallel_loop3A_349 {strides = array<i32>} : memref<16x768xf32, #tpu.memory_space<vmem>>, vector<16xf32>,
        %parallel_loop3A_353 = arith.addf %parallel_loop3A_310, %parallel_loop3A_322 : vector<16xf32>
        %parallel_loop3A_354 = arith.addf %parallel_loop3A_334, %parallel_loop3A_346 : vector<16xf32>
        %parallel_loop3A_355 = arith.addf %parallel_loop3A_353, %parallel_loop3A_354 : vector<16xf32>
        %parallel_loop3A_356 = arith.index_cast %parallel_loop3A_126 : i32 to index
        %parallel_loop3A_357 = arith.constant 112 : index
        %parallel_loop3A_358 = tpu.vector_load %arg16[%parallel_loop3A_356, %parallel_loop3A_357] {strides = array<i32>} : memref<16x768xf32, #tpu.memory_space<vmem>>, vector<16xf32>,
        tpu.vector_store %arg16[%parallel_loop3A_356, %parallel_loop3A_357], %parallel_loop3A_355 {strides = array<i32>} : memref<16x768xf32, #tpu.memory_space<vmem>>, vector<16xf32>,
        %parallel_loop3A_359 = arith.index_cast %parallel_loop3A_126 : i32 to index
        %parallel_loop3A_360 = arith.constant 64 : index
        %parallel_loop3A_361 = tpu.vector_load %arg14[%parallel_loop3A_359, %parallel_loop3A_360] {strides = array<i32>} : memref<64x384xi32, #tpu.memory_space<vmem>>, vector<16xi32>,
        %parallel_loop3A_362 = arith.constant 16 : i32
        %parallel_loop3A_363 = vector.broadcast %parallel_loop3A_362 : i32 to vector<16xi32>
        %parallel_loop3A_364 = arith.shli %parallel_loop3A_361, %parallel_loop3A_363 : vector<16xi32>
        %parallel_loop3A_365 = vector.bitcast %parallel_loop3A_364 : vector<16xi32> to vector<16xf32>
        %parallel_loop3A_366 = vector.broadcast %parallel_loop3A_91 : i32 to vector<16xi32>
        %parallel_loop3A_367 = arith.andi %parallel_loop3A_361, %parallel_loop3A_366 : vector<16xi32>
        %parallel_loop3A_368 = vector.bitcast %parallel_loop3A_367 : vector<16xi32> to vector<16xf32>
        %parallel_loop3A_369 = arith.constant 16 : i32
        %parallel_loop3A_370 = arith.addi %parallel_loop3A_369, %parallel_loop3A_126 : i32
        %parallel_loop3A_371 = arith.index_cast %parallel_loop3A_370 : i32 to index
        %parallel_loop3A_372 = arith.constant 64 : index
        %parallel_loop3A_373 = tpu.vector_load %arg14[%parallel_loop3A_371, %parallel_loop3A_372] {strides = array<i32>} : memref<64x384xi32, #tpu.memory_space<vmem>>, vector<16xi32>,
        %parallel_loop3A_374 = arith.constant 16 : i32
        %parallel_loop3A_375 = vector.broadcast %parallel_loop3A_374 : i32 to vector<16xi32>
        %parallel_loop3A_376 = arith.shli %parallel_loop3A_373, %parallel_loop3A_375 : vector<16xi32>
        %parallel_loop3A_377 = vector.bitcast %parallel_loop3A_376 : vector<16xi32> to vector<16xf32>
        %parallel_loop3A_378 = vector.broadcast %parallel_loop3A_91 : i32 to vector<16xi32>
        %parallel_loop3A_379 = arith.andi %parallel_loop3A_373, %parallel_loop3A_378 : vector<16xi32>
        %parallel_loop3A_380 = vector.bitcast %parallel_loop3A_379 : vector<16xi32> to vector<16xf32>
        %parallel_loop3A_381 = arith.constant 32 : i32
        %parallel_loop3A_382 = arith.addi %parallel_loop3A_381, %parallel_loop3A_126 : i32
        %parallel_loop3A_383 = arith.index_cast %parallel_loop3A_382 : i32 to index
        %parallel_loop3A_384 = arith.constant 64 : index
        %parallel_loop3A_385 = tpu.vector_load %arg14[%parallel_loop3A_383, %parallel_loop3A_384] {strides = array<i32>} : memref<64x384xi32, #tpu.memory_space<vmem>>, vector<16xi32>,
        %parallel_loop3A_386 = arith.constant 16 : i32
        %parallel_loop3A_387 = vector.broadcast %parallel_loop3A_386 : i32 to vector<16xi32>
        %parallel_loop3A_388 = arith.shli %parallel_loop3A_385, %parallel_loop3A_387 : vector<16xi32>
        %parallel_loop3A_389 = vector.bitcast %parallel_loop3A_388 : vector<16xi32> to vector<16xf32>
        %parallel_loop3A_390 = vector.broadcast %parallel_loop3A_91 : i32 to vector<16xi32>
        %parallel_loop3A_391 = arith.andi %parallel_loop3A_385, %parallel_loop3A_390 : vector<16xi32>
        %parallel_loop3A_392 = vector.bitcast %parallel_loop3A_391 : vector<16xi32> to vector<16xf32>
        %parallel_loop3A_393 = arith.constant 48 : i32
        %parallel_loop3A_394 = arith.addi %parallel_loop3A_393, %parallel_loop3A_126 : i32
        %parallel_loop3A_395 = arith.index_cast %parallel_loop3A_394 : i32 to index
        %parallel_loop3A_396 = arith.constant 64 : index
        %parallel_loop3A_397 = tpu.vector_load %arg14[%parallel_loop3A_395, %parallel_loop3A_396] {strides = array<i32>} : memref<64x384xi32, #tpu.memory_space<vmem>>, vector<16xi32>,
        %parallel_loop3A_398 = arith.constant 16 : i32
        %parallel_loop3A_399 = vector.broadcast %parallel_loop3A_398 : i32 to vector<16xi32>
        %parallel_loop3A_400 = arith.shli %parallel_loop3A_397, %parallel_loop3A_399 : vector<16xi32>
        %parallel_loop3A_401 = vector.bitcast %parallel_loop3A_400 : vector<16xi32> to vector<16xf32>
        %parallel_loop3A_402 = vector.broadcast %parallel_loop3A_91 : i32 to vector<16xi32>
        %parallel_loop3A_403 = arith.andi %parallel_loop3A_397, %parallel_loop3A_402 : vector<16xi32>
        %parallel_loop3A_404 = vector.bitcast %parallel_loop3A_403 : vector<16xi32> to vector<16xf32>
        %parallel_loop3A_405 = arith.addf %parallel_loop3A_365, %parallel_loop3A_377 : vector<16xf32>
        %parallel_loop3A_406 = arith.addf %parallel_loop3A_389, %parallel_loop3A_401 : vector<16xf32>
        %parallel_loop3A_407 = arith.addf %parallel_loop3A_405, %parallel_loop3A_406 : vector<16xf32>
        %parallel_loop3A_408 = arith.index_cast %parallel_loop3A_126 : i32 to index
        %parallel_loop3A_409 = arith.constant 128 : index
        %parallel_loop3A_410 = tpu.vector_load %arg16[%parallel_loop3A_408, %parallel_loop3A_409] {strides = array<i32>} : memref<16x768xf32, #tpu.memory_space<vmem>>, vector<16xf32>,
        tpu.vector_store %arg16[%parallel_loop3A_408, %parallel_loop3A_409], %parallel_loop3A_407 {strides = array<i32>} : memref<16x768xf32, #tpu.memory_space<vmem>>, vector<16xf32>,
        %parallel_loop3A_411 = arith.addf %parallel_loop3A_368, %parallel_loop3A_380 : vector<16xf32>
        %parallel_loop3A_412 = arith.addf %parallel_loop3A_392, %parallel_loop3A_404 : vector<16xf32>
        %parallel_loop3A_413 = arith.addf %parallel_loop3A_411, %parallel_loop3A_412 : vector<16xf32>
        %parallel_loop3A_414 = arith.index_cast %parallel_loop3A_126 : i32 to index
        %parallel_loop3A_415 = arith.constant 144 : index
        %parallel_loop3A_416 = tpu.vector_load %arg16[%parallel_loop3A_414, %parallel_loop3A_415] {strides = array<i32>} : memref<16x768xf32, #tpu.memory_space<vmem>>, vector<16xf32>,
        tpu.vector_store %arg16[%parallel_loop3A_414, %parallel_loop3A_415], %parallel_loop3A_413 {strides = array<i32>} : memref<16x768xf32, #tpu.memory_space<vmem>>, vector<16xf32>,
        %parallel_loop3A_417 = arith.index_cast %parallel_loop3A_126 : i32 to index
        %parallel_loop3A_418 = arith.constant 80 : index
        %parallel_loop3A_419 = tpu.vector_load %arg14[%parallel_loop3A_417, %parallel_loop3A_418] {strides = array<i32>} : memref<64x384xi32, #tpu.memory_space<vmem>>, vector<16xi32>,
        %parallel_loop3A_420 = arith.constant 16 : i32
        %parallel_loop3A_421 = vector.broadcast %parallel_loop3A_420 : i32 to vector<16xi32>
        %parallel_loop3A_422 = arith.shli %parallel_loop3A_419, %parallel_loop3A_421 : vector<16xi32>
        %parallel_loop3A_423 = vector.bitcast %parallel_loop3A_422 : vector<16xi32> to vector<16xf32>
        %parallel_loop3A_424 = vector.broadcast %parallel_loop3A_91 : i32 to vector<16xi32>
        %parallel_loop3A_425 = arith.andi %parallel_loop3A_419, %parallel_loop3A_424 : vector<16xi32>
        %parallel_loop3A_426 = vector.bitcast %parallel_loop3A_425 : vector<16xi32> to vector<16xf32>
        %parallel_loop3A_427 = arith.constant 16 : i32
        %parallel_loop3A_428 = arith.addi %parallel_loop3A_427, %parallel_loop3A_126 : i32
        %parallel_loop3A_429 = arith.index_cast %parallel_loop3A_428 : i32 to index
        %parallel_loop3A_430 = arith.constant 80 : index
        %parallel_loop3A_431 = tpu.vector_load %arg14[%parallel_loop3A_429, %parallel_loop3A_430] {strides = array<i32>} : memref<64x384xi32, #tpu.memory_space<vmem>>, vector<16xi32>,
        %parallel_loop3A_432 = arith.constant 16 : i32
        %parallel_loop3A_433 = vector.broadcast %parallel_loop3A_432 : i32 to vector<16xi32>
        %parallel_loop3A_434 = arith.shli %parallel_loop3A_431, %parallel_loop3A_433 : vector<16xi32>
        %parallel_loop3A_435 = vector.bitcast %parallel_loop3A_434 : vector<16xi32> to vector<16xf32>
        %parallel_loop3A_436 = vector.broadcast %parallel_loop3A_91 : i32 to vector<16xi32>
        %parallel_loop3A_437 = arith.andi %parallel_loop3A_431, %parallel_loop3A_436 : vector<16xi32>
        %parallel_loop3A_438 = vector.bitcast %parallel_loop3A_437 : vector<16xi32> to vector<16xf32>
        %parallel_loop3A_439 = arith.constant 32 : i32
        %parallel_loop3A_440 = arith.addi %parallel_loop3A_439, %parallel_loop3A_126 : i32
        %parallel_loop3A_441 = arith.index_cast %parallel_loop3A_440 : i32 to index
        %parallel_loop3A_442 = arith.constant 80 : index
        %parallel_loop3A_443 = tpu.vector_load %arg14[%parallel_loop3A_441, %parallel_loop3A_442] {strides = array<i32>} : memref<64x384xi32, #tpu.memory_space<vmem>>, vector<16xi32>,
        %parallel_loop3A_444 = arith.constant 16 : i32
        %parallel_loop3A_445 = vector.broadcast %parallel_loop3A_444 : i32 to vector<16xi32>
        %parallel_loop3A_446 = arith.shli %parallel_loop3A_443, %parallel_loop3A_445 : vector<16xi32>
        %parallel_loop3A_447 = vector.bitcast %parallel_loop3A_446 : vector<16xi32> to vector<16xf32>
        %parallel_loop3A_448 = vector.broadcast %parallel_loop3A_91 : i32 to vector<16xi32>
        %parallel_loop3A_449 = arith.andi %parallel_loop3A_443, %parallel_loop3A_448 : vector<16xi32>
        %parallel_loop3A_450 = vector.bitcast %parallel_loop3A_449 : vector<16xi32> to vector<16xf32>
        %parallel_loop3A_451 = arith.constant 48 : i32
        %parallel_loop3A_452 = arith.addi %parallel_loop3A_451, %parallel_loop3A_126 : i32
        %parallel_loop3A_453 = arith.index_cast %parallel_loop3A_452 : i32 to index
        %parallel_loop3A_454 = arith.constant 80 : index
        %parallel_loop3A_455 = tpu.vector_load %arg14[%parallel_loop3A_453, %parallel_loop3A_454] {strides = array<i32>} : memref<64x384xi32, #tpu.memory_space<vmem>>, vector<16xi32>,
        %parallel_loop3A_456 = arith.constant 16 : i32
        %parallel_loop3A_457 = vector.broadcast %parallel_loop3A_456 : i32 to vector<16xi32>
        %parallel_loop3A_458 = arith.shli %parallel_loop3A_455, %parallel_loop3A_457 : vector<16xi32>
        %parallel_loop3A_459 = vector.bitcast %parallel_loop3A_458 : vector<16xi32> to vector<16xf32>
        %parallel_loop3A_460 = vector.broadcast %parallel_loop3A_91 : i32 to vector<16xi32>
        %parallel_loop3A_461 = arith.andi %parallel_loop3A_455, %parallel_loop3A_460 : vector<16xi32>
        %parallel_loop3A_462 = vector.bitcast %parallel_loop3A_461 : vector<16xi32> to vector<16xf32>
        %parallel_loop3A_463 = arith.addf %parallel_loop3A_423, %parallel_loop3A_435 : vector<16xf32>
        %parallel_loop3A_464 = arith.addf %parallel_loop3A_447, %parallel_loop3A_459 : vector<16xf32>
        %parallel_loop3A_465 = arith.addf %parallel_loop3A_463, %parallel_loop3A_464 : vector<16xf32>
        %parallel_loop3A_466 = arith.index_cast %parallel_loop3A_126 : i32 to index
        %parallel_loop3A_467 = arith.constant 160 : index
        %parallel_loop3A_468 = tpu.vector_load %arg16[%parallel_loop3A_466, %parallel_loop3A_467] {strides = array<i32>} : memref<16x768xf32, #tpu.memory_space<vmem>>, vector<16xf32>,
        tpu.vector_store %arg16[%parallel_loop3A_466, %parallel_loop3A_467], %parallel_loop3A_465 {strides = array<i32>} : memref<16x768xf32, #tpu.memory_space<vmem>>, vector<16xf32>,
        %parallel_loop3A_469 = arith.addf %parallel_loop3A_426, %parallel_loop3A_438 : vector<16xf32>
        %parallel_loop3A_470 = arith.addf %parallel_loop3A_450, %parallel_loop3A_462 : vector<16xf32>
        %parallel_loop3A_471 = arith.addf %parallel_loop3A_469, %parallel_loop3A_470 : vector<16xf32>
        %parallel_loop3A_472 = arith.index_cast %parallel_loop3A_126 : i32 to index
        %parallel_loop3A_473 = arith.constant 176 : index
        %parallel_loop3A_474 = tpu.vector_load %arg16[%parallel_loop3A_472, %parallel_loop3A_473] {strides = array<i32>} : memref<16x768xf32, #tpu.memory_space<vmem>>, vector<16xf32>,
        tpu.vector_store %arg16[%parallel_loop3A_472, %parallel_loop3A_473], %parallel_loop3A_471 {strides = array<i32>} : memref<16x768xf32, #tpu.memory_space<vmem>>, vector<16xf32>,
        %parallel_loop3A_475 = arith.index_cast %parallel_loop3A_126 : i32 to index
        %parallel_loop3A_476 = arith.constant 96 : index
        %parallel_loop3A_477 = tpu.vector_load %arg14[%parallel_loop3A_475, %parallel_loop3A_476] {strides = array<i32>} : memref<64x384xi32, #tpu.memory_space<vmem>>, vector<16xi32>,
        %parallel_loop3A_478 = arith.constant 16 : i32
        %parallel_loop3A_479 = vector.broadcast %parallel_loop3A_478 : i32 to vector<16xi32>
        %parallel_loop3A_480 = arith.shli %parallel_loop3A_477, %parallel_loop3A_479 : vector<16xi32>
        %parallel_loop3A_481 = vector.bitcast %parallel_loop3A_480 : vector<16xi32> to vector<16xf32>
        %parallel_loop3A_482 = vector.broadcast %parallel_loop3A_91 : i32 to vector<16xi32>
        %parallel_loop3A_483 = arith.andi %parallel_loop3A_477, %parallel_loop3A_482 : vector<16xi32>
        %parallel_loop3A_484 = vector.bitcast %parallel_loop3A_483 : vector<16xi32> to vector<16xf32>
        %parallel_loop3A_485 = arith.constant 16 : i32
        %parallel_loop3A_486 = arith.addi %parallel_loop3A_485, %parallel_loop3A_126 : i32
        %parallel_loop3A_487 = arith.index_cast %parallel_loop3A_486 : i32 to index
        %parallel_loop3A_488 = arith.constant 96 : index
        %parallel_loop3A_489 = tpu.vector_load %arg14[%parallel_loop3A_487, %parallel_loop3A_488] {strides = array<i32>} : memref<64x384xi32, #tpu.memory_space<vmem>>, vector<16xi32>,
        %parallel_loop3A_490 = arith.constant 16 : i32
        %parallel_loop3A_491 = vector.broadcast %parallel_loop3A_490 : i32 to vector<16xi32>
        %parallel_loop3A_492 = arith.shli %parallel_loop3A_489, %parallel_loop3A_491 : vector<16xi32>
        %parallel_loop3A_493 = vector.bitcast %parallel_loop3A_492 : vector<16xi32> to vector<16xf32>
        %parallel_loop3A_494 = vector.broadcast %parallel_loop3A_91 : i32 to vector<16xi32>
        %parallel_loop3A_495 = arith.andi %parallel_loop3A_489, %parallel_loop3A_494 : vector<16xi32>
        %parallel_loop3A_496 = vector.bitcast %parallel_loop3A_495 : vector<16xi32> to vector<16xf32>
        %parallel_loop3A_497 = arith.constant 32 : i32
        %parallel_loop3A_498 = arith.addi %parallel_loop3A_497, %parallel_loop3A_126 : i32
        %parallel_loop3A_499 = arith.index_cast %parallel_loop3A_498 : i32 to index
        %parallel_loop3A_500 = arith.constant 96 : index
        %parallel_loop3A_501 = tpu.vector_load %arg14[%parallel_loop3A_499, %parallel_loop3A_500] {strides = array<i32>} : memref<64x384xi32, #tpu.memory_space<vmem>>, vector<16xi32>,
        %parallel_loop3A_502 = arith.constant 16 : i32
        %parallel_loop3A_503 = vector.broadcast %parallel_loop3A_502 : i32 to vector<16xi32>
        %parallel_loop3A_504 = arith.shli %parallel_loop3A_501, %parallel_loop3A_503 : vector<16xi32>
        %parallel_loop3A_505 = vector.bitcast %parallel_loop3A_504 : vector<16xi32> to vector<16xf32>
        %parallel_loop3A_506 = vector.broadcast %parallel_loop3A_91 : i32 to vector<16xi32>
        %parallel_loop3A_507 = arith.andi %parallel_loop3A_501, %parallel_loop3A_506 : vector<16xi32>
        %parallel_loop3A_508 = vector.bitcast %parallel_loop3A_507 : vector<16xi32> to vector<16xf32>
        %parallel_loop3A_509 = arith.constant 48 : i32
        %parallel_loop3A_510 = arith.addi %parallel_loop3A_509, %parallel_loop3A_126 : i32
        %parallel_loop3A_511 = arith.index_cast %parallel_loop3A_510 : i32 to index
        %parallel_loop3A_512 = arith.constant 96 : index
        %parallel_loop3A_513 = tpu.vector_load %arg14[%parallel_loop3A_511, %parallel_loop3A_512] {strides = array<i32>} : memref<64x384xi32, #tpu.memory_space<vmem>>, vector<16xi32>,
        %parallel_loop3A_514 = arith.constant 16 : i32
        %parallel_loop3A_515 = vector.broadcast %parallel_loop3A_514 : i32 to vector<16xi32>
        %parallel_loop3A_516 = arith.shli %parallel_loop3A_513, %parallel_loop3A_515 : vector<16xi32>
        %parallel_loop3A_517 = vector.bitcast %parallel_loop3A_516 : vector<16xi32> to vector<16xf32>
        %parallel_loop3A_518 = vector.broadcast %parallel_loop3A_91 : i32 to vector<16xi32>
        %parallel_loop3A_519 = arith.andi %parallel_loop3A_513, %parallel_loop3A_518 : vector<16xi32>
        %parallel_loop3A_520 = vector.bitcast %parallel_loop3A_519 : vector<16xi32> to vector<16xf32>
        %parallel_loop3A_521 = arith.addf %parallel_loop3A_481, %parallel_loop3A_493 : vector<16xf32>
        %parallel_loop3A_522 = arith.addf %parallel_loop3A_505, %parallel_loop3A_517 : vector<16xf32>
        %parallel_loop3A_523 = arith.addf %parallel_loop3A_521, %parallel_loop3A_522 : vector<16xf32>
        %parallel_loop3A_524 = arith.index_cast %parallel_loop3A_126 : i32 to index
        %parallel_loop3A_525 = arith.constant 192 : index
        %parallel_loop3A_526 = tpu.vector_load %arg16[%parallel_loop3A_524, %parallel_loop3A_525] {strides = array<i32>} : memref<16x768xf32, #tpu.memory_space<vmem>>, vector<16xf32>,
        tpu.vector_store %arg16[%parallel_loop3A_524, %parallel_loop3A_525], %parallel_loop3A_523 {strides = array<i32>} : memref<16x768xf32, #tpu.memory_space<vmem>>, vector<16xf32>,
        %parallel_loop3A_527 = arith.addf %parallel_loop3A_484, %parallel_loop3A_496 : vector<16xf32>
        %parallel_loop3A_528 = arith.addf %parallel_loop3A_508, %parallel_loop3A_520 : vector<16xf32>
        %parallel_loop3A_529 = arith.addf %parallel_loop3A_527, %parallel_loop3A_528 : vector<16xf32>
        %parallel_loop3A_530 = arith.index_cast %parallel_loop3A_126 : i32 to index
        %parallel_loop3A_531 = arith.constant 208 : index
        %parallel_loop3A_532 = tpu.vector_load %arg16[%parallel_loop3A_530, %parallel_loop3A_531] {strides = array<i32>} : memref<16x768xf32, #tpu.memory_space<vmem>>, vector<16xf32>,
        tpu.vector_store %arg16[%parallel_loop3A_530, %parallel_loop3A_531], %parallel_loop3A_529 {strides = array<i32>} : memref<16x768xf32, #tpu.memory_space<vmem>>, vector<16xf32>,
        %parallel_loop3A_533 = arith.index_cast %parallel_loop3A_126 : i32 to index
        %parallel_loop3A_534 = arith.constant 112 : index
        %parallel_loop3A_535 = tpu.vector_load %arg14[%parallel_loop3A_533, %parallel_loop3A_534] {strides = array<i32>} : memref<64x384xi32, #tpu.memory_space<vmem>>, vector<16xi32>,
        %parallel_loop3A_536 = arith.constant 16 : i32
        %parallel_loop3A_537 = vector.broadcast %parallel_loop3A_536 : i32 to vector<16xi32>
        %parallel_loop3A_538 = arith.shli %parallel_loop3A_535, %parallel_loop3A_537 : vector<16xi32>
        %parallel_loop3A_539 = vector.bitcast %parallel_loop3A_538 : vector<16xi32> to vector<16xf32>
        %parallel_loop3A_540 = vector.broadcast %parallel_loop3A_91 : i32 to vector<16xi32>
        %parallel_loop3A_541 = arith.andi %parallel_loop3A_535, %parallel_loop3A_540 : vector<16xi32>
        %parallel_loop3A_542 = vector.bitcast %parallel_loop3A_541 : vector<16xi32> to vector<16xf32>
        %parallel_loop3A_543 = arith.constant 16 : i32
        %parallel_loop3A_544 = arith.addi %parallel_loop3A_543, %parallel_loop3A_126 : i32
        %parallel_loop3A_545 = arith.index_cast %parallel_loop3A_544 : i32 to index
        %parallel_loop3A_546 = arith.constant 112 : index
        %parallel_loop3A_547 = tpu.vector_load %arg14[%parallel_loop3A_545, %parallel_loop3A_546] {strides = array<i32>} : memref<64x384xi32, #tpu.memory_space<vmem>>, vector<16xi32>,
        %parallel_loop3A_548 = arith.constant 16 : i32
        %parallel_loop3A_549 = vector.broadcast %parallel_loop3A_548 : i32 to vector<16xi32>
        %parallel_loop3A_550 = arith.shli %parallel_loop3A_547, %parallel_loop3A_549 : vector<16xi32>
        %parallel_loop3A_551 = vector.bitcast %parallel_loop3A_550 : vector<16xi32> to vector<16xf32>
        %parallel_loop3A_552 = vector.broadcast %parallel_loop3A_91 : i32 to vector<16xi32>
        %parallel_loop3A_553 = arith.andi %parallel_loop3A_547, %parallel_loop3A_552 : vector<16xi32>
        %parallel_loop3A_554 = vector.bitcast %parallel_loop3A_553 : vector<16xi32> to vector<16xf32>
        %parallel_loop3A_555 = arith.constant 32 : i32
        %parallel_loop3A_556 = arith.addi %parallel_loop3A_555, %parallel_loop3A_126 : i32
        %parallel_loop3A_557 = arith.index_cast %parallel_loop3A_556 : i32 to index
        %parallel_loop3A_558 = arith.constant 112 : index
        %parallel_loop3A_559 = tpu.vector_load %arg14[%parallel_loop3A_557, %parallel_loop3A_558] {strides = array<i32>} : memref<64x384xi32, #tpu.memory_space<vmem>>, vector<16xi32>,
        %parallel_loop3A_560 = arith.constant 16 : i32
        %parallel_loop3A_561 = vector.broadcast %parallel_loop3A_560 : i32 to vector<16xi32>
        %parallel_loop3A_562 = arith.shli %parallel_loop3A_559, %parallel_loop3A_561 : vector<16xi32>
        %parallel_loop3A_563 = vector.bitcast %parallel_loop3A_562 : vector<16xi32> to vector<16xf32>
        %parallel_loop3A_564 = vector.broadcast %parallel_loop3A_91 : i32 to vector<16xi32>
        %parallel_loop3A_565 = arith.andi %parallel_loop3A_559, %parallel_loop3A_564 : vector<16xi32>
        %parallel_loop3A_566 = vector.bitcast %parallel_loop3A_565 : vector<16xi32> to vector<16xf32>
        %parallel_loop3A_567 = arith.constant 48 : i32
        %parallel_loop3A_568 = arith.addi %parallel_loop3A_567, %parallel_loop3A_126 : i32
        %parallel_loop3A_569 = arith.index_cast %parallel_loop3A_568 : i32 to index
        %parallel_loop3A_570 = arith.constant 112 : index
        %parallel_loop3A_571 = tpu.vector_load %arg14[%parallel_loop3A_569, %parallel_loop3A_570] {strides = array<i32>} : memref<64x384xi32, #tpu.memory_space<vmem>>, vector<16xi32>,
        %parallel_loop3A_572 = arith.constant 16 : i32
        %parallel_loop3A_573 = vector.broadcast %parallel_loop3A_572 : i32 to vector<16xi32>
        %parallel_loop3A_574 = arith.shli %parallel_loop3A_571, %parallel_loop3A_573 : vector<16xi32>
        %parallel_loop3A_575 = vector.bitcast %parallel_loop3A_574 : vector<16xi32> to vector<16xf32>
        %parallel_loop3A_576 = vector.broadcast %parallel_loop3A_91 : i32 to vector<16xi32>
        %parallel_loop3A_577 = arith.andi %parallel_loop3A_571, %parallel_loop3A_576 : vector<16xi32>
        %parallel_loop3A_578 = vector.bitcast %parallel_loop3A_577 : vector<16xi32> to vector<16xf32>
        %parallel_loop3A_579 = arith.addf %parallel_loop3A_539, %parallel_loop3A_551 : vector<16xf32>
        %parallel_loop3A_580 = arith.addf %parallel_loop3A_563, %parallel_loop3A_575 : vector<16xf32>
        %parallel_loop3A_581 = arith.addf %parallel_loop3A_579, %parallel_loop3A_580 : vector<16xf32>
        %parallel_loop3A_582 = arith.index_cast %parallel_loop3A_126 : i32 to index
        %parallel_loop3A_583 = arith.constant 224 : index
        %parallel_loop3A_584 = tpu.vector_load %arg16[%parallel_loop3A_582, %parallel_loop3A_583] {strides = array<i32>} : memref<16x768xf32, #tpu.memory_space<vmem>>, vector<16xf32>,
        tpu.vector_store %arg16[%parallel_loop3A_582, %parallel_loop3A_583], %parallel_loop3A_581 {strides = array<i32>} : memref<16x768xf32, #tpu.memory_space<vmem>>, vector<16xf32>,
        %parallel_loop3A_585 = arith.addf %parallel_loop3A_542, %parallel_loop3A_554 : vector<16xf32>
        %parallel_loop3A_586 = arith.addf %parallel_loop3A_566, %parallel_loop3A_578 : vector<16xf32>
        %parallel_loop3A_587 = arith.addf %parallel_loop3A_585, %parallel_loop3A_586 : vector<16xf32>
        %parallel_loop3A_588 = arith.index_cast %parallel_loop3A_126 : i32 to index
        %parallel_loop3A_589 = arith.constant 240 : index
        %parallel_loop3A_590 = tpu.vector_load %arg16[%parallel_loop3A_588, %parallel_loop3A_589] {strides = array<i32>} : memref<16x768xf32, #tpu.memory_space<vmem>>, vector<16xf32>,
        tpu.vector_store %arg16[%parallel_loop3A_588, %parallel_loop3A_589], %parallel_loop3A_587 {strides = array<i32>} : memref<16x768xf32, #tpu.memory_space<vmem>>, vector<16xf32>,
        %parallel_loop3A_591 = arith.index_cast %parallel_loop3A_126 : i32 to index
        %parallel_loop3A_592 = arith.constant 128 : index
        %parallel_loop3A_593 = tpu.vector_load %arg14[%parallel_loop3A_591, %parallel_loop3A_592] {strides = array<i32>} : memref<64x384xi32, #tpu.memory_space<vmem>>, vector<16xi32>,
        %parallel_loop3A_594 = arith.constant 16 : i32
        %parallel_loop3A_595 = vector.broadcast %parallel_loop3A_594 : i32 to vector<16xi32>
        %parallel_loop3A_596 = arith.shli %parallel_loop3A_593, %parallel_loop3A_595 : vector<16xi32>
        %parallel_loop3A_597 = vector.bitcast %parallel_loop3A_596 : vector<16xi32> to vector<16xf32>
        %parallel_loop3A_598 = vector.broadcast %parallel_loop3A_91 : i32 to vector<16xi32>
        %parallel_loop3A_599 = arith.andi %parallel_loop3A_593, %parallel_loop3A_598 : vector<16xi32>
        %parallel_loop3A_600 = vector.bitcast %parallel_loop3A_599 : vector<16xi32> to vector<16xf32>
        %parallel_loop3A_601 = arith.constant 16 : i32
        %parallel_loop3A_602 = arith.addi %parallel_loop3A_601, %parallel_loop3A_126 : i32
        %parallel_loop3A_603 = arith.index_cast %parallel_loop3A_602 : i32 to index
        %parallel_loop3A_604 = arith.constant 128 : index
        %parallel_loop3A_605 = tpu.vector_load %arg14[%parallel_loop3A_603, %parallel_loop3A_604] {strides = array<i32>} : memref<64x384xi32, #tpu.memory_space<vmem>>, vector<16xi32>,
        %parallel_loop3A_606 = arith.constant 16 : i32
        %parallel_loop3A_607 = vector.broadcast %parallel_loop3A_606 : i32 to vector<16xi32>
        %parallel_loop3A_608 = arith.shli %parallel_loop3A_605, %parallel_loop3A_607 : vector<16xi32>
        %parallel_loop3A_609 = vector.bitcast %parallel_loop3A_608 : vector<16xi32> to vector<16xf32>
        %parallel_loop3A_610 = vector.broadcast %parallel_loop3A_91 : i32 to vector<16xi32>
        %parallel_loop3A_611 = arith.andi %parallel_loop3A_605, %parallel_loop3A_610 : vector<16xi32>
        %parallel_loop3A_612 = vector.bitcast %parallel_loop3A_611 : vector<16xi32> to vector<16xf32>
        %parallel_loop3A_613 = arith.constant 32 : i32
        %parallel_loop3A_614 = arith.addi %parallel_loop3A_613, %parallel_loop3A_126 : i32
        %parallel_loop3A_615 = arith.index_cast %parallel_loop3A_614 : i32 to index
        %parallel_loop3A_616 = arith.constant 128 : index
        %parallel_loop3A_617 = tpu.vector_load %arg14[%parallel_loop3A_615, %parallel_loop3A_616] {strides = array<i32>} : memref<64x384xi32, #tpu.memory_space<vmem>>, vector<16xi32>,
        %parallel_loop3A_618 = arith.constant 16 : i32
        %parallel_loop3A_619 = vector.broadcast %parallel_loop3A_618 : i32 to vector<16xi32>
        %parallel_loop3A_620 = arith.shli %parallel_loop3A_617, %parallel_loop3A_619 : vector<16xi32>
        %parallel_loop3A_621 = vector.bitcast %parallel_loop3A_620 : vector<16xi32> to vector<16xf32>
        %parallel_loop3A_622 = vector.broadcast %parallel_loop3A_91 : i32 to vector<16xi32>
        %parallel_loop3A_623 = arith.andi %parallel_loop3A_617, %parallel_loop3A_622 : vector<16xi32>
        %parallel_loop3A_624 = vector.bitcast %parallel_loop3A_623 : vector<16xi32> to vector<16xf32>
        %parallel_loop3A_625 = arith.constant 48 : i32
        %parallel_loop3A_626 = arith.addi %parallel_loop3A_625, %parallel_loop3A_126 : i32
        %parallel_loop3A_627 = arith.index_cast %parallel_loop3A_626 : i32 to index
        %parallel_loop3A_628 = arith.constant 128 : index
        %parallel_loop3A_629 = tpu.vector_load %arg14[%parallel_loop3A_627, %parallel_loop3A_628] {strides = array<i32>} : memref<64x384xi32, #tpu.memory_space<vmem>>, vector<16xi32>,
        %parallel_loop3A_630 = arith.constant 16 : i32
        %parallel_loop3A_631 = vector.broadcast %parallel_loop3A_630 : i32 to vector<16xi32>
        %parallel_loop3A_632 = arith.shli %parallel_loop3A_629, %parallel_loop3A_631 : vector<16xi32>
        %parallel_loop3A_633 = vector.bitcast %parallel_loop3A_632 : vector<16xi32> to vector<16xf32>
        %parallel_loop3A_634 = vector.broadcast %parallel_loop3A_91 : i32 to vector<16xi32>
        %parallel_loop3A_635 = arith.andi %parallel_loop3A_629, %parallel_loop3A_634 : vector<16xi32>
        %parallel_loop3A_636 = vector.bitcast %parallel_loop3A_635 : vector<16xi32> to vector<16xf32>
        %parallel_loop3A_637 = arith.addf %parallel_loop3A_597, %parallel_loop3A_609 : vector<16xf32>
        %parallel_loop3A_638 = arith.addf %parallel_loop3A_621, %parallel_loop3A_633 : vector<16xf32>
        %parallel_loop3A_639 = arith.addf %parallel_loop3A_637, %parallel_loop3A_638 : vector<16xf32>
        %parallel_loop3A_640 = arith.index_cast %parallel_loop3A_126 : i32 to index
        %parallel_loop3A_641 = arith.constant 256 : index
        %parallel_loop3A_642 = tpu.vector_load %arg16[%parallel_loop3A_640, %parallel_loop3A_641] {strides = array<i32>} : memref<16x768xf32, #tpu.memory_space<vmem>>, vector<16xf32>,
        tpu.vector_store %arg16[%parallel_loop3A_640, %parallel_loop3A_641], %parallel_loop3A_639 {strides = array<i32>} : memref<16x768xf32, #tpu.memory_space<vmem>>, vector<16xf32>,
        %parallel_loop3A_643 = arith.addf %parallel_loop3A_600, %parallel_loop3A_612 : vector<16xf32>
        %parallel_loop3A_644 = arith.addf %parallel_loop3A_624, %parallel_loop3A_636 : vector<16xf32>
        %parallel_loop3A_645 = arith.addf %parallel_loop3A_643, %parallel_loop3A_644 : vector<16xf32>
        %parallel_loop3A_646 = arith.index_cast %parallel_loop3A_126 : i32 to index
        %parallel_loop3A_647 = arith.constant 272 : index
        %parallel_loop3A_648 = tpu.vector_load %arg16[%parallel_loop3A_646, %parallel_loop3A_647] {strides = array<i32>} : memref<16x768xf32, #tpu.memory_space<vmem>>, vector<16xf32>,
        tpu.vector_store %arg16[%parallel_loop3A_646, %parallel_loop3A_647], %parallel_loop3A_645 {strides = array<i32>} : memref<16x768xf32, #tpu.memory_space<vmem>>, vector<16xf32>,
        %parallel_loop3A_649 = arith.index_cast %parallel_loop3A_126 : i32 to index
        %parallel_loop3A_650 = arith.constant 144 : index
        %parallel_loop3A_651 = tpu.vector_load %arg14[%parallel_loop3A_649, %parallel_loop3A_650] {strides = array<i32>} : memref<64x384xi32, #tpu.memory_space<vmem>>, vector<16xi32>,
        %parallel_loop3A_652 = arith.constant 16 : i32
        %parallel_loop3A_653 = vector.broadcast %parallel_loop3A_652 : i32 to vector<16xi32>
        %parallel_loop3A_654 = arith.shli %parallel_loop3A_651, %parallel_loop3A_653 : vector<16xi32>
        %parallel_loop3A_655 = vector.bitcast %parallel_loop3A_654 : vector<16xi32> to vector<16xf32>
        %parallel_loop3A_656 = vector.broadcast %parallel_loop3A_91 : i32 to vector<16xi32>
        %parallel_loop3A_657 = arith.andi %parallel_loop3A_651, %parallel_loop3A_656 : vector<16xi32>
        %parallel_loop3A_658 = vector.bitcast %parallel_loop3A_657 : vector<16xi32> to vector<16xf32>
        %parallel_loop3A_659 = arith.constant 16 : i32
        %parallel_loop3A_660 = arith.addi %parallel_loop3A_659, %parallel_loop3A_126 : i32
        %parallel_loop3A_661 = arith.index_cast %parallel_loop3A_660 : i32 to index
        %parallel_loop3A_662 = arith.constant 144 : index
        %parallel_loop3A_663 = tpu.vector_load %arg14[%parallel_loop3A_661, %parallel_loop3A_662] {strides = array<i32>} : memref<64x384xi32, #tpu.memory_space<vmem>>, vector<16xi32>,
        %parallel_loop3A_664 = arith.constant 16 : i32
        %parallel_loop3A_665 = vector.broadcast %parallel_loop3A_664 : i32 to vector<16xi32>
        %parallel_loop3A_666 = arith.shli %parallel_loop3A_663, %parallel_loop3A_665 : vector<16xi32>
        %parallel_loop3A_667 = vector.bitcast %parallel_loop3A_666 : vector<16xi32> to vector<16xf32>
        %parallel_loop3A_668 = vector.broadcast %parallel_loop3A_91 : i32 to vector<16xi32>
        %parallel_loop3A_669 = arith.andi %parallel_loop3A_663, %parallel_loop3A_668 : vector<16xi32>
        %parallel_loop3A_670 = vector.bitcast %parallel_loop3A_669 : vector<16xi32> to vector<16xf32>
        %parallel_loop3A_671 = arith.constant 32 : i32
        %parallel_loop3A_672 = arith.addi %parallel_loop3A_671, %parallel_loop3A_126 : i32
        %parallel_loop3A_673 = arith.index_cast %parallel_loop3A_672 : i32 to index
        %parallel_loop3A_674 = arith.constant 144 : index
        %parallel_loop3A_675 = tpu.vector_load %arg14[%parallel_loop3A_673, %parallel_loop3A_674] {strides = array<i32>} : memref<64x384xi32, #tpu.memory_space<vmem>>, vector<16xi32>,
        %parallel_loop3A_676 = arith.constant 16 : i32
        %parallel_loop3A_677 = vector.broadcast %parallel_loop3A_676 : i32 to vector<16xi32>
        %parallel_loop3A_678 = arith.shli %parallel_loop3A_675, %parallel_loop3A_677 : vector<16xi32>
        %parallel_loop3A_679 = vector.bitcast %parallel_loop3A_678 : vector<16xi32> to vector<16xf32>
        %parallel_loop3A_680 = vector.broadcast %parallel_loop3A_91 : i32 to vector<16xi32>
        %parallel_loop3A_681 = arith.andi %parallel_loop3A_675, %parallel_loop3A_680 : vector<16xi32>
        %parallel_loop3A_682 = vector.bitcast %parallel_loop3A_681 : vector<16xi32> to vector<16xf32>
        %parallel_loop3A_683 = arith.constant 48 : i32
        %parallel_loop3A_684 = arith.addi %parallel_loop3A_683, %parallel_loop3A_126 : i32
        %parallel_loop3A_685 = arith.index_cast %parallel_loop3A_684 : i32 to index
        %parallel_loop3A_686 = arith.constant 144 : index
        %parallel_loop3A_687 = tpu.vector_load %arg14[%parallel_loop3A_685, %parallel_loop3A_686] {strides = array<i32>} : memref<64x384xi32, #tpu.memory_space<vmem>>, vector<16xi32>,
        %parallel_loop3A_688 = arith.constant 16 : i32
        %parallel_loop3A_689 = vector.broadcast %parallel_loop3A_688 : i32 to vector<16xi32>
        %parallel_loop3A_690 = arith.shli %parallel_loop3A_687, %parallel_loop3A_689 : vector<16xi32>
        %parallel_loop3A_691 = vector.bitcast %parallel_loop3A_690 : vector<16xi32> to vector<16xf32>
        %parallel_loop3A_692 = vector.broadcast %parallel_loop3A_91 : i32 to vector<16xi32>
        %parallel_loop3A_693 = arith.andi %parallel_loop3A_687, %parallel_loop3A_692 : vector<16xi32>
        %parallel_loop3A_694 = vector.bitcast %parallel_loop3A_693 : vector<16xi32> to vector<16xf32>
        %parallel_loop3A_695 = arith.addf %parallel_loop3A_655, %parallel_loop3A_667 : vector<16xf32>
        %parallel_loop3A_696 = arith.addf %parallel_loop3A_679, %parallel_loop3A_691 : vector<16xf32>
        %parallel_loop3A_697 = arith.addf %parallel_loop3A_695, %parallel_loop3A_696 : vector<16xf32>
        %parallel_loop3A_698 = arith.index_cast %parallel_loop3A_126 : i32 to index
        %parallel_loop3A_699 = arith.constant 288 : index
        %parallel_loop3A_700 = tpu.vector_load %arg16[%parallel_loop3A_698, %parallel_loop3A_699] {strides = array<i32>} : memref<16x768xf32, #tpu.memory_space<vmem>>, vector<16xf32>,
        tpu.vector_store %arg16[%parallel_loop3A_698, %parallel_loop3A_699], %parallel_loop3A_697 {strides = array<i32>} : memref<16x768xf32, #tpu.memory_space<vmem>>, vector<16xf32>,
        %parallel_loop3A_701 = arith.addf %parallel_loop3A_658, %parallel_loop3A_670 : vector<16xf32>
        %parallel_loop3A_702 = arith.addf %parallel_loop3A_682, %parallel_loop3A_694 : vector<16xf32>
        %parallel_loop3A_703 = arith.addf %parallel_loop3A_701, %parallel_loop3A_702 : vector<16xf32>
        %parallel_loop3A_704 = arith.index_cast %parallel_loop3A_126 : i32 to index
        %parallel_loop3A_705 = arith.constant 304 : index
        %parallel_loop3A_706 = tpu.vector_load %arg16[%parallel_loop3A_704, %parallel_loop3A_705] {strides = array<i32>} : memref<16x768xf32, #tpu.memory_space<vmem>>, vector<16xf32>,
        tpu.vector_store %arg16[%parallel_loop3A_704, %parallel_loop3A_705], %parallel_loop3A_703 {strides = array<i32>} : memref<16x768xf32, #tpu.memory_space<vmem>>, vector<16xf32>,
        %parallel_loop3A_707 = arith.index_cast %parallel_loop3A_126 : i32 to index
        %parallel_loop3A_708 = arith.constant 160 : index
        %parallel_loop3A_709 = tpu.vector_load %arg14[%parallel_loop3A_707, %parallel_loop3A_708] {strides = array<i32>} : memref<64x384xi32, #tpu.memory_space<vmem>>, vector<16xi32>,
        %parallel_loop3A_710 = arith.constant 16 : i32
        %parallel_loop3A_711 = vector.broadcast %parallel_loop3A_710 : i32 to vector<16xi32>
        %parallel_loop3A_712 = arith.shli %parallel_loop3A_709, %parallel_loop3A_711 : vector<16xi32>
        %parallel_loop3A_713 = vector.bitcast %parallel_loop3A_712 : vector<16xi32> to vector<16xf32>
        %parallel_loop3A_714 = vector.broadcast %parallel_loop3A_91 : i32 to vector<16xi32>
        %parallel_loop3A_715 = arith.andi %parallel_loop3A_709, %parallel_loop3A_714 : vector<16xi32>
        %parallel_loop3A_716 = vector.bitcast %parallel_loop3A_715 : vector<16xi32> to vector<16xf32>
        %parallel_loop3A_717 = arith.constant 16 : i32
        %parallel_loop3A_718 = arith.addi %parallel_loop3A_717, %parallel_loop3A_126 : i32
        %parallel_loop3A_719 = arith.index_cast %parallel_loop3A_718 : i32 to index
        %parallel_loop3A_720 = arith.constant 160 : index
        %parallel_loop3A_721 = tpu.vector_load %arg14[%parallel_loop3A_719, %parallel_loop3A_720] {strides = array<i32>} : memref<64x384xi32, #tpu.memory_space<vmem>>, vector<16xi32>,
        %parallel_loop3A_722 = arith.constant 16 : i32
        %parallel_loop3A_723 = vector.broadcast %parallel_loop3A_722 : i32 to vector<16xi32>
        %parallel_loop3A_724 = arith.shli %parallel_loop3A_721, %parallel_loop3A_723 : vector<16xi32>
        %parallel_loop3A_725 = vector.bitcast %parallel_loop3A_724 : vector<16xi32> to vector<16xf32>
        %parallel_loop3A_726 = vector.broadcast %parallel_loop3A_91 : i32 to vector<16xi32>
        %parallel_loop3A_727 = arith.andi %parallel_loop3A_721, %parallel_loop3A_726 : vector<16xi32>
        %parallel_loop3A_728 = vector.bitcast %parallel_loop3A_727 : vector<16xi32> to vector<16xf32>
        %parallel_loop3A_729 = arith.constant 32 : i32
        %parallel_loop3A_730 = arith.addi %parallel_loop3A_729, %parallel_loop3A_126 : i32
        %parallel_loop3A_731 = arith.index_cast %parallel_loop3A_730 : i32 to index
        %parallel_loop3A_732 = arith.constant 160 : index
        %parallel_loop3A_733 = tpu.vector_load %arg14[%parallel_loop3A_731, %parallel_loop3A_732] {strides = array<i32>} : memref<64x384xi32, #tpu.memory_space<vmem>>, vector<16xi32>,
        %parallel_loop3A_734 = arith.constant 16 : i32
        %parallel_loop3A_735 = vector.broadcast %parallel_loop3A_734 : i32 to vector<16xi32>
        %parallel_loop3A_736 = arith.shli %parallel_loop3A_733, %parallel_loop3A_735 : vector<16xi32>
        %parallel_loop3A_737 = vector.bitcast %parallel_loop3A_736 : vector<16xi32> to vector<16xf32>
        %parallel_loop3A_738 = vector.broadcast %parallel_loop3A_91 : i32 to vector<16xi32>
        %parallel_loop3A_739 = arith.andi %parallel_loop3A_733, %parallel_loop3A_738 : vector<16xi32>
        %parallel_loop3A_740 = vector.bitcast %parallel_loop3A_739 : vector<16xi32> to vector<16xf32>
        %parallel_loop3A_741 = arith.constant 48 : i32
        %parallel_loop3A_742 = arith.addi %parallel_loop3A_741, %parallel_loop3A_126 : i32
        %parallel_loop3A_743 = arith.index_cast %parallel_loop3A_742 : i32 to index
        %parallel_loop3A_744 = arith.constant 160 : index
        %parallel_loop3A_745 = tpu.vector_load %arg14[%parallel_loop3A_743, %parallel_loop3A_744] {strides = array<i32>} : memref<64x384xi32, #tpu.memory_space<vmem>>, vector<16xi32>,
        %parallel_loop3A_746 = arith.constant 16 : i32
        %parallel_loop3A_747 = vector.broadcast %parallel_loop3A_746 : i32 to vector<16xi32>
        %parallel_loop3A_748 = arith.shli %parallel_loop3A_745, %parallel_loop3A_747 : vector<16xi32>
        %parallel_loop3A_749 = vector.bitcast %parallel_loop3A_748 : vector<16xi32> to vector<16xf32>
        %parallel_loop3A_750 = vector.broadcast %parallel_loop3A_91 : i32 to vector<16xi32>
        %parallel_loop3A_751 = arith.andi %parallel_loop3A_745, %parallel_loop3A_750 : vector<16xi32>
        %parallel_loop3A_752 = vector.bitcast %parallel_loop3A_751 : vector<16xi32> to vector<16xf32>
        %parallel_loop3A_753 = arith.addf %parallel_loop3A_713, %parallel_loop3A_725 : vector<16xf32>
        %parallel_loop3A_754 = arith.addf %parallel_loop3A_737, %parallel_loop3A_749 : vector<16xf32>
        %parallel_loop3A_755 = arith.addf %parallel_loop3A_753, %parallel_loop3A_754 : vector<16xf32>
        %parallel_loop3A_756 = arith.index_cast %parallel_loop3A_126 : i32 to index
        %parallel_loop3A_757 = arith.constant 320 : index
        %parallel_loop3A_758 = tpu.vector_load %arg16[%parallel_loop3A_756, %parallel_loop3A_757] {strides = array<i32>} : memref<16x768xf32, #tpu.memory_space<vmem>>, vector<16xf32>,
        tpu.vector_store %arg16[%parallel_loop3A_756, %parallel_loop3A_757], %parallel_loop3A_755 {strides = array<i32>} : memref<16x768xf32, #tpu.memory_space<vmem>>, vector<16xf32>,
        %parallel_loop3A_759 = arith.addf %parallel_loop3A_716, %parallel_loop3A_728 : vector<16xf32>
        %parallel_loop3A_760 = arith.addf %parallel_loop3A_740, %parallel_loop3A_752 : vector<16xf32>
        %parallel_loop3A_761 = arith.addf %parallel_loop3A_759, %parallel_loop3A_760 : vector<16xf32>
        %parallel_loop3A_762 = arith.index_cast %parallel_loop3A_126 : i32 to index
        %parallel_loop3A_763 = arith.constant 336 : index
        %parallel_loop3A_764 = tpu.vector_load %arg16[%parallel_loop3A_762, %parallel_loop3A_763] {strides = array<i32>} : memref<16x768xf32, #tpu.memory_space<vmem>>, vector<16xf32>,
        tpu.vector_store %arg16[%parallel_loop3A_762, %parallel_loop3A_763], %parallel_loop3A_761 {strides = array<i32>} : memref<16x768xf32, #tpu.memory_space<vmem>>, vector<16xf32>,
        %parallel_loop3A_765 = arith.index_cast %parallel_loop3A_126 : i32 to index
        %parallel_loop3A_766 = arith.constant 176 : index
        %parallel_loop3A_767 = tpu.vector_load %arg14[%parallel_loop3A_765, %parallel_loop3A_766] {strides = array<i32>} : memref<64x384xi32, #tpu.memory_space<vmem>>, vector<16xi32>,
        %parallel_loop3A_768 = arith.constant 16 : i32
        %parallel_loop3A_769 = vector.broadcast %parallel_loop3A_768 : i32 to vector<16xi32>
        %parallel_loop3A_770 = arith.shli %parallel_loop3A_767, %parallel_loop3A_769 : vector<16xi32>
        %parallel_loop3A_771 = vector.bitcast %parallel_loop3A_770 : vector<16xi32> to vector<16xf32>
        %parallel_loop3A_772 = vector.broadcast %parallel_loop3A_91 : i32 to vector<16xi32>
        %parallel_loop3A_773 = arith.andi %parallel_loop3A_767, %parallel_loop3A_772 : vector<16xi32>
        %parallel_loop3A_774 = vector.bitcast %parallel_loop3A_773 : vector<16xi32> to vector<16xf32>
        %parallel_loop3A_775 = arith.constant 16 : i32
        %parallel_loop3A_776 = arith.addi %parallel_loop3A_775, %parallel_loop3A_126 : i32
        %parallel_loop3A_777 = arith.index_cast %parallel_loop3A_776 : i32 to index
        %parallel_loop3A_778 = arith.constant 176 : index
        %parallel_loop3A_779 = tpu.vector_load %arg14[%parallel_loop3A_777, %parallel_loop3A_778] {strides = array<i32>} : memref<64x384xi32, #tpu.memory_space<vmem>>, vector<16xi32>,
        %parallel_loop3A_780 = arith.constant 16 : i32
        %parallel_loop3A_781 = vector.broadcast %parallel_loop3A_780 : i32 to vector<16xi32>
        %parallel_loop3A_782 = arith.shli %parallel_loop3A_779, %parallel_loop3A_781 : vector<16xi32>
        %parallel_loop3A_783 = vector.bitcast %parallel_loop3A_782 : vector<16xi32> to vector<16xf32>
        %parallel_loop3A_784 = vector.broadcast %parallel_loop3A_91 : i32 to vector<16xi32>
        %parallel_loop3A_785 = arith.andi %parallel_loop3A_779, %parallel_loop3A_784 : vector<16xi32>
        %parallel_loop3A_786 = vector.bitcast %parallel_loop3A_785 : vector<16xi32> to vector<16xf32>
        %parallel_loop3A_787 = arith.constant 32 : i32
        %parallel_loop3A_788 = arith.addi %parallel_loop3A_787, %parallel_loop3A_126 : i32
        %parallel_loop3A_789 = arith.index_cast %parallel_loop3A_788 : i32 to index
        %parallel_loop3A_790 = arith.constant 176 : index
        %parallel_loop3A_791 = tpu.vector_load %arg14[%parallel_loop3A_789, %parallel_loop3A_790] {strides = array<i32>} : memref<64x384xi32, #tpu.memory_space<vmem>>, vector<16xi32>,
        %parallel_loop3A_792 = arith.constant 16 : i32
        %parallel_loop3A_793 = vector.broadcast %parallel_loop3A_792 : i32 to vector<16xi32>
        %parallel_loop3A_794 = arith.shli %parallel_loop3A_791, %parallel_loop3A_793 : vector<16xi32>
        %parallel_loop3A_795 = vector.bitcast %parallel_loop3A_794 : vector<16xi32> to vector<16xf32>
        %parallel_loop3A_796 = vector.broadcast %parallel_loop3A_91 : i32 to vector<16xi32>
        %parallel_loop3A_797 = arith.andi %parallel_loop3A_791, %parallel_loop3A_796 : vector<16xi32>
        %parallel_loop3A_798 = vector.bitcast %parallel_loop3A_797 : vector<16xi32> to vector<16xf32>
        %parallel_loop3A_799 = arith.constant 48 : i32
        %parallel_loop3A_800 = arith.addi %parallel_loop3A_799, %parallel_loop3A_126 : i32
        %parallel_loop3A_801 = arith.index_cast %parallel_loop3A_800 : i32 to index
        %parallel_loop3A_802 = arith.constant 176 : index
        %parallel_loop3A_803 = tpu.vector_load %arg14[%parallel_loop3A_801, %parallel_loop3A_802] {strides = array<i32>} : memref<64x384xi32, #tpu.memory_space<vmem>>, vector<16xi32>,
        %parallel_loop3A_804 = arith.constant 16 : i32
        %parallel_loop3A_805 = vector.broadcast %parallel_loop3A_804 : i32 to vector<16xi32>
        %parallel_loop3A_806 = arith.shli %parallel_loop3A_803, %parallel_loop3A_805 : vector<16xi32>
        %parallel_loop3A_807 = vector.bitcast %parallel_loop3A_806 : vector<16xi32> to vector<16xf32>
        %parallel_loop3A_808 = vector.broadcast %parallel_loop3A_91 : i32 to vector<16xi32>
        %parallel_loop3A_809 = arith.andi %parallel_loop3A_803, %parallel_loop3A_808 : vector<16xi32>
        %parallel_loop3A_810 = vector.bitcast %parallel_loop3A_809 : vector<16xi32> to vector<16xf32>
        %parallel_loop3A_811 = arith.addf %parallel_loop3A_771, %parallel_loop3A_783 : vector<16xf32>
        %parallel_loop3A_812 = arith.addf %parallel_loop3A_795, %parallel_loop3A_807 : vector<16xf32>
        %parallel_loop3A_813 = arith.addf %parallel_loop3A_811, %parallel_loop3A_812 : vector<16xf32>
        %parallel_loop3A_814 = arith.index_cast %parallel_loop3A_126 : i32 to index
        %parallel_loop3A_815 = arith.constant 352 : index
        %parallel_loop3A_816 = tpu.vector_load %arg16[%parallel_loop3A_814, %parallel_loop3A_815] {strides = array<i32>} : memref<16x768xf32, #tpu.memory_space<vmem>>, vector<16xf32>,
        tpu.vector_store %arg16[%parallel_loop3A_814, %parallel_loop3A_815], %parallel_loop3A_813 {strides = array<i32>} : memref<16x768xf32, #tpu.memory_space<vmem>>, vector<16xf32>,
        %parallel_loop3A_817 = arith.addf %parallel_loop3A_774, %parallel_loop3A_786 : vector<16xf32>
        %parallel_loop3A_818 = arith.addf %parallel_loop3A_798, %parallel_loop3A_810 : vector<16xf32>
        %parallel_loop3A_819 = arith.addf %parallel_loop3A_817, %parallel_loop3A_818 : vector<16xf32>
        %parallel_loop3A_820 = arith.index_cast %parallel_loop3A_126 : i32 to index
        %parallel_loop3A_821 = arith.constant 368 : index
        %parallel_loop3A_822 = tpu.vector_load %arg16[%parallel_loop3A_820, %parallel_loop3A_821] {strides = array<i32>} : memref<16x768xf32, #tpu.memory_space<vmem>>, vector<16xf32>,
        tpu.vector_store %arg16[%parallel_loop3A_820, %parallel_loop3A_821], %parallel_loop3A_819 {strides = array<i32>} : memref<16x768xf32, #tpu.memory_space<vmem>>, vector<16xf32>,
        %parallel_loop3A_823 = arith.index_cast %parallel_loop3A_126 : i32 to index
        %parallel_loop3A_824 = arith.constant 192 : index
        %parallel_loop3A_825 = tpu.vector_load %arg14[%parallel_loop3A_823, %parallel_loop3A_824] {strides = array<i32>} : memref<64x384xi32, #tpu.memory_space<vmem>>, vector<16xi32>,
        %parallel_loop3A_826 = arith.constant 16 : i32
        %parallel_loop3A_827 = vector.broadcast %parallel_loop3A_826 : i32 to vector<16xi32>
        %parallel_loop3A_828 = arith.shli %parallel_loop3A_825, %parallel_loop3A_827 : vector<16xi32>
        %parallel_loop3A_829 = vector.bitcast %parallel_loop3A_828 : vector<16xi32> to vector<16xf32>
        %parallel_loop3A_830 = vector.broadcast %parallel_loop3A_91 : i32 to vector<16xi32>
        %parallel_loop3A_831 = arith.andi %parallel_loop3A_825, %parallel_loop3A_830 : vector<16xi32>
        %parallel_loop3A_832 = vector.bitcast %parallel_loop3A_831 : vector<16xi32> to vector<16xf32>
        %parallel_loop3A_833 = arith.constant 16 : i32
        %parallel_loop3A_834 = arith.addi %parallel_loop3A_833, %parallel_loop3A_126 : i32
        %parallel_loop3A_835 = arith.index_cast %parallel_loop3A_834 : i32 to index
        %parallel_loop3A_836 = arith.constant 192 : index
        %parallel_loop3A_837 = tpu.vector_load %arg14[%parallel_loop3A_835, %parallel_loop3A_836] {strides = array<i32>} : memref<64x384xi32, #tpu.memory_space<vmem>>, vector<16xi32>,
        %parallel_loop3A_838 = arith.constant 16 : i32
        %parallel_loop3A_839 = vector.broadcast %parallel_loop3A_838 : i32 to vector<16xi32>
        %parallel_loop3A_840 = arith.shli %parallel_loop3A_837, %parallel_loop3A_839 : vector<16xi32>
        %parallel_loop3A_841 = vector.bitcast %parallel_loop3A_840 : vector<16xi32> to vector<16xf32>
        %parallel_loop3A_842 = vector.broadcast %parallel_loop3A_91 : i32 to vector<16xi32>
        %parallel_loop3A_843 = arith.andi %parallel_loop3A_837, %parallel_loop3A_842 : vector<16xi32>
        %parallel_loop3A_844 = vector.bitcast %parallel_loop3A_843 : vector<16xi32> to vector<16xf32>
        %parallel_loop3A_845 = arith.constant 32 : i32
        %parallel_loop3A_846 = arith.addi %parallel_loop3A_845, %parallel_loop3A_126 : i32
        %parallel_loop3A_847 = arith.index_cast %parallel_loop3A_846 : i32 to index
        %parallel_loop3A_848 = arith.constant 192 : index
        %parallel_loop3A_849 = tpu.vector_load %arg14[%parallel_loop3A_847, %parallel_loop3A_848] {strides = array<i32>} : memref<64x384xi32, #tpu.memory_space<vmem>>, vector<16xi32>,
        %parallel_loop3A_850 = arith.constant 16 : i32
        %parallel_loop3A_851 = vector.broadcast %parallel_loop3A_850 : i32 to vector<16xi32>
        %parallel_loop3A_852 = arith.shli %parallel_loop3A_849, %parallel_loop3A_851 : vector<16xi32>
        %parallel_loop3A_853 = vector.bitcast %parallel_loop3A_852 : vector<16xi32> to vector<16xf32>
        %parallel_loop3A_854 = vector.broadcast %parallel_loop3A_91 : i32 to vector<16xi32>
        %parallel_loop3A_855 = arith.andi %parallel_loop3A_849, %parallel_loop3A_854 : vector<16xi32>
        %parallel_loop3A_856 = vector.bitcast %parallel_loop3A_855 : vector<16xi32> to vector<16xf32>
        %parallel_loop3A_857 = arith.constant 48 : i32
        %parallel_loop3A_858 = arith.addi %parallel_loop3A_857, %parallel_loop3A_126 : i32
        %parallel_loop3A_859 = arith.index_cast %parallel_loop3A_858 : i32 to index
        %parallel_loop3A_860 = arith.constant 192 : index
        %parallel_loop3A_861 = tpu.vector_load %arg14[%parallel_loop3A_859, %parallel_loop3A_860] {strides = array<i32>} : memref<64x384xi32, #tpu.memory_space<vmem>>, vector<16xi32>,
        %parallel_loop3A_862 = arith.constant 16 : i32
        %parallel_loop3A_863 = vector.broadcast %parallel_loop3A_862 : i32 to vector<16xi32>
        %parallel_loop3A_864 = arith.shli %parallel_loop3A_861, %parallel_loop3A_863 : vector<16xi32>
        %parallel_loop3A_865 = vector.bitcast %parallel_loop3A_864 : vector<16xi32> to vector<16xf32>
        %parallel_loop3A_866 = vector.broadcast %parallel_loop3A_91 : i32 to vector<16xi32>
        %parallel_loop3A_867 = arith.andi %parallel_loop3A_861, %parallel_loop3A_866 : vector<16xi32>
        %parallel_loop3A_868 = vector.bitcast %parallel_loop3A_867 : vector<16xi32> to vector<16xf32>
        %parallel_loop3A_869 = arith.addf %parallel_loop3A_829, %parallel_loop3A_841 : vector<16xf32>
        %parallel_loop3A_870 = arith.addf %parallel_loop3A_853, %parallel_loop3A_865 : vector<16xf32>
        %parallel_loop3A_871 = arith.addf %parallel_loop3A_869, %parallel_loop3A_870 : vector<16xf32>
        %parallel_loop3A_872 = arith.index_cast %parallel_loop3A_126 : i32 to index
        %parallel_loop3A_873 = arith.constant 384 : index
        %parallel_loop3A_874 = tpu.vector_load %arg16[%parallel_loop3A_872, %parallel_loop3A_873] {strides = array<i32>} : memref<16x768xf32, #tpu.memory_space<vmem>>, vector<16xf32>,
        tpu.vector_store %arg16[%parallel_loop3A_872, %parallel_loop3A_873], %parallel_loop3A_871 {strides = array<i32>} : memref<16x768xf32, #tpu.memory_space<vmem>>, vector<16xf32>,
        %parallel_loop3A_875 = arith.addf %parallel_loop3A_832, %parallel_loop3A_844 : vector<16xf32>
        %parallel_loop3A_876 = arith.addf %parallel_loop3A_856, %parallel_loop3A_868 : vector<16xf32>
        %parallel_loop3A_877 = arith.addf %parallel_loop3A_875, %parallel_loop3A_876 : vector<16xf32>
        %parallel_loop3A_878 = arith.index_cast %parallel_loop3A_126 : i32 to index
        %parallel_loop3A_879 = arith.constant 400 : index
        %parallel_loop3A_880 = tpu.vector_load %arg16[%parallel_loop3A_878, %parallel_loop3A_879] {strides = array<i32>} : memref<16x768xf32, #tpu.memory_space<vmem>>, vector<16xf32>,
        tpu.vector_store %arg16[%parallel_loop3A_878, %parallel_loop3A_879], %parallel_loop3A_877 {strides = array<i32>} : memref<16x768xf32, #tpu.memory_space<vmem>>, vector<16xf32>,
        %parallel_loop3A_881 = arith.index_cast %parallel_loop3A_126 : i32 to index
        %parallel_loop3A_882 = arith.constant 208 : index
        %parallel_loop3A_883 = tpu.vector_load %arg14[%parallel_loop3A_881, %parallel_loop3A_882] {strides = array<i32>} : memref<64x384xi32, #tpu.memory_space<vmem>>, vector<16xi32>,
        %parallel_loop3A_884 = arith.constant 16 : i32
        %parallel_loop3A_885 = vector.broadcast %parallel_loop3A_884 : i32 to vector<16xi32>
        %parallel_loop3A_886 = arith.shli %parallel_loop3A_883, %parallel_loop3A_885 : vector<16xi32>
        %parallel_loop3A_887 = vector.bitcast %parallel_loop3A_886 : vector<16xi32> to vector<16xf32>
        %parallel_loop3A_888 = vector.broadcast %parallel_loop3A_91 : i32 to vector<16xi32>
        %parallel_loop3A_889 = arith.andi %parallel_loop3A_883, %parallel_loop3A_888 : vector<16xi32>
        %parallel_loop3A_890 = vector.bitcast %parallel_loop3A_889 : vector<16xi32> to vector<16xf32>
        %parallel_loop3A_891 = arith.constant 16 : i32
        %parallel_loop3A_892 = arith.addi %parallel_loop3A_891, %parallel_loop3A_126 : i32
        %parallel_loop3A_893 = arith.index_cast %parallel_loop3A_892 : i32 to index
        %parallel_loop3A_894 = arith.constant 208 : index
        %parallel_loop3A_895 = tpu.vector_load %arg14[%parallel_loop3A_893, %parallel_loop3A_894] {strides = array<i32>} : memref<64x384xi32, #tpu.memory_space<vmem>>, vector<16xi32>,
        %parallel_loop3A_896 = arith.constant 16 : i32
        %parallel_loop3A_897 = vector.broadcast %parallel_loop3A_896 : i32 to vector<16xi32>
        %parallel_loop3A_898 = arith.shli %parallel_loop3A_895, %parallel_loop3A_897 : vector<16xi32>
        %parallel_loop3A_899 = vector.bitcast %parallel_loop3A_898 : vector<16xi32> to vector<16xf32>
        %parallel_loop3A_900 = vector.broadcast %parallel_loop3A_91 : i32 to vector<16xi32>
        %parallel_loop3A_901 = arith.andi %parallel_loop3A_895, %parallel_loop3A_900 : vector<16xi32>
        %parallel_loop3A_902 = vector.bitcast %parallel_loop3A_901 : vector<16xi32> to vector<16xf32>
        %parallel_loop3A_903 = arith.constant 32 : i32
        %parallel_loop3A_904 = arith.addi %parallel_loop3A_903, %parallel_loop3A_126 : i32
        %parallel_loop3A_905 = arith.index_cast %parallel_loop3A_904 : i32 to index
        %parallel_loop3A_906 = arith.constant 208 : index
        %parallel_loop3A_907 = tpu.vector_load %arg14[%parallel_loop3A_905, %parallel_loop3A_906] {strides = array<i32>} : memref<64x384xi32, #tpu.memory_space<vmem>>, vector<16xi32>,
        %parallel_loop3A_908 = arith.constant 16 : i32
        %parallel_loop3A_909 = vector.broadcast %parallel_loop3A_908 : i32 to vector<16xi32>
        %parallel_loop3A_910 = arith.shli %parallel_loop3A_907, %parallel_loop3A_909 : vector<16xi32>
        %parallel_loop3A_911 = vector.bitcast %parallel_loop3A_910 : vector<16xi32> to vector<16xf32>
        %parallel_loop3A_912 = vector.broadcast %parallel_loop3A_91 : i32 to vector<16xi32>
        %parallel_loop3A_913 = arith.andi %parallel_loop3A_907, %parallel_loop3A_912 : vector<16xi32>
        %parallel_loop3A_914 = vector.bitcast %parallel_loop3A_913 : vector<16xi32> to vector<16xf32>
        %parallel_loop3A_915 = arith.constant 48 : i32
        %parallel_loop3A_916 = arith.addi %parallel_loop3A_915, %parallel_loop3A_126 : i32
        %parallel_loop3A_917 = arith.index_cast %parallel_loop3A_916 : i32 to index
        %parallel_loop3A_918 = arith.constant 208 : index
        %parallel_loop3A_919 = tpu.vector_load %arg14[%parallel_loop3A_917, %parallel_loop3A_918] {strides = array<i32>} : memref<64x384xi32, #tpu.memory_space<vmem>>, vector<16xi32>,
        %parallel_loop3A_920 = arith.constant 16 : i32
        %parallel_loop3A_921 = vector.broadcast %parallel_loop3A_920 : i32 to vector<16xi32>
        %parallel_loop3A_922 = arith.shli %parallel_loop3A_919, %parallel_loop3A_921 : vector<16xi32>
        %parallel_loop3A_923 = vector.bitcast %parallel_loop3A_922 : vector<16xi32> to vector<16xf32>
        %parallel_loop3A_924 = vector.broadcast %parallel_loop3A_91 : i32 to vector<16xi32>
        %parallel_loop3A_925 = arith.andi %parallel_loop3A_919, %parallel_loop3A_924 : vector<16xi32>
        %parallel_loop3A_926 = vector.bitcast %parallel_loop3A_925 : vector<16xi32> to vector<16xf32>
        %parallel_loop3A_927 = arith.addf %parallel_loop3A_887, %parallel_loop3A_899 : vector<16xf32>
        %parallel_loop3A_928 = arith.addf %parallel_loop3A_911, %parallel_loop3A_923 : vector<16xf32>
        %parallel_loop3A_929 = arith.addf %parallel_loop3A_927, %parallel_loop3A_928 : vector<16xf32>
        %parallel_loop3A_930 = arith.index_cast %parallel_loop3A_126 : i32 to index
        %parallel_loop3A_931 = arith.constant 416 : index
        %parallel_loop3A_932 = tpu.vector_load %arg16[%parallel_loop3A_930, %parallel_loop3A_931] {strides = array<i32>} : memref<16x768xf32, #tpu.memory_space<vmem>>, vector<16xf32>,
        tpu.vector_store %arg16[%parallel_loop3A_930, %parallel_loop3A_931], %parallel_loop3A_929 {strides = array<i32>} : memref<16x768xf32, #tpu.memory_space<vmem>>, vector<16xf32>,
        %parallel_loop3A_933 = arith.addf %parallel_loop3A_890, %parallel_loop3A_902 : vector<16xf32>
        %parallel_loop3A_934 = arith.addf %parallel_loop3A_914, %parallel_loop3A_926 : vector<16xf32>
        %parallel_loop3A_935 = arith.addf %parallel_loop3A_933, %parallel_loop3A_934 : vector<16xf32>
        %parallel_loop3A_936 = arith.index_cast %parallel_loop3A_126 : i32 to index
        %parallel_loop3A_937 = arith.constant 432 : index
        %parallel_loop3A_938 = tpu.vector_load %arg16[%parallel_loop3A_936, %parallel_loop3A_937] {strides = array<i32>} : memref<16x768xf32, #tpu.memory_space<vmem>>, vector<16xf32>,
        tpu.vector_store %arg16[%parallel_loop3A_936, %parallel_loop3A_937], %parallel_loop3A_935 {strides = array<i32>} : memref<16x768xf32, #tpu.memory_space<vmem>>, vector<16xf32>,
        %parallel_loop3A_939 = arith.index_cast %parallel_loop3A_126 : i32 to index
        %parallel_loop3A_940 = arith.constant 224 : index
        %parallel_loop3A_941 = tpu.vector_load %arg14[%parallel_loop3A_939, %parallel_loop3A_940] {strides = array<i32>} : memref<64x384xi32, #tpu.memory_space<vmem>>, vector<16xi32>,
        %parallel_loop3A_942 = arith.constant 16 : i32
        %parallel_loop3A_943 = vector.broadcast %parallel_loop3A_942 : i32 to vector<16xi32>
        %parallel_loop3A_944 = arith.shli %parallel_loop3A_941, %parallel_loop3A_943 : vector<16xi32>
        %parallel_loop3A_945 = vector.bitcast %parallel_loop3A_944 : vector<16xi32> to vector<16xf32>
        %parallel_loop3A_946 = vector.broadcast %parallel_loop3A_91 : i32 to vector<16xi32>
        %parallel_loop3A_947 = arith.andi %parallel_loop3A_941, %parallel_loop3A_946 : vector<16xi32>
        %parallel_loop3A_948 = vector.bitcast %parallel_loop3A_947 : vector<16xi32> to vector<16xf32>
        %parallel_loop3A_949 = arith.constant 16 : i32
        %parallel_loop3A_950 = arith.addi %parallel_loop3A_949, %parallel_loop3A_126 : i32
        %parallel_loop3A_951 = arith.index_cast %parallel_loop3A_950 : i32 to index
        %parallel_loop3A_952 = arith.constant 224 : index
        %parallel_loop3A_953 = tpu.vector_load %arg14[%parallel_loop3A_951, %parallel_loop3A_952] {strides = array<i32>} : memref<64x384xi32, #tpu.memory_space<vmem>>, vector<16xi32>,
        %parallel_loop3A_954 = arith.constant 16 : i32
        %parallel_loop3A_955 = vector.broadcast %parallel_loop3A_954 : i32 to vector<16xi32>
        %parallel_loop3A_956 = arith.shli %parallel_loop3A_953, %parallel_loop3A_955 : vector<16xi32>
        %parallel_loop3A_957 = vector.bitcast %parallel_loop3A_956 : vector<16xi32> to vector<16xf32>
        %parallel_loop3A_958 = vector.broadcast %parallel_loop3A_91 : i32 to vector<16xi32>
        %parallel_loop3A_959 = arith.andi %parallel_loop3A_953, %parallel_loop3A_958 : vector<16xi32>
        %parallel_loop3A_960 = vector.bitcast %parallel_loop3A_959 : vector<16xi32> to vector<16xf32>
        %parallel_loop3A_961 = arith.constant 32 : i32
        %parallel_loop3A_962 = arith.addi %parallel_loop3A_961, %parallel_loop3A_126 : i32
        %parallel_loop3A_963 = arith.index_cast %parallel_loop3A_962 : i32 to index
        %parallel_loop3A_964 = arith.constant 224 : index
        %parallel_loop3A_965 = tpu.vector_load %arg14[%parallel_loop3A_963, %parallel_loop3A_964] {strides = array<i32>} : memref<64x384xi32, #tpu.memory_space<vmem>>, vector<16xi32>,
        %parallel_loop3A_966 = arith.constant 16 : i32
        %parallel_loop3A_967 = vector.broadcast %parallel_loop3A_966 : i32 to vector<16xi32>
        %parallel_loop3A_968 = arith.shli %parallel_loop3A_965, %parallel_loop3A_967 : vector<16xi32>
        %parallel_loop3A_969 = vector.bitcast %parallel_loop3A_968 : vector<16xi32> to vector<16xf32>
        %parallel_loop3A_970 = vector.broadcast %parallel_loop3A_91 : i32 to vector<16xi32>
        %parallel_loop3A_971 = arith.andi %parallel_loop3A_965, %parallel_loop3A_970 : vector<16xi32>
        %parallel_loop3A_972 = vector.bitcast %parallel_loop3A_971 : vector<16xi32> to vector<16xf32>
        %parallel_loop3A_973 = arith.constant 48 : i32
        %parallel_loop3A_974 = arith.addi %parallel_loop3A_973, %parallel_loop3A_126 : i32
        %parallel_loop3A_975 = arith.index_cast %parallel_loop3A_974 : i32 to index
        %parallel_loop3A_976 = arith.constant 224 : index
        %parallel_loop3A_977 = tpu.vector_load %arg14[%parallel_loop3A_975, %parallel_loop3A_976] {strides = array<i32>} : memref<64x384xi32, #tpu.memory_space<vmem>>, vector<16xi32>,
        %parallel_loop3A_978 = arith.constant 16 : i32
        %parallel_loop3A_979 = vector.broadcast %parallel_loop3A_978 : i32 to vector<16xi32>
        %parallel_loop3A_980 = arith.shli %parallel_loop3A_977, %parallel_loop3A_979 : vector<16xi32>
        %parallel_loop3A_981 = vector.bitcast %parallel_loop3A_980 : vector<16xi32> to vector<16xf32>
        %parallel_loop3A_982 = vector.broadcast %parallel_loop3A_91 : i32 to vector<16xi32>
        %parallel_loop3A_983 = arith.andi %parallel_loop3A_977, %parallel_loop3A_982 : vector<16xi32>
        %parallel_loop3A_984 = vector.bitcast %parallel_loop3A_983 : vector<16xi32> to vector<16xf32>
        %parallel_loop3A_985 = arith.addf %parallel_loop3A_945, %parallel_loop3A_957 : vector<16xf32>
        %parallel_loop3A_986 = arith.addf %parallel_loop3A_969, %parallel_loop3A_981 : vector<16xf32>
        %parallel_loop3A_987 = arith.addf %parallel_loop3A_985, %parallel_loop3A_986 : vector<16xf32>
        %parallel_loop3A_988 = arith.index_cast %parallel_loop3A_126 : i32 to index
        %parallel_loop3A_989 = arith.constant 448 : index
        %parallel_loop3A_990 = tpu.vector_load %arg16[%parallel_loop3A_988, %parallel_loop3A_989] {strides = array<i32>} : memref<16x768xf32, #tpu.memory_space<vmem>>, vector<16xf32>,
        tpu.vector_store %arg16[%parallel_loop3A_988, %parallel_loop3A_989], %parallel_loop3A_987 {strides = array<i32>} : memref<16x768xf32, #tpu.memory_space<vmem>>, vector<16xf32>,
        %parallel_loop3A_991 = arith.addf %parallel_loop3A_948, %parallel_loop3A_960 : vector<16xf32>
        %parallel_loop3A_992 = arith.addf %parallel_loop3A_972, %parallel_loop3A_984 : vector<16xf32>
        %parallel_loop3A_993 = arith.addf %parallel_loop3A_991, %parallel_loop3A_992 : vector<16xf32>
        %parallel_loop3A_994 = arith.index_cast %parallel_loop3A_126 : i32 to index
        %parallel_loop3A_995 = arith.constant 464 : index
        %parallel_loop3A_996 = tpu.vector_load %arg16[%parallel_loop3A_994, %parallel_loop3A_995] {strides = array<i32>} : memref<16x768xf32, #tpu.memory_space<vmem>>, vector<16xf32>,
        tpu.vector_store %arg16[%parallel_loop3A_994, %parallel_loop3A_995], %parallel_loop3A_993 {strides = array<i32>} : memref<16x768xf32, #tpu.memory_space<vmem>>, vector<16xf32>,
        %parallel_loop3A_997 = arith.index_cast %parallel_loop3A_126 : i32 to index
        %parallel_loop3A_998 = arith.constant 240 : index
        %parallel_loop3A_999 = tpu.vector_load %arg14[%parallel_loop3A_997, %parallel_loop3A_998] {strides = array<i32>} : memref<64x384xi32, #tpu.memory_space<vmem>>, vector<16xi32>,
        %parallel_loop3A_1000 = arith.constant 16 : i32
        %parallel_loop3A_1001 = vector.broadcast %parallel_loop3A_1000 : i32 to vector<16xi32>
        %parallel_loop3A_1002 = arith.shli %parallel_loop3A_999, %parallel_loop3A_1001 : vector<16xi32>
        %parallel_loop3A_1003 = vector.bitcast %parallel_loop3A_1002 : vector<16xi32> to vector<16xf32>
        %parallel_loop3A_1004 = vector.broadcast %parallel_loop3A_91 : i32 to vector<16xi32>
        %parallel_loop3A_1005 = arith.andi %parallel_loop3A_999, %parallel_loop3A_1004 : vector<16xi32>
        %parallel_loop3A_1006 = vector.bitcast %parallel_loop3A_1005 : vector<16xi32> to vector<16xf32>
        %parallel_loop3A_1007 = arith.constant 16 : i32
        %parallel_loop3A_1008 = arith.addi %parallel_loop3A_1007, %parallel_loop3A_126 : i32
        %parallel_loop3A_1009 = arith.index_cast %parallel_loop3A_1008 : i32 to index
        %parallel_loop3A_1010 = arith.constant 240 : index
        %parallel_loop3A_1011 = tpu.vector_load %arg14[%parallel_loop3A_1009, %parallel_loop3A_1010] {strides = array<i32>} : memref<64x384xi32, #tpu.memory_space<vmem>>, vector<16xi32>,
        %parallel_loop3A_1012 = arith.constant 16 : i32
        %parallel_loop3A_1013 = vector.broadcast %parallel_loop3A_1012 : i32 to vector<16xi32>
        %parallel_loop3A_1014 = arith.shli %parallel_loop3A_1011, %parallel_loop3A_1013 : vector<16xi32>
        %parallel_loop3A_1015 = vector.bitcast %parallel_loop3A_1014 : vector<16xi32> to vector<16xf32>
        %parallel_loop3A_1016 = vector.broadcast %parallel_loop3A_91 : i32 to vector<16xi32>
        %parallel_loop3A_1017 = arith.andi %parallel_loop3A_1011, %parallel_loop3A_1016 : vector<16xi32>
        %parallel_loop3A_1018 = vector.bitcast %parallel_loop3A_1017 : vector<16xi32> to vector<16xf32>
        %parallel_loop3A_1019 = arith.constant 32 : i32
        %parallel_loop3A_1020 = arith.addi %parallel_loop3A_1019, %parallel_loop3A_126 : i32
        %parallel_loop3A_1021 = arith.index_cast %parallel_loop3A_1020 : i32 to index
        %parallel_loop3A_1022 = arith.constant 240 : index
        %parallel_loop3A_1023 = tpu.vector_load %arg14[%parallel_loop3A_1021, %parallel_loop3A_1022] {strides = array<i32>} : memref<64x384xi32, #tpu.memory_space<vmem>>, vector<16xi32>,
        %parallel_loop3A_1024 = arith.constant 16 : i32
        %parallel_loop3A_1025 = vector.broadcast %parallel_loop3A_1024 : i32 to vector<16xi32>
        %parallel_loop3A_1026 = arith.shli %parallel_loop3A_1023, %parallel_loop3A_1025 : vector<16xi32>
        %parallel_loop3A_1027 = vector.bitcast %parallel_loop3A_1026 : vector<16xi32> to vector<16xf32>
        %parallel_loop3A_1028 = vector.broadcast %parallel_loop3A_91 : i32 to vector<16xi32>
        %parallel_loop3A_1029 = arith.andi %parallel_loop3A_1023, %parallel_loop3A_1028 : vector<16xi32>
        %parallel_loop3A_1030 = vector.bitcast %parallel_loop3A_1029 : vector<16xi32> to vector<16xf32>
        %parallel_loop3A_1031 = arith.constant 48 : i32
        %parallel_loop3A_1032 = arith.addi %parallel_loop3A_1031, %parallel_loop3A_126 : i32
        %parallel_loop3A_1033 = arith.index_cast %parallel_loop3A_1032 : i32 to index
        %parallel_loop3A_1034 = arith.constant 240 : index
        %parallel_loop3A_1035 = tpu.vector_load %arg14[%parallel_loop3A_1033, %parallel_loop3A_1034] {strides = array<i32>} : memref<64x384xi32, #tpu.memory_space<vmem>>, vector<16xi32>,
        %parallel_loop3A_1036 = arith.constant 16 : i32
        %parallel_loop3A_1037 = vector.broadcast %parallel_loop3A_1036 : i32 to vector<16xi32>
        %parallel_loop3A_1038 = arith.shli %parallel_loop3A_1035, %parallel_loop3A_1037 : vector<16xi32>
        %parallel_loop3A_1039 = vector.bitcast %parallel_loop3A_1038 : vector<16xi32> to vector<16xf32>
        %parallel_loop3A_1040 = vector.broadcast %parallel_loop3A_91 : i32 to vector<16xi32>
        %parallel_loop3A_1041 = arith.andi %parallel_loop3A_1035, %parallel_loop3A_1040 : vector<16xi32>
        %parallel_loop3A_1042 = vector.bitcast %parallel_loop3A_1041 : vector<16xi32> to vector<16xf32>
        %parallel_loop3A_1043 = arith.addf %parallel_loop3A_1003, %parallel_loop3A_1015 : vector<16xf32>
        %parallel_loop3A_1044 = arith.addf %parallel_loop3A_1027, %parallel_loop3A_1039 : vector<16xf32>
        %parallel_loop3A_1045 = arith.addf %parallel_loop3A_1043, %parallel_loop3A_1044 : vector<16xf32>
        %parallel_loop3A_1046 = arith.index_cast %parallel_loop3A_126 : i32 to index
        %parallel_loop3A_1047 = arith.constant 480 : index
        %parallel_loop3A_1048 = tpu.vector_load %arg16[%parallel_loop3A_1046, %parallel_loop3A_1047] {strides = array<i32>} : memref<16x768xf32, #tpu.memory_space<vmem>>, vector<16xf32>,
        tpu.vector_store %arg16[%parallel_loop3A_1046, %parallel_loop3A_1047], %parallel_loop3A_1045 {strides = array<i32>} : memref<16x768xf32, #tpu.memory_space<vmem>>, vector<16xf32>,
        %parallel_loop3A_1049 = arith.addf %parallel_loop3A_1006, %parallel_loop3A_1018 : vector<16xf32>
        %parallel_loop3A_1050 = arith.addf %parallel_loop3A_1030, %parallel_loop3A_1042 : vector<16xf32>
        %parallel_loop3A_1051 = arith.addf %parallel_loop3A_1049, %parallel_loop3A_1050 : vector<16xf32>
        %parallel_loop3A_1052 = arith.index_cast %parallel_loop3A_126 : i32 to index
        %parallel_loop3A_1053 = arith.constant 496 : index
        %parallel_loop3A_1054 = tpu.vector_load %arg16[%parallel_loop3A_1052, %parallel_loop3A_1053] {strides = array<i32>} : memref<16x768xf32, #tpu.memory_space<vmem>>, vector<16xf32>,
        tpu.vector_store %arg16[%parallel_loop3A_1052, %parallel_loop3A_1053], %parallel_loop3A_1051 {strides = array<i32>} : memref<16x768xf32, #tpu.memory_space<vmem>>, vector<16xf32>,
        %parallel_loop3A_1055 = arith.index_cast %parallel_loop3A_126 : i32 to index
        %parallel_loop3A_1056 = arith.constant 256 : index
        %parallel_loop3A_1057 = tpu.vector_load %arg14[%parallel_loop3A_1055, %parallel_loop3A_1056] {strides = array<i32>} : memref<64x384xi32, #tpu.memory_space<vmem>>, vector<16xi32>,
        %parallel_loop3A_1058 = arith.constant 16 : i32
        %parallel_loop3A_1059 = vector.broadcast %parallel_loop3A_1058 : i32 to vector<16xi32>
        %parallel_loop3A_1060 = arith.shli %parallel_loop3A_1057, %parallel_loop3A_1059 : vector<16xi32>
        %parallel_loop3A_1061 = vector.bitcast %parallel_loop3A_1060 : vector<16xi32> to vector<16xf32>
        %parallel_loop3A_1062 = vector.broadcast %parallel_loop3A_91 : i32 to vector<16xi32>
        %parallel_loop3A_1063 = arith.andi %parallel_loop3A_1057, %parallel_loop3A_1062 : vector<16xi32>
        %parallel_loop3A_1064 = vector.bitcast %parallel_loop3A_1063 : vector<16xi32> to vector<16xf32>
        %parallel_loop3A_1065 = arith.constant 16 : i32
        %parallel_loop3A_1066 = arith.addi %parallel_loop3A_1065, %parallel_loop3A_126 : i32
        %parallel_loop3A_1067 = arith.index_cast %parallel_loop3A_1066 : i32 to index
        %parallel_loop3A_1068 = arith.constant 256 : index
        %parallel_loop3A_1069 = tpu.vector_load %arg14[%parallel_loop3A_1067, %parallel_loop3A_1068] {strides = array<i32>} : memref<64x384xi32, #tpu.memory_space<vmem>>, vector<16xi32>,
        %parallel_loop3A_1070 = arith.constant 16 : i32
        %parallel_loop3A_1071 = vector.broadcast %parallel_loop3A_1070 : i32 to vector<16xi32>
        %parallel_loop3A_1072 = arith.shli %parallel_loop3A_1069, %parallel_loop3A_1071 : vector<16xi32>
        %parallel_loop3A_1073 = vector.bitcast %parallel_loop3A_1072 : vector<16xi32> to vector<16xf32>
        %parallel_loop3A_1074 = vector.broadcast %parallel_loop3A_91 : i32 to vector<16xi32>
        %parallel_loop3A_1075 = arith.andi %parallel_loop3A_1069, %parallel_loop3A_1074 : vector<16xi32>
        %parallel_loop3A_1076 = vector.bitcast %parallel_loop3A_1075 : vector<16xi32> to vector<16xf32>
        %parallel_loop3A_1077 = arith.constant 32 : i32
        %parallel_loop3A_1078 = arith.addi %parallel_loop3A_1077, %parallel_loop3A_126 : i32
        %parallel_loop3A_1079 = arith.index_cast %parallel_loop3A_1078 : i32 to index
        %parallel_loop3A_1080 = arith.constant 256 : index
        %parallel_loop3A_1081 = tpu.vector_load %arg14[%parallel_loop3A_1079, %parallel_loop3A_1080] {strides = array<i32>} : memref<64x384xi32, #tpu.memory_space<vmem>>, vector<16xi32>,
        %parallel_loop3A_1082 = arith.constant 16 : i32
        %parallel_loop3A_1083 = vector.broadcast %parallel_loop3A_1082 : i32 to vector<16xi32>
        %parallel_loop3A_1084 = arith.shli %parallel_loop3A_1081, %parallel_loop3A_1083 : vector<16xi32>
        %parallel_loop3A_1085 = vector.bitcast %parallel_loop3A_1084 : vector<16xi32> to vector<16xf32>
        %parallel_loop3A_1086 = vector.broadcast %parallel_loop3A_91 : i32 to vector<16xi32>
        %parallel_loop3A_1087 = arith.andi %parallel_loop3A_1081, %parallel_loop3A_1086 : vector<16xi32>
        %parallel_loop3A_1088 = vector.bitcast %parallel_loop3A_1087 : vector<16xi32> to vector<16xf32>
        %parallel_loop3A_1089 = arith.constant 48 : i32
        %parallel_loop3A_1090 = arith.addi %parallel_loop3A_1089, %parallel_loop3A_126 : i32
        %parallel_loop3A_1091 = arith.index_cast %parallel_loop3A_1090 : i32 to index
        %parallel_loop3A_1092 = arith.constant 256 : index
        %parallel_loop3A_1093 = tpu.vector_load %arg14[%parallel_loop3A_1091, %parallel_loop3A_1092] {strides = array<i32>} : memref<64x384xi32, #tpu.memory_space<vmem>>, vector<16xi32>,
        %parallel_loop3A_1094 = arith.constant 16 : i32
        %parallel_loop3A_1095 = vector.broadcast %parallel_loop3A_1094 : i32 to vector<16xi32>
        %parallel_loop3A_1096 = arith.shli %parallel_loop3A_1093, %parallel_loop3A_1095 : vector<16xi32>
        %parallel_loop3A_1097 = vector.bitcast %parallel_loop3A_1096 : vector<16xi32> to vector<16xf32>
        %parallel_loop3A_1098 = vector.broadcast %parallel_loop3A_91 : i32 to vector<16xi32>
        %parallel_loop3A_1099 = arith.andi %parallel_loop3A_1093, %parallel_loop3A_1098 : vector<16xi32>
        %parallel_loop3A_1100 = vector.bitcast %parallel_loop3A_1099 : vector<16xi32> to vector<16xf32>
        %parallel_loop3A_1101 = arith.addf %parallel_loop3A_1061, %parallel_loop3A_1073 : vector<16xf32>
        %parallel_loop3A_1102 = arith.addf %parallel_loop3A_1085, %parallel_loop3A_1097 : vector<16xf32>
        %parallel_loop3A_1103 = arith.addf %parallel_loop3A_1101, %parallel_loop3A_1102 : vector<16xf32>
        %parallel_loop3A_1104 = arith.index_cast %parallel_loop3A_126 : i32 to index
        %parallel_loop3A_1105 = arith.constant 512 : index
        %parallel_loop3A_1106 = tpu.vector_load %arg16[%parallel_loop3A_1104, %parallel_loop3A_1105] {strides = array<i32>} : memref<16x768xf32, #tpu.memory_space<vmem>>, vector<16xf32>,
        tpu.vector_store %arg16[%parallel_loop3A_1104, %parallel_loop3A_1105], %parallel_loop3A_1103 {strides = array<i32>} : memref<16x768xf32, #tpu.memory_space<vmem>>, vector<16xf32>,
        %parallel_loop3A_1107 = arith.addf %parallel_loop3A_1064, %parallel_loop3A_1076 : vector<16xf32>
        %parallel_loop3A_1108 = arith.addf %parallel_loop3A_1088, %parallel_loop3A_1100 : vector<16xf32>
        %parallel_loop3A_1109 = arith.addf %parallel_loop3A_1107, %parallel_loop3A_1108 : vector<16xf32>
        %parallel_loop3A_1110 = arith.index_cast %parallel_loop3A_126 : i32 to index
        %parallel_loop3A_1111 = arith.constant 528 : index
        %parallel_loop3A_1112 = tpu.vector_load %arg16[%parallel_loop3A_1110, %parallel_loop3A_1111] {strides = array<i32>} : memref<16x768xf32, #tpu.memory_space<vmem>>, vector<16xf32>,
        tpu.vector_store %arg16[%parallel_loop3A_1110, %parallel_loop3A_1111], %parallel_loop3A_1109 {strides = array<i32>} : memref<16x768xf32, #tpu.memory_space<vmem>>, vector<16xf32>,
        %parallel_loop3A_1113 = arith.index_cast %parallel_loop3A_126 : i32 to index
        %parallel_loop3A_1114 = arith.constant 272 : index
        %parallel_loop3A_1115 = tpu.vector_load %arg14[%parallel_loop3A_1113, %parallel_loop3A_1114] {strides = array<i32>} : memref<64x384xi32, #tpu.memory_space<vmem>>, vector<16xi32>,
        %parallel_loop3A_1116 = arith.constant 16 : i32
        %parallel_loop3A_1117 = vector.broadcast %parallel_loop3A_1116 : i32 to vector<16xi32>
        %parallel_loop3A_1118 = arith.shli %parallel_loop3A_1115, %parallel_loop3A_1117 : vector<16xi32>
        %parallel_loop3A_1119 = vector.bitcast %parallel_loop3A_1118 : vector<16xi32> to vector<16xf32>
        %parallel_loop3A_1120 = vector.broadcast %parallel_loop3A_91 : i32 to vector<16xi32>
        %parallel_loop3A_1121 = arith.andi %parallel_loop3A_1115, %parallel_loop3A_1120 : vector<16xi32>
        %parallel_loop3A_1122 = vector.bitcast %parallel_loop3A_1121 : vector<16xi32> to vector<16xf32>
        %parallel_loop3A_1123 = arith.constant 16 : i32
        %parallel_loop3A_1124 = arith.addi %parallel_loop3A_1123, %parallel_loop3A_126 : i32
        %parallel_loop3A_1125 = arith.index_cast %parallel_loop3A_1124 : i32 to index
        %parallel_loop3A_1126 = arith.constant 272 : index
        %parallel_loop3A_1127 = tpu.vector_load %arg14[%parallel_loop3A_1125, %parallel_loop3A_1126] {strides = array<i32>} : memref<64x384xi32, #tpu.memory_space<vmem>>, vector<16xi32>,
        %parallel_loop3A_1128 = arith.constant 16 : i32
        %parallel_loop3A_1129 = vector.broadcast %parallel_loop3A_1128 : i32 to vector<16xi32>
        %parallel_loop3A_1130 = arith.shli %parallel_loop3A_1127, %parallel_loop3A_1129 : vector<16xi32>
        %parallel_loop3A_1131 = vector.bitcast %parallel_loop3A_1130 : vector<16xi32> to vector<16xf32>
        %parallel_loop3A_1132 = vector.broadcast %parallel_loop3A_91 : i32 to vector<16xi32>
        %parallel_loop3A_1133 = arith.andi %parallel_loop3A_1127, %parallel_loop3A_1132 : vector<16xi32>
        %parallel_loop3A_1134 = vector.bitcast %parallel_loop3A_1133 : vector<16xi32> to vector<16xf32>
        %parallel_loop3A_1135 = arith.constant 32 : i32
        %parallel_loop3A_1136 = arith.addi %parallel_loop3A_1135, %parallel_loop3A_126 : i32
        %parallel_loop3A_1137 = arith.index_cast %parallel_loop3A_1136 : i32 to index
        %parallel_loop3A_1138 = arith.constant 272 : index
        %parallel_loop3A_1139 = tpu.vector_load %arg14[%parallel_loop3A_1137, %parallel_loop3A_1138] {strides = array<i32>} : memref<64x384xi32, #tpu.memory_space<vmem>>, vector<16xi32>,
        %parallel_loop3A_1140 = arith.constant 16 : i32
        %parallel_loop3A_1141 = vector.broadcast %parallel_loop3A_1140 : i32 to vector<16xi32>
        %parallel_loop3A_1142 = arith.shli %parallel_loop3A_1139, %parallel_loop3A_1141 : vector<16xi32>
        %parallel_loop3A_1143 = vector.bitcast %parallel_loop3A_1142 : vector<16xi32> to vector<16xf32>
        %parallel_loop3A_1144 = vector.broadcast %parallel_loop3A_91 : i32 to vector<16xi32>
        %parallel_loop3A_1145 = arith.andi %parallel_loop3A_1139, %parallel_loop3A_1144 : vector<16xi32>
        %parallel_loop3A_1146 = vector.bitcast %parallel_loop3A_1145 : vector<16xi32> to vector<16xf32>
        %parallel_loop3A_1147 = arith.constant 48 : i32
        %parallel_loop3A_1148 = arith.addi %parallel_loop3A_1147, %parallel_loop3A_126 : i32
        %parallel_loop3A_1149 = arith.index_cast %parallel_loop3A_1148 : i32 to index
        %parallel_loop3A_1150 = arith.constant 272 : index
        %parallel_loop3A_1151 = tpu.vector_load %arg14[%parallel_loop3A_1149, %parallel_loop3A_1150] {strides = array<i32>} : memref<64x384xi32, #tpu.memory_space<vmem>>, vector<16xi32>,
        %parallel_loop3A_1152 = arith.constant 16 : i32
        %parallel_loop3A_1153 = vector.broadcast %parallel_loop3A_1152 : i32 to vector<16xi32>
        %parallel_loop3A_1154 = arith.shli %parallel_loop3A_1151, %parallel_loop3A_1153 : vector<16xi32>
        %parallel_loop3A_1155 = vector.bitcast %parallel_loop3A_1154 : vector<16xi32> to vector<16xf32>
        %parallel_loop3A_1156 = vector.broadcast %parallel_loop3A_91 : i32 to vector<16xi32>
        %parallel_loop3A_1157 = arith.andi %parallel_loop3A_1151, %parallel_loop3A_1156 : vector<16xi32>
        %parallel_loop3A_1158 = vector.bitcast %parallel_loop3A_1157 : vector<16xi32> to vector<16xf32>
        %parallel_loop3A_1159 = arith.addf %parallel_loop3A_1119, %parallel_loop3A_1131 : vector<16xf32>
        %parallel_loop3A_1160 = arith.addf %parallel_loop3A_1143, %parallel_loop3A_1155 : vector<16xf32>
        %parallel_loop3A_1161 = arith.addf %parallel_loop3A_1159, %parallel_loop3A_1160 : vector<16xf32>
        %parallel_loop3A_1162 = arith.index_cast %parallel_loop3A_126 : i32 to index
        %parallel_loop3A_1163 = arith.constant 544 : index
        %parallel_loop3A_1164 = tpu.vector_load %arg16[%parallel_loop3A_1162, %parallel_loop3A_1163] {strides = array<i32>} : memref<16x768xf32, #tpu.memory_space<vmem>>, vector<16xf32>,
        tpu.vector_store %arg16[%parallel_loop3A_1162, %parallel_loop3A_1163], %parallel_loop3A_1161 {strides = array<i32>} : memref<16x768xf32, #tpu.memory_space<vmem>>, vector<16xf32>,
        %parallel_loop3A_1165 = arith.addf %parallel_loop3A_1122, %parallel_loop3A_1134 : vector<16xf32>
        %parallel_loop3A_1166 = arith.addf %parallel_loop3A_1146, %parallel_loop3A_1158 : vector<16xf32>
        %parallel_loop3A_1167 = arith.addf %parallel_loop3A_1165, %parallel_loop3A_1166 : vector<16xf32>
        %parallel_loop3A_1168 = arith.index_cast %parallel_loop3A_126 : i32 to index
        %parallel_loop3A_1169 = arith.constant 560 : index
        %parallel_loop3A_1170 = tpu.vector_load %arg16[%parallel_loop3A_1168, %parallel_loop3A_1169] {strides = array<i32>} : memref<16x768xf32, #tpu.memory_space<vmem>>, vector<16xf32>,
        tpu.vector_store %arg16[%parallel_loop3A_1168, %parallel_loop3A_1169], %parallel_loop3A_1167 {strides = array<i32>} : memref<16x768xf32, #tpu.memory_space<vmem>>, vector<16xf32>,
        %parallel_loop3A_1171 = arith.index_cast %parallel_loop3A_126 : i32 to index
        %parallel_loop3A_1172 = arith.constant 288 : index
        %parallel_loop3A_1173 = tpu.vector_load %arg14[%parallel_loop3A_1171, %parallel_loop3A_1172] {strides = array<i32>} : memref<64x384xi32, #tpu.memory_space<vmem>>, vector<16xi32>,
        %parallel_loop3A_1174 = arith.constant 16 : i32
        %parallel_loop3A_1175 = vector.broadcast %parallel_loop3A_1174 : i32 to vector<16xi32>
        %parallel_loop3A_1176 = arith.shli %parallel_loop3A_1173, %parallel_loop3A_1175 : vector<16xi32>
        %parallel_loop3A_1177 = vector.bitcast %parallel_loop3A_1176 : vector<16xi32> to vector<16xf32>
        %parallel_loop3A_1178 = vector.broadcast %parallel_loop3A_91 : i32 to vector<16xi32>
        %parallel_loop3A_1179 = arith.andi %parallel_loop3A_1173, %parallel_loop3A_1178 : vector<16xi32>
        %parallel_loop3A_1180 = vector.bitcast %parallel_loop3A_1179 : vector<16xi32> to vector<16xf32>
        %parallel_loop3A_1181 = arith.constant 16 : i32
        %parallel_loop3A_1182 = arith.addi %parallel_loop3A_1181, %parallel_loop3A_126 : i32
        %parallel_loop3A_1183 = arith.index_cast %parallel_loop3A_1182 : i32 to index
        %parallel_loop3A_1184 = arith.constant 288 : index
        %parallel_loop3A_1185 = tpu.vector_load %arg14[%parallel_loop3A_1183, %parallel_loop3A_1184] {strides = array<i32>} : memref<64x384xi32, #tpu.memory_space<vmem>>, vector<16xi32>,
        %parallel_loop3A_1186 = arith.constant 16 : i32
        %parallel_loop3A_1187 = vector.broadcast %parallel_loop3A_1186 : i32 to vector<16xi32>
        %parallel_loop3A_1188 = arith.shli %parallel_loop3A_1185, %parallel_loop3A_1187 : vector<16xi32>
        %parallel_loop3A_1189 = vector.bitcast %parallel_loop3A_1188 : vector<16xi32> to vector<16xf32>
        %parallel_loop3A_1190 = vector.broadcast %parallel_loop3A_91 : i32 to vector<16xi32>
        %parallel_loop3A_1191 = arith.andi %parallel_loop3A_1185, %parallel_loop3A_1190 : vector<16xi32>
        %parallel_loop3A_1192 = vector.bitcast %parallel_loop3A_1191 : vector<16xi32> to vector<16xf32>
        %parallel_loop3A_1193 = arith.constant 32 : i32
        %parallel_loop3A_1194 = arith.addi %parallel_loop3A_1193, %parallel_loop3A_126 : i32
        %parallel_loop3A_1195 = arith.index_cast %parallel_loop3A_1194 : i32 to index
        %parallel_loop3A_1196 = arith.constant 288 : index
        %parallel_loop3A_1197 = tpu.vector_load %arg14[%parallel_loop3A_1195, %parallel_loop3A_1196] {strides = array<i32>} : memref<64x384xi32, #tpu.memory_space<vmem>>, vector<16xi32>,
        %parallel_loop3A_1198 = arith.constant 16 : i32
        %parallel_loop3A_1199 = vector.broadcast %parallel_loop3A_1198 : i32 to vector<16xi32>
        %parallel_loop3A_1200 = arith.shli %parallel_loop3A_1197, %parallel_loop3A_1199 : vector<16xi32>
        %parallel_loop3A_1201 = vector.bitcast %parallel_loop3A_1200 : vector<16xi32> to vector<16xf32>
        %parallel_loop3A_1202 = vector.broadcast %parallel_loop3A_91 : i32 to vector<16xi32>
        %parallel_loop3A_1203 = arith.andi %parallel_loop3A_1197, %parallel_loop3A_1202 : vector<16xi32>
        %parallel_loop3A_1204 = vector.bitcast %parallel_loop3A_1203 : vector<16xi32> to vector<16xf32>
        %parallel_loop3A_1205 = arith.constant 48 : i32
        %parallel_loop3A_1206 = arith.addi %parallel_loop3A_1205, %parallel_loop3A_126 : i32
        %parallel_loop3A_1207 = arith.index_cast %parallel_loop3A_1206 : i32 to index
        %parallel_loop3A_1208 = arith.constant 288 : index
        %parallel_loop3A_1209 = tpu.vector_load %arg14[%parallel_loop3A_1207, %parallel_loop3A_1208] {strides = array<i32>} : memref<64x384xi32, #tpu.memory_space<vmem>>, vector<16xi32>,
        %parallel_loop3A_1210 = arith.constant 16 : i32
        %parallel_loop3A_1211 = vector.broadcast %parallel_loop3A_1210 : i32 to vector<16xi32>
        %parallel_loop3A_1212 = arith.shli %parallel_loop3A_1209, %parallel_loop3A_1211 : vector<16xi32>
        %parallel_loop3A_1213 = vector.bitcast %parallel_loop3A_1212 : vector<16xi32> to vector<16xf32>
        %parallel_loop3A_1214 = vector.broadcast %parallel_loop3A_91 : i32 to vector<16xi32>
        %parallel_loop3A_1215 = arith.andi %parallel_loop3A_1209, %parallel_loop3A_1214 : vector<16xi32>
        %parallel_loop3A_1216 = vector.bitcast %parallel_loop3A_1215 : vector<16xi32> to vector<16xf32>
        %parallel_loop3A_1217 = arith.addf %parallel_loop3A_1177, %parallel_loop3A_1189 : vector<16xf32>
        %parallel_loop3A_1218 = arith.addf %parallel_loop3A_1201, %parallel_loop3A_1213 : vector<16xf32>
        %parallel_loop3A_1219 = arith.addf %parallel_loop3A_1217, %parallel_loop3A_1218 : vector<16xf32>
        %parallel_loop3A_1220 = arith.index_cast %parallel_loop3A_126 : i32 to index
        %parallel_loop3A_1221 = arith.constant 576 : index
        %parallel_loop3A_1222 = tpu.vector_load %arg16[%parallel_loop3A_1220, %parallel_loop3A_1221] {strides = array<i32>} : memref<16x768xf32, #tpu.memory_space<vmem>>, vector<16xf32>,
        tpu.vector_store %arg16[%parallel_loop3A_1220, %parallel_loop3A_1221], %parallel_loop3A_1219 {strides = array<i32>} : memref<16x768xf32, #tpu.memory_space<vmem>>, vector<16xf32>,
        %parallel_loop3A_1223 = arith.addf %parallel_loop3A_1180, %parallel_loop3A_1192 : vector<16xf32>
        %parallel_loop3A_1224 = arith.addf %parallel_loop3A_1204, %parallel_loop3A_1216 : vector<16xf32>
        %parallel_loop3A_1225 = arith.addf %parallel_loop3A_1223, %parallel_loop3A_1224 : vector<16xf32>
        %parallel_loop3A_1226 = arith.index_cast %parallel_loop3A_126 : i32 to index
        %parallel_loop3A_1227 = arith.constant 592 : index
        %parallel_loop3A_1228 = tpu.vector_load %arg16[%parallel_loop3A_1226, %parallel_loop3A_1227] {strides = array<i32>} : memref<16x768xf32, #tpu.memory_space<vmem>>, vector<16xf32>,
        tpu.vector_store %arg16[%parallel_loop3A_1226, %parallel_loop3A_1227], %parallel_loop3A_1225 {strides = array<i32>} : memref<16x768xf32, #tpu.memory_space<vmem>>, vector<16xf32>,
        %parallel_loop3A_1229 = arith.index_cast %parallel_loop3A_126 : i32 to index
        %parallel_loop3A_1230 = arith.constant 304 : index
        %parallel_loop3A_1231 = tpu.vector_load %arg14[%parallel_loop3A_1229, %parallel_loop3A_1230] {strides = array<i32>} : memref<64x384xi32, #tpu.memory_space<vmem>>, vector<16xi32>,
        %parallel_loop3A_1232 = arith.constant 16 : i32
        %parallel_loop3A_1233 = vector.broadcast %parallel_loop3A_1232 : i32 to vector<16xi32>
        %parallel_loop3A_1234 = arith.shli %parallel_loop3A_1231, %parallel_loop3A_1233 : vector<16xi32>
        %parallel_loop3A_1235 = vector.bitcast %parallel_loop3A_1234 : vector<16xi32> to vector<16xf32>
        %parallel_loop3A_1236 = vector.broadcast %parallel_loop3A_91 : i32 to vector<16xi32>
        %parallel_loop3A_1237 = arith.andi %parallel_loop3A_1231, %parallel_loop3A_1236 : vector<16xi32>
        %parallel_loop3A_1238 = vector.bitcast %parallel_loop3A_1237 : vector<16xi32> to vector<16xf32>
        %parallel_loop3A_1239 = arith.constant 16 : i32
        %parallel_loop3A_1240 = arith.addi %parallel_loop3A_1239, %parallel_loop3A_126 : i32
        %parallel_loop3A_1241 = arith.index_cast %parallel_loop3A_1240 : i32 to index
        %parallel_loop3A_1242 = arith.constant 304 : index
        %parallel_loop3A_1243 = tpu.vector_load %arg14[%parallel_loop3A_1241, %parallel_loop3A_1242] {strides = array<i32>} : memref<64x384xi32, #tpu.memory_space<vmem>>, vector<16xi32>,
        %parallel_loop3A_1244 = arith.constant 16 : i32
        %parallel_loop3A_1245 = vector.broadcast %parallel_loop3A_1244 : i32 to vector<16xi32>
        %parallel_loop3A_1246 = arith.shli %parallel_loop3A_1243, %parallel_loop3A_1245 : vector<16xi32>
        %parallel_loop3A_1247 = vector.bitcast %parallel_loop3A_1246 : vector<16xi32> to vector<16xf32>
        %parallel_loop3A_1248 = vector.broadcast %parallel_loop3A_91 : i32 to vector<16xi32>
        %parallel_loop3A_1249 = arith.andi %parallel_loop3A_1243, %parallel_loop3A_1248 : vector<16xi32>
        %parallel_loop3A_1250 = vector.bitcast %parallel_loop3A_1249 : vector<16xi32> to vector<16xf32>
        %parallel_loop3A_1251 = arith.constant 32 : i32
        %parallel_loop3A_1252 = arith.addi %parallel_loop3A_1251, %parallel_loop3A_126 : i32
        %parallel_loop3A_1253 = arith.index_cast %parallel_loop3A_1252 : i32 to index
        %parallel_loop3A_1254 = arith.constant 304 : index
        %parallel_loop3A_1255 = tpu.vector_load %arg14[%parallel_loop3A_1253, %parallel_loop3A_1254] {strides = array<i32>} : memref<64x384xi32, #tpu.memory_space<vmem>>, vector<16xi32>,
        %parallel_loop3A_1256 = arith.constant 16 : i32
        %parallel_loop3A_1257 = vector.broadcast %parallel_loop3A_1256 : i32 to vector<16xi32>
        %parallel_loop3A_1258 = arith.shli %parallel_loop3A_1255, %parallel_loop3A_1257 : vector<16xi32>
        %parallel_loop3A_1259 = vector.bitcast %parallel_loop3A_1258 : vector<16xi32> to vector<16xf32>
        %parallel_loop3A_1260 = vector.broadcast %parallel_loop3A_91 : i32 to vector<16xi32>
        %parallel_loop3A_1261 = arith.andi %parallel_loop3A_1255, %parallel_loop3A_1260 : vector<16xi32>
        %parallel_loop3A_1262 = vector.bitcast %parallel_loop3A_1261 : vector<16xi32> to vector<16xf32>
        %parallel_loop3A_1263 = arith.constant 48 : i32
        %parallel_loop3A_1264 = arith.addi %parallel_loop3A_1263, %parallel_loop3A_126 : i32
        %parallel_loop3A_1265 = arith.index_cast %parallel_loop3A_1264 : i32 to index
        %parallel_loop3A_1266 = arith.constant 304 : index
        %parallel_loop3A_1267 = tpu.vector_load %arg14[%parallel_loop3A_1265, %parallel_loop3A_1266] {strides = array<i32>} : memref<64x384xi32, #tpu.memory_space<vmem>>, vector<16xi32>,
        %parallel_loop3A_1268 = arith.constant 16 : i32
        %parallel_loop3A_1269 = vector.broadcast %parallel_loop3A_1268 : i32 to vector<16xi32>
        %parallel_loop3A_1270 = arith.shli %parallel_loop3A_1267, %parallel_loop3A_1269 : vector<16xi32>
        %parallel_loop3A_1271 = vector.bitcast %parallel_loop3A_1270 : vector<16xi32> to vector<16xf32>
        %parallel_loop3A_1272 = vector.broadcast %parallel_loop3A_91 : i32 to vector<16xi32>
        %parallel_loop3A_1273 = arith.andi %parallel_loop3A_1267, %parallel_loop3A_1272 : vector<16xi32>
        %parallel_loop3A_1274 = vector.bitcast %parallel_loop3A_1273 : vector<16xi32> to vector<16xf32>
        %parallel_loop3A_1275 = arith.addf %parallel_loop3A_1235, %parallel_loop3A_1247 : vector<16xf32>
        %parallel_loop3A_1276 = arith.addf %parallel_loop3A_1259, %parallel_loop3A_1271 : vector<16xf32>
        %parallel_loop3A_1277 = arith.addf %parallel_loop3A_1275, %parallel_loop3A_1276 : vector<16xf32>
        %parallel_loop3A_1278 = arith.index_cast %parallel_loop3A_126 : i32 to index
        %parallel_loop3A_1279 = arith.constant 608 : index
        %parallel_loop3A_1280 = tpu.vector_load %arg16[%parallel_loop3A_1278, %parallel_loop3A_1279] {strides = array<i32>} : memref<16x768xf32, #tpu.memory_space<vmem>>, vector<16xf32>,
        tpu.vector_store %arg16[%parallel_loop3A_1278, %parallel_loop3A_1279], %parallel_loop3A_1277 {strides = array<i32>} : memref<16x768xf32, #tpu.memory_space<vmem>>, vector<16xf32>,
        %parallel_loop3A_1281 = arith.addf %parallel_loop3A_1238, %parallel_loop3A_1250 : vector<16xf32>
        %parallel_loop3A_1282 = arith.addf %parallel_loop3A_1262, %parallel_loop3A_1274 : vector<16xf32>
        %parallel_loop3A_1283 = arith.addf %parallel_loop3A_1281, %parallel_loop3A_1282 : vector<16xf32>
        %parallel_loop3A_1284 = arith.index_cast %parallel_loop3A_126 : i32 to index
        %parallel_loop3A_1285 = arith.constant 624 : index
        %parallel_loop3A_1286 = tpu.vector_load %arg16[%parallel_loop3A_1284, %parallel_loop3A_1285] {strides = array<i32>} : memref<16x768xf32, #tpu.memory_space<vmem>>, vector<16xf32>,
        tpu.vector_store %arg16[%parallel_loop3A_1284, %parallel_loop3A_1285], %parallel_loop3A_1283 {strides = array<i32>} : memref<16x768xf32, #tpu.memory_space<vmem>>, vector<16xf32>,
        %parallel_loop3A_1287 = arith.index_cast %parallel_loop3A_126 : i32 to index
        %parallel_loop3A_1288 = arith.constant 320 : index
        %parallel_loop3A_1289 = tpu.vector_load %arg14[%parallel_loop3A_1287, %parallel_loop3A_1288] {strides = array<i32>} : memref<64x384xi32, #tpu.memory_space<vmem>>, vector<16xi32>,
        %parallel_loop3A_1290 = arith.constant 16 : i32
        %parallel_loop3A_1291 = vector.broadcast %parallel_loop3A_1290 : i32 to vector<16xi32>
        %parallel_loop3A_1292 = arith.shli %parallel_loop3A_1289, %parallel_loop3A_1291 : vector<16xi32>
        %parallel_loop3A_1293 = vector.bitcast %parallel_loop3A_1292 : vector<16xi32> to vector<16xf32>
        %parallel_loop3A_1294 = vector.broadcast %parallel_loop3A_91 : i32 to vector<16xi32>
        %parallel_loop3A_1295 = arith.andi %parallel_loop3A_1289, %parallel_loop3A_1294 : vector<16xi32>
        %parallel_loop3A_1296 = vector.bitcast %parallel_loop3A_1295 : vector<16xi32> to vector<16xf32>
        %parallel_loop3A_1297 = arith.constant 16 : i32
        %parallel_loop3A_1298 = arith.addi %parallel_loop3A_1297, %parallel_loop3A_126 : i32
        %parallel_loop3A_1299 = arith.index_cast %parallel_loop3A_1298 : i32 to index
        %parallel_loop3A_1300 = arith.constant 320 : index
        %parallel_loop3A_1301 = tpu.vector_load %arg14[%parallel_loop3A_1299, %parallel_loop3A_1300] {strides = array<i32>} : memref<64x384xi32, #tpu.memory_space<vmem>>, vector<16xi32>,
        %parallel_loop3A_1302 = arith.constant 16 : i32
        %parallel_loop3A_1303 = vector.broadcast %parallel_loop3A_1302 : i32 to vector<16xi32>
        %parallel_loop3A_1304 = arith.shli %parallel_loop3A_1301, %parallel_loop3A_1303 : vector<16xi32>
        %parallel_loop3A_1305 = vector.bitcast %parallel_loop3A_1304 : vector<16xi32> to vector<16xf32>
        %parallel_loop3A_1306 = vector.broadcast %parallel_loop3A_91 : i32 to vector<16xi32>
        %parallel_loop3A_1307 = arith.andi %parallel_loop3A_1301, %parallel_loop3A_1306 : vector<16xi32>
        %parallel_loop3A_1308 = vector.bitcast %parallel_loop3A_1307 : vector<16xi32> to vector<16xf32>
        %parallel_loop3A_1309 = arith.constant 32 : i32
        %parallel_loop3A_1310 = arith.addi %parallel_loop3A_1309, %parallel_loop3A_126 : i32
        %parallel_loop3A_1311 = arith.index_cast %parallel_loop3A_1310 : i32 to index
        %parallel_loop3A_1312 = arith.constant 320 : index
        %parallel_loop3A_1313 = tpu.vector_load %arg14[%parallel_loop3A_1311, %parallel_loop3A_1312] {strides = array<i32>} : memref<64x384xi32, #tpu.memory_space<vmem>>, vector<16xi32>,
        %parallel_loop3A_1314 = arith.constant 16 : i32
        %parallel_loop3A_1315 = vector.broadcast %parallel_loop3A_1314 : i32 to vector<16xi32>
        %parallel_loop3A_1316 = arith.shli %parallel_loop3A_1313, %parallel_loop3A_1315 : vector<16xi32>
        %parallel_loop3A_1317 = vector.bitcast %parallel_loop3A_1316 : vector<16xi32> to vector<16xf32>
        %parallel_loop3A_1318 = vector.broadcast %parallel_loop3A_91 : i32 to vector<16xi32>
        %parallel_loop3A_1319 = arith.andi %parallel_loop3A_1313, %parallel_loop3A_1318 : vector<16xi32>
        %parallel_loop3A_1320 = vector.bitcast %parallel_loop3A_1319 : vector<16xi32> to vector<16xf32>
        %parallel_loop3A_1321 = arith.constant 48 : i32
        %parallel_loop3A_1322 = arith.addi %parallel_loop3A_1321, %parallel_loop3A_126 : i32
        %parallel_loop3A_1323 = arith.index_cast %parallel_loop3A_1322 : i32 to index
        %parallel_loop3A_1324 = arith.constant 320 : index
        %parallel_loop3A_1325 = tpu.vector_load %arg14[%parallel_loop3A_1323, %parallel_loop3A_1324] {strides = array<i32>} : memref<64x384xi32, #tpu.memory_space<vmem>>, vector<16xi32>,
        %parallel_loop3A_1326 = arith.constant 16 : i32
        %parallel_loop3A_1327 = vector.broadcast %parallel_loop3A_1326 : i32 to vector<16xi32>
        %parallel_loop3A_1328 = arith.shli %parallel_loop3A_1325, %parallel_loop3A_1327 : vector<16xi32>
        %parallel_loop3A_1329 = vector.bitcast %parallel_loop3A_1328 : vector<16xi32> to vector<16xf32>
        %parallel_loop3A_1330 = vector.broadcast %parallel_loop3A_91 : i32 to vector<16xi32>
        %parallel_loop3A_1331 = arith.andi %parallel_loop3A_1325, %parallel_loop3A_1330 : vector<16xi32>
        %parallel_loop3A_1332 = vector.bitcast %parallel_loop3A_1331 : vector<16xi32> to vector<16xf32>
        %parallel_loop3A_1333 = arith.addf %parallel_loop3A_1293, %parallel_loop3A_1305 : vector<16xf32>
        %parallel_loop3A_1334 = arith.addf %parallel_loop3A_1317, %parallel_loop3A_1329 : vector<16xf32>
        %parallel_loop3A_1335 = arith.addf %parallel_loop3A_1333, %parallel_loop3A_1334 : vector<16xf32>
        %parallel_loop3A_1336 = arith.index_cast %parallel_loop3A_126 : i32 to index
        %parallel_loop3A_1337 = arith.constant 640 : index
        %parallel_loop3A_1338 = tpu.vector_load %arg16[%parallel_loop3A_1336, %parallel_loop3A_1337] {strides = array<i32>} : memref<16x768xf32, #tpu.memory_space<vmem>>, vector<16xf32>,
        tpu.vector_store %arg16[%parallel_loop3A_1336, %parallel_loop3A_1337], %parallel_loop3A_1335 {strides = array<i32>} : memref<16x768xf32, #tpu.memory_space<vmem>>, vector<16xf32>,
        %parallel_loop3A_1339 = arith.addf %parallel_loop3A_1296, %parallel_loop3A_1308 : vector<16xf32>
        %parallel_loop3A_1340 = arith.addf %parallel_loop3A_1320, %parallel_loop3A_1332 : vector<16xf32>
        %parallel_loop3A_1341 = arith.addf %parallel_loop3A_1339, %parallel_loop3A_1340 : vector<16xf32>
        %parallel_loop3A_1342 = arith.index_cast %parallel_loop3A_126 : i32 to index
        %parallel_loop3A_1343 = arith.constant 656 : index
        %parallel_loop3A_1344 = tpu.vector_load %arg16[%parallel_loop3A_1342, %parallel_loop3A_1343] {strides = array<i32>} : memref<16x768xf32, #tpu.memory_space<vmem>>, vector<16xf32>,
        tpu.vector_store %arg16[%parallel_loop3A_1342, %parallel_loop3A_1343], %parallel_loop3A_1341 {strides = array<i32>} : memref<16x768xf32, #tpu.memory_space<vmem>>, vector<16xf32>,
        %parallel_loop3A_1345 = arith.index_cast %parallel_loop3A_126 : i32 to index
        %parallel_loop3A_1346 = arith.constant 336 : index
        %parallel_loop3A_1347 = tpu.vector_load %arg14[%parallel_loop3A_1345, %parallel_loop3A_1346] {strides = array<i32>} : memref<64x384xi32, #tpu.memory_space<vmem>>, vector<16xi32>,
        %parallel_loop3A_1348 = arith.constant 16 : i32
        %parallel_loop3A_1349 = vector.broadcast %parallel_loop3A_1348 : i32 to vector<16xi32>
        %parallel_loop3A_1350 = arith.shli %parallel_loop3A_1347, %parallel_loop3A_1349 : vector<16xi32>
        %parallel_loop3A_1351 = vector.bitcast %parallel_loop3A_1350 : vector<16xi32> to vector<16xf32>
        %parallel_loop3A_1352 = vector.broadcast %parallel_loop3A_91 : i32 to vector<16xi32>
        %parallel_loop3A_1353 = arith.andi %parallel_loop3A_1347, %parallel_loop3A_1352 : vector<16xi32>
        %parallel_loop3A_1354 = vector.bitcast %parallel_loop3A_1353 : vector<16xi32> to vector<16xf32>
        %parallel_loop3A_1355 = arith.constant 16 : i32
        %parallel_loop3A_1356 = arith.addi %parallel_loop3A_1355, %parallel_loop3A_126 : i32
        %parallel_loop3A_1357 = arith.index_cast %parallel_loop3A_1356 : i32 to index
        %parallel_loop3A_1358 = arith.constant 336 : index
        %parallel_loop3A_1359 = tpu.vector_load %arg14[%parallel_loop3A_1357, %parallel_loop3A_1358] {strides = array<i32>} : memref<64x384xi32, #tpu.memory_space<vmem>>, vector<16xi32>,
        %parallel_loop3A_1360 = arith.constant 16 : i32
        %parallel_loop3A_1361 = vector.broadcast %parallel_loop3A_1360 : i32 to vector<16xi32>
        %parallel_loop3A_1362 = arith.shli %parallel_loop3A_1359, %parallel_loop3A_1361 : vector<16xi32>
        %parallel_loop3A_1363 = vector.bitcast %parallel_loop3A_1362 : vector<16xi32> to vector<16xf32>
        %parallel_loop3A_1364 = vector.broadcast %parallel_loop3A_91 : i32 to vector<16xi32>
        %parallel_loop3A_1365 = arith.andi %parallel_loop3A_1359, %parallel_loop3A_1364 : vector<16xi32>
        %parallel_loop3A_1366 = vector.bitcast %parallel_loop3A_1365 : vector<16xi32> to vector<16xf32>
        %parallel_loop3A_1367 = arith.constant 32 : i32
        %parallel_loop3A_1368 = arith.addi %parallel_loop3A_1367, %parallel_loop3A_126 : i32
        %parallel_loop3A_1369 = arith.index_cast %parallel_loop3A_1368 : i32 to index
        %parallel_loop3A_1370 = arith.constant 336 : index
        %parallel_loop3A_1371 = tpu.vector_load %arg14[%parallel_loop3A_1369, %parallel_loop3A_1370] {strides = array<i32>} : memref<64x384xi32, #tpu.memory_space<vmem>>, vector<16xi32>,
        %parallel_loop3A_1372 = arith.constant 16 : i32
        %parallel_loop3A_1373 = vector.broadcast %parallel_loop3A_1372 : i32 to vector<16xi32>
        %parallel_loop3A_1374 = arith.shli %parallel_loop3A_1371, %parallel_loop3A_1373 : vector<16xi32>
        %parallel_loop3A_1375 = vector.bitcast %parallel_loop3A_1374 : vector<16xi32> to vector<16xf32>
        %parallel_loop3A_1376 = vector.broadcast %parallel_loop3A_91 : i32 to vector<16xi32>
        %parallel_loop3A_1377 = arith.andi %parallel_loop3A_1371, %parallel_loop3A_1376 : vector<16xi32>
        %parallel_loop3A_1378 = vector.bitcast %parallel_loop3A_1377 : vector<16xi32> to vector<16xf32>
        %parallel_loop3A_1379 = arith.constant 48 : i32
        %parallel_loop3A_1380 = arith.addi %parallel_loop3A_1379, %parallel_loop3A_126 : i32
        %parallel_loop3A_1381 = arith.index_cast %parallel_loop3A_1380 : i32 to index
        %parallel_loop3A_1382 = arith.constant 336 : index
        %parallel_loop3A_1383 = tpu.vector_load %arg14[%parallel_loop3A_1381, %parallel_loop3A_1382] {strides = array<i32>} : memref<64x384xi32, #tpu.memory_space<vmem>>, vector<16xi32>,
        %parallel_loop3A_1384 = arith.constant 16 : i32
        %parallel_loop3A_1385 = vector.broadcast %parallel_loop3A_1384 : i32 to vector<16xi32>
        %parallel_loop3A_1386 = arith.shli %parallel_loop3A_1383, %parallel_loop3A_1385 : vector<16xi32>
        %parallel_loop3A_1387 = vector.bitcast %parallel_loop3A_1386 : vector<16xi32> to vector<16xf32>
        %parallel_loop3A_1388 = vector.broadcast %parallel_loop3A_91 : i32 to vector<16xi32>
        %parallel_loop3A_1389 = arith.andi %parallel_loop3A_1383, %parallel_loop3A_1388 : vector<16xi32>
        %parallel_loop3A_1390 = vector.bitcast %parallel_loop3A_1389 : vector<16xi32> to vector<16xf32>
        %parallel_loop3A_1391 = arith.addf %parallel_loop3A_1351, %parallel_loop3A_1363 : vector<16xf32>
        %parallel_loop3A_1392 = arith.addf %parallel_loop3A_1375, %parallel_loop3A_1387 : vector<16xf32>
        %parallel_loop3A_1393 = arith.addf %parallel_loop3A_1391, %parallel_loop3A_1392 : vector<16xf32>
        %parallel_loop3A_1394 = arith.index_cast %parallel_loop3A_126 : i32 to index
        %parallel_loop3A_1395 = arith.constant 672 : index
        %parallel_loop3A_1396 = tpu.vector_load %arg16[%parallel_loop3A_1394, %parallel_loop3A_1395] {strides = array<i32>} : memref<16x768xf32, #tpu.memory_space<vmem>>, vector<16xf32>,
        tpu.vector_store %arg16[%parallel_loop3A_1394, %parallel_loop3A_1395], %parallel_loop3A_1393 {strides = array<i32>} : memref<16x768xf32, #tpu.memory_space<vmem>>, vector<16xf32>,
        %parallel_loop3A_1397 = arith.addf %parallel_loop3A_1354, %parallel_loop3A_1366 : vector<16xf32>
        %parallel_loop3A_1398 = arith.addf %parallel_loop3A_1378, %parallel_loop3A_1390 : vector<16xf32>
        %parallel_loop3A_1399 = arith.addf %parallel_loop3A_1397, %parallel_loop3A_1398 : vector<16xf32>
        %parallel_loop3A_1400 = arith.index_cast %parallel_loop3A_126 : i32 to index
        %parallel_loop3A_1401 = arith.constant 688 : index
        %parallel_loop3A_1402 = tpu.vector_load %arg16[%parallel_loop3A_1400, %parallel_loop3A_1401] {strides = array<i32>} : memref<16x768xf32, #tpu.memory_space<vmem>>, vector<16xf32>,
        tpu.vector_store %arg16[%parallel_loop3A_1400, %parallel_loop3A_1401], %parallel_loop3A_1399 {strides = array<i32>} : memref<16x768xf32, #tpu.memory_space<vmem>>, vector<16xf32>,
        %parallel_loop3A_1403 = arith.index_cast %parallel_loop3A_126 : i32 to index
        %parallel_loop3A_1404 = arith.constant 352 : index
        %parallel_loop3A_1405 = tpu.vector_load %arg14[%parallel_loop3A_1403, %parallel_loop3A_1404] {strides = array<i32>} : memref<64x384xi32, #tpu.memory_space<vmem>>, vector<16xi32>,
        %parallel_loop3A_1406 = arith.constant 16 : i32
        %parallel_loop3A_1407 = vector.broadcast %parallel_loop3A_1406 : i32 to vector<16xi32>
        %parallel_loop3A_1408 = arith.shli %parallel_loop3A_1405, %parallel_loop3A_1407 : vector<16xi32>
        %parallel_loop3A_1409 = vector.bitcast %parallel_loop3A_1408 : vector<16xi32> to vector<16xf32>
        %parallel_loop3A_1410 = vector.broadcast %parallel_loop3A_91 : i32 to vector<16xi32>
        %parallel_loop3A_1411 = arith.andi %parallel_loop3A_1405, %parallel_loop3A_1410 : vector<16xi32>
        %parallel_loop3A_1412 = vector.bitcast %parallel_loop3A_1411 : vector<16xi32> to vector<16xf32>
        %parallel_loop3A_1413 = arith.constant 16 : i32
        %parallel_loop3A_1414 = arith.addi %parallel_loop3A_1413, %parallel_loop3A_126 : i32
        %parallel_loop3A_1415 = arith.index_cast %parallel_loop3A_1414 : i32 to index
        %parallel_loop3A_1416 = arith.constant 352 : index
        %parallel_loop3A_1417 = tpu.vector_load %arg14[%parallel_loop3A_1415, %parallel_loop3A_1416] {strides = array<i32>} : memref<64x384xi32, #tpu.memory_space<vmem>>, vector<16xi32>,
        %parallel_loop3A_1418 = arith.constant 16 : i32
        %parallel_loop3A_1419 = vector.broadcast %parallel_loop3A_1418 : i32 to vector<16xi32>
        %parallel_loop3A_1420 = arith.shli %parallel_loop3A_1417, %parallel_loop3A_1419 : vector<16xi32>
        %parallel_loop3A_1421 = vector.bitcast %parallel_loop3A_1420 : vector<16xi32> to vector<16xf32>
        %parallel_loop3A_1422 = vector.broadcast %parallel_loop3A_91 : i32 to vector<16xi32>
        %parallel_loop3A_1423 = arith.andi %parallel_loop3A_1417, %parallel_loop3A_1422 : vector<16xi32>
        %parallel_loop3A_1424 = vector.bitcast %parallel_loop3A_1423 : vector<16xi32> to vector<16xf32>
        %parallel_loop3A_1425 = arith.constant 32 : i32
        %parallel_loop3A_1426 = arith.addi %parallel_loop3A_1425, %parallel_loop3A_126 : i32
        %parallel_loop3A_1427 = arith.index_cast %parallel_loop3A_1426 : i32 to index
        %parallel_loop3A_1428 = arith.constant 352 : index
        %parallel_loop3A_1429 = tpu.vector_load %arg14[%parallel_loop3A_1427, %parallel_loop3A_1428] {strides = array<i32>} : memref<64x384xi32, #tpu.memory_space<vmem>>, vector<16xi32>,
        %parallel_loop3A_1430 = arith.constant 16 : i32
        %parallel_loop3A_1431 = vector.broadcast %parallel_loop3A_1430 : i32 to vector<16xi32>
        %parallel_loop3A_1432 = arith.shli %parallel_loop3A_1429, %parallel_loop3A_1431 : vector<16xi32>
        %parallel_loop3A_1433 = vector.bitcast %parallel_loop3A_1432 : vector<16xi32> to vector<16xf32>
        %parallel_loop3A_1434 = vector.broadcast %parallel_loop3A_91 : i32 to vector<16xi32>
        %parallel_loop3A_1435 = arith.andi %parallel_loop3A_1429, %parallel_loop3A_1434 : vector<16xi32>
        %parallel_loop3A_1436 = vector.bitcast %parallel_loop3A_1435 : vector<16xi32> to vector<16xf32>
        %parallel_loop3A_1437 = arith.constant 48 : i32
        %parallel_loop3A_1438 = arith.addi %parallel_loop3A_1437, %parallel_loop3A_126 : i32
        %parallel_loop3A_1439 = arith.index_cast %parallel_loop3A_1438 : i32 to index
        %parallel_loop3A_1440 = arith.constant 352 : index
        %parallel_loop3A_1441 = tpu.vector_load %arg14[%parallel_loop3A_1439, %parallel_loop3A_1440] {strides = array<i32>} : memref<64x384xi32, #tpu.memory_space<vmem>>, vector<16xi32>,
        %parallel_loop3A_1442 = arith.constant 16 : i32
        %parallel_loop3A_1443 = vector.broadcast %parallel_loop3A_1442 : i32 to vector<16xi32>
        %parallel_loop3A_1444 = arith.shli %parallel_loop3A_1441, %parallel_loop3A_1443 : vector<16xi32>
        %parallel_loop3A_1445 = vector.bitcast %parallel_loop3A_1444 : vector<16xi32> to vector<16xf32>
        %parallel_loop3A_1446 = vector.broadcast %parallel_loop3A_91 : i32 to vector<16xi32>
        %parallel_loop3A_1447 = arith.andi %parallel_loop3A_1441, %parallel_loop3A_1446 : vector<16xi32>
        %parallel_loop3A_1448 = vector.bitcast %parallel_loop3A_1447 : vector<16xi32> to vector<16xf32>
        %parallel_loop3A_1449 = arith.addf %parallel_loop3A_1409, %parallel_loop3A_1421 : vector<16xf32>
        %parallel_loop3A_1450 = arith.addf %parallel_loop3A_1433, %parallel_loop3A_1445 : vector<16xf32>
        %parallel_loop3A_1451 = arith.addf %parallel_loop3A_1449, %parallel_loop3A_1450 : vector<16xf32>
        %parallel_loop3A_1452 = arith.index_cast %parallel_loop3A_126 : i32 to index
        %parallel_loop3A_1453 = arith.constant 704 : index
        %parallel_loop3A_1454 = tpu.vector_load %arg16[%parallel_loop3A_1452, %parallel_loop3A_1453] {strides = array<i32>} : memref<16x768xf32, #tpu.memory_space<vmem>>, vector<16xf32>,
        tpu.vector_store %arg16[%parallel_loop3A_1452, %parallel_loop3A_1453], %parallel_loop3A_1451 {strides = array<i32>} : memref<16x768xf32, #tpu.memory_space<vmem>>, vector<16xf32>,
        %parallel_loop3A_1455 = arith.addf %parallel_loop3A_1412, %parallel_loop3A_1424 : vector<16xf32>
        %parallel_loop3A_1456 = arith.addf %parallel_loop3A_1436, %parallel_loop3A_1448 : vector<16xf32>
        %parallel_loop3A_1457 = arith.addf %parallel_loop3A_1455, %parallel_loop3A_1456 : vector<16xf32>
        %parallel_loop3A_1458 = arith.index_cast %parallel_loop3A_126 : i32 to index
        %parallel_loop3A_1459 = arith.constant 720 : index
        %parallel_loop3A_1460 = tpu.vector_load %arg16[%parallel_loop3A_1458, %parallel_loop3A_1459] {strides = array<i32>} : memref<16x768xf32, #tpu.memory_space<vmem>>, vector<16xf32>,
        tpu.vector_store %arg16[%parallel_loop3A_1458, %parallel_loop3A_1459], %parallel_loop3A_1457 {strides = array<i32>} : memref<16x768xf32, #tpu.memory_space<vmem>>, vector<16xf32>,
        %parallel_loop3A_1461 = arith.index_cast %parallel_loop3A_126 : i32 to index
        %parallel_loop3A_1462 = arith.constant 368 : index
        %parallel_loop3A_1463 = tpu.vector_load %arg14[%parallel_loop3A_1461, %parallel_loop3A_1462] {strides = array<i32>} : memref<64x384xi32, #tpu.memory_space<vmem>>, vector<16xi32>,
        %parallel_loop3A_1464 = arith.constant 16 : i32
        %parallel_loop3A_1465 = vector.broadcast %parallel_loop3A_1464 : i32 to vector<16xi32>
        %parallel_loop3A_1466 = arith.shli %parallel_loop3A_1463, %parallel_loop3A_1465 : vector<16xi32>
        %parallel_loop3A_1467 = vector.bitcast %parallel_loop3A_1466 : vector<16xi32> to vector<16xf32>
        %parallel_loop3A_1468 = vector.broadcast %parallel_loop3A_91 : i32 to vector<16xi32>
        %parallel_loop3A_1469 = arith.andi %parallel_loop3A_1463, %parallel_loop3A_1468 : vector<16xi32>
        %parallel_loop3A_1470 = vector.bitcast %parallel_loop3A_1469 : vector<16xi32> to vector<16xf32>
        %parallel_loop3A_1471 = arith.constant 16 : i32
        %parallel_loop3A_1472 = arith.addi %parallel_loop3A_1471, %parallel_loop3A_126 : i32
        %parallel_loop3A_1473 = arith.index_cast %parallel_loop3A_1472 : i32 to index
        %parallel_loop3A_1474 = arith.constant 368 : index
        %parallel_loop3A_1475 = tpu.vector_load %arg14[%parallel_loop3A_1473, %parallel_loop3A_1474] {strides = array<i32>} : memref<64x384xi32, #tpu.memory_space<vmem>>, vector<16xi32>,
        %parallel_loop3A_1476 = arith.constant 16 : i32
        %parallel_loop3A_1477 = vector.broadcast %parallel_loop3A_1476 : i32 to vector<16xi32>
        %parallel_loop3A_1478 = arith.shli %parallel_loop3A_1475, %parallel_loop3A_1477 : vector<16xi32>
        %parallel_loop3A_1479 = vector.bitcast %parallel_loop3A_1478 : vector<16xi32> to vector<16xf32>
        %parallel_loop3A_1480 = vector.broadcast %parallel_loop3A_91 : i32 to vector<16xi32>
        %parallel_loop3A_1481 = arith.andi %parallel_loop3A_1475, %parallel_loop3A_1480 : vector<16xi32>
        %parallel_loop3A_1482 = vector.bitcast %parallel_loop3A_1481 : vector<16xi32> to vector<16xf32>
        %parallel_loop3A_1483 = arith.constant 32 : i32
        %parallel_loop3A_1484 = arith.addi %parallel_loop3A_1483, %parallel_loop3A_126 : i32
        %parallel_loop3A_1485 = arith.index_cast %parallel_loop3A_1484 : i32 to index
        %parallel_loop3A_1486 = arith.constant 368 : index
        %parallel_loop3A_1487 = tpu.vector_load %arg14[%parallel_loop3A_1485, %parallel_loop3A_1486] {strides = array<i32>} : memref<64x384xi32, #tpu.memory_space<vmem>>, vector<16xi32>,
        %parallel_loop3A_1488 = arith.constant 16 : i32
        %parallel_loop3A_1489 = vector.broadcast %parallel_loop3A_1488 : i32 to vector<16xi32>
        %parallel_loop3A_1490 = arith.shli %parallel_loop3A_1487, %parallel_loop3A_1489 : vector<16xi32>
        %parallel_loop3A_1491 = vector.bitcast %parallel_loop3A_1490 : vector<16xi32> to vector<16xf32>
        %parallel_loop3A_1492 = vector.broadcast %parallel_loop3A_91 : i32 to vector<16xi32>
        %parallel_loop3A_1493 = arith.andi %parallel_loop3A_1487, %parallel_loop3A_1492 : vector<16xi32>
        %parallel_loop3A_1494 = vector.bitcast %parallel_loop3A_1493 : vector<16xi32> to vector<16xf32>
        %parallel_loop3A_1495 = arith.constant 48 : i32
        %parallel_loop3A_1496 = arith.addi %parallel_loop3A_1495, %parallel_loop3A_126 : i32
        %parallel_loop3A_1497 = arith.index_cast %parallel_loop3A_1496 : i32 to index
        %parallel_loop3A_1498 = arith.constant 368 : index
        %parallel_loop3A_1499 = tpu.vector_load %arg14[%parallel_loop3A_1497, %parallel_loop3A_1498] {strides = array<i32>} : memref<64x384xi32, #tpu.memory_space<vmem>>, vector<16xi32>,
        %parallel_loop3A_1500 = arith.constant 16 : i32
        %parallel_loop3A_1501 = vector.broadcast %parallel_loop3A_1500 : i32 to vector<16xi32>
        %parallel_loop3A_1502 = arith.shli %parallel_loop3A_1499, %parallel_loop3A_1501 : vector<16xi32>
        %parallel_loop3A_1503 = vector.bitcast %parallel_loop3A_1502 : vector<16xi32> to vector<16xf32>
        %parallel_loop3A_1504 = vector.broadcast %parallel_loop3A_91 : i32 to vector<16xi32>
        %parallel_loop3A_1505 = arith.andi %parallel_loop3A_1499, %parallel_loop3A_1504 : vector<16xi32>
        %parallel_loop3A_1506 = vector.bitcast %parallel_loop3A_1505 : vector<16xi32> to vector<16xf32>
        %parallel_loop3A_1507 = arith.addf %parallel_loop3A_1467, %parallel_loop3A_1479 : vector<16xf32>
        %parallel_loop3A_1508 = arith.addf %parallel_loop3A_1491, %parallel_loop3A_1503 : vector<16xf32>
        %parallel_loop3A_1509 = arith.addf %parallel_loop3A_1507, %parallel_loop3A_1508 : vector<16xf32>
        %parallel_loop3A_1510 = arith.index_cast %parallel_loop3A_126 : i32 to index
        %parallel_loop3A_1511 = arith.constant 736 : index
        %parallel_loop3A_1512 = tpu.vector_load %arg16[%parallel_loop3A_1510, %parallel_loop3A_1511] {strides = array<i32>} : memref<16x768xf32, #tpu.memory_space<vmem>>, vector<16xf32>,
        tpu.vector_store %arg16[%parallel_loop3A_1510, %parallel_loop3A_1511], %parallel_loop3A_1509 {strides = array<i32>} : memref<16x768xf32, #tpu.memory_space<vmem>>, vector<16xf32>,
        %parallel_loop3A_1513 = arith.addf %parallel_loop3A_1470, %parallel_loop3A_1482 : vector<16xf32>
        %parallel_loop3A_1514 = arith.addf %parallel_loop3A_1494, %parallel_loop3A_1506 : vector<16xf32>
        %parallel_loop3A_1515 = arith.addf %parallel_loop3A_1513, %parallel_loop3A_1514 : vector<16xf32>
        %parallel_loop3A_1516 = arith.index_cast %parallel_loop3A_126 : i32 to index
        %parallel_loop3A_1517 = arith.constant 752 : index
        %parallel_loop3A_1518 = tpu.vector_load %arg16[%parallel_loop3A_1516, %parallel_loop3A_1517] {strides = array<i32>} : memref<16x768xf32, #tpu.memory_space<vmem>>, vector<16xf32>,
        tpu.vector_store %arg16[%parallel_loop3A_1516, %parallel_loop3A_1517], %parallel_loop3A_1515 {strides = array<i32>} : memref<16x768xf32, #tpu.memory_space<vmem>>, vector<16xf32>,
      } {sc.loop_unroll_factor = 1 : i64, sc.parallel_access}
      %mul3A_92 = arith.constant 16 : i32
      %mul3A_93 = arith.muli %mul3A_47, %mul3A_92 : i32
      %add3A_94 = arith.addi %mul3A_2, %mul3A_93 : i32
      %dma_start3A_95 = arith.constant 0 : i32
      %dma_start3A_96 = tpu.memref_slice %arg7[%add3A_94, %dma_start3A_95] : memref<32768x768xf32, #tpu.memory_space<hbm>> -> memref<16x768xf32, #tpu.memory_space<hbm>>
      %dma_start3A_97 = arith.constant 0 : i32
      %dma_start3A_98 = tpu.memref_slice %arg7[%add3A_94, %dma_start3A_97] : memref<32768x768xf32, #tpu.memory_space<hbm>> -> memref<16x768xf32, #tpu.memory_space<hbm>>
      tpu.enqueue_dma source(%arg16 : memref<16x768xf32, #tpu.memory_space<vmem>>) target(%dma_start3A_98 : memref<16x768xf32, #tpu.memory_space<hbm>>) target_semaphore(%arg20 : memref<!tpu.dma_semaphore, #tpu.memory_space<semaphore_mem>>)
      %add3A_99 = arith.constant 1 : i32
      %add3A_100 = arith.addi %scan3A_45, %add3A_99 : i32
      %lt3A = arith.constant 32 : i32
      %lt3A_101 = arith.cmpi slt, %add3A_100, %lt3A : i32
      %convert_element_type3A_102 = arith.extui %lt3A_101 : i1 to i32
      %cond3A_103 = arith.constant 0 : i32
      %cond3A_104 = arith.cmpi ne, %convert_element_type3A_102, %cond3A_103 : i32
      scf.if %cond3A_104 {
        %add3A_126 = arith.constant 2 : i32
        %add3A_127 = arith.addi %mul3A_47, %add3A_126 : i32
        %mul3A_128 = arith.constant 16 : i32
        %mul3A_129 = arith.muli %add3A_127, %mul3A_128 : i32
        %add3A_130 = arith.constant 0 : i32
        %add3A_131 = arith.addi %mul3A_129, %add3A_130 : i32
        %get3A_132 = arith.index_cast %add3A_131 : i32 to index
        %get3A_133 = tpu.vector_load %arg8[%get3A_132] {strides = array<i32>} : memref<1024xi32, #tpu.memory_space<vmem>>, vector<16xi32>,
        %get3A_134 = arith.index_cast %add3A_131 : i32 to index
        %get3A_135 = tpu.vector_load %arg9[%get3A_134] {strides = array<i32>} : memref<1024xi32, #tpu.memory_space<vmem>>, vector<16xi32>,
        %swap3A_136 = arith.constant 0 : index
        %swap3A_137 = tpu.vector_load %arg12[%swap3A_136] {strides = array<i32>} : memref<64xi32, #tpu.memory_space<vmem>>, vector<16xi32>,
        tpu.vector_store %arg12[%swap3A_136], %get3A_133 {strides = array<i32>} : memref<64xi32, #tpu.memory_space<vmem>>, vector<16xi32>,
        %add3A_138 = arith.constant 1024 : i32
        %add3A_139 = vector.broadcast %add3A_138 : i32 to vector<16xi32>
        %add3A_140 = arith.addi %get3A_135, %add3A_139 : vector<16xi32>
        %swap3A_141 = arith.constant 16 : index
        %swap3A_142 = tpu.vector_load %arg12[%swap3A_141] {strides = array<i32>} : memref<64xi32, #tpu.memory_space<vmem>>, vector<16xi32>,
        tpu.vector_store %arg12[%swap3A_141], %add3A_140 {strides = array<i32>} : memref<64xi32, #tpu.memory_space<vmem>>, vector<16xi32>,
        %get3A_143 = arith.index_cast %add3A_131 : i32 to index
        %get3A_144 = tpu.vector_load %arg10[%get3A_143] {strides = array<i32>} : memref<1024xi32, #tpu.memory_space<vmem>>, vector<16xi32>,
        %sub3A_145 = arith.subi %get3A_144, %get3A_133 : vector<16xi32>
        %add3A_146 = arith.constant 2048 : i32
        %add3A_147 = vector.broadcast %add3A_146 : i32 to vector<16xi32>
        %add3A_148 = arith.addi %sub3A_145, %add3A_147 : vector<16xi32>
        %swap3A_149 = arith.constant 32 : index
        %swap3A_150 = tpu.vector_load %arg12[%swap3A_149] {strides = array<i32>} : memref<64xi32, #tpu.memory_space<vmem>>, vector<16xi32>,
        tpu.vector_store %arg12[%swap3A_149], %add3A_148 {strides = array<i32>} : memref<64xi32, #tpu.memory_space<vmem>>, vector<16xi32>,
        %get3A_151 = arith.index_cast %add3A_131 : i32 to index
        %get3A_152 = tpu.vector_load %arg11[%get3A_151] {strides = array<i32>} : memref<1024xi32, #tpu.memory_space<vmem>>, vector<16xi32>,
        %sub3A_153 = arith.subi %get3A_152, %get3A_135 : vector<16xi32>
        %add3A_154 = arith.constant 3072 : i32
        %add3A_155 = vector.broadcast %add3A_154 : i32 to vector<16xi32>
        %add3A_156 = arith.addi %sub3A_153, %add3A_155 : vector<16xi32>
        %swap3A_157 = arith.constant 48 : index
        %swap3A_158 = tpu.vector_load %arg12[%swap3A_157] {strides = array<i32>} : memref<64xi32, #tpu.memory_space<vmem>>, vector<16xi32>,
        tpu.vector_store %arg12[%swap3A_157], %add3A_156 {strides = array<i32>} : memref<64xi32, #tpu.memory_space<vmem>>, vector<16xi32>,
        %dma_start3A_159 = arith.constant 0 : i32
        %dma_start3A_160 = arith.constant 0 : i32
        %dma_start3A_161 = tpu.memref_slice %arg2[%dma_start3A_159, %dma_start3A_160] : memref<4096x384xi32, #tpu.memory_space<hbm>> -> memref<4096x384xi32, #tpu.memory_space<hbm>>
        tpu.enqueue_indirect_dma source(%dma_start3A_161 : memref<4096x384xi32, #tpu.memory_space<hbm>>) target(%arg14 : memref<64x384xi32, #tpu.memory_space<vmem>>) offsets(%arg12 : memref<64xi32, #tpu.memory_space<vmem>>) semaphore(%arg18 : memref<!tpu.dma_semaphore, #tpu.memory_space<semaphore_mem>>)
      } else {
      }
      %dma_wait3A_105 = arith.constant 0 : i32
      %dma_wait3A_106 = arith.constant 0 : i32
      %dma_wait3A_107 = tpu.memref_slice %arg2[%dma_wait3A_105, %dma_wait3A_106] : memref<4096x384xi32, #tpu.memory_space<hbm>> -> memref<4096x384xi32, #tpu.memory_space<hbm>>
      tpu.wait_indirect_dma semaphore(%arg19 : memref<!tpu.dma_semaphore, #tpu.memory_space<semaphore_mem>>) src(%dma_wait3A_107 : memref<4096x384xi32, #tpu.memory_space<hbm>>) dst(%arg15 : memref<64x384xi32, #tpu.memory_space<vmem>>)
      %gt3A_108 = arith.constant 0 : i32
      %gt3A_109 = arith.cmpi sgt, %scan3A_45, %gt3A_108 : i32
      %convert_element_type3A_110 = arith.extui %gt3A_109 : i1 to i32
      %cond3A_111 = arith.constant 0 : i32
      %cond3A_112 = arith.cmpi ne, %convert_element_type3A_110, %cond3A_111 : i32
      scf.if %cond3A_112 {
        %sub3A_126 = arith.constant 1 : i32
        %sub3A_127 = arith.subi %mul3A_47, %sub3A_126 : i32
        %mul3A_128 = arith.constant 16 : i32
        %mul3A_129 = arith.muli %sub3A_127, %mul3A_128 : i32
        %add3A_130 = arith.addi %mul3A_2, %mul3A_129 : i32
        %dma_wait3A_131 = arith.constant 0 : i32
        %dma_wait3A_132 = tpu.memref_slice %arg7[%add3A_130, %dma_wait3A_131] : memref<32768x768xf32, #tpu.memory_space<hbm>> -> memref<16x768xf32, #tpu.memory_space<hbm>>
        %dma_wait3A_133 = arith.constant 0 : i32
        %dma_wait3A_134 = tpu.memref_slice %arg7[%add3A_130, %dma_wait3A_133] : memref<32768x768xf32, #tpu.memory_space<hbm>> -> memref<16x768xf32, #tpu.memory_space<hbm>>
        tpu.wait_dma2 semaphore(%arg21 : memref<!tpu.dma_semaphore, #tpu.memory_space<semaphore_mem>>) src(%arg17 : memref<16x768xf32, #tpu.memory_space<vmem>>) dst(%dma_wait3A_134 : memref<16x768xf32, #tpu.memory_space<hbm>>)
      } else {
      }
      %parallel_loop3A_113 = arith.constant 0 : i32
      %parallel_loop3A_114 = arith.constant 16 : i32
      %parallel_loop3A_115 = arith.constant 1 : i32
      %parallel_loop3A_116 = arith.constant -65536 : i32
      scf.for %parallel_loop3A_126 = %parallel_loop3A_113 to %parallel_loop3A_114 step %parallel_loop3A_115  : i32 {
        %parallel_loop3A_127 = arith.index_cast %parallel_loop3A_126 : i32 to index
        %parallel_loop3A_128 = arith.constant 0 : index
        %parallel_loop3A_129 = tpu.vector_load %arg15[%parallel_loop3A_127, %parallel_loop3A_128] {strides = array<i32>} : memref<64x384xi32, #tpu.memory_space<vmem>>, vector<16xi32>,
        %parallel_loop3A_130 = arith.constant 16 : i32
        %parallel_loop3A_131 = vector.broadcast %parallel_loop3A_130 : i32 to vector<16xi32>
        %parallel_loop3A_132 = arith.shli %parallel_loop3A_129, %parallel_loop3A_131 : vector<16xi32>
        %parallel_loop3A_133 = vector.bitcast %parallel_loop3A_132 : vector<16xi32> to vector<16xf32>
        %parallel_loop3A_134 = vector.broadcast %parallel_loop3A_116 : i32 to vector<16xi32>
        %parallel_loop3A_135 = arith.andi %parallel_loop3A_129, %parallel_loop3A_134 : vector<16xi32>
        %parallel_loop3A_136 = vector.bitcast %parallel_loop3A_135 : vector<16xi32> to vector<16xf32>
        %parallel_loop3A_137 = arith.constant 16 : i32
        %parallel_loop3A_138 = arith.addi %parallel_loop3A_137, %parallel_loop3A_126 : i32
        %parallel_loop3A_139 = arith.index_cast %parallel_loop3A_138 : i32 to index
        %parallel_loop3A_140 = arith.constant 0 : index
        %parallel_loop3A_141 = tpu.vector_load %arg15[%parallel_loop3A_139, %parallel_loop3A_140] {strides = array<i32>} : memref<64x384xi32, #tpu.memory_space<vmem>>, vector<16xi32>,
        %parallel_loop3A_142 = arith.constant 16 : i32
        %parallel_loop3A_143 = vector.broadcast %parallel_loop3A_142 : i32 to vector<16xi32>
        %parallel_loop3A_144 = arith.shli %parallel_loop3A_141, %parallel_loop3A_143 : vector<16xi32>
        %parallel_loop3A_145 = vector.bitcast %parallel_loop3A_144 : vector<16xi32> to vector<16xf32>
        %parallel_loop3A_146 = vector.broadcast %parallel_loop3A_116 : i32 to vector<16xi32>
        %parallel_loop3A_147 = arith.andi %parallel_loop3A_141, %parallel_loop3A_146 : vector<16xi32>
        %parallel_loop3A_148 = vector.bitcast %parallel_loop3A_147 : vector<16xi32> to vector<16xf32>
        %parallel_loop3A_149 = arith.constant 32 : i32
        %parallel_loop3A_150 = arith.addi %parallel_loop3A_149, %parallel_loop3A_126 : i32
        %parallel_loop3A_151 = arith.index_cast %parallel_loop3A_150 : i32 to index
        %parallel_loop3A_152 = arith.constant 0 : index
        %parallel_loop3A_153 = tpu.vector_load %arg15[%parallel_loop3A_151, %parallel_loop3A_152] {strides = array<i32>} : memref<64x384xi32, #tpu.memory_space<vmem>>, vector<16xi32>,
        %parallel_loop3A_154 = arith.constant 16 : i32
        %parallel_loop3A_155 = vector.broadcast %parallel_loop3A_154 : i32 to vector<16xi32>
        %parallel_loop3A_156 = arith.shli %parallel_loop3A_153, %parallel_loop3A_155 : vector<16xi32>
        %parallel_loop3A_157 = vector.bitcast %parallel_loop3A_156 : vector<16xi32> to vector<16xf32>
        %parallel_loop3A_158 = vector.broadcast %parallel_loop3A_116 : i32 to vector<16xi32>
        %parallel_loop3A_159 = arith.andi %parallel_loop3A_153, %parallel_loop3A_158 : vector<16xi32>
        %parallel_loop3A_160 = vector.bitcast %parallel_loop3A_159 : vector<16xi32> to vector<16xf32>
        %parallel_loop3A_161 = arith.constant 48 : i32
        %parallel_loop3A_162 = arith.addi %parallel_loop3A_161, %parallel_loop3A_126 : i32
        %parallel_loop3A_163 = arith.index_cast %parallel_loop3A_162 : i32 to index
        %parallel_loop3A_164 = arith.constant 0 : index
        %parallel_loop3A_165 = tpu.vector_load %arg15[%parallel_loop3A_163, %parallel_loop3A_164] {strides = array<i32>} : memref<64x384xi32, #tpu.memory_space<vmem>>, vector<16xi32>,
        %parallel_loop3A_166 = arith.constant 16 : i32
        %parallel_loop3A_167 = vector.broadcast %parallel_loop3A_166 : i32 to vector<16xi32>
        %parallel_loop3A_168 = arith.shli %parallel_loop3A_165, %parallel_loop3A_167 : vector<16xi32>
        %parallel_loop3A_169 = vector.bitcast %parallel_loop3A_168 : vector<16xi32> to vector<16xf32>
        %parallel_loop3A_170 = vector.broadcast %parallel_loop3A_116 : i32 to vector<16xi32>
        %parallel_loop3A_171 = arith.andi %parallel_loop3A_165, %parallel_loop3A_170 : vector<16xi32>
        %parallel_loop3A_172 = vector.bitcast %parallel_loop3A_171 : vector<16xi32> to vector<16xf32>
        %parallel_loop3A_173 = arith.addf %parallel_loop3A_133, %parallel_loop3A_145 : vector<16xf32>
        %parallel_loop3A_174 = arith.addf %parallel_loop3A_157, %parallel_loop3A_169 : vector<16xf32>
        %parallel_loop3A_175 = arith.addf %parallel_loop3A_173, %parallel_loop3A_174 : vector<16xf32>
        %parallel_loop3A_176 = arith.index_cast %parallel_loop3A_126 : i32 to index
        %parallel_loop3A_177 = arith.constant 0 : index
        %parallel_loop3A_178 = tpu.vector_load %arg17[%parallel_loop3A_176, %parallel_loop3A_177] {strides = array<i32>} : memref<16x768xf32, #tpu.memory_space<vmem>>, vector<16xf32>,
        tpu.vector_store %arg17[%parallel_loop3A_176, %parallel_loop3A_177], %parallel_loop3A_175 {strides = array<i32>} : memref<16x768xf32, #tpu.memory_space<vmem>>, vector<16xf32>,
        %parallel_loop3A_179 = arith.addf %parallel_loop3A_136, %parallel_loop3A_148 : vector<16xf32>
        %parallel_loop3A_180 = arith.addf %parallel_loop3A_160, %parallel_loop3A_172 : vector<16xf32>
        %parallel_loop3A_181 = arith.addf %parallel_loop3A_179, %parallel_loop3A_180 : vector<16xf32>
        %parallel_loop3A_182 = arith.index_cast %parallel_loop3A_126 : i32 to index
        %parallel_loop3A_183 = arith.constant 16 : index
        %parallel_loop3A_184 = tpu.vector_load %arg17[%parallel_loop3A_182, %parallel_loop3A_183] {strides = array<i32>} : memref<16x768xf32, #tpu.memory_space<vmem>>, vector<16xf32>,
        tpu.vector_store %arg17[%parallel_loop3A_182, %parallel_loop3A_183], %parallel_loop3A_181 {strides = array<i32>} : memref<16x768xf32, #tpu.memory_space<vmem>>, vector<16xf32>,
        %parallel_loop3A_185 = arith.index_cast %parallel_loop3A_126 : i32 to index
        %parallel_loop3A_186 = arith.constant 16 : index
        %parallel_loop3A_187 = tpu.vector_load %arg15[%parallel_loop3A_185, %parallel_loop3A_186] {strides = array<i32>} : memref<64x384xi32, #tpu.memory_space<vmem>>, vector<16xi32>,
        %parallel_loop3A_188 = arith.constant 16 : i32
        %parallel_loop3A_189 = vector.broadcast %parallel_loop3A_188 : i32 to vector<16xi32>
        %parallel_loop3A_190 = arith.shli %parallel_loop3A_187, %parallel_loop3A_189 : vector<16xi32>
        %parallel_loop3A_191 = vector.bitcast %parallel_loop3A_190 : vector<16xi32> to vector<16xf32>
        %parallel_loop3A_192 = vector.broadcast %parallel_loop3A_116 : i32 to vector<16xi32>
        %parallel_loop3A_193 = arith.andi %parallel_loop3A_187, %parallel_loop3A_192 : vector<16xi32>
        %parallel_loop3A_194 = vector.bitcast %parallel_loop3A_193 : vector<16xi32> to vector<16xf32>
        %parallel_loop3A_195 = arith.constant 16 : i32
        %parallel_loop3A_196 = arith.addi %parallel_loop3A_195, %parallel_loop3A_126 : i32
        %parallel_loop3A_197 = arith.index_cast %parallel_loop3A_196 : i32 to index
        %parallel_loop3A_198 = arith.constant 16 : index
        %parallel_loop3A_199 = tpu.vector_load %arg15[%parallel_loop3A_197, %parallel_loop3A_198] {strides = array<i32>} : memref<64x384xi32, #tpu.memory_space<vmem>>, vector<16xi32>,
        %parallel_loop3A_200 = arith.constant 16 : i32
        %parallel_loop3A_201 = vector.broadcast %parallel_loop3A_200 : i32 to vector<16xi32>
        %parallel_loop3A_202 = arith.shli %parallel_loop3A_199, %parallel_loop3A_201 : vector<16xi32>
        %parallel_loop3A_203 = vector.bitcast %parallel_loop3A_202 : vector<16xi32> to vector<16xf32>
        %parallel_loop3A_204 = vector.broadcast %parallel_loop3A_116 : i32 to vector<16xi32>
        %parallel_loop3A_205 = arith.andi %parallel_loop3A_199, %parallel_loop3A_204 : vector<16xi32>
        %parallel_loop3A_206 = vector.bitcast %parallel_loop3A_205 : vector<16xi32> to vector<16xf32>
        %parallel_loop3A_207 = arith.constant 32 : i32
        %parallel_loop3A_208 = arith.addi %parallel_loop3A_207, %parallel_loop3A_126 : i32
        %parallel_loop3A_209 = arith.index_cast %parallel_loop3A_208 : i32 to index
        %parallel_loop3A_210 = arith.constant 16 : index
        %parallel_loop3A_211 = tpu.vector_load %arg15[%parallel_loop3A_209, %parallel_loop3A_210] {strides = array<i32>} : memref<64x384xi32, #tpu.memory_space<vmem>>, vector<16xi32>,
        %parallel_loop3A_212 = arith.constant 16 : i32
        %parallel_loop3A_213 = vector.broadcast %parallel_loop3A_212 : i32 to vector<16xi32>
        %parallel_loop3A_214 = arith.shli %parallel_loop3A_211, %parallel_loop3A_213 : vector<16xi32>
        %parallel_loop3A_215 = vector.bitcast %parallel_loop3A_214 : vector<16xi32> to vector<16xf32>
        %parallel_loop3A_216 = vector.broadcast %parallel_loop3A_116 : i32 to vector<16xi32>
        %parallel_loop3A_217 = arith.andi %parallel_loop3A_211, %parallel_loop3A_216 : vector<16xi32>
        %parallel_loop3A_218 = vector.bitcast %parallel_loop3A_217 : vector<16xi32> to vector<16xf32>
        %parallel_loop3A_219 = arith.constant 48 : i32
        %parallel_loop3A_220 = arith.addi %parallel_loop3A_219, %parallel_loop3A_126 : i32
        %parallel_loop3A_221 = arith.index_cast %parallel_loop3A_220 : i32 to index
        %parallel_loop3A_222 = arith.constant 16 : index
        %parallel_loop3A_223 = tpu.vector_load %arg15[%parallel_loop3A_221, %parallel_loop3A_222] {strides = array<i32>} : memref<64x384xi32, #tpu.memory_space<vmem>>, vector<16xi32>,
        %parallel_loop3A_224 = arith.constant 16 : i32
        %parallel_loop3A_225 = vector.broadcast %parallel_loop3A_224 : i32 to vector<16xi32>
        %parallel_loop3A_226 = arith.shli %parallel_loop3A_223, %parallel_loop3A_225 : vector<16xi32>
        %parallel_loop3A_227 = vector.bitcast %parallel_loop3A_226 : vector<16xi32> to vector<16xf32>
        %parallel_loop3A_228 = vector.broadcast %parallel_loop3A_116 : i32 to vector<16xi32>
        %parallel_loop3A_229 = arith.andi %parallel_loop3A_223, %parallel_loop3A_228 : vector<16xi32>
        %parallel_loop3A_230 = vector.bitcast %parallel_loop3A_229 : vector<16xi32> to vector<16xf32>
        %parallel_loop3A_231 = arith.addf %parallel_loop3A_191, %parallel_loop3A_203 : vector<16xf32>
        %parallel_loop3A_232 = arith.addf %parallel_loop3A_215, %parallel_loop3A_227 : vector<16xf32>
        %parallel_loop3A_233 = arith.addf %parallel_loop3A_231, %parallel_loop3A_232 : vector<16xf32>
        %parallel_loop3A_234 = arith.index_cast %parallel_loop3A_126 : i32 to index
        %parallel_loop3A_235 = arith.constant 32 : index
        %parallel_loop3A_236 = tpu.vector_load %arg17[%parallel_loop3A_234, %parallel_loop3A_235] {strides = array<i32>} : memref<16x768xf32, #tpu.memory_space<vmem>>, vector<16xf32>,
        tpu.vector_store %arg17[%parallel_loop3A_234, %parallel_loop3A_235], %parallel_loop3A_233 {strides = array<i32>} : memref<16x768xf32, #tpu.memory_space<vmem>>, vector<16xf32>,
        %parallel_loop3A_237 = arith.addf %parallel_loop3A_194, %parallel_loop3A_206 : vector<16xf32>
        %parallel_loop3A_238 = arith.addf %parallel_loop3A_218, %parallel_loop3A_230 : vector<16xf32>
        %parallel_loop3A_239 = arith.addf %parallel_loop3A_237, %parallel_loop3A_238 : vector<16xf32>
        %parallel_loop3A_240 = arith.index_cast %parallel_loop3A_126 : i32 to index
        %parallel_loop3A_241 = arith.constant 48 : index
        %parallel_loop3A_242 = tpu.vector_load %arg17[%parallel_loop3A_240, %parallel_loop3A_241] {strides = array<i32>} : memref<16x768xf32, #tpu.memory_space<vmem>>, vector<16xf32>,
        tpu.vector_store %arg17[%parallel_loop3A_240, %parallel_loop3A_241], %parallel_loop3A_239 {strides = array<i32>} : memref<16x768xf32, #tpu.memory_space<vmem>>, vector<16xf32>,
        %parallel_loop3A_243 = arith.index_cast %parallel_loop3A_126 : i32 to index
        %parallel_loop3A_244 = arith.constant 32 : index
        %parallel_loop3A_245 = tpu.vector_load %arg15[%parallel_loop3A_243, %parallel_loop3A_244] {strides = array<i32>} : memref<64x384xi32, #tpu.memory_space<vmem>>, vector<16xi32>,
        %parallel_loop3A_246 = arith.constant 16 : i32
        %parallel_loop3A_247 = vector.broadcast %parallel_loop3A_246 : i32 to vector<16xi32>
        %parallel_loop3A_248 = arith.shli %parallel_loop3A_245, %parallel_loop3A_247 : vector<16xi32>
        %parallel_loop3A_249 = vector.bitcast %parallel_loop3A_248 : vector<16xi32> to vector<16xf32>
        %parallel_loop3A_250 = vector.broadcast %parallel_loop3A_116 : i32 to vector<16xi32>
        %parallel_loop3A_251 = arith.andi %parallel_loop3A_245, %parallel_loop3A_250 : vector<16xi32>
        %parallel_loop3A_252 = vector.bitcast %parallel_loop3A_251 : vector<16xi32> to vector<16xf32>
        %parallel_loop3A_253 = arith.constant 16 : i32
        %parallel_loop3A_254 = arith.addi %parallel_loop3A_253, %parallel_loop3A_126 : i32
        %parallel_loop3A_255 = arith.index_cast %parallel_loop3A_254 : i32 to index
        %parallel_loop3A_256 = arith.constant 32 : index
        %parallel_loop3A_257 = tpu.vector_load %arg15[%parallel_loop3A_255, %parallel_loop3A_256] {strides = array<i32>} : memref<64x384xi32, #tpu.memory_space<vmem>>, vector<16xi32>,
        %parallel_loop3A_258 = arith.constant 16 : i32
        %parallel_loop3A_259 = vector.broadcast %parallel_loop3A_258 : i32 to vector<16xi32>
        %parallel_loop3A_260 = arith.shli %parallel_loop3A_257, %parallel_loop3A_259 : vector<16xi32>
        %parallel_loop3A_261 = vector.bitcast %parallel_loop3A_260 : vector<16xi32> to vector<16xf32>
        %parallel_loop3A_262 = vector.broadcast %parallel_loop3A_116 : i32 to vector<16xi32>
        %parallel_loop3A_263 = arith.andi %parallel_loop3A_257, %parallel_loop3A_262 : vector<16xi32>
        %parallel_loop3A_264 = vector.bitcast %parallel_loop3A_263 : vector<16xi32> to vector<16xf32>
        %parallel_loop3A_265 = arith.constant 32 : i32
        %parallel_loop3A_266 = arith.addi %parallel_loop3A_265, %parallel_loop3A_126 : i32
        %parallel_loop3A_267 = arith.index_cast %parallel_loop3A_266 : i32 to index
        %parallel_loop3A_268 = arith.constant 32 : index
        %parallel_loop3A_269 = tpu.vector_load %arg15[%parallel_loop3A_267, %parallel_loop3A_268] {strides = array<i32>} : memref<64x384xi32, #tpu.memory_space<vmem>>, vector<16xi32>,
        %parallel_loop3A_270 = arith.constant 16 : i32
        %parallel_loop3A_271 = vector.broadcast %parallel_loop3A_270 : i32 to vector<16xi32>
        %parallel_loop3A_272 = arith.shli %parallel_loop3A_269, %parallel_loop3A_271 : vector<16xi32>
        %parallel_loop3A_273 = vector.bitcast %parallel_loop3A_272 : vector<16xi32> to vector<16xf32>
        %parallel_loop3A_274 = vector.broadcast %parallel_loop3A_116 : i32 to vector<16xi32>
        %parallel_loop3A_275 = arith.andi %parallel_loop3A_269, %parallel_loop3A_274 : vector<16xi32>
        %parallel_loop3A_276 = vector.bitcast %parallel_loop3A_275 : vector<16xi32> to vector<16xf32>
        %parallel_loop3A_277 = arith.constant 48 : i32
        %parallel_loop3A_278 = arith.addi %parallel_loop3A_277, %parallel_loop3A_126 : i32
        %parallel_loop3A_279 = arith.index_cast %parallel_loop3A_278 : i32 to index
        %parallel_loop3A_280 = arith.constant 32 : index
        %parallel_loop3A_281 = tpu.vector_load %arg15[%parallel_loop3A_279, %parallel_loop3A_280] {strides = array<i32>} : memref<64x384xi32, #tpu.memory_space<vmem>>, vector<16xi32>,
        %parallel_loop3A_282 = arith.constant 16 : i32
        %parallel_loop3A_283 = vector.broadcast %parallel_loop3A_282 : i32 to vector<16xi32>
        %parallel_loop3A_284 = arith.shli %parallel_loop3A_281, %parallel_loop3A_283 : vector<16xi32>
        %parallel_loop3A_285 = vector.bitcast %parallel_loop3A_284 : vector<16xi32> to vector<16xf32>
        %parallel_loop3A_286 = vector.broadcast %parallel_loop3A_116 : i32 to vector<16xi32>
        %parallel_loop3A_287 = arith.andi %parallel_loop3A_281, %parallel_loop3A_286 : vector<16xi32>
        %parallel_loop3A_288 = vector.bitcast %parallel_loop3A_287 : vector<16xi32> to vector<16xf32>
        %parallel_loop3A_289 = arith.addf %parallel_loop3A_249, %parallel_loop3A_261 : vector<16xf32>
        %parallel_loop3A_290 = arith.addf %parallel_loop3A_273, %parallel_loop3A_285 : vector<16xf32>
        %parallel_loop3A_291 = arith.addf %parallel_loop3A_289, %parallel_loop3A_290 : vector<16xf32>
        %parallel_loop3A_292 = arith.index_cast %parallel_loop3A_126 : i32 to index
        %parallel_loop3A_293 = arith.constant 64 : index
        %parallel_loop3A_294 = tpu.vector_load %arg17[%parallel_loop3A_292, %parallel_loop3A_293] {strides = array<i32>} : memref<16x768xf32, #tpu.memory_space<vmem>>, vector<16xf32>,
        tpu.vector_store %arg17[%parallel_loop3A_292, %parallel_loop3A_293], %parallel_loop3A_291 {strides = array<i32>} : memref<16x768xf32, #tpu.memory_space<vmem>>, vector<16xf32>,
        %parallel_loop3A_295 = arith.addf %parallel_loop3A_252, %parallel_loop3A_264 : vector<16xf32>
        %parallel_loop3A_296 = arith.addf %parallel_loop3A_276, %parallel_loop3A_288 : vector<16xf32>
        %parallel_loop3A_297 = arith.addf %parallel_loop3A_295, %parallel_loop3A_296 : vector<16xf32>
        %parallel_loop3A_298 = arith.index_cast %parallel_loop3A_126 : i32 to index
        %parallel_loop3A_299 = arith.constant 80 : index
        %parallel_loop3A_300 = tpu.vector_load %arg17[%parallel_loop3A_298, %parallel_loop3A_299] {strides = array<i32>} : memref<16x768xf32, #tpu.memory_space<vmem>>, vector<16xf32>,
        tpu.vector_store %arg17[%parallel_loop3A_298, %parallel_loop3A_299], %parallel_loop3A_297 {strides = array<i32>} : memref<16x768xf32, #tpu.memory_space<vmem>>, vector<16xf32>,
        %parallel_loop3A_301 = arith.index_cast %parallel_loop3A_126 : i32 to index
        %parallel_loop3A_302 = arith.constant 48 : index
        %parallel_loop3A_303 = tpu.vector_load %arg15[%parallel_loop3A_301, %parallel_loop3A_302] {strides = array<i32>} : memref<64x384xi32, #tpu.memory_space<vmem>>, vector<16xi32>,
        %parallel_loop3A_304 = arith.constant 16 : i32
        %parallel_loop3A_305 = vector.broadcast %parallel_loop3A_304 : i32 to vector<16xi32>
        %parallel_loop3A_306 = arith.shli %parallel_loop3A_303, %parallel_loop3A_305 : vector<16xi32>
        %parallel_loop3A_307 = vector.bitcast %parallel_loop3A_306 : vector<16xi32> to vector<16xf32>
        %parallel_loop3A_308 = vector.broadcast %parallel_loop3A_116 : i32 to vector<16xi32>
        %parallel_loop3A_309 = arith.andi %parallel_loop3A_303, %parallel_loop3A_308 : vector<16xi32>
        %parallel_loop3A_310 = vector.bitcast %parallel_loop3A_309 : vector<16xi32> to vector<16xf32>
        %parallel_loop3A_311 = arith.constant 16 : i32
        %parallel_loop3A_312 = arith.addi %parallel_loop3A_311, %parallel_loop3A_126 : i32
        %parallel_loop3A_313 = arith.index_cast %parallel_loop3A_312 : i32 to index
        %parallel_loop3A_314 = arith.constant 48 : index
        %parallel_loop3A_315 = tpu.vector_load %arg15[%parallel_loop3A_313, %parallel_loop3A_314] {strides = array<i32>} : memref<64x384xi32, #tpu.memory_space<vmem>>, vector<16xi32>,
        %parallel_loop3A_316 = arith.constant 16 : i32
        %parallel_loop3A_317 = vector.broadcast %parallel_loop3A_316 : i32 to vector<16xi32>
        %parallel_loop3A_318 = arith.shli %parallel_loop3A_315, %parallel_loop3A_317 : vector<16xi32>
        %parallel_loop3A_319 = vector.bitcast %parallel_loop3A_318 : vector<16xi32> to vector<16xf32>
        %parallel_loop3A_320 = vector.broadcast %parallel_loop3A_116 : i32 to vector<16xi32>
        %parallel_loop3A_321 = arith.andi %parallel_loop3A_315, %parallel_loop3A_320 : vector<16xi32>
        %parallel_loop3A_322 = vector.bitcast %parallel_loop3A_321 : vector<16xi32> to vector<16xf32>
        %parallel_loop3A_323 = arith.constant 32 : i32
        %parallel_loop3A_324 = arith.addi %parallel_loop3A_323, %parallel_loop3A_126 : i32
        %parallel_loop3A_325 = arith.index_cast %parallel_loop3A_324 : i32 to index
        %parallel_loop3A_326 = arith.constant 48 : index
        %parallel_loop3A_327 = tpu.vector_load %arg15[%parallel_loop3A_325, %parallel_loop3A_326] {strides = array<i32>} : memref<64x384xi32, #tpu.memory_space<vmem>>, vector<16xi32>,
        %parallel_loop3A_328 = arith.constant 16 : i32
        %parallel_loop3A_329 = vector.broadcast %parallel_loop3A_328 : i32 to vector<16xi32>
        %parallel_loop3A_330 = arith.shli %parallel_loop3A_327, %parallel_loop3A_329 : vector<16xi32>
        %parallel_loop3A_331 = vector.bitcast %parallel_loop3A_330 : vector<16xi32> to vector<16xf32>
        %parallel_loop3A_332 = vector.broadcast %parallel_loop3A_116 : i32 to vector<16xi32>
        %parallel_loop3A_333 = arith.andi %parallel_loop3A_327, %parallel_loop3A_332 : vector<16xi32>
        %parallel_loop3A_334 = vector.bitcast %parallel_loop3A_333 : vector<16xi32> to vector<16xf32>
        %parallel_loop3A_335 = arith.constant 48 : i32
        %parallel_loop3A_336 = arith.addi %parallel_loop3A_335, %parallel_loop3A_126 : i32
        %parallel_loop3A_337 = arith.index_cast %parallel_loop3A_336 : i32 to index
        %parallel_loop3A_338 = arith.constant 48 : index
        %parallel_loop3A_339 = tpu.vector_load %arg15[%parallel_loop3A_337, %parallel_loop3A_338] {strides = array<i32>} : memref<64x384xi32, #tpu.memory_space<vmem>>, vector<16xi32>,
        %parallel_loop3A_340 = arith.constant 16 : i32
        %parallel_loop3A_341 = vector.broadcast %parallel_loop3A_340 : i32 to vector<16xi32>
        %parallel_loop3A_342 = arith.shli %parallel_loop3A_339, %parallel_loop3A_341 : vector<16xi32>
        %parallel_loop3A_343 = vector.bitcast %parallel_loop3A_342 : vector<16xi32> to vector<16xf32>
        %parallel_loop3A_344 = vector.broadcast %parallel_loop3A_116 : i32 to vector<16xi32>
        %parallel_loop3A_345 = arith.andi %parallel_loop3A_339, %parallel_loop3A_344 : vector<16xi32>
        %parallel_loop3A_346 = vector.bitcast %parallel_loop3A_345 : vector<16xi32> to vector<16xf32>
        %parallel_loop3A_347 = arith.addf %parallel_loop3A_307, %parallel_loop3A_319 : vector<16xf32>
        %parallel_loop3A_348 = arith.addf %parallel_loop3A_331, %parallel_loop3A_343 : vector<16xf32>
        %parallel_loop3A_349 = arith.addf %parallel_loop3A_347, %parallel_loop3A_348 : vector<16xf32>
        %parallel_loop3A_350 = arith.index_cast %parallel_loop3A_126 : i32 to index
        %parallel_loop3A_351 = arith.constant 96 : index
        %parallel_loop3A_352 = tpu.vector_load %arg17[%parallel_loop3A_350, %parallel_loop3A_351] {strides = array<i32>} : memref<16x768xf32, #tpu.memory_space<vmem>>, vector<16xf32>,
        tpu.vector_store %arg17[%parallel_loop3A_350, %parallel_loop3A_351], %parallel_loop3A_349 {strides = array<i32>} : memref<16x768xf32, #tpu.memory_space<vmem>>, vector<16xf32>,
        %parallel_loop3A_353 = arith.addf %parallel_loop3A_310, %parallel_loop3A_322 : vector<16xf32>
        %parallel_loop3A_354 = arith.addf %parallel_loop3A_334, %parallel_loop3A_346 : vector<16xf32>
        %parallel_loop3A_355 = arith.addf %parallel_loop3A_353, %parallel_loop3A_354 : vector<16xf32>
        %parallel_loop3A_356 = arith.index_cast %parallel_loop3A_126 : i32 to index
        %parallel_loop3A_357 = arith.constant 112 : index
        %parallel_loop3A_358 = tpu.vector_load %arg17[%parallel_loop3A_356, %parallel_loop3A_357] {strides = array<i32>} : memref<16x768xf32, #tpu.memory_space<vmem>>, vector<16xf32>,
        tpu.vector_store %arg17[%parallel_loop3A_356, %parallel_loop3A_357], %parallel_loop3A_355 {strides = array<i32>} : memref<16x768xf32, #tpu.memory_space<vmem>>, vector<16xf32>,
        %parallel_loop3A_359 = arith.index_cast %parallel_loop3A_126 : i32 to index
        %parallel_loop3A_360 = arith.constant 64 : index
        %parallel_loop3A_361 = tpu.vector_load %arg15[%parallel_loop3A_359, %parallel_loop3A_360] {strides = array<i32>} : memref<64x384xi32, #tpu.memory_space<vmem>>, vector<16xi32>,
        %parallel_loop3A_362 = arith.constant 16 : i32
        %parallel_loop3A_363 = vector.broadcast %parallel_loop3A_362 : i32 to vector<16xi32>
        %parallel_loop3A_364 = arith.shli %parallel_loop3A_361, %parallel_loop3A_363 : vector<16xi32>
        %parallel_loop3A_365 = vector.bitcast %parallel_loop3A_364 : vector<16xi32> to vector<16xf32>
        %parallel_loop3A_366 = vector.broadcast %parallel_loop3A_116 : i32 to vector<16xi32>
        %parallel_loop3A_367 = arith.andi %parallel_loop3A_361, %parallel_loop3A_366 : vector<16xi32>
        %parallel_loop3A_368 = vector.bitcast %parallel_loop3A_367 : vector<16xi32> to vector<16xf32>
        %parallel_loop3A_369 = arith.constant 16 : i32
        %parallel_loop3A_370 = arith.addi %parallel_loop3A_369, %parallel_loop3A_126 : i32
        %parallel_loop3A_371 = arith.index_cast %parallel_loop3A_370 : i32 to index
        %parallel_loop3A_372 = arith.constant 64 : index
        %parallel_loop3A_373 = tpu.vector_load %arg15[%parallel_loop3A_371, %parallel_loop3A_372] {strides = array<i32>} : memref<64x384xi32, #tpu.memory_space<vmem>>, vector<16xi32>,
        %parallel_loop3A_374 = arith.constant 16 : i32
        %parallel_loop3A_375 = vector.broadcast %parallel_loop3A_374 : i32 to vector<16xi32>
        %parallel_loop3A_376 = arith.shli %parallel_loop3A_373, %parallel_loop3A_375 : vector<16xi32>
        %parallel_loop3A_377 = vector.bitcast %parallel_loop3A_376 : vector<16xi32> to vector<16xf32>
        %parallel_loop3A_378 = vector.broadcast %parallel_loop3A_116 : i32 to vector<16xi32>
        %parallel_loop3A_379 = arith.andi %parallel_loop3A_373, %parallel_loop3A_378 : vector<16xi32>
        %parallel_loop3A_380 = vector.bitcast %parallel_loop3A_379 : vector<16xi32> to vector<16xf32>
        %parallel_loop3A_381 = arith.constant 32 : i32
        %parallel_loop3A_382 = arith.addi %parallel_loop3A_381, %parallel_loop3A_126 : i32
        %parallel_loop3A_383 = arith.index_cast %parallel_loop3A_382 : i32 to index
        %parallel_loop3A_384 = arith.constant 64 : index
        %parallel_loop3A_385 = tpu.vector_load %arg15[%parallel_loop3A_383, %parallel_loop3A_384] {strides = array<i32>} : memref<64x384xi32, #tpu.memory_space<vmem>>, vector<16xi32>,
        %parallel_loop3A_386 = arith.constant 16 : i32
        %parallel_loop3A_387 = vector.broadcast %parallel_loop3A_386 : i32 to vector<16xi32>
        %parallel_loop3A_388 = arith.shli %parallel_loop3A_385, %parallel_loop3A_387 : vector<16xi32>
        %parallel_loop3A_389 = vector.bitcast %parallel_loop3A_388 : vector<16xi32> to vector<16xf32>
        %parallel_loop3A_390 = vector.broadcast %parallel_loop3A_116 : i32 to vector<16xi32>
        %parallel_loop3A_391 = arith.andi %parallel_loop3A_385, %parallel_loop3A_390 : vector<16xi32>
        %parallel_loop3A_392 = vector.bitcast %parallel_loop3A_391 : vector<16xi32> to vector<16xf32>
        %parallel_loop3A_393 = arith.constant 48 : i32
        %parallel_loop3A_394 = arith.addi %parallel_loop3A_393, %parallel_loop3A_126 : i32
        %parallel_loop3A_395 = arith.index_cast %parallel_loop3A_394 : i32 to index
        %parallel_loop3A_396 = arith.constant 64 : index
        %parallel_loop3A_397 = tpu.vector_load %arg15[%parallel_loop3A_395, %parallel_loop3A_396] {strides = array<i32>} : memref<64x384xi32, #tpu.memory_space<vmem>>, vector<16xi32>,
        %parallel_loop3A_398 = arith.constant 16 : i32
        %parallel_loop3A_399 = vector.broadcast %parallel_loop3A_398 : i32 to vector<16xi32>
        %parallel_loop3A_400 = arith.shli %parallel_loop3A_397, %parallel_loop3A_399 : vector<16xi32>
        %parallel_loop3A_401 = vector.bitcast %parallel_loop3A_400 : vector<16xi32> to vector<16xf32>
        %parallel_loop3A_402 = vector.broadcast %parallel_loop3A_116 : i32 to vector<16xi32>
        %parallel_loop3A_403 = arith.andi %parallel_loop3A_397, %parallel_loop3A_402 : vector<16xi32>
        %parallel_loop3A_404 = vector.bitcast %parallel_loop3A_403 : vector<16xi32> to vector<16xf32>
        %parallel_loop3A_405 = arith.addf %parallel_loop3A_365, %parallel_loop3A_377 : vector<16xf32>
        %parallel_loop3A_406 = arith.addf %parallel_loop3A_389, %parallel_loop3A_401 : vector<16xf32>
        %parallel_loop3A_407 = arith.addf %parallel_loop3A_405, %parallel_loop3A_406 : vector<16xf32>
        %parallel_loop3A_408 = arith.index_cast %parallel_loop3A_126 : i32 to index
        %parallel_loop3A_409 = arith.constant 128 : index
        %parallel_loop3A_410 = tpu.vector_load %arg17[%parallel_loop3A_408, %parallel_loop3A_409] {strides = array<i32>} : memref<16x768xf32, #tpu.memory_space<vmem>>, vector<16xf32>,
        tpu.vector_store %arg17[%parallel_loop3A_408, %parallel_loop3A_409], %parallel_loop3A_407 {strides = array<i32>} : memref<16x768xf32, #tpu.memory_space<vmem>>, vector<16xf32>,
        %parallel_loop3A_411 = arith.addf %parallel_loop3A_368, %parallel_loop3A_380 : vector<16xf32>
        %parallel_loop3A_412 = arith.addf %parallel_loop3A_392, %parallel_loop3A_404 : vector<16xf32>
        %parallel_loop3A_413 = arith.addf %parallel_loop3A_411, %parallel_loop3A_412 : vector<16xf32>
        %parallel_loop3A_414 = arith.index_cast %parallel_loop3A_126 : i32 to index
        %parallel_loop3A_415 = arith.constant 144 : index
        %parallel_loop3A_416 = tpu.vector_load %arg17[%parallel_loop3A_414, %parallel_loop3A_415] {strides = array<i32>} : memref<16x768xf32, #tpu.memory_space<vmem>>, vector<16xf32>,
        tpu.vector_store %arg17[%parallel_loop3A_414, %parallel_loop3A_415], %parallel_loop3A_413 {strides = array<i32>} : memref<16x768xf32, #tpu.memory_space<vmem>>, vector<16xf32>,
        %parallel_loop3A_417 = arith.index_cast %parallel_loop3A_126 : i32 to index
        %parallel_loop3A_418 = arith.constant 80 : index
        %parallel_loop3A_419 = tpu.vector_load %arg15[%parallel_loop3A_417, %parallel_loop3A_418] {strides = array<i32>} : memref<64x384xi32, #tpu.memory_space<vmem>>, vector<16xi32>,
        %parallel_loop3A_420 = arith.constant 16 : i32
        %parallel_loop3A_421 = vector.broadcast %parallel_loop3A_420 : i32 to vector<16xi32>
        %parallel_loop3A_422 = arith.shli %parallel_loop3A_419, %parallel_loop3A_421 : vector<16xi32>
        %parallel_loop3A_423 = vector.bitcast %parallel_loop3A_422 : vector<16xi32> to vector<16xf32>
        %parallel_loop3A_424 = vector.broadcast %parallel_loop3A_116 : i32 to vector<16xi32>
        %parallel_loop3A_425 = arith.andi %parallel_loop3A_419, %parallel_loop3A_424 : vector<16xi32>
        %parallel_loop3A_426 = vector.bitcast %parallel_loop3A_425 : vector<16xi32> to vector<16xf32>
        %parallel_loop3A_427 = arith.constant 16 : i32
        %parallel_loop3A_428 = arith.addi %parallel_loop3A_427, %parallel_loop3A_126 : i32
        %parallel_loop3A_429 = arith.index_cast %parallel_loop3A_428 : i32 to index
        %parallel_loop3A_430 = arith.constant 80 : index
        %parallel_loop3A_431 = tpu.vector_load %arg15[%parallel_loop3A_429, %parallel_loop3A_430] {strides = array<i32>} : memref<64x384xi32, #tpu.memory_space<vmem>>, vector<16xi32>,
        %parallel_loop3A_432 = arith.constant 16 : i32
        %parallel_loop3A_433 = vector.broadcast %parallel_loop3A_432 : i32 to vector<16xi32>
        %parallel_loop3A_434 = arith.shli %parallel_loop3A_431, %parallel_loop3A_433 : vector<16xi32>
        %parallel_loop3A_435 = vector.bitcast %parallel_loop3A_434 : vector<16xi32> to vector<16xf32>
        %parallel_loop3A_436 = vector.broadcast %parallel_loop3A_116 : i32 to vector<16xi32>
        %parallel_loop3A_437 = arith.andi %parallel_loop3A_431, %parallel_loop3A_436 : vector<16xi32>
        %parallel_loop3A_438 = vector.bitcast %parallel_loop3A_437 : vector<16xi32> to vector<16xf32>
        %parallel_loop3A_439 = arith.constant 32 : i32
        %parallel_loop3A_440 = arith.addi %parallel_loop3A_439, %parallel_loop3A_126 : i32
        %parallel_loop3A_441 = arith.index_cast %parallel_loop3A_440 : i32 to index
        %parallel_loop3A_442 = arith.constant 80 : index
        %parallel_loop3A_443 = tpu.vector_load %arg15[%parallel_loop3A_441, %parallel_loop3A_442] {strides = array<i32>} : memref<64x384xi32, #tpu.memory_space<vmem>>, vector<16xi32>,
        %parallel_loop3A_444 = arith.constant 16 : i32
        %parallel_loop3A_445 = vector.broadcast %parallel_loop3A_444 : i32 to vector<16xi32>
        %parallel_loop3A_446 = arith.shli %parallel_loop3A_443, %parallel_loop3A_445 : vector<16xi32>
        %parallel_loop3A_447 = vector.bitcast %parallel_loop3A_446 : vector<16xi32> to vector<16xf32>
        %parallel_loop3A_448 = vector.broadcast %parallel_loop3A_116 : i32 to vector<16xi32>
        %parallel_loop3A_449 = arith.andi %parallel_loop3A_443, %parallel_loop3A_448 : vector<16xi32>
        %parallel_loop3A_450 = vector.bitcast %parallel_loop3A_449 : vector<16xi32> to vector<16xf32>
        %parallel_loop3A_451 = arith.constant 48 : i32
        %parallel_loop3A_452 = arith.addi %parallel_loop3A_451, %parallel_loop3A_126 : i32
        %parallel_loop3A_453 = arith.index_cast %parallel_loop3A_452 : i32 to index
        %parallel_loop3A_454 = arith.constant 80 : index
        %parallel_loop3A_455 = tpu.vector_load %arg15[%parallel_loop3A_453, %parallel_loop3A_454] {strides = array<i32>} : memref<64x384xi32, #tpu.memory_space<vmem>>, vector<16xi32>,
        %parallel_loop3A_456 = arith.constant 16 : i32
        %parallel_loop3A_457 = vector.broadcast %parallel_loop3A_456 : i32 to vector<16xi32>
        %parallel_loop3A_458 = arith.shli %parallel_loop3A_455, %parallel_loop3A_457 : vector<16xi32>
        %parallel_loop3A_459 = vector.bitcast %parallel_loop3A_458 : vector<16xi32> to vector<16xf32>
        %parallel_loop3A_460 = vector.broadcast %parallel_loop3A_116 : i32 to vector<16xi32>
        %parallel_loop3A_461 = arith.andi %parallel_loop3A_455, %parallel_loop3A_460 : vector<16xi32>
        %parallel_loop3A_462 = vector.bitcast %parallel_loop3A_461 : vector<16xi32> to vector<16xf32>
        %parallel_loop3A_463 = arith.addf %parallel_loop3A_423, %parallel_loop3A_435 : vector<16xf32>
        %parallel_loop3A_464 = arith.addf %parallel_loop3A_447, %parallel_loop3A_459 : vector<16xf32>
        %parallel_loop3A_465 = arith.addf %parallel_loop3A_463, %parallel_loop3A_464 : vector<16xf32>
        %parallel_loop3A_466 = arith.index_cast %parallel_loop3A_126 : i32 to index
        %parallel_loop3A_467 = arith.constant 160 : index
        %parallel_loop3A_468 = tpu.vector_load %arg17[%parallel_loop3A_466, %parallel_loop3A_467] {strides = array<i32>} : memref<16x768xf32, #tpu.memory_space<vmem>>, vector<16xf32>,
        tpu.vector_store %arg17[%parallel_loop3A_466, %parallel_loop3A_467], %parallel_loop3A_465 {strides = array<i32>} : memref<16x768xf32, #tpu.memory_space<vmem>>, vector<16xf32>,
        %parallel_loop3A_469 = arith.addf %parallel_loop3A_426, %parallel_loop3A_438 : vector<16xf32>
        %parallel_loop3A_470 = arith.addf %parallel_loop3A_450, %parallel_loop3A_462 : vector<16xf32>
        %parallel_loop3A_471 = arith.addf %parallel_loop3A_469, %parallel_loop3A_470 : vector<16xf32>
        %parallel_loop3A_472 = arith.index_cast %parallel_loop3A_126 : i32 to index
        %parallel_loop3A_473 = arith.constant 176 : index
        %parallel_loop3A_474 = tpu.vector_load %arg17[%parallel_loop3A_472, %parallel_loop3A_473] {strides = array<i32>} : memref<16x768xf32, #tpu.memory_space<vmem>>, vector<16xf32>,
        tpu.vector_store %arg17[%parallel_loop3A_472, %parallel_loop3A_473], %parallel_loop3A_471 {strides = array<i32>} : memref<16x768xf32, #tpu.memory_space<vmem>>, vector<16xf32>,
        %parallel_loop3A_475 = arith.index_cast %parallel_loop3A_126 : i32 to index
        %parallel_loop3A_476 = arith.constant 96 : index
        %parallel_loop3A_477 = tpu.vector_load %arg15[%parallel_loop3A_475, %parallel_loop3A_476] {strides = array<i32>} : memref<64x384xi32, #tpu.memory_space<vmem>>, vector<16xi32>,
        %parallel_loop3A_478 = arith.constant 16 : i32
        %parallel_loop3A_479 = vector.broadcast %parallel_loop3A_478 : i32 to vector<16xi32>
        %parallel_loop3A_480 = arith.shli %parallel_loop3A_477, %parallel_loop3A_479 : vector<16xi32>
        %parallel_loop3A_481 = vector.bitcast %parallel_loop3A_480 : vector<16xi32> to vector<16xf32>
        %parallel_loop3A_482 = vector.broadcast %parallel_loop3A_116 : i32 to vector<16xi32>
        %parallel_loop3A_483 = arith.andi %parallel_loop3A_477, %parallel_loop3A_482 : vector<16xi32>
        %parallel_loop3A_484 = vector.bitcast %parallel_loop3A_483 : vector<16xi32> to vector<16xf32>
        %parallel_loop3A_485 = arith.constant 16 : i32
        %parallel_loop3A_486 = arith.addi %parallel_loop3A_485, %parallel_loop3A_126 : i32
        %parallel_loop3A_487 = arith.index_cast %parallel_loop3A_486 : i32 to index
        %parallel_loop3A_488 = arith.constant 96 : index
        %parallel_loop3A_489 = tpu.vector_load %arg15[%parallel_loop3A_487, %parallel_loop3A_488] {strides = array<i32>} : memref<64x384xi32, #tpu.memory_space<vmem>>, vector<16xi32>,
        %parallel_loop3A_490 = arith.constant 16 : i32
        %parallel_loop3A_491 = vector.broadcast %parallel_loop3A_490 : i32 to vector<16xi32>
        %parallel_loop3A_492 = arith.shli %parallel_loop3A_489, %parallel_loop3A_491 : vector<16xi32>
        %parallel_loop3A_493 = vector.bitcast %parallel_loop3A_492 : vector<16xi32> to vector<16xf32>
        %parallel_loop3A_494 = vector.broadcast %parallel_loop3A_116 : i32 to vector<16xi32>
        %parallel_loop3A_495 = arith.andi %parallel_loop3A_489, %parallel_loop3A_494 : vector<16xi32>
        %parallel_loop3A_496 = vector.bitcast %parallel_loop3A_495 : vector<16xi32> to vector<16xf32>
        %parallel_loop3A_497 = arith.constant 32 : i32
        %parallel_loop3A_498 = arith.addi %parallel_loop3A_497, %parallel_loop3A_126 : i32
        %parallel_loop3A_499 = arith.index_cast %parallel_loop3A_498 : i32 to index
        %parallel_loop3A_500 = arith.constant 96 : index
        %parallel_loop3A_501 = tpu.vector_load %arg15[%parallel_loop3A_499, %parallel_loop3A_500] {strides = array<i32>} : memref<64x384xi32, #tpu.memory_space<vmem>>, vector<16xi32>,
        %parallel_loop3A_502 = arith.constant 16 : i32
        %parallel_loop3A_503 = vector.broadcast %parallel_loop3A_502 : i32 to vector<16xi32>
        %parallel_loop3A_504 = arith.shli %parallel_loop3A_501, %parallel_loop3A_503 : vector<16xi32>
        %parallel_loop3A_505 = vector.bitcast %parallel_loop3A_504 : vector<16xi32> to vector<16xf32>
        %parallel_loop3A_506 = vector.broadcast %parallel_loop3A_116 : i32 to vector<16xi32>
        %parallel_loop3A_507 = arith.andi %parallel_loop3A_501, %parallel_loop3A_506 : vector<16xi32>
        %parallel_loop3A_508 = vector.bitcast %parallel_loop3A_507 : vector<16xi32> to vector<16xf32>
        %parallel_loop3A_509 = arith.constant 48 : i32
        %parallel_loop3A_510 = arith.addi %parallel_loop3A_509, %parallel_loop3A_126 : i32
        %parallel_loop3A_511 = arith.index_cast %parallel_loop3A_510 : i32 to index
        %parallel_loop3A_512 = arith.constant 96 : index
        %parallel_loop3A_513 = tpu.vector_load %arg15[%parallel_loop3A_511, %parallel_loop3A_512] {strides = array<i32>} : memref<64x384xi32, #tpu.memory_space<vmem>>, vector<16xi32>,
        %parallel_loop3A_514 = arith.constant 16 : i32
        %parallel_loop3A_515 = vector.broadcast %parallel_loop3A_514 : i32 to vector<16xi32>
        %parallel_loop3A_516 = arith.shli %parallel_loop3A_513, %parallel_loop3A_515 : vector<16xi32>
        %parallel_loop3A_517 = vector.bitcast %parallel_loop3A_516 : vector<16xi32> to vector<16xf32>
        %parallel_loop3A_518 = vector.broadcast %parallel_loop3A_116 : i32 to vector<16xi32>
        %parallel_loop3A_519 = arith.andi %parallel_loop3A_513, %parallel_loop3A_518 : vector<16xi32>
        %parallel_loop3A_520 = vector.bitcast %parallel_loop3A_519 : vector<16xi32> to vector<16xf32>
        %parallel_loop3A_521 = arith.addf %parallel_loop3A_481, %parallel_loop3A_493 : vector<16xf32>
        %parallel_loop3A_522 = arith.addf %parallel_loop3A_505, %parallel_loop3A_517 : vector<16xf32>
        %parallel_loop3A_523 = arith.addf %parallel_loop3A_521, %parallel_loop3A_522 : vector<16xf32>
        %parallel_loop3A_524 = arith.index_cast %parallel_loop3A_126 : i32 to index
        %parallel_loop3A_525 = arith.constant 192 : index
        %parallel_loop3A_526 = tpu.vector_load %arg17[%parallel_loop3A_524, %parallel_loop3A_525] {strides = array<i32>} : memref<16x768xf32, #tpu.memory_space<vmem>>, vector<16xf32>,
        tpu.vector_store %arg17[%parallel_loop3A_524, %parallel_loop3A_525], %parallel_loop3A_523 {strides = array<i32>} : memref<16x768xf32, #tpu.memory_space<vmem>>, vector<16xf32>,
        %parallel_loop3A_527 = arith.addf %parallel_loop3A_484, %parallel_loop3A_496 : vector<16xf32>
        %parallel_loop3A_528 = arith.addf %parallel_loop3A_508, %parallel_loop3A_520 : vector<16xf32>
        %parallel_loop3A_529 = arith.addf %parallel_loop3A_527, %parallel_loop3A_528 : vector<16xf32>
        %parallel_loop3A_530 = arith.index_cast %parallel_loop3A_126 : i32 to index
        %parallel_loop3A_531 = arith.constant 208 : index
        %parallel_loop3A_532 = tpu.vector_load %arg17[%parallel_loop3A_530, %parallel_loop3A_531] {strides = array<i32>} : memref<16x768xf32, #tpu.memory_space<vmem>>, vector<16xf32>,
        tpu.vector_store %arg17[%parallel_loop3A_530, %parallel_loop3A_531], %parallel_loop3A_529 {strides = array<i32>} : memref<16x768xf32, #tpu.memory_space<vmem>>, vector<16xf32>,
        %parallel_loop3A_533 = arith.index_cast %parallel_loop3A_126 : i32 to index
        %parallel_loop3A_534 = arith.constant 112 : index
        %parallel_loop3A_535 = tpu.vector_load %arg15[%parallel_loop3A_533, %parallel_loop3A_534] {strides = array<i32>} : memref<64x384xi32, #tpu.memory_space<vmem>>, vector<16xi32>,
        %parallel_loop3A_536 = arith.constant 16 : i32
        %parallel_loop3A_537 = vector.broadcast %parallel_loop3A_536 : i32 to vector<16xi32>
        %parallel_loop3A_538 = arith.shli %parallel_loop3A_535, %parallel_loop3A_537 : vector<16xi32>
        %parallel_loop3A_539 = vector.bitcast %parallel_loop3A_538 : vector<16xi32> to vector<16xf32>
        %parallel_loop3A_540 = vector.broadcast %parallel_loop3A_116 : i32 to vector<16xi32>
        %parallel_loop3A_541 = arith.andi %parallel_loop3A_535, %parallel_loop3A_540 : vector<16xi32>
        %parallel_loop3A_542 = vector.bitcast %parallel_loop3A_541 : vector<16xi32> to vector<16xf32>
        %parallel_loop3A_543 = arith.constant 16 : i32
        %parallel_loop3A_544 = arith.addi %parallel_loop3A_543, %parallel_loop3A_126 : i32
        %parallel_loop3A_545 = arith.index_cast %parallel_loop3A_544 : i32 to index
        %parallel_loop3A_546 = arith.constant 112 : index
        %parallel_loop3A_547 = tpu.vector_load %arg15[%parallel_loop3A_545, %parallel_loop3A_546] {strides = array<i32>} : memref<64x384xi32, #tpu.memory_space<vmem>>, vector<16xi32>,
        %parallel_loop3A_548 = arith.constant 16 : i32
        %parallel_loop3A_549 = vector.broadcast %parallel_loop3A_548 : i32 to vector<16xi32>
        %parallel_loop3A_550 = arith.shli %parallel_loop3A_547, %parallel_loop3A_549 : vector<16xi32>
        %parallel_loop3A_551 = vector.bitcast %parallel_loop3A_550 : vector<16xi32> to vector<16xf32>
        %parallel_loop3A_552 = vector.broadcast %parallel_loop3A_116 : i32 to vector<16xi32>
        %parallel_loop3A_553 = arith.andi %parallel_loop3A_547, %parallel_loop3A_552 : vector<16xi32>
        %parallel_loop3A_554 = vector.bitcast %parallel_loop3A_553 : vector<16xi32> to vector<16xf32>
        %parallel_loop3A_555 = arith.constant 32 : i32
        %parallel_loop3A_556 = arith.addi %parallel_loop3A_555, %parallel_loop3A_126 : i32
        %parallel_loop3A_557 = arith.index_cast %parallel_loop3A_556 : i32 to index
        %parallel_loop3A_558 = arith.constant 112 : index
        %parallel_loop3A_559 = tpu.vector_load %arg15[%parallel_loop3A_557, %parallel_loop3A_558] {strides = array<i32>} : memref<64x384xi32, #tpu.memory_space<vmem>>, vector<16xi32>,
        %parallel_loop3A_560 = arith.constant 16 : i32
        %parallel_loop3A_561 = vector.broadcast %parallel_loop3A_560 : i32 to vector<16xi32>
        %parallel_loop3A_562 = arith.shli %parallel_loop3A_559, %parallel_loop3A_561 : vector<16xi32>
        %parallel_loop3A_563 = vector.bitcast %parallel_loop3A_562 : vector<16xi32> to vector<16xf32>
        %parallel_loop3A_564 = vector.broadcast %parallel_loop3A_116 : i32 to vector<16xi32>
        %parallel_loop3A_565 = arith.andi %parallel_loop3A_559, %parallel_loop3A_564 : vector<16xi32>
        %parallel_loop3A_566 = vector.bitcast %parallel_loop3A_565 : vector<16xi32> to vector<16xf32>
        %parallel_loop3A_567 = arith.constant 48 : i32
        %parallel_loop3A_568 = arith.addi %parallel_loop3A_567, %parallel_loop3A_126 : i32
        %parallel_loop3A_569 = arith.index_cast %parallel_loop3A_568 : i32 to index
        %parallel_loop3A_570 = arith.constant 112 : index
        %parallel_loop3A_571 = tpu.vector_load %arg15[%parallel_loop3A_569, %parallel_loop3A_570] {strides = array<i32>} : memref<64x384xi32, #tpu.memory_space<vmem>>, vector<16xi32>,
        %parallel_loop3A_572 = arith.constant 16 : i32
        %parallel_loop3A_573 = vector.broadcast %parallel_loop3A_572 : i32 to vector<16xi32>
        %parallel_loop3A_574 = arith.shli %parallel_loop3A_571, %parallel_loop3A_573 : vector<16xi32>
        %parallel_loop3A_575 = vector.bitcast %parallel_loop3A_574 : vector<16xi32> to vector<16xf32>
        %parallel_loop3A_576 = vector.broadcast %parallel_loop3A_116 : i32 to vector<16xi32>
        %parallel_loop3A_577 = arith.andi %parallel_loop3A_571, %parallel_loop3A_576 : vector<16xi32>
        %parallel_loop3A_578 = vector.bitcast %parallel_loop3A_577 : vector<16xi32> to vector<16xf32>
        %parallel_loop3A_579 = arith.addf %parallel_loop3A_539, %parallel_loop3A_551 : vector<16xf32>
        %parallel_loop3A_580 = arith.addf %parallel_loop3A_563, %parallel_loop3A_575 : vector<16xf32>
        %parallel_loop3A_581 = arith.addf %parallel_loop3A_579, %parallel_loop3A_580 : vector<16xf32>
        %parallel_loop3A_582 = arith.index_cast %parallel_loop3A_126 : i32 to index
        %parallel_loop3A_583 = arith.constant 224 : index
        %parallel_loop3A_584 = tpu.vector_load %arg17[%parallel_loop3A_582, %parallel_loop3A_583] {strides = array<i32>} : memref<16x768xf32, #tpu.memory_space<vmem>>, vector<16xf32>,
        tpu.vector_store %arg17[%parallel_loop3A_582, %parallel_loop3A_583], %parallel_loop3A_581 {strides = array<i32>} : memref<16x768xf32, #tpu.memory_space<vmem>>, vector<16xf32>,
        %parallel_loop3A_585 = arith.addf %parallel_loop3A_542, %parallel_loop3A_554 : vector<16xf32>
        %parallel_loop3A_586 = arith.addf %parallel_loop3A_566, %parallel_loop3A_578 : vector<16xf32>
        %parallel_loop3A_587 = arith.addf %parallel_loop3A_585, %parallel_loop3A_586 : vector<16xf32>
        %parallel_loop3A_588 = arith.index_cast %parallel_loop3A_126 : i32 to index
        %parallel_loop3A_589 = arith.constant 240 : index
        %parallel_loop3A_590 = tpu.vector_load %arg17[%parallel_loop3A_588, %parallel_loop3A_589] {strides = array<i32>} : memref<16x768xf32, #tpu.memory_space<vmem>>, vector<16xf32>,
        tpu.vector_store %arg17[%parallel_loop3A_588, %parallel_loop3A_589], %parallel_loop3A_587 {strides = array<i32>} : memref<16x768xf32, #tpu.memory_space<vmem>>, vector<16xf32>,
        %parallel_loop3A_591 = arith.index_cast %parallel_loop3A_126 : i32 to index
        %parallel_loop3A_592 = arith.constant 128 : index
        %parallel_loop3A_593 = tpu.vector_load %arg15[%parallel_loop3A_591, %parallel_loop3A_592] {strides = array<i32>} : memref<64x384xi32, #tpu.memory_space<vmem>>, vector<16xi32>,
        %parallel_loop3A_594 = arith.constant 16 : i32
        %parallel_loop3A_595 = vector.broadcast %parallel_loop3A_594 : i32 to vector<16xi32>
        %parallel_loop3A_596 = arith.shli %parallel_loop3A_593, %parallel_loop3A_595 : vector<16xi32>
        %parallel_loop3A_597 = vector.bitcast %parallel_loop3A_596 : vector<16xi32> to vector<16xf32>
        %parallel_loop3A_598 = vector.broadcast %parallel_loop3A_116 : i32 to vector<16xi32>
        %parallel_loop3A_599 = arith.andi %parallel_loop3A_593, %parallel_loop3A_598 : vector<16xi32>
        %parallel_loop3A_600 = vector.bitcast %parallel_loop3A_599 : vector<16xi32> to vector<16xf32>
        %parallel_loop3A_601 = arith.constant 16 : i32
        %parallel_loop3A_602 = arith.addi %parallel_loop3A_601, %parallel_loop3A_126 : i32
        %parallel_loop3A_603 = arith.index_cast %parallel_loop3A_602 : i32 to index
        %parallel_loop3A_604 = arith.constant 128 : index
        %parallel_loop3A_605 = tpu.vector_load %arg15[%parallel_loop3A_603, %parallel_loop3A_604] {strides = array<i32>} : memref<64x384xi32, #tpu.memory_space<vmem>>, vector<16xi32>,
        %parallel_loop3A_606 = arith.constant 16 : i32
        %parallel_loop3A_607 = vector.broadcast %parallel_loop3A_606 : i32 to vector<16xi32>
        %parallel_loop3A_608 = arith.shli %parallel_loop3A_605, %parallel_loop3A_607 : vector<16xi32>
        %parallel_loop3A_609 = vector.bitcast %parallel_loop3A_608 : vector<16xi32> to vector<16xf32>
        %parallel_loop3A_610 = vector.broadcast %parallel_loop3A_116 : i32 to vector<16xi32>
        %parallel_loop3A_611 = arith.andi %parallel_loop3A_605, %parallel_loop3A_610 : vector<16xi32>
        %parallel_loop3A_612 = vector.bitcast %parallel_loop3A_611 : vector<16xi32> to vector<16xf32>
        %parallel_loop3A_613 = arith.constant 32 : i32
        %parallel_loop3A_614 = arith.addi %parallel_loop3A_613, %parallel_loop3A_126 : i32
        %parallel_loop3A_615 = arith.index_cast %parallel_loop3A_614 : i32 to index
        %parallel_loop3A_616 = arith.constant 128 : index
        %parallel_loop3A_617 = tpu.vector_load %arg15[%parallel_loop3A_615, %parallel_loop3A_616] {strides = array<i32>} : memref<64x384xi32, #tpu.memory_space<vmem>>, vector<16xi32>,
        %parallel_loop3A_618 = arith.constant 16 : i32
        %parallel_loop3A_619 = vector.broadcast %parallel_loop3A_618 : i32 to vector<16xi32>
        %parallel_loop3A_620 = arith.shli %parallel_loop3A_617, %parallel_loop3A_619 : vector<16xi32>
        %parallel_loop3A_621 = vector.bitcast %parallel_loop3A_620 : vector<16xi32> to vector<16xf32>
        %parallel_loop3A_622 = vector.broadcast %parallel_loop3A_116 : i32 to vector<16xi32>
        %parallel_loop3A_623 = arith.andi %parallel_loop3A_617, %parallel_loop3A_622 : vector<16xi32>
        %parallel_loop3A_624 = vector.bitcast %parallel_loop3A_623 : vector<16xi32> to vector<16xf32>
        %parallel_loop3A_625 = arith.constant 48 : i32
        %parallel_loop3A_626 = arith.addi %parallel_loop3A_625, %parallel_loop3A_126 : i32
        %parallel_loop3A_627 = arith.index_cast %parallel_loop3A_626 : i32 to index
        %parallel_loop3A_628 = arith.constant 128 : index
        %parallel_loop3A_629 = tpu.vector_load %arg15[%parallel_loop3A_627, %parallel_loop3A_628] {strides = array<i32>} : memref<64x384xi32, #tpu.memory_space<vmem>>, vector<16xi32>,
        %parallel_loop3A_630 = arith.constant 16 : i32
        %parallel_loop3A_631 = vector.broadcast %parallel_loop3A_630 : i32 to vector<16xi32>
        %parallel_loop3A_632 = arith.shli %parallel_loop3A_629, %parallel_loop3A_631 : vector<16xi32>
        %parallel_loop3A_633 = vector.bitcast %parallel_loop3A_632 : vector<16xi32> to vector<16xf32>
        %parallel_loop3A_634 = vector.broadcast %parallel_loop3A_116 : i32 to vector<16xi32>
        %parallel_loop3A_635 = arith.andi %parallel_loop3A_629, %parallel_loop3A_634 : vector<16xi32>
        %parallel_loop3A_636 = vector.bitcast %parallel_loop3A_635 : vector<16xi32> to vector<16xf32>
        %parallel_loop3A_637 = arith.addf %parallel_loop3A_597, %parallel_loop3A_609 : vector<16xf32>
        %parallel_loop3A_638 = arith.addf %parallel_loop3A_621, %parallel_loop3A_633 : vector<16xf32>
        %parallel_loop3A_639 = arith.addf %parallel_loop3A_637, %parallel_loop3A_638 : vector<16xf32>
        %parallel_loop3A_640 = arith.index_cast %parallel_loop3A_126 : i32 to index
        %parallel_loop3A_641 = arith.constant 256 : index
        %parallel_loop3A_642 = tpu.vector_load %arg17[%parallel_loop3A_640, %parallel_loop3A_641] {strides = array<i32>} : memref<16x768xf32, #tpu.memory_space<vmem>>, vector<16xf32>,
        tpu.vector_store %arg17[%parallel_loop3A_640, %parallel_loop3A_641], %parallel_loop3A_639 {strides = array<i32>} : memref<16x768xf32, #tpu.memory_space<vmem>>, vector<16xf32>,
        %parallel_loop3A_643 = arith.addf %parallel_loop3A_600, %parallel_loop3A_612 : vector<16xf32>
        %parallel_loop3A_644 = arith.addf %parallel_loop3A_624, %parallel_loop3A_636 : vector<16xf32>
        %parallel_loop3A_645 = arith.addf %parallel_loop3A_643, %parallel_loop3A_644 : vector<16xf32>
        %parallel_loop3A_646 = arith.index_cast %parallel_loop3A_126 : i32 to index
        %parallel_loop3A_647 = arith.constant 272 : index
        %parallel_loop3A_648 = tpu.vector_load %arg17[%parallel_loop3A_646, %parallel_loop3A_647] {strides = array<i32>} : memref<16x768xf32, #tpu.memory_space<vmem>>, vector<16xf32>,
        tpu.vector_store %arg17[%parallel_loop3A_646, %parallel_loop3A_647], %parallel_loop3A_645 {strides = array<i32>} : memref<16x768xf32, #tpu.memory_space<vmem>>, vector<16xf32>,
        %parallel_loop3A_649 = arith.index_cast %parallel_loop3A_126 : i32 to index
        %parallel_loop3A_650 = arith.constant 144 : index
        %parallel_loop3A_651 = tpu.vector_load %arg15[%parallel_loop3A_649, %parallel_loop3A_650] {strides = array<i32>} : memref<64x384xi32, #tpu.memory_space<vmem>>, vector<16xi32>,
        %parallel_loop3A_652 = arith.constant 16 : i32
        %parallel_loop3A_653 = vector.broadcast %parallel_loop3A_652 : i32 to vector<16xi32>
        %parallel_loop3A_654 = arith.shli %parallel_loop3A_651, %parallel_loop3A_653 : vector<16xi32>
        %parallel_loop3A_655 = vector.bitcast %parallel_loop3A_654 : vector<16xi32> to vector<16xf32>
        %parallel_loop3A_656 = vector.broadcast %parallel_loop3A_116 : i32 to vector<16xi32>
        %parallel_loop3A_657 = arith.andi %parallel_loop3A_651, %parallel_loop3A_656 : vector<16xi32>
        %parallel_loop3A_658 = vector.bitcast %parallel_loop3A_657 : vector<16xi32> to vector<16xf32>
        %parallel_loop3A_659 = arith.constant 16 : i32
        %parallel_loop3A_660 = arith.addi %parallel_loop3A_659, %parallel_loop3A_126 : i32
        %parallel_loop3A_661 = arith.index_cast %parallel_loop3A_660 : i32 to index
        %parallel_loop3A_662 = arith.constant 144 : index
        %parallel_loop3A_663 = tpu.vector_load %arg15[%parallel_loop3A_661, %parallel_loop3A_662] {strides = array<i32>} : memref<64x384xi32, #tpu.memory_space<vmem>>, vector<16xi32>,
        %parallel_loop3A_664 = arith.constant 16 : i32
        %parallel_loop3A_665 = vector.broadcast %parallel_loop3A_664 : i32 to vector<16xi32>
        %parallel_loop3A_666 = arith.shli %parallel_loop3A_663, %parallel_loop3A_665 : vector<16xi32>
        %parallel_loop3A_667 = vector.bitcast %parallel_loop3A_666 : vector<16xi32> to vector<16xf32>
        %parallel_loop3A_668 = vector.broadcast %parallel_loop3A_116 : i32 to vector<16xi32>
        %parallel_loop3A_669 = arith.andi %parallel_loop3A_663, %parallel_loop3A_668 : vector<16xi32>
        %parallel_loop3A_670 = vector.bitcast %parallel_loop3A_669 : vector<16xi32> to vector<16xf32>
        %parallel_loop3A_671 = arith.constant 32 : i32
        %parallel_loop3A_672 = arith.addi %parallel_loop3A_671, %parallel_loop3A_126 : i32
        %parallel_loop3A_673 = arith.index_cast %parallel_loop3A_672 : i32 to index
        %parallel_loop3A_674 = arith.constant 144 : index
        %parallel_loop3A_675 = tpu.vector_load %arg15[%parallel_loop3A_673, %parallel_loop3A_674] {strides = array<i32>} : memref<64x384xi32, #tpu.memory_space<vmem>>, vector<16xi32>,
        %parallel_loop3A_676 = arith.constant 16 : i32
        %parallel_loop3A_677 = vector.broadcast %parallel_loop3A_676 : i32 to vector<16xi32>
        %parallel_loop3A_678 = arith.shli %parallel_loop3A_675, %parallel_loop3A_677 : vector<16xi32>
        %parallel_loop3A_679 = vector.bitcast %parallel_loop3A_678 : vector<16xi32> to vector<16xf32>
        %parallel_loop3A_680 = vector.broadcast %parallel_loop3A_116 : i32 to vector<16xi32>
        %parallel_loop3A_681 = arith.andi %parallel_loop3A_675, %parallel_loop3A_680 : vector<16xi32>
        %parallel_loop3A_682 = vector.bitcast %parallel_loop3A_681 : vector<16xi32> to vector<16xf32>
        %parallel_loop3A_683 = arith.constant 48 : i32
        %parallel_loop3A_684 = arith.addi %parallel_loop3A_683, %parallel_loop3A_126 : i32
        %parallel_loop3A_685 = arith.index_cast %parallel_loop3A_684 : i32 to index
        %parallel_loop3A_686 = arith.constant 144 : index
        %parallel_loop3A_687 = tpu.vector_load %arg15[%parallel_loop3A_685, %parallel_loop3A_686] {strides = array<i32>} : memref<64x384xi32, #tpu.memory_space<vmem>>, vector<16xi32>,
        %parallel_loop3A_688 = arith.constant 16 : i32
        %parallel_loop3A_689 = vector.broadcast %parallel_loop3A_688 : i32 to vector<16xi32>
        %parallel_loop3A_690 = arith.shli %parallel_loop3A_687, %parallel_loop3A_689 : vector<16xi32>
        %parallel_loop3A_691 = vector.bitcast %parallel_loop3A_690 : vector<16xi32> to vector<16xf32>
        %parallel_loop3A_692 = vector.broadcast %parallel_loop3A_116 : i32 to vector<16xi32>
        %parallel_loop3A_693 = arith.andi %parallel_loop3A_687, %parallel_loop3A_692 : vector<16xi32>
        %parallel_loop3A_694 = vector.bitcast %parallel_loop3A_693 : vector<16xi32> to vector<16xf32>
        %parallel_loop3A_695 = arith.addf %parallel_loop3A_655, %parallel_loop3A_667 : vector<16xf32>
        %parallel_loop3A_696 = arith.addf %parallel_loop3A_679, %parallel_loop3A_691 : vector<16xf32>
        %parallel_loop3A_697 = arith.addf %parallel_loop3A_695, %parallel_loop3A_696 : vector<16xf32>
        %parallel_loop3A_698 = arith.index_cast %parallel_loop3A_126 : i32 to index
        %parallel_loop3A_699 = arith.constant 288 : index
        %parallel_loop3A_700 = tpu.vector_load %arg17[%parallel_loop3A_698, %parallel_loop3A_699] {strides = array<i32>} : memref<16x768xf32, #tpu.memory_space<vmem>>, vector<16xf32>,
        tpu.vector_store %arg17[%parallel_loop3A_698, %parallel_loop3A_699], %parallel_loop3A_697 {strides = array<i32>} : memref<16x768xf32, #tpu.memory_space<vmem>>, vector<16xf32>,
        %parallel_loop3A_701 = arith.addf %parallel_loop3A_658, %parallel_loop3A_670 : vector<16xf32>
        %parallel_loop3A_702 = arith.addf %parallel_loop3A_682, %parallel_loop3A_694 : vector<16xf32>
        %parallel_loop3A_703 = arith.addf %parallel_loop3A_701, %parallel_loop3A_702 : vector<16xf32>
        %parallel_loop3A_704 = arith.index_cast %parallel_loop3A_126 : i32 to index
        %parallel_loop3A_705 = arith.constant 304 : index
        %parallel_loop3A_706 = tpu.vector_load %arg17[%parallel_loop3A_704, %parallel_loop3A_705] {strides = array<i32>} : memref<16x768xf32, #tpu.memory_space<vmem>>, vector<16xf32>,
        tpu.vector_store %arg17[%parallel_loop3A_704, %parallel_loop3A_705], %parallel_loop3A_703 {strides = array<i32>} : memref<16x768xf32, #tpu.memory_space<vmem>>, vector<16xf32>,
        %parallel_loop3A_707 = arith.index_cast %parallel_loop3A_126 : i32 to index
        %parallel_loop3A_708 = arith.constant 160 : index
        %parallel_loop3A_709 = tpu.vector_load %arg15[%parallel_loop3A_707, %parallel_loop3A_708] {strides = array<i32>} : memref<64x384xi32, #tpu.memory_space<vmem>>, vector<16xi32>,
        %parallel_loop3A_710 = arith.constant 16 : i32
        %parallel_loop3A_711 = vector.broadcast %parallel_loop3A_710 : i32 to vector<16xi32>
        %parallel_loop3A_712 = arith.shli %parallel_loop3A_709, %parallel_loop3A_711 : vector<16xi32>
        %parallel_loop3A_713 = vector.bitcast %parallel_loop3A_712 : vector<16xi32> to vector<16xf32>
        %parallel_loop3A_714 = vector.broadcast %parallel_loop3A_116 : i32 to vector<16xi32>
        %parallel_loop3A_715 = arith.andi %parallel_loop3A_709, %parallel_loop3A_714 : vector<16xi32>
        %parallel_loop3A_716 = vector.bitcast %parallel_loop3A_715 : vector<16xi32> to vector<16xf32>
        %parallel_loop3A_717 = arith.constant 16 : i32
        %parallel_loop3A_718 = arith.addi %parallel_loop3A_717, %parallel_loop3A_126 : i32
        %parallel_loop3A_719 = arith.index_cast %parallel_loop3A_718 : i32 to index
        %parallel_loop3A_720 = arith.constant 160 : index
        %parallel_loop3A_721 = tpu.vector_load %arg15[%parallel_loop3A_719, %parallel_loop3A_720] {strides = array<i32>} : memref<64x384xi32, #tpu.memory_space<vmem>>, vector<16xi32>,
        %parallel_loop3A_722 = arith.constant 16 : i32
        %parallel_loop3A_723 = vector.broadcast %parallel_loop3A_722 : i32 to vector<16xi32>
        %parallel_loop3A_724 = arith.shli %parallel_loop3A_721, %parallel_loop3A_723 : vector<16xi32>
        %parallel_loop3A_725 = vector.bitcast %parallel_loop3A_724 : vector<16xi32> to vector<16xf32>
        %parallel_loop3A_726 = vector.broadcast %parallel_loop3A_116 : i32 to vector<16xi32>
        %parallel_loop3A_727 = arith.andi %parallel_loop3A_721, %parallel_loop3A_726 : vector<16xi32>
        %parallel_loop3A_728 = vector.bitcast %parallel_loop3A_727 : vector<16xi32> to vector<16xf32>
        %parallel_loop3A_729 = arith.constant 32 : i32
        %parallel_loop3A_730 = arith.addi %parallel_loop3A_729, %parallel_loop3A_126 : i32
        %parallel_loop3A_731 = arith.index_cast %parallel_loop3A_730 : i32 to index
        %parallel_loop3A_732 = arith.constant 160 : index
        %parallel_loop3A_733 = tpu.vector_load %arg15[%parallel_loop3A_731, %parallel_loop3A_732] {strides = array<i32>} : memref<64x384xi32, #tpu.memory_space<vmem>>, vector<16xi32>,
        %parallel_loop3A_734 = arith.constant 16 : i32
        %parallel_loop3A_735 = vector.broadcast %parallel_loop3A_734 : i32 to vector<16xi32>
        %parallel_loop3A_736 = arith.shli %parallel_loop3A_733, %parallel_loop3A_735 : vector<16xi32>
        %parallel_loop3A_737 = vector.bitcast %parallel_loop3A_736 : vector<16xi32> to vector<16xf32>
        %parallel_loop3A_738 = vector.broadcast %parallel_loop3A_116 : i32 to vector<16xi32>
        %parallel_loop3A_739 = arith.andi %parallel_loop3A_733, %parallel_loop3A_738 : vector<16xi32>
        %parallel_loop3A_740 = vector.bitcast %parallel_loop3A_739 : vector<16xi32> to vector<16xf32>
        %parallel_loop3A_741 = arith.constant 48 : i32
        %parallel_loop3A_742 = arith.addi %parallel_loop3A_741, %parallel_loop3A_126 : i32
        %parallel_loop3A_743 = arith.index_cast %parallel_loop3A_742 : i32 to index
        %parallel_loop3A_744 = arith.constant 160 : index
        %parallel_loop3A_745 = tpu.vector_load %arg15[%parallel_loop3A_743, %parallel_loop3A_744] {strides = array<i32>} : memref<64x384xi32, #tpu.memory_space<vmem>>, vector<16xi32>,
        %parallel_loop3A_746 = arith.constant 16 : i32
        %parallel_loop3A_747 = vector.broadcast %parallel_loop3A_746 : i32 to vector<16xi32>
        %parallel_loop3A_748 = arith.shli %parallel_loop3A_745, %parallel_loop3A_747 : vector<16xi32>
        %parallel_loop3A_749 = vector.bitcast %parallel_loop3A_748 : vector<16xi32> to vector<16xf32>
        %parallel_loop3A_750 = vector.broadcast %parallel_loop3A_116 : i32 to vector<16xi32>
        %parallel_loop3A_751 = arith.andi %parallel_loop3A_745, %parallel_loop3A_750 : vector<16xi32>
        %parallel_loop3A_752 = vector.bitcast %parallel_loop3A_751 : vector<16xi32> to vector<16xf32>
        %parallel_loop3A_753 = arith.addf %parallel_loop3A_713, %parallel_loop3A_725 : vector<16xf32>
        %parallel_loop3A_754 = arith.addf %parallel_loop3A_737, %parallel_loop3A_749 : vector<16xf32>
        %parallel_loop3A_755 = arith.addf %parallel_loop3A_753, %parallel_loop3A_754 : vector<16xf32>
        %parallel_loop3A_756 = arith.index_cast %parallel_loop3A_126 : i32 to index
        %parallel_loop3A_757 = arith.constant 320 : index
        %parallel_loop3A_758 = tpu.vector_load %arg17[%parallel_loop3A_756, %parallel_loop3A_757] {strides = array<i32>} : memref<16x768xf32, #tpu.memory_space<vmem>>, vector<16xf32>,
        tpu.vector_store %arg17[%parallel_loop3A_756, %parallel_loop3A_757], %parallel_loop3A_755 {strides = array<i32>} : memref<16x768xf32, #tpu.memory_space<vmem>>, vector<16xf32>,
        %parallel_loop3A_759 = arith.addf %parallel_loop3A_716, %parallel_loop3A_728 : vector<16xf32>
        %parallel_loop3A_760 = arith.addf %parallel_loop3A_740, %parallel_loop3A_752 : vector<16xf32>
        %parallel_loop3A_761 = arith.addf %parallel_loop3A_759, %parallel_loop3A_760 : vector<16xf32>
        %parallel_loop3A_762 = arith.index_cast %parallel_loop3A_126 : i32 to index
        %parallel_loop3A_763 = arith.constant 336 : index
        %parallel_loop3A_764 = tpu.vector_load %arg17[%parallel_loop3A_762, %parallel_loop3A_763] {strides = array<i32>} : memref<16x768xf32, #tpu.memory_space<vmem>>, vector<16xf32>,
        tpu.vector_store %arg17[%parallel_loop3A_762, %parallel_loop3A_763], %parallel_loop3A_761 {strides = array<i32>} : memref<16x768xf32, #tpu.memory_space<vmem>>, vector<16xf32>,
        %parallel_loop3A_765 = arith.index_cast %parallel_loop3A_126 : i32 to index
        %parallel_loop3A_766 = arith.constant 176 : index
        %parallel_loop3A_767 = tpu.vector_load %arg15[%parallel_loop3A_765, %parallel_loop3A_766] {strides = array<i32>} : memref<64x384xi32, #tpu.memory_space<vmem>>, vector<16xi32>,
        %parallel_loop3A_768 = arith.constant 16 : i32
        %parallel_loop3A_769 = vector.broadcast %parallel_loop3A_768 : i32 to vector<16xi32>
        %parallel_loop3A_770 = arith.shli %parallel_loop3A_767, %parallel_loop3A_769 : vector<16xi32>
        %parallel_loop3A_771 = vector.bitcast %parallel_loop3A_770 : vector<16xi32> to vector<16xf32>
        %parallel_loop3A_772 = vector.broadcast %parallel_loop3A_116 : i32 to vector<16xi32>
        %parallel_loop3A_773 = arith.andi %parallel_loop3A_767, %parallel_loop3A_772 : vector<16xi32>
        %parallel_loop3A_774 = vector.bitcast %parallel_loop3A_773 : vector<16xi32> to vector<16xf32>
        %parallel_loop3A_775 = arith.constant 16 : i32
        %parallel_loop3A_776 = arith.addi %parallel_loop3A_775, %parallel_loop3A_126 : i32
        %parallel_loop3A_777 = arith.index_cast %parallel_loop3A_776 : i32 to index
        %parallel_loop3A_778 = arith.constant 176 : index
        %parallel_loop3A_779 = tpu.vector_load %arg15[%parallel_loop3A_777, %parallel_loop3A_778] {strides = array<i32>} : memref<64x384xi32, #tpu.memory_space<vmem>>, vector<16xi32>,
        %parallel_loop3A_780 = arith.constant 16 : i32
        %parallel_loop3A_781 = vector.broadcast %parallel_loop3A_780 : i32 to vector<16xi32>
        %parallel_loop3A_782 = arith.shli %parallel_loop3A_779, %parallel_loop3A_781 : vector<16xi32>
        %parallel_loop3A_783 = vector.bitcast %parallel_loop3A_782 : vector<16xi32> to vector<16xf32>
        %parallel_loop3A_784 = vector.broadcast %parallel_loop3A_116 : i32 to vector<16xi32>
        %parallel_loop3A_785 = arith.andi %parallel_loop3A_779, %parallel_loop3A_784 : vector<16xi32>
        %parallel_loop3A_786 = vector.bitcast %parallel_loop3A_785 : vector<16xi32> to vector<16xf32>
        %parallel_loop3A_787 = arith.constant 32 : i32
        %parallel_loop3A_788 = arith.addi %parallel_loop3A_787, %parallel_loop3A_126 : i32
        %parallel_loop3A_789 = arith.index_cast %parallel_loop3A_788 : i32 to index
        %parallel_loop3A_790 = arith.constant 176 : index
        %parallel_loop3A_791 = tpu.vector_load %arg15[%parallel_loop3A_789, %parallel_loop3A_790] {strides = array<i32>} : memref<64x384xi32, #tpu.memory_space<vmem>>, vector<16xi32>,
        %parallel_loop3A_792 = arith.constant 16 : i32
        %parallel_loop3A_793 = vector.broadcast %parallel_loop3A_792 : i32 to vector<16xi32>
        %parallel_loop3A_794 = arith.shli %parallel_loop3A_791, %parallel_loop3A_793 : vector<16xi32>
        %parallel_loop3A_795 = vector.bitcast %parallel_loop3A_794 : vector<16xi32> to vector<16xf32>
        %parallel_loop3A_796 = vector.broadcast %parallel_loop3A_116 : i32 to vector<16xi32>
        %parallel_loop3A_797 = arith.andi %parallel_loop3A_791, %parallel_loop3A_796 : vector<16xi32>
        %parallel_loop3A_798 = vector.bitcast %parallel_loop3A_797 : vector<16xi32> to vector<16xf32>
        %parallel_loop3A_799 = arith.constant 48 : i32
        %parallel_loop3A_800 = arith.addi %parallel_loop3A_799, %parallel_loop3A_126 : i32
        %parallel_loop3A_801 = arith.index_cast %parallel_loop3A_800 : i32 to index
        %parallel_loop3A_802 = arith.constant 176 : index
        %parallel_loop3A_803 = tpu.vector_load %arg15[%parallel_loop3A_801, %parallel_loop3A_802] {strides = array<i32>} : memref<64x384xi32, #tpu.memory_space<vmem>>, vector<16xi32>,
        %parallel_loop3A_804 = arith.constant 16 : i32
        %parallel_loop3A_805 = vector.broadcast %parallel_loop3A_804 : i32 to vector<16xi32>
        %parallel_loop3A_806 = arith.shli %parallel_loop3A_803, %parallel_loop3A_805 : vector<16xi32>
        %parallel_loop3A_807 = vector.bitcast %parallel_loop3A_806 : vector<16xi32> to vector<16xf32>
        %parallel_loop3A_808 = vector.broadcast %parallel_loop3A_116 : i32 to vector<16xi32>
        %parallel_loop3A_809 = arith.andi %parallel_loop3A_803, %parallel_loop3A_808 : vector<16xi32>
        %parallel_loop3A_810 = vector.bitcast %parallel_loop3A_809 : vector<16xi32> to vector<16xf32>
        %parallel_loop3A_811 = arith.addf %parallel_loop3A_771, %parallel_loop3A_783 : vector<16xf32>
        %parallel_loop3A_812 = arith.addf %parallel_loop3A_795, %parallel_loop3A_807 : vector<16xf32>
        %parallel_loop3A_813 = arith.addf %parallel_loop3A_811, %parallel_loop3A_812 : vector<16xf32>
        %parallel_loop3A_814 = arith.index_cast %parallel_loop3A_126 : i32 to index
        %parallel_loop3A_815 = arith.constant 352 : index
        %parallel_loop3A_816 = tpu.vector_load %arg17[%parallel_loop3A_814, %parallel_loop3A_815] {strides = array<i32>} : memref<16x768xf32, #tpu.memory_space<vmem>>, vector<16xf32>,
        tpu.vector_store %arg17[%parallel_loop3A_814, %parallel_loop3A_815], %parallel_loop3A_813 {strides = array<i32>} : memref<16x768xf32, #tpu.memory_space<vmem>>, vector<16xf32>,
        %parallel_loop3A_817 = arith.addf %parallel_loop3A_774, %parallel_loop3A_786 : vector<16xf32>
        %parallel_loop3A_818 = arith.addf %parallel_loop3A_798, %parallel_loop3A_810 : vector<16xf32>
        %parallel_loop3A_819 = arith.addf %parallel_loop3A_817, %parallel_loop3A_818 : vector<16xf32>
        %parallel_loop3A_820 = arith.index_cast %parallel_loop3A_126 : i32 to index
        %parallel_loop3A_821 = arith.constant 368 : index
        %parallel_loop3A_822 = tpu.vector_load %arg17[%parallel_loop3A_820, %parallel_loop3A_821] {strides = array<i32>} : memref<16x768xf32, #tpu.memory_space<vmem>>, vector<16xf32>,
        tpu.vector_store %arg17[%parallel_loop3A_820, %parallel_loop3A_821], %parallel_loop3A_819 {strides = array<i32>} : memref<16x768xf32, #tpu.memory_space<vmem>>, vector<16xf32>,
        %parallel_loop3A_823 = arith.index_cast %parallel_loop3A_126 : i32 to index
        %parallel_loop3A_824 = arith.constant 192 : index
        %parallel_loop3A_825 = tpu.vector_load %arg15[%parallel_loop3A_823, %parallel_loop3A_824] {strides = array<i32>} : memref<64x384xi32, #tpu.memory_space<vmem>>, vector<16xi32>,
        %parallel_loop3A_826 = arith.constant 16 : i32
        %parallel_loop3A_827 = vector.broadcast %parallel_loop3A_826 : i32 to vector<16xi32>
        %parallel_loop3A_828 = arith.shli %parallel_loop3A_825, %parallel_loop3A_827 : vector<16xi32>
        %parallel_loop3A_829 = vector.bitcast %parallel_loop3A_828 : vector<16xi32> to vector<16xf32>
        %parallel_loop3A_830 = vector.broadcast %parallel_loop3A_116 : i32 to vector<16xi32>
        %parallel_loop3A_831 = arith.andi %parallel_loop3A_825, %parallel_loop3A_830 : vector<16xi32>
        %parallel_loop3A_832 = vector.bitcast %parallel_loop3A_831 : vector<16xi32> to vector<16xf32>
        %parallel_loop3A_833 = arith.constant 16 : i32
        %parallel_loop3A_834 = arith.addi %parallel_loop3A_833, %parallel_loop3A_126 : i32
        %parallel_loop3A_835 = arith.index_cast %parallel_loop3A_834 : i32 to index
        %parallel_loop3A_836 = arith.constant 192 : index
        %parallel_loop3A_837 = tpu.vector_load %arg15[%parallel_loop3A_835, %parallel_loop3A_836] {strides = array<i32>} : memref<64x384xi32, #tpu.memory_space<vmem>>, vector<16xi32>,
        %parallel_loop3A_838 = arith.constant 16 : i32
        %parallel_loop3A_839 = vector.broadcast %parallel_loop3A_838 : i32 to vector<16xi32>
        %parallel_loop3A_840 = arith.shli %parallel_loop3A_837, %parallel_loop3A_839 : vector<16xi32>
        %parallel_loop3A_841 = vector.bitcast %parallel_loop3A_840 : vector<16xi32> to vector<16xf32>
        %parallel_loop3A_842 = vector.broadcast %parallel_loop3A_116 : i32 to vector<16xi32>
        %parallel_loop3A_843 = arith.andi %parallel_loop3A_837, %parallel_loop3A_842 : vector<16xi32>
        %parallel_loop3A_844 = vector.bitcast %parallel_loop3A_843 : vector<16xi32> to vector<16xf32>
        %parallel_loop3A_845 = arith.constant 32 : i32
        %parallel_loop3A_846 = arith.addi %parallel_loop3A_845, %parallel_loop3A_126 : i32
        %parallel_loop3A_847 = arith.index_cast %parallel_loop3A_846 : i32 to index
        %parallel_loop3A_848 = arith.constant 192 : index
        %parallel_loop3A_849 = tpu.vector_load %arg15[%parallel_loop3A_847, %parallel_loop3A_848] {strides = array<i32>} : memref<64x384xi32, #tpu.memory_space<vmem>>, vector<16xi32>,
        %parallel_loop3A_850 = arith.constant 16 : i32
        %parallel_loop3A_851 = vector.broadcast %parallel_loop3A_850 : i32 to vector<16xi32>
        %parallel_loop3A_852 = arith.shli %parallel_loop3A_849, %parallel_loop3A_851 : vector<16xi32>
        %parallel_loop3A_853 = vector.bitcast %parallel_loop3A_852 : vector<16xi32> to vector<16xf32>
        %parallel_loop3A_854 = vector.broadcast %parallel_loop3A_116 : i32 to vector<16xi32>
        %parallel_loop3A_855 = arith.andi %parallel_loop3A_849, %parallel_loop3A_854 : vector<16xi32>
        %parallel_loop3A_856 = vector.bitcast %parallel_loop3A_855 : vector<16xi32> to vector<16xf32>
        %parallel_loop3A_857 = arith.constant 48 : i32
        %parallel_loop3A_858 = arith.addi %parallel_loop3A_857, %parallel_loop3A_126 : i32
        %parallel_loop3A_859 = arith.index_cast %parallel_loop3A_858 : i32 to index
        %parallel_loop3A_860 = arith.constant 192 : index
        %parallel_loop3A_861 = tpu.vector_load %arg15[%parallel_loop3A_859, %parallel_loop3A_860] {strides = array<i32>} : memref<64x384xi32, #tpu.memory_space<vmem>>, vector<16xi32>,
        %parallel_loop3A_862 = arith.constant 16 : i32
        %parallel_loop3A_863 = vector.broadcast %parallel_loop3A_862 : i32 to vector<16xi32>
        %parallel_loop3A_864 = arith.shli %parallel_loop3A_861, %parallel_loop3A_863 : vector<16xi32>
        %parallel_loop3A_865 = vector.bitcast %parallel_loop3A_864 : vector<16xi32> to vector<16xf32>
        %parallel_loop3A_866 = vector.broadcast %parallel_loop3A_116 : i32 to vector<16xi32>
        %parallel_loop3A_867 = arith.andi %parallel_loop3A_861, %parallel_loop3A_866 : vector<16xi32>
        %parallel_loop3A_868 = vector.bitcast %parallel_loop3A_867 : vector<16xi32> to vector<16xf32>
        %parallel_loop3A_869 = arith.addf %parallel_loop3A_829, %parallel_loop3A_841 : vector<16xf32>
        %parallel_loop3A_870 = arith.addf %parallel_loop3A_853, %parallel_loop3A_865 : vector<16xf32>
        %parallel_loop3A_871 = arith.addf %parallel_loop3A_869, %parallel_loop3A_870 : vector<16xf32>
        %parallel_loop3A_872 = arith.index_cast %parallel_loop3A_126 : i32 to index
        %parallel_loop3A_873 = arith.constant 384 : index
        %parallel_loop3A_874 = tpu.vector_load %arg17[%parallel_loop3A_872, %parallel_loop3A_873] {strides = array<i32>} : memref<16x768xf32, #tpu.memory_space<vmem>>, vector<16xf32>,
        tpu.vector_store %arg17[%parallel_loop3A_872, %parallel_loop3A_873], %parallel_loop3A_871 {strides = array<i32>} : memref<16x768xf32, #tpu.memory_space<vmem>>, vector<16xf32>,
        %parallel_loop3A_875 = arith.addf %parallel_loop3A_832, %parallel_loop3A_844 : vector<16xf32>
        %parallel_loop3A_876 = arith.addf %parallel_loop3A_856, %parallel_loop3A_868 : vector<16xf32>
        %parallel_loop3A_877 = arith.addf %parallel_loop3A_875, %parallel_loop3A_876 : vector<16xf32>
        %parallel_loop3A_878 = arith.index_cast %parallel_loop3A_126 : i32 to index
        %parallel_loop3A_879 = arith.constant 400 : index
        %parallel_loop3A_880 = tpu.vector_load %arg17[%parallel_loop3A_878, %parallel_loop3A_879] {strides = array<i32>} : memref<16x768xf32, #tpu.memory_space<vmem>>, vector<16xf32>,
        tpu.vector_store %arg17[%parallel_loop3A_878, %parallel_loop3A_879], %parallel_loop3A_877 {strides = array<i32>} : memref<16x768xf32, #tpu.memory_space<vmem>>, vector<16xf32>,
        %parallel_loop3A_881 = arith.index_cast %parallel_loop3A_126 : i32 to index
        %parallel_loop3A_882 = arith.constant 208 : index
        %parallel_loop3A_883 = tpu.vector_load %arg15[%parallel_loop3A_881, %parallel_loop3A_882] {strides = array<i32>} : memref<64x384xi32, #tpu.memory_space<vmem>>, vector<16xi32>,
        %parallel_loop3A_884 = arith.constant 16 : i32
        %parallel_loop3A_885 = vector.broadcast %parallel_loop3A_884 : i32 to vector<16xi32>
        %parallel_loop3A_886 = arith.shli %parallel_loop3A_883, %parallel_loop3A_885 : vector<16xi32>
        %parallel_loop3A_887 = vector.bitcast %parallel_loop3A_886 : vector<16xi32> to vector<16xf32>
        %parallel_loop3A_888 = vector.broadcast %parallel_loop3A_116 : i32 to vector<16xi32>
        %parallel_loop3A_889 = arith.andi %parallel_loop3A_883, %parallel_loop3A_888 : vector<16xi32>
        %parallel_loop3A_890 = vector.bitcast %parallel_loop3A_889 : vector<16xi32> to vector<16xf32>
        %parallel_loop3A_891 = arith.constant 16 : i32
        %parallel_loop3A_892 = arith.addi %parallel_loop3A_891, %parallel_loop3A_126 : i32
        %parallel_loop3A_893 = arith.index_cast %parallel_loop3A_892 : i32 to index
        %parallel_loop3A_894 = arith.constant 208 : index
        %parallel_loop3A_895 = tpu.vector_load %arg15[%parallel_loop3A_893, %parallel_loop3A_894] {strides = array<i32>} : memref<64x384xi32, #tpu.memory_space<vmem>>, vector<16xi32>,
        %parallel_loop3A_896 = arith.constant 16 : i32
        %parallel_loop3A_897 = vector.broadcast %parallel_loop3A_896 : i32 to vector<16xi32>
        %parallel_loop3A_898 = arith.shli %parallel_loop3A_895, %parallel_loop3A_897 : vector<16xi32>
        %parallel_loop3A_899 = vector.bitcast %parallel_loop3A_898 : vector<16xi32> to vector<16xf32>
        %parallel_loop3A_900 = vector.broadcast %parallel_loop3A_116 : i32 to vector<16xi32>
        %parallel_loop3A_901 = arith.andi %parallel_loop3A_895, %parallel_loop3A_900 : vector<16xi32>
        %parallel_loop3A_902 = vector.bitcast %parallel_loop3A_901 : vector<16xi32> to vector<16xf32>
        %parallel_loop3A_903 = arith.constant 32 : i32
        %parallel_loop3A_904 = arith.addi %parallel_loop3A_903, %parallel_loop3A_126 : i32
        %parallel_loop3A_905 = arith.index_cast %parallel_loop3A_904 : i32 to index
        %parallel_loop3A_906 = arith.constant 208 : index
        %parallel_loop3A_907 = tpu.vector_load %arg15[%parallel_loop3A_905, %parallel_loop3A_906] {strides = array<i32>} : memref<64x384xi32, #tpu.memory_space<vmem>>, vector<16xi32>,
        %parallel_loop3A_908 = arith.constant 16 : i32
        %parallel_loop3A_909 = vector.broadcast %parallel_loop3A_908 : i32 to vector<16xi32>
        %parallel_loop3A_910 = arith.shli %parallel_loop3A_907, %parallel_loop3A_909 : vector<16xi32>
        %parallel_loop3A_911 = vector.bitcast %parallel_loop3A_910 : vector<16xi32> to vector<16xf32>
        %parallel_loop3A_912 = vector.broadcast %parallel_loop3A_116 : i32 to vector<16xi32>
        %parallel_loop3A_913 = arith.andi %parallel_loop3A_907, %parallel_loop3A_912 : vector<16xi32>
        %parallel_loop3A_914 = vector.bitcast %parallel_loop3A_913 : vector<16xi32> to vector<16xf32>
        %parallel_loop3A_915 = arith.constant 48 : i32
        %parallel_loop3A_916 = arith.addi %parallel_loop3A_915, %parallel_loop3A_126 : i32
        %parallel_loop3A_917 = arith.index_cast %parallel_loop3A_916 : i32 to index
        %parallel_loop3A_918 = arith.constant 208 : index
        %parallel_loop3A_919 = tpu.vector_load %arg15[%parallel_loop3A_917, %parallel_loop3A_918] {strides = array<i32>} : memref<64x384xi32, #tpu.memory_space<vmem>>, vector<16xi32>,
        %parallel_loop3A_920 = arith.constant 16 : i32
        %parallel_loop3A_921 = vector.broadcast %parallel_loop3A_920 : i32 to vector<16xi32>
        %parallel_loop3A_922 = arith.shli %parallel_loop3A_919, %parallel_loop3A_921 : vector<16xi32>
        %parallel_loop3A_923 = vector.bitcast %parallel_loop3A_922 : vector<16xi32> to vector<16xf32>
        %parallel_loop3A_924 = vector.broadcast %parallel_loop3A_116 : i32 to vector<16xi32>
        %parallel_loop3A_925 = arith.andi %parallel_loop3A_919, %parallel_loop3A_924 : vector<16xi32>
        %parallel_loop3A_926 = vector.bitcast %parallel_loop3A_925 : vector<16xi32> to vector<16xf32>
        %parallel_loop3A_927 = arith.addf %parallel_loop3A_887, %parallel_loop3A_899 : vector<16xf32>
        %parallel_loop3A_928 = arith.addf %parallel_loop3A_911, %parallel_loop3A_923 : vector<16xf32>
        %parallel_loop3A_929 = arith.addf %parallel_loop3A_927, %parallel_loop3A_928 : vector<16xf32>
        %parallel_loop3A_930 = arith.index_cast %parallel_loop3A_126 : i32 to index
        %parallel_loop3A_931 = arith.constant 416 : index
        %parallel_loop3A_932 = tpu.vector_load %arg17[%parallel_loop3A_930, %parallel_loop3A_931] {strides = array<i32>} : memref<16x768xf32, #tpu.memory_space<vmem>>, vector<16xf32>,
        tpu.vector_store %arg17[%parallel_loop3A_930, %parallel_loop3A_931], %parallel_loop3A_929 {strides = array<i32>} : memref<16x768xf32, #tpu.memory_space<vmem>>, vector<16xf32>,
        %parallel_loop3A_933 = arith.addf %parallel_loop3A_890, %parallel_loop3A_902 : vector<16xf32>
        %parallel_loop3A_934 = arith.addf %parallel_loop3A_914, %parallel_loop3A_926 : vector<16xf32>
        %parallel_loop3A_935 = arith.addf %parallel_loop3A_933, %parallel_loop3A_934 : vector<16xf32>
        %parallel_loop3A_936 = arith.index_cast %parallel_loop3A_126 : i32 to index
        %parallel_loop3A_937 = arith.constant 432 : index
        %parallel_loop3A_938 = tpu.vector_load %arg17[%parallel_loop3A_936, %parallel_loop3A_937] {strides = array<i32>} : memref<16x768xf32, #tpu.memory_space<vmem>>, vector<16xf32>,
        tpu.vector_store %arg17[%parallel_loop3A_936, %parallel_loop3A_937], %parallel_loop3A_935 {strides = array<i32>} : memref<16x768xf32, #tpu.memory_space<vmem>>, vector<16xf32>,
        %parallel_loop3A_939 = arith.index_cast %parallel_loop3A_126 : i32 to index
        %parallel_loop3A_940 = arith.constant 224 : index
        %parallel_loop3A_941 = tpu.vector_load %arg15[%parallel_loop3A_939, %parallel_loop3A_940] {strides = array<i32>} : memref<64x384xi32, #tpu.memory_space<vmem>>, vector<16xi32>,
        %parallel_loop3A_942 = arith.constant 16 : i32
        %parallel_loop3A_943 = vector.broadcast %parallel_loop3A_942 : i32 to vector<16xi32>
        %parallel_loop3A_944 = arith.shli %parallel_loop3A_941, %parallel_loop3A_943 : vector<16xi32>
        %parallel_loop3A_945 = vector.bitcast %parallel_loop3A_944 : vector<16xi32> to vector<16xf32>
        %parallel_loop3A_946 = vector.broadcast %parallel_loop3A_116 : i32 to vector<16xi32>
        %parallel_loop3A_947 = arith.andi %parallel_loop3A_941, %parallel_loop3A_946 : vector<16xi32>
        %parallel_loop3A_948 = vector.bitcast %parallel_loop3A_947 : vector<16xi32> to vector<16xf32>
        %parallel_loop3A_949 = arith.constant 16 : i32
        %parallel_loop3A_950 = arith.addi %parallel_loop3A_949, %parallel_loop3A_126 : i32
        %parallel_loop3A_951 = arith.index_cast %parallel_loop3A_950 : i32 to index
        %parallel_loop3A_952 = arith.constant 224 : index
        %parallel_loop3A_953 = tpu.vector_load %arg15[%parallel_loop3A_951, %parallel_loop3A_952] {strides = array<i32>} : memref<64x384xi32, #tpu.memory_space<vmem>>, vector<16xi32>,
        %parallel_loop3A_954 = arith.constant 16 : i32
        %parallel_loop3A_955 = vector.broadcast %parallel_loop3A_954 : i32 to vector<16xi32>
        %parallel_loop3A_956 = arith.shli %parallel_loop3A_953, %parallel_loop3A_955 : vector<16xi32>
        %parallel_loop3A_957 = vector.bitcast %parallel_loop3A_956 : vector<16xi32> to vector<16xf32>
        %parallel_loop3A_958 = vector.broadcast %parallel_loop3A_116 : i32 to vector<16xi32>
        %parallel_loop3A_959 = arith.andi %parallel_loop3A_953, %parallel_loop3A_958 : vector<16xi32>
        %parallel_loop3A_960 = vector.bitcast %parallel_loop3A_959 : vector<16xi32> to vector<16xf32>
        %parallel_loop3A_961 = arith.constant 32 : i32
        %parallel_loop3A_962 = arith.addi %parallel_loop3A_961, %parallel_loop3A_126 : i32
        %parallel_loop3A_963 = arith.index_cast %parallel_loop3A_962 : i32 to index
        %parallel_loop3A_964 = arith.constant 224 : index
        %parallel_loop3A_965 = tpu.vector_load %arg15[%parallel_loop3A_963, %parallel_loop3A_964] {strides = array<i32>} : memref<64x384xi32, #tpu.memory_space<vmem>>, vector<16xi32>,
        %parallel_loop3A_966 = arith.constant 16 : i32
        %parallel_loop3A_967 = vector.broadcast %parallel_loop3A_966 : i32 to vector<16xi32>
        %parallel_loop3A_968 = arith.shli %parallel_loop3A_965, %parallel_loop3A_967 : vector<16xi32>
        %parallel_loop3A_969 = vector.bitcast %parallel_loop3A_968 : vector<16xi32> to vector<16xf32>
        %parallel_loop3A_970 = vector.broadcast %parallel_loop3A_116 : i32 to vector<16xi32>
        %parallel_loop3A_971 = arith.andi %parallel_loop3A_965, %parallel_loop3A_970 : vector<16xi32>
        %parallel_loop3A_972 = vector.bitcast %parallel_loop3A_971 : vector<16xi32> to vector<16xf32>
        %parallel_loop3A_973 = arith.constant 48 : i32
        %parallel_loop3A_974 = arith.addi %parallel_loop3A_973, %parallel_loop3A_126 : i32
        %parallel_loop3A_975 = arith.index_cast %parallel_loop3A_974 : i32 to index
        %parallel_loop3A_976 = arith.constant 224 : index
        %parallel_loop3A_977 = tpu.vector_load %arg15[%parallel_loop3A_975, %parallel_loop3A_976] {strides = array<i32>} : memref<64x384xi32, #tpu.memory_space<vmem>>, vector<16xi32>,
        %parallel_loop3A_978 = arith.constant 16 : i32
        %parallel_loop3A_979 = vector.broadcast %parallel_loop3A_978 : i32 to vector<16xi32>
        %parallel_loop3A_980 = arith.shli %parallel_loop3A_977, %parallel_loop3A_979 : vector<16xi32>
        %parallel_loop3A_981 = vector.bitcast %parallel_loop3A_980 : vector<16xi32> to vector<16xf32>
        %parallel_loop3A_982 = vector.broadcast %parallel_loop3A_116 : i32 to vector<16xi32>
        %parallel_loop3A_983 = arith.andi %parallel_loop3A_977, %parallel_loop3A_982 : vector<16xi32>
        %parallel_loop3A_984 = vector.bitcast %parallel_loop3A_983 : vector<16xi32> to vector<16xf32>
        %parallel_loop3A_985 = arith.addf %parallel_loop3A_945, %parallel_loop3A_957 : vector<16xf32>
        %parallel_loop3A_986 = arith.addf %parallel_loop3A_969, %parallel_loop3A_981 : vector<16xf32>
        %parallel_loop3A_987 = arith.addf %parallel_loop3A_985, %parallel_loop3A_986 : vector<16xf32>
        %parallel_loop3A_988 = arith.index_cast %parallel_loop3A_126 : i32 to index
        %parallel_loop3A_989 = arith.constant 448 : index
        %parallel_loop3A_990 = tpu.vector_load %arg17[%parallel_loop3A_988, %parallel_loop3A_989] {strides = array<i32>} : memref<16x768xf32, #tpu.memory_space<vmem>>, vector<16xf32>,
        tpu.vector_store %arg17[%parallel_loop3A_988, %parallel_loop3A_989], %parallel_loop3A_987 {strides = array<i32>} : memref<16x768xf32, #tpu.memory_space<vmem>>, vector<16xf32>,
        %parallel_loop3A_991 = arith.addf %parallel_loop3A_948, %parallel_loop3A_960 : vector<16xf32>
        %parallel_loop3A_992 = arith.addf %parallel_loop3A_972, %parallel_loop3A_984 : vector<16xf32>
        %parallel_loop3A_993 = arith.addf %parallel_loop3A_991, %parallel_loop3A_992 : vector<16xf32>
        %parallel_loop3A_994 = arith.index_cast %parallel_loop3A_126 : i32 to index
        %parallel_loop3A_995 = arith.constant 464 : index
        %parallel_loop3A_996 = tpu.vector_load %arg17[%parallel_loop3A_994, %parallel_loop3A_995] {strides = array<i32>} : memref<16x768xf32, #tpu.memory_space<vmem>>, vector<16xf32>,
        tpu.vector_store %arg17[%parallel_loop3A_994, %parallel_loop3A_995], %parallel_loop3A_993 {strides = array<i32>} : memref<16x768xf32, #tpu.memory_space<vmem>>, vector<16xf32>,
        %parallel_loop3A_997 = arith.index_cast %parallel_loop3A_126 : i32 to index
        %parallel_loop3A_998 = arith.constant 240 : index
        %parallel_loop3A_999 = tpu.vector_load %arg15[%parallel_loop3A_997, %parallel_loop3A_998] {strides = array<i32>} : memref<64x384xi32, #tpu.memory_space<vmem>>, vector<16xi32>,
        %parallel_loop3A_1000 = arith.constant 16 : i32
        %parallel_loop3A_1001 = vector.broadcast %parallel_loop3A_1000 : i32 to vector<16xi32>
        %parallel_loop3A_1002 = arith.shli %parallel_loop3A_999, %parallel_loop3A_1001 : vector<16xi32>
        %parallel_loop3A_1003 = vector.bitcast %parallel_loop3A_1002 : vector<16xi32> to vector<16xf32>
        %parallel_loop3A_1004 = vector.broadcast %parallel_loop3A_116 : i32 to vector<16xi32>
        %parallel_loop3A_1005 = arith.andi %parallel_loop3A_999, %parallel_loop3A_1004 : vector<16xi32>
        %parallel_loop3A_1006 = vector.bitcast %parallel_loop3A_1005 : vector<16xi32> to vector<16xf32>
        %parallel_loop3A_1007 = arith.constant 16 : i32
        %parallel_loop3A_1008 = arith.addi %parallel_loop3A_1007, %parallel_loop3A_126 : i32
        %parallel_loop3A_1009 = arith.index_cast %parallel_loop3A_1008 : i32 to index
        %parallel_loop3A_1010 = arith.constant 240 : index
        %parallel_loop3A_1011 = tpu.vector_load %arg15[%parallel_loop3A_1009, %parallel_loop3A_1010] {strides = array<i32>} : memref<64x384xi32, #tpu.memory_space<vmem>>, vector<16xi32>,
        %parallel_loop3A_1012 = arith.constant 16 : i32
        %parallel_loop3A_1013 = vector.broadcast %parallel_loop3A_1012 : i32 to vector<16xi32>
        %parallel_loop3A_1014 = arith.shli %parallel_loop3A_1011, %parallel_loop3A_1013 : vector<16xi32>
        %parallel_loop3A_1015 = vector.bitcast %parallel_loop3A_1014 : vector<16xi32> to vector<16xf32>
        %parallel_loop3A_1016 = vector.broadcast %parallel_loop3A_116 : i32 to vector<16xi32>
        %parallel_loop3A_1017 = arith.andi %parallel_loop3A_1011, %parallel_loop3A_1016 : vector<16xi32>
        %parallel_loop3A_1018 = vector.bitcast %parallel_loop3A_1017 : vector<16xi32> to vector<16xf32>
        %parallel_loop3A_1019 = arith.constant 32 : i32
        %parallel_loop3A_1020 = arith.addi %parallel_loop3A_1019, %parallel_loop3A_126 : i32
        %parallel_loop3A_1021 = arith.index_cast %parallel_loop3A_1020 : i32 to index
        %parallel_loop3A_1022 = arith.constant 240 : index
        %parallel_loop3A_1023 = tpu.vector_load %arg15[%parallel_loop3A_1021, %parallel_loop3A_1022] {strides = array<i32>} : memref<64x384xi32, #tpu.memory_space<vmem>>, vector<16xi32>,
        %parallel_loop3A_1024 = arith.constant 16 : i32
        %parallel_loop3A_1025 = vector.broadcast %parallel_loop3A_1024 : i32 to vector<16xi32>
        %parallel_loop3A_1026 = arith.shli %parallel_loop3A_1023, %parallel_loop3A_1025 : vector<16xi32>
        %parallel_loop3A_1027 = vector.bitcast %parallel_loop3A_1026 : vector<16xi32> to vector<16xf32>
        %parallel_loop3A_1028 = vector.broadcast %parallel_loop3A_116 : i32 to vector<16xi32>
        %parallel_loop3A_1029 = arith.andi %parallel_loop3A_1023, %parallel_loop3A_1028 : vector<16xi32>
        %parallel_loop3A_1030 = vector.bitcast %parallel_loop3A_1029 : vector<16xi32> to vector<16xf32>
        %parallel_loop3A_1031 = arith.constant 48 : i32
        %parallel_loop3A_1032 = arith.addi %parallel_loop3A_1031, %parallel_loop3A_126 : i32
        %parallel_loop3A_1033 = arith.index_cast %parallel_loop3A_1032 : i32 to index
        %parallel_loop3A_1034 = arith.constant 240 : index
        %parallel_loop3A_1035 = tpu.vector_load %arg15[%parallel_loop3A_1033, %parallel_loop3A_1034] {strides = array<i32>} : memref<64x384xi32, #tpu.memory_space<vmem>>, vector<16xi32>,
        %parallel_loop3A_1036 = arith.constant 16 : i32
        %parallel_loop3A_1037 = vector.broadcast %parallel_loop3A_1036 : i32 to vector<16xi32>
        %parallel_loop3A_1038 = arith.shli %parallel_loop3A_1035, %parallel_loop3A_1037 : vector<16xi32>
        %parallel_loop3A_1039 = vector.bitcast %parallel_loop3A_1038 : vector<16xi32> to vector<16xf32>
        %parallel_loop3A_1040 = vector.broadcast %parallel_loop3A_116 : i32 to vector<16xi32>
        %parallel_loop3A_1041 = arith.andi %parallel_loop3A_1035, %parallel_loop3A_1040 : vector<16xi32>
        %parallel_loop3A_1042 = vector.bitcast %parallel_loop3A_1041 : vector<16xi32> to vector<16xf32>
        %parallel_loop3A_1043 = arith.addf %parallel_loop3A_1003, %parallel_loop3A_1015 : vector<16xf32>
        %parallel_loop3A_1044 = arith.addf %parallel_loop3A_1027, %parallel_loop3A_1039 : vector<16xf32>
        %parallel_loop3A_1045 = arith.addf %parallel_loop3A_1043, %parallel_loop3A_1044 : vector<16xf32>
        %parallel_loop3A_1046 = arith.index_cast %parallel_loop3A_126 : i32 to index
        %parallel_loop3A_1047 = arith.constant 480 : index
        %parallel_loop3A_1048 = tpu.vector_load %arg17[%parallel_loop3A_1046, %parallel_loop3A_1047] {strides = array<i32>} : memref<16x768xf32, #tpu.memory_space<vmem>>, vector<16xf32>,
        tpu.vector_store %arg17[%parallel_loop3A_1046, %parallel_loop3A_1047], %parallel_loop3A_1045 {strides = array<i32>} : memref<16x768xf32, #tpu.memory_space<vmem>>, vector<16xf32>,
        %parallel_loop3A_1049 = arith.addf %parallel_loop3A_1006, %parallel_loop3A_1018 : vector<16xf32>
        %parallel_loop3A_1050 = arith.addf %parallel_loop3A_1030, %parallel_loop3A_1042 : vector<16xf32>
        %parallel_loop3A_1051 = arith.addf %parallel_loop3A_1049, %parallel_loop3A_1050 : vector<16xf32>
        %parallel_loop3A_1052 = arith.index_cast %parallel_loop3A_126 : i32 to index
        %parallel_loop3A_1053 = arith.constant 496 : index
        %parallel_loop3A_1054 = tpu.vector_load %arg17[%parallel_loop3A_1052, %parallel_loop3A_1053] {strides = array<i32>} : memref<16x768xf32, #tpu.memory_space<vmem>>, vector<16xf32>,
        tpu.vector_store %arg17[%parallel_loop3A_1052, %parallel_loop3A_1053], %parallel_loop3A_1051 {strides = array<i32>} : memref<16x768xf32, #tpu.memory_space<vmem>>, vector<16xf32>,
        %parallel_loop3A_1055 = arith.index_cast %parallel_loop3A_126 : i32 to index
        %parallel_loop3A_1056 = arith.constant 256 : index
        %parallel_loop3A_1057 = tpu.vector_load %arg15[%parallel_loop3A_1055, %parallel_loop3A_1056] {strides = array<i32>} : memref<64x384xi32, #tpu.memory_space<vmem>>, vector<16xi32>,
        %parallel_loop3A_1058 = arith.constant 16 : i32
        %parallel_loop3A_1059 = vector.broadcast %parallel_loop3A_1058 : i32 to vector<16xi32>
        %parallel_loop3A_1060 = arith.shli %parallel_loop3A_1057, %parallel_loop3A_1059 : vector<16xi32>
        %parallel_loop3A_1061 = vector.bitcast %parallel_loop3A_1060 : vector<16xi32> to vector<16xf32>
        %parallel_loop3A_1062 = vector.broadcast %parallel_loop3A_116 : i32 to vector<16xi32>
        %parallel_loop3A_1063 = arith.andi %parallel_loop3A_1057, %parallel_loop3A_1062 : vector<16xi32>
        %parallel_loop3A_1064 = vector.bitcast %parallel_loop3A_1063 : vector<16xi32> to vector<16xf32>
        %parallel_loop3A_1065 = arith.constant 16 : i32
        %parallel_loop3A_1066 = arith.addi %parallel_loop3A_1065, %parallel_loop3A_126 : i32
        %parallel_loop3A_1067 = arith.index_cast %parallel_loop3A_1066 : i32 to index
        %parallel_loop3A_1068 = arith.constant 256 : index
        %parallel_loop3A_1069 = tpu.vector_load %arg15[%parallel_loop3A_1067, %parallel_loop3A_1068] {strides = array<i32>} : memref<64x384xi32, #tpu.memory_space<vmem>>, vector<16xi32>,
        %parallel_loop3A_1070 = arith.constant 16 : i32
        %parallel_loop3A_1071 = vector.broadcast %parallel_loop3A_1070 : i32 to vector<16xi32>
        %parallel_loop3A_1072 = arith.shli %parallel_loop3A_1069, %parallel_loop3A_1071 : vector<16xi32>
        %parallel_loop3A_1073 = vector.bitcast %parallel_loop3A_1072 : vector<16xi32> to vector<16xf32>
        %parallel_loop3A_1074 = vector.broadcast %parallel_loop3A_116 : i32 to vector<16xi32>
        %parallel_loop3A_1075 = arith.andi %parallel_loop3A_1069, %parallel_loop3A_1074 : vector<16xi32>
        %parallel_loop3A_1076 = vector.bitcast %parallel_loop3A_1075 : vector<16xi32> to vector<16xf32>
        %parallel_loop3A_1077 = arith.constant 32 : i32
        %parallel_loop3A_1078 = arith.addi %parallel_loop3A_1077, %parallel_loop3A_126 : i32
        %parallel_loop3A_1079 = arith.index_cast %parallel_loop3A_1078 : i32 to index
        %parallel_loop3A_1080 = arith.constant 256 : index
        %parallel_loop3A_1081 = tpu.vector_load %arg15[%parallel_loop3A_1079, %parallel_loop3A_1080] {strides = array<i32>} : memref<64x384xi32, #tpu.memory_space<vmem>>, vector<16xi32>,
        %parallel_loop3A_1082 = arith.constant 16 : i32
        %parallel_loop3A_1083 = vector.broadcast %parallel_loop3A_1082 : i32 to vector<16xi32>
        %parallel_loop3A_1084 = arith.shli %parallel_loop3A_1081, %parallel_loop3A_1083 : vector<16xi32>
        %parallel_loop3A_1085 = vector.bitcast %parallel_loop3A_1084 : vector<16xi32> to vector<16xf32>
        %parallel_loop3A_1086 = vector.broadcast %parallel_loop3A_116 : i32 to vector<16xi32>
        %parallel_loop3A_1087 = arith.andi %parallel_loop3A_1081, %parallel_loop3A_1086 : vector<16xi32>
        %parallel_loop3A_1088 = vector.bitcast %parallel_loop3A_1087 : vector<16xi32> to vector<16xf32>
        %parallel_loop3A_1089 = arith.constant 48 : i32
        %parallel_loop3A_1090 = arith.addi %parallel_loop3A_1089, %parallel_loop3A_126 : i32
        %parallel_loop3A_1091 = arith.index_cast %parallel_loop3A_1090 : i32 to index
        %parallel_loop3A_1092 = arith.constant 256 : index
        %parallel_loop3A_1093 = tpu.vector_load %arg15[%parallel_loop3A_1091, %parallel_loop3A_1092] {strides = array<i32>} : memref<64x384xi32, #tpu.memory_space<vmem>>, vector<16xi32>,
        %parallel_loop3A_1094 = arith.constant 16 : i32
        %parallel_loop3A_1095 = vector.broadcast %parallel_loop3A_1094 : i32 to vector<16xi32>
        %parallel_loop3A_1096 = arith.shli %parallel_loop3A_1093, %parallel_loop3A_1095 : vector<16xi32>
        %parallel_loop3A_1097 = vector.bitcast %parallel_loop3A_1096 : vector<16xi32> to vector<16xf32>
        %parallel_loop3A_1098 = vector.broadcast %parallel_loop3A_116 : i32 to vector<16xi32>
        %parallel_loop3A_1099 = arith.andi %parallel_loop3A_1093, %parallel_loop3A_1098 : vector<16xi32>
        %parallel_loop3A_1100 = vector.bitcast %parallel_loop3A_1099 : vector<16xi32> to vector<16xf32>
        %parallel_loop3A_1101 = arith.addf %parallel_loop3A_1061, %parallel_loop3A_1073 : vector<16xf32>
        %parallel_loop3A_1102 = arith.addf %parallel_loop3A_1085, %parallel_loop3A_1097 : vector<16xf32>
        %parallel_loop3A_1103 = arith.addf %parallel_loop3A_1101, %parallel_loop3A_1102 : vector<16xf32>
        %parallel_loop3A_1104 = arith.index_cast %parallel_loop3A_126 : i32 to index
        %parallel_loop3A_1105 = arith.constant 512 : index
        %parallel_loop3A_1106 = tpu.vector_load %arg17[%parallel_loop3A_1104, %parallel_loop3A_1105] {strides = array<i32>} : memref<16x768xf32, #tpu.memory_space<vmem>>, vector<16xf32>,
        tpu.vector_store %arg17[%parallel_loop3A_1104, %parallel_loop3A_1105], %parallel_loop3A_1103 {strides = array<i32>} : memref<16x768xf32, #tpu.memory_space<vmem>>, vector<16xf32>,
        %parallel_loop3A_1107 = arith.addf %parallel_loop3A_1064, %parallel_loop3A_1076 : vector<16xf32>
        %parallel_loop3A_1108 = arith.addf %parallel_loop3A_1088, %parallel_loop3A_1100 : vector<16xf32>
        %parallel_loop3A_1109 = arith.addf %parallel_loop3A_1107, %parallel_loop3A_1108 : vector<16xf32>
        %parallel_loop3A_1110 = arith.index_cast %parallel_loop3A_126 : i32 to index
        %parallel_loop3A_1111 = arith.constant 528 : index
        %parallel_loop3A_1112 = tpu.vector_load %arg17[%parallel_loop3A_1110, %parallel_loop3A_1111] {strides = array<i32>} : memref<16x768xf32, #tpu.memory_space<vmem>>, vector<16xf32>,
        tpu.vector_store %arg17[%parallel_loop3A_1110, %parallel_loop3A_1111], %parallel_loop3A_1109 {strides = array<i32>} : memref<16x768xf32, #tpu.memory_space<vmem>>, vector<16xf32>,
        %parallel_loop3A_1113 = arith.index_cast %parallel_loop3A_126 : i32 to index
        %parallel_loop3A_1114 = arith.constant 272 : index
        %parallel_loop3A_1115 = tpu.vector_load %arg15[%parallel_loop3A_1113, %parallel_loop3A_1114] {strides = array<i32>} : memref<64x384xi32, #tpu.memory_space<vmem>>, vector<16xi32>,
        %parallel_loop3A_1116 = arith.constant 16 : i32
        %parallel_loop3A_1117 = vector.broadcast %parallel_loop3A_1116 : i32 to vector<16xi32>
        %parallel_loop3A_1118 = arith.shli %parallel_loop3A_1115, %parallel_loop3A_1117 : vector<16xi32>
        %parallel_loop3A_1119 = vector.bitcast %parallel_loop3A_1118 : vector<16xi32> to vector<16xf32>
        %parallel_loop3A_1120 = vector.broadcast %parallel_loop3A_116 : i32 to vector<16xi32>
        %parallel_loop3A_1121 = arith.andi %parallel_loop3A_1115, %parallel_loop3A_1120 : vector<16xi32>
        %parallel_loop3A_1122 = vector.bitcast %parallel_loop3A_1121 : vector<16xi32> to vector<16xf32>
        %parallel_loop3A_1123 = arith.constant 16 : i32
        %parallel_loop3A_1124 = arith.addi %parallel_loop3A_1123, %parallel_loop3A_126 : i32
        %parallel_loop3A_1125 = arith.index_cast %parallel_loop3A_1124 : i32 to index
        %parallel_loop3A_1126 = arith.constant 272 : index
        %parallel_loop3A_1127 = tpu.vector_load %arg15[%parallel_loop3A_1125, %parallel_loop3A_1126] {strides = array<i32>} : memref<64x384xi32, #tpu.memory_space<vmem>>, vector<16xi32>,
        %parallel_loop3A_1128 = arith.constant 16 : i32
        %parallel_loop3A_1129 = vector.broadcast %parallel_loop3A_1128 : i32 to vector<16xi32>
        %parallel_loop3A_1130 = arith.shli %parallel_loop3A_1127, %parallel_loop3A_1129 : vector<16xi32>
        %parallel_loop3A_1131 = vector.bitcast %parallel_loop3A_1130 : vector<16xi32> to vector<16xf32>
        %parallel_loop3A_1132 = vector.broadcast %parallel_loop3A_116 : i32 to vector<16xi32>
        %parallel_loop3A_1133 = arith.andi %parallel_loop3A_1127, %parallel_loop3A_1132 : vector<16xi32>
        %parallel_loop3A_1134 = vector.bitcast %parallel_loop3A_1133 : vector<16xi32> to vector<16xf32>
        %parallel_loop3A_1135 = arith.constant 32 : i32
        %parallel_loop3A_1136 = arith.addi %parallel_loop3A_1135, %parallel_loop3A_126 : i32
        %parallel_loop3A_1137 = arith.index_cast %parallel_loop3A_1136 : i32 to index
        %parallel_loop3A_1138 = arith.constant 272 : index
        %parallel_loop3A_1139 = tpu.vector_load %arg15[%parallel_loop3A_1137, %parallel_loop3A_1138] {strides = array<i32>} : memref<64x384xi32, #tpu.memory_space<vmem>>, vector<16xi32>,
        %parallel_loop3A_1140 = arith.constant 16 : i32
        %parallel_loop3A_1141 = vector.broadcast %parallel_loop3A_1140 : i32 to vector<16xi32>
        %parallel_loop3A_1142 = arith.shli %parallel_loop3A_1139, %parallel_loop3A_1141 : vector<16xi32>
        %parallel_loop3A_1143 = vector.bitcast %parallel_loop3A_1142 : vector<16xi32> to vector<16xf32>
        %parallel_loop3A_1144 = vector.broadcast %parallel_loop3A_116 : i32 to vector<16xi32>
        %parallel_loop3A_1145 = arith.andi %parallel_loop3A_1139, %parallel_loop3A_1144 : vector<16xi32>
        %parallel_loop3A_1146 = vector.bitcast %parallel_loop3A_1145 : vector<16xi32> to vector<16xf32>
        %parallel_loop3A_1147 = arith.constant 48 : i32
        %parallel_loop3A_1148 = arith.addi %parallel_loop3A_1147, %parallel_loop3A_126 : i32
        %parallel_loop3A_1149 = arith.index_cast %parallel_loop3A_1148 : i32 to index
        %parallel_loop3A_1150 = arith.constant 272 : index
        %parallel_loop3A_1151 = tpu.vector_load %arg15[%parallel_loop3A_1149, %parallel_loop3A_1150] {strides = array<i32>} : memref<64x384xi32, #tpu.memory_space<vmem>>, vector<16xi32>,
        %parallel_loop3A_1152 = arith.constant 16 : i32
        %parallel_loop3A_1153 = vector.broadcast %parallel_loop3A_1152 : i32 to vector<16xi32>
        %parallel_loop3A_1154 = arith.shli %parallel_loop3A_1151, %parallel_loop3A_1153 : vector<16xi32>
        %parallel_loop3A_1155 = vector.bitcast %parallel_loop3A_1154 : vector<16xi32> to vector<16xf32>
        %parallel_loop3A_1156 = vector.broadcast %parallel_loop3A_116 : i32 to vector<16xi32>
        %parallel_loop3A_1157 = arith.andi %parallel_loop3A_1151, %parallel_loop3A_1156 : vector<16xi32>
        %parallel_loop3A_1158 = vector.bitcast %parallel_loop3A_1157 : vector<16xi32> to vector<16xf32>
        %parallel_loop3A_1159 = arith.addf %parallel_loop3A_1119, %parallel_loop3A_1131 : vector<16xf32>
        %parallel_loop3A_1160 = arith.addf %parallel_loop3A_1143, %parallel_loop3A_1155 : vector<16xf32>
        %parallel_loop3A_1161 = arith.addf %parallel_loop3A_1159, %parallel_loop3A_1160 : vector<16xf32>
        %parallel_loop3A_1162 = arith.index_cast %parallel_loop3A_126 : i32 to index
        %parallel_loop3A_1163 = arith.constant 544 : index
        %parallel_loop3A_1164 = tpu.vector_load %arg17[%parallel_loop3A_1162, %parallel_loop3A_1163] {strides = array<i32>} : memref<16x768xf32, #tpu.memory_space<vmem>>, vector<16xf32>,
        tpu.vector_store %arg17[%parallel_loop3A_1162, %parallel_loop3A_1163], %parallel_loop3A_1161 {strides = array<i32>} : memref<16x768xf32, #tpu.memory_space<vmem>>, vector<16xf32>,
        %parallel_loop3A_1165 = arith.addf %parallel_loop3A_1122, %parallel_loop3A_1134 : vector<16xf32>
        %parallel_loop3A_1166 = arith.addf %parallel_loop3A_1146, %parallel_loop3A_1158 : vector<16xf32>
        %parallel_loop3A_1167 = arith.addf %parallel_loop3A_1165, %parallel_loop3A_1166 : vector<16xf32>
        %parallel_loop3A_1168 = arith.index_cast %parallel_loop3A_126 : i32 to index
        %parallel_loop3A_1169 = arith.constant 560 : index
        %parallel_loop3A_1170 = tpu.vector_load %arg17[%parallel_loop3A_1168, %parallel_loop3A_1169] {strides = array<i32>} : memref<16x768xf32, #tpu.memory_space<vmem>>, vector<16xf32>,
        tpu.vector_store %arg17[%parallel_loop3A_1168, %parallel_loop3A_1169], %parallel_loop3A_1167 {strides = array<i32>} : memref<16x768xf32, #tpu.memory_space<vmem>>, vector<16xf32>,
        %parallel_loop3A_1171 = arith.index_cast %parallel_loop3A_126 : i32 to index
        %parallel_loop3A_1172 = arith.constant 288 : index
        %parallel_loop3A_1173 = tpu.vector_load %arg15[%parallel_loop3A_1171, %parallel_loop3A_1172] {strides = array<i32>} : memref<64x384xi32, #tpu.memory_space<vmem>>, vector<16xi32>,
        %parallel_loop3A_1174 = arith.constant 16 : i32
        %parallel_loop3A_1175 = vector.broadcast %parallel_loop3A_1174 : i32 to vector<16xi32>
        %parallel_loop3A_1176 = arith.shli %parallel_loop3A_1173, %parallel_loop3A_1175 : vector<16xi32>
        %parallel_loop3A_1177 = vector.bitcast %parallel_loop3A_1176 : vector<16xi32> to vector<16xf32>
        %parallel_loop3A_1178 = vector.broadcast %parallel_loop3A_116 : i32 to vector<16xi32>
        %parallel_loop3A_1179 = arith.andi %parallel_loop3A_1173, %parallel_loop3A_1178 : vector<16xi32>
        %parallel_loop3A_1180 = vector.bitcast %parallel_loop3A_1179 : vector<16xi32> to vector<16xf32>
        %parallel_loop3A_1181 = arith.constant 16 : i32
        %parallel_loop3A_1182 = arith.addi %parallel_loop3A_1181, %parallel_loop3A_126 : i32
        %parallel_loop3A_1183 = arith.index_cast %parallel_loop3A_1182 : i32 to index
        %parallel_loop3A_1184 = arith.constant 288 : index
        %parallel_loop3A_1185 = tpu.vector_load %arg15[%parallel_loop3A_1183, %parallel_loop3A_1184] {strides = array<i32>} : memref<64x384xi32, #tpu.memory_space<vmem>>, vector<16xi32>,
        %parallel_loop3A_1186 = arith.constant 16 : i32
        %parallel_loop3A_1187 = vector.broadcast %parallel_loop3A_1186 : i32 to vector<16xi32>
        %parallel_loop3A_1188 = arith.shli %parallel_loop3A_1185, %parallel_loop3A_1187 : vector<16xi32>
        %parallel_loop3A_1189 = vector.bitcast %parallel_loop3A_1188 : vector<16xi32> to vector<16xf32>
        %parallel_loop3A_1190 = vector.broadcast %parallel_loop3A_116 : i32 to vector<16xi32>
        %parallel_loop3A_1191 = arith.andi %parallel_loop3A_1185, %parallel_loop3A_1190 : vector<16xi32>
        %parallel_loop3A_1192 = vector.bitcast %parallel_loop3A_1191 : vector<16xi32> to vector<16xf32>
        %parallel_loop3A_1193 = arith.constant 32 : i32
        %parallel_loop3A_1194 = arith.addi %parallel_loop3A_1193, %parallel_loop3A_126 : i32
        %parallel_loop3A_1195 = arith.index_cast %parallel_loop3A_1194 : i32 to index
        %parallel_loop3A_1196 = arith.constant 288 : index
        %parallel_loop3A_1197 = tpu.vector_load %arg15[%parallel_loop3A_1195, %parallel_loop3A_1196] {strides = array<i32>} : memref<64x384xi32, #tpu.memory_space<vmem>>, vector<16xi32>,
        %parallel_loop3A_1198 = arith.constant 16 : i32
        %parallel_loop3A_1199 = vector.broadcast %parallel_loop3A_1198 : i32 to vector<16xi32>
        %parallel_loop3A_1200 = arith.shli %parallel_loop3A_1197, %parallel_loop3A_1199 : vector<16xi32>
        %parallel_loop3A_1201 = vector.bitcast %parallel_loop3A_1200 : vector<16xi32> to vector<16xf32>
        %parallel_loop3A_1202 = vector.broadcast %parallel_loop3A_116 : i32 to vector<16xi32>
        %parallel_loop3A_1203 = arith.andi %parallel_loop3A_1197, %parallel_loop3A_1202 : vector<16xi32>
        %parallel_loop3A_1204 = vector.bitcast %parallel_loop3A_1203 : vector<16xi32> to vector<16xf32>
        %parallel_loop3A_1205 = arith.constant 48 : i32
        %parallel_loop3A_1206 = arith.addi %parallel_loop3A_1205, %parallel_loop3A_126 : i32
        %parallel_loop3A_1207 = arith.index_cast %parallel_loop3A_1206 : i32 to index
        %parallel_loop3A_1208 = arith.constant 288 : index
        %parallel_loop3A_1209 = tpu.vector_load %arg15[%parallel_loop3A_1207, %parallel_loop3A_1208] {strides = array<i32>} : memref<64x384xi32, #tpu.memory_space<vmem>>, vector<16xi32>,
        %parallel_loop3A_1210 = arith.constant 16 : i32
        %parallel_loop3A_1211 = vector.broadcast %parallel_loop3A_1210 : i32 to vector<16xi32>
        %parallel_loop3A_1212 = arith.shli %parallel_loop3A_1209, %parallel_loop3A_1211 : vector<16xi32>
        %parallel_loop3A_1213 = vector.bitcast %parallel_loop3A_1212 : vector<16xi32> to vector<16xf32>
        %parallel_loop3A_1214 = vector.broadcast %parallel_loop3A_116 : i32 to vector<16xi32>
        %parallel_loop3A_1215 = arith.andi %parallel_loop3A_1209, %parallel_loop3A_1214 : vector<16xi32>
        %parallel_loop3A_1216 = vector.bitcast %parallel_loop3A_1215 : vector<16xi32> to vector<16xf32>
        %parallel_loop3A_1217 = arith.addf %parallel_loop3A_1177, %parallel_loop3A_1189 : vector<16xf32>
        %parallel_loop3A_1218 = arith.addf %parallel_loop3A_1201, %parallel_loop3A_1213 : vector<16xf32>
        %parallel_loop3A_1219 = arith.addf %parallel_loop3A_1217, %parallel_loop3A_1218 : vector<16xf32>
        %parallel_loop3A_1220 = arith.index_cast %parallel_loop3A_126 : i32 to index
        %parallel_loop3A_1221 = arith.constant 576 : index
        %parallel_loop3A_1222 = tpu.vector_load %arg17[%parallel_loop3A_1220, %parallel_loop3A_1221] {strides = array<i32>} : memref<16x768xf32, #tpu.memory_space<vmem>>, vector<16xf32>,
        tpu.vector_store %arg17[%parallel_loop3A_1220, %parallel_loop3A_1221], %parallel_loop3A_1219 {strides = array<i32>} : memref<16x768xf32, #tpu.memory_space<vmem>>, vector<16xf32>,
        %parallel_loop3A_1223 = arith.addf %parallel_loop3A_1180, %parallel_loop3A_1192 : vector<16xf32>
        %parallel_loop3A_1224 = arith.addf %parallel_loop3A_1204, %parallel_loop3A_1216 : vector<16xf32>
        %parallel_loop3A_1225 = arith.addf %parallel_loop3A_1223, %parallel_loop3A_1224 : vector<16xf32>
        %parallel_loop3A_1226 = arith.index_cast %parallel_loop3A_126 : i32 to index
        %parallel_loop3A_1227 = arith.constant 592 : index
        %parallel_loop3A_1228 = tpu.vector_load %arg17[%parallel_loop3A_1226, %parallel_loop3A_1227] {strides = array<i32>} : memref<16x768xf32, #tpu.memory_space<vmem>>, vector<16xf32>,
        tpu.vector_store %arg17[%parallel_loop3A_1226, %parallel_loop3A_1227], %parallel_loop3A_1225 {strides = array<i32>} : memref<16x768xf32, #tpu.memory_space<vmem>>, vector<16xf32>,
        %parallel_loop3A_1229 = arith.index_cast %parallel_loop3A_126 : i32 to index
        %parallel_loop3A_1230 = arith.constant 304 : index
        %parallel_loop3A_1231 = tpu.vector_load %arg15[%parallel_loop3A_1229, %parallel_loop3A_1230] {strides = array<i32>} : memref<64x384xi32, #tpu.memory_space<vmem>>, vector<16xi32>,
        %parallel_loop3A_1232 = arith.constant 16 : i32
        %parallel_loop3A_1233 = vector.broadcast %parallel_loop3A_1232 : i32 to vector<16xi32>
        %parallel_loop3A_1234 = arith.shli %parallel_loop3A_1231, %parallel_loop3A_1233 : vector<16xi32>
        %parallel_loop3A_1235 = vector.bitcast %parallel_loop3A_1234 : vector<16xi32> to vector<16xf32>
        %parallel_loop3A_1236 = vector.broadcast %parallel_loop3A_116 : i32 to vector<16xi32>
        %parallel_loop3A_1237 = arith.andi %parallel_loop3A_1231, %parallel_loop3A_1236 : vector<16xi32>
        %parallel_loop3A_1238 = vector.bitcast %parallel_loop3A_1237 : vector<16xi32> to vector<16xf32>
        %parallel_loop3A_1239 = arith.constant 16 : i32
        %parallel_loop3A_1240 = arith.addi %parallel_loop3A_1239, %parallel_loop3A_126 : i32
        %parallel_loop3A_1241 = arith.index_cast %parallel_loop3A_1240 : i32 to index
        %parallel_loop3A_1242 = arith.constant 304 : index
        %parallel_loop3A_1243 = tpu.vector_load %arg15[%parallel_loop3A_1241, %parallel_loop3A_1242] {strides = array<i32>} : memref<64x384xi32, #tpu.memory_space<vmem>>, vector<16xi32>,
        %parallel_loop3A_1244 = arith.constant 16 : i32
        %parallel_loop3A_1245 = vector.broadcast %parallel_loop3A_1244 : i32 to vector<16xi32>
        %parallel_loop3A_1246 = arith.shli %parallel_loop3A_1243, %parallel_loop3A_1245 : vector<16xi32>
        %parallel_loop3A_1247 = vector.bitcast %parallel_loop3A_1246 : vector<16xi32> to vector<16xf32>
        %parallel_loop3A_1248 = vector.broadcast %parallel_loop3A_116 : i32 to vector<16xi32>
        %parallel_loop3A_1249 = arith.andi %parallel_loop3A_1243, %parallel_loop3A_1248 : vector<16xi32>
        %parallel_loop3A_1250 = vector.bitcast %parallel_loop3A_1249 : vector<16xi32> to vector<16xf32>
        %parallel_loop3A_1251 = arith.constant 32 : i32
        %parallel_loop3A_1252 = arith.addi %parallel_loop3A_1251, %parallel_loop3A_126 : i32
        %parallel_loop3A_1253 = arith.index_cast %parallel_loop3A_1252 : i32 to index
        %parallel_loop3A_1254 = arith.constant 304 : index
        %parallel_loop3A_1255 = tpu.vector_load %arg15[%parallel_loop3A_1253, %parallel_loop3A_1254] {strides = array<i32>} : memref<64x384xi32, #tpu.memory_space<vmem>>, vector<16xi32>,
        %parallel_loop3A_1256 = arith.constant 16 : i32
        %parallel_loop3A_1257 = vector.broadcast %parallel_loop3A_1256 : i32 to vector<16xi32>
        %parallel_loop3A_1258 = arith.shli %parallel_loop3A_1255, %parallel_loop3A_1257 : vector<16xi32>
        %parallel_loop3A_1259 = vector.bitcast %parallel_loop3A_1258 : vector<16xi32> to vector<16xf32>
        %parallel_loop3A_1260 = vector.broadcast %parallel_loop3A_116 : i32 to vector<16xi32>
        %parallel_loop3A_1261 = arith.andi %parallel_loop3A_1255, %parallel_loop3A_1260 : vector<16xi32>
        %parallel_loop3A_1262 = vector.bitcast %parallel_loop3A_1261 : vector<16xi32> to vector<16xf32>
        %parallel_loop3A_1263 = arith.constant 48 : i32
        %parallel_loop3A_1264 = arith.addi %parallel_loop3A_1263, %parallel_loop3A_126 : i32
        %parallel_loop3A_1265 = arith.index_cast %parallel_loop3A_1264 : i32 to index
        %parallel_loop3A_1266 = arith.constant 304 : index
        %parallel_loop3A_1267 = tpu.vector_load %arg15[%parallel_loop3A_1265, %parallel_loop3A_1266] {strides = array<i32>} : memref<64x384xi32, #tpu.memory_space<vmem>>, vector<16xi32>,
        %parallel_loop3A_1268 = arith.constant 16 : i32
        %parallel_loop3A_1269 = vector.broadcast %parallel_loop3A_1268 : i32 to vector<16xi32>
        %parallel_loop3A_1270 = arith.shli %parallel_loop3A_1267, %parallel_loop3A_1269 : vector<16xi32>
        %parallel_loop3A_1271 = vector.bitcast %parallel_loop3A_1270 : vector<16xi32> to vector<16xf32>
        %parallel_loop3A_1272 = vector.broadcast %parallel_loop3A_116 : i32 to vector<16xi32>
        %parallel_loop3A_1273 = arith.andi %parallel_loop3A_1267, %parallel_loop3A_1272 : vector<16xi32>
        %parallel_loop3A_1274 = vector.bitcast %parallel_loop3A_1273 : vector<16xi32> to vector<16xf32>
        %parallel_loop3A_1275 = arith.addf %parallel_loop3A_1235, %parallel_loop3A_1247 : vector<16xf32>
        %parallel_loop3A_1276 = arith.addf %parallel_loop3A_1259, %parallel_loop3A_1271 : vector<16xf32>
        %parallel_loop3A_1277 = arith.addf %parallel_loop3A_1275, %parallel_loop3A_1276 : vector<16xf32>
        %parallel_loop3A_1278 = arith.index_cast %parallel_loop3A_126 : i32 to index
        %parallel_loop3A_1279 = arith.constant 608 : index
        %parallel_loop3A_1280 = tpu.vector_load %arg17[%parallel_loop3A_1278, %parallel_loop3A_1279] {strides = array<i32>} : memref<16x768xf32, #tpu.memory_space<vmem>>, vector<16xf32>,
        tpu.vector_store %arg17[%parallel_loop3A_1278, %parallel_loop3A_1279], %parallel_loop3A_1277 {strides = array<i32>} : memref<16x768xf32, #tpu.memory_space<vmem>>, vector<16xf32>,
        %parallel_loop3A_1281 = arith.addf %parallel_loop3A_1238, %parallel_loop3A_1250 : vector<16xf32>
        %parallel_loop3A_1282 = arith.addf %parallel_loop3A_1262, %parallel_loop3A_1274 : vector<16xf32>
        %parallel_loop3A_1283 = arith.addf %parallel_loop3A_1281, %parallel_loop3A_1282 : vector<16xf32>
        %parallel_loop3A_1284 = arith.index_cast %parallel_loop3A_126 : i32 to index
        %parallel_loop3A_1285 = arith.constant 624 : index
        %parallel_loop3A_1286 = tpu.vector_load %arg17[%parallel_loop3A_1284, %parallel_loop3A_1285] {strides = array<i32>} : memref<16x768xf32, #tpu.memory_space<vmem>>, vector<16xf32>,
        tpu.vector_store %arg17[%parallel_loop3A_1284, %parallel_loop3A_1285], %parallel_loop3A_1283 {strides = array<i32>} : memref<16x768xf32, #tpu.memory_space<vmem>>, vector<16xf32>,
        %parallel_loop3A_1287 = arith.index_cast %parallel_loop3A_126 : i32 to index
        %parallel_loop3A_1288 = arith.constant 320 : index
        %parallel_loop3A_1289 = tpu.vector_load %arg15[%parallel_loop3A_1287, %parallel_loop3A_1288] {strides = array<i32>} : memref<64x384xi32, #tpu.memory_space<vmem>>, vector<16xi32>,
        %parallel_loop3A_1290 = arith.constant 16 : i32
        %parallel_loop3A_1291 = vector.broadcast %parallel_loop3A_1290 : i32 to vector<16xi32>
        %parallel_loop3A_1292 = arith.shli %parallel_loop3A_1289, %parallel_loop3A_1291 : vector<16xi32>
        %parallel_loop3A_1293 = vector.bitcast %parallel_loop3A_1292 : vector<16xi32> to vector<16xf32>
        %parallel_loop3A_1294 = vector.broadcast %parallel_loop3A_116 : i32 to vector<16xi32>
        %parallel_loop3A_1295 = arith.andi %parallel_loop3A_1289, %parallel_loop3A_1294 : vector<16xi32>
        %parallel_loop3A_1296 = vector.bitcast %parallel_loop3A_1295 : vector<16xi32> to vector<16xf32>
        %parallel_loop3A_1297 = arith.constant 16 : i32
        %parallel_loop3A_1298 = arith.addi %parallel_loop3A_1297, %parallel_loop3A_126 : i32
        %parallel_loop3A_1299 = arith.index_cast %parallel_loop3A_1298 : i32 to index
        %parallel_loop3A_1300 = arith.constant 320 : index
        %parallel_loop3A_1301 = tpu.vector_load %arg15[%parallel_loop3A_1299, %parallel_loop3A_1300] {strides = array<i32>} : memref<64x384xi32, #tpu.memory_space<vmem>>, vector<16xi32>,
        %parallel_loop3A_1302 = arith.constant 16 : i32
        %parallel_loop3A_1303 = vector.broadcast %parallel_loop3A_1302 : i32 to vector<16xi32>
        %parallel_loop3A_1304 = arith.shli %parallel_loop3A_1301, %parallel_loop3A_1303 : vector<16xi32>
        %parallel_loop3A_1305 = vector.bitcast %parallel_loop3A_1304 : vector<16xi32> to vector<16xf32>
        %parallel_loop3A_1306 = vector.broadcast %parallel_loop3A_116 : i32 to vector<16xi32>
        %parallel_loop3A_1307 = arith.andi %parallel_loop3A_1301, %parallel_loop3A_1306 : vector<16xi32>
        %parallel_loop3A_1308 = vector.bitcast %parallel_loop3A_1307 : vector<16xi32> to vector<16xf32>
        %parallel_loop3A_1309 = arith.constant 32 : i32
        %parallel_loop3A_1310 = arith.addi %parallel_loop3A_1309, %parallel_loop3A_126 : i32
        %parallel_loop3A_1311 = arith.index_cast %parallel_loop3A_1310 : i32 to index
        %parallel_loop3A_1312 = arith.constant 320 : index
        %parallel_loop3A_1313 = tpu.vector_load %arg15[%parallel_loop3A_1311, %parallel_loop3A_1312] {strides = array<i32>} : memref<64x384xi32, #tpu.memory_space<vmem>>, vector<16xi32>,
        %parallel_loop3A_1314 = arith.constant 16 : i32
        %parallel_loop3A_1315 = vector.broadcast %parallel_loop3A_1314 : i32 to vector<16xi32>
        %parallel_loop3A_1316 = arith.shli %parallel_loop3A_1313, %parallel_loop3A_1315 : vector<16xi32>
        %parallel_loop3A_1317 = vector.bitcast %parallel_loop3A_1316 : vector<16xi32> to vector<16xf32>
        %parallel_loop3A_1318 = vector.broadcast %parallel_loop3A_116 : i32 to vector<16xi32>
        %parallel_loop3A_1319 = arith.andi %parallel_loop3A_1313, %parallel_loop3A_1318 : vector<16xi32>
        %parallel_loop3A_1320 = vector.bitcast %parallel_loop3A_1319 : vector<16xi32> to vector<16xf32>
        %parallel_loop3A_1321 = arith.constant 48 : i32
        %parallel_loop3A_1322 = arith.addi %parallel_loop3A_1321, %parallel_loop3A_126 : i32
        %parallel_loop3A_1323 = arith.index_cast %parallel_loop3A_1322 : i32 to index
        %parallel_loop3A_1324 = arith.constant 320 : index
        %parallel_loop3A_1325 = tpu.vector_load %arg15[%parallel_loop3A_1323, %parallel_loop3A_1324] {strides = array<i32>} : memref<64x384xi32, #tpu.memory_space<vmem>>, vector<16xi32>,
        %parallel_loop3A_1326 = arith.constant 16 : i32
        %parallel_loop3A_1327 = vector.broadcast %parallel_loop3A_1326 : i32 to vector<16xi32>
        %parallel_loop3A_1328 = arith.shli %parallel_loop3A_1325, %parallel_loop3A_1327 : vector<16xi32>
        %parallel_loop3A_1329 = vector.bitcast %parallel_loop3A_1328 : vector<16xi32> to vector<16xf32>
        %parallel_loop3A_1330 = vector.broadcast %parallel_loop3A_116 : i32 to vector<16xi32>
        %parallel_loop3A_1331 = arith.andi %parallel_loop3A_1325, %parallel_loop3A_1330 : vector<16xi32>
        %parallel_loop3A_1332 = vector.bitcast %parallel_loop3A_1331 : vector<16xi32> to vector<16xf32>
        %parallel_loop3A_1333 = arith.addf %parallel_loop3A_1293, %parallel_loop3A_1305 : vector<16xf32>
        %parallel_loop3A_1334 = arith.addf %parallel_loop3A_1317, %parallel_loop3A_1329 : vector<16xf32>
        %parallel_loop3A_1335 = arith.addf %parallel_loop3A_1333, %parallel_loop3A_1334 : vector<16xf32>
        %parallel_loop3A_1336 = arith.index_cast %parallel_loop3A_126 : i32 to index
        %parallel_loop3A_1337 = arith.constant 640 : index
        %parallel_loop3A_1338 = tpu.vector_load %arg17[%parallel_loop3A_1336, %parallel_loop3A_1337] {strides = array<i32>} : memref<16x768xf32, #tpu.memory_space<vmem>>, vector<16xf32>,
        tpu.vector_store %arg17[%parallel_loop3A_1336, %parallel_loop3A_1337], %parallel_loop3A_1335 {strides = array<i32>} : memref<16x768xf32, #tpu.memory_space<vmem>>, vector<16xf32>,
        %parallel_loop3A_1339 = arith.addf %parallel_loop3A_1296, %parallel_loop3A_1308 : vector<16xf32>
        %parallel_loop3A_1340 = arith.addf %parallel_loop3A_1320, %parallel_loop3A_1332 : vector<16xf32>
        %parallel_loop3A_1341 = arith.addf %parallel_loop3A_1339, %parallel_loop3A_1340 : vector<16xf32>
        %parallel_loop3A_1342 = arith.index_cast %parallel_loop3A_126 : i32 to index
        %parallel_loop3A_1343 = arith.constant 656 : index
        %parallel_loop3A_1344 = tpu.vector_load %arg17[%parallel_loop3A_1342, %parallel_loop3A_1343] {strides = array<i32>} : memref<16x768xf32, #tpu.memory_space<vmem>>, vector<16xf32>,
        tpu.vector_store %arg17[%parallel_loop3A_1342, %parallel_loop3A_1343], %parallel_loop3A_1341 {strides = array<i32>} : memref<16x768xf32, #tpu.memory_space<vmem>>, vector<16xf32>,
        %parallel_loop3A_1345 = arith.index_cast %parallel_loop3A_126 : i32 to index
        %parallel_loop3A_1346 = arith.constant 336 : index
        %parallel_loop3A_1347 = tpu.vector_load %arg15[%parallel_loop3A_1345, %parallel_loop3A_1346] {strides = array<i32>} : memref<64x384xi32, #tpu.memory_space<vmem>>, vector<16xi32>,
        %parallel_loop3A_1348 = arith.constant 16 : i32
        %parallel_loop3A_1349 = vector.broadcast %parallel_loop3A_1348 : i32 to vector<16xi32>
        %parallel_loop3A_1350 = arith.shli %parallel_loop3A_1347, %parallel_loop3A_1349 : vector<16xi32>
        %parallel_loop3A_1351 = vector.bitcast %parallel_loop3A_1350 : vector<16xi32> to vector<16xf32>
        %parallel_loop3A_1352 = vector.broadcast %parallel_loop3A_116 : i32 to vector<16xi32>
        %parallel_loop3A_1353 = arith.andi %parallel_loop3A_1347, %parallel_loop3A_1352 : vector<16xi32>
        %parallel_loop3A_1354 = vector.bitcast %parallel_loop3A_1353 : vector<16xi32> to vector<16xf32>
        %parallel_loop3A_1355 = arith.constant 16 : i32
        %parallel_loop3A_1356 = arith.addi %parallel_loop3A_1355, %parallel_loop3A_126 : i32
        %parallel_loop3A_1357 = arith.index_cast %parallel_loop3A_1356 : i32 to index
        %parallel_loop3A_1358 = arith.constant 336 : index
        %parallel_loop3A_1359 = tpu.vector_load %arg15[%parallel_loop3A_1357, %parallel_loop3A_1358] {strides = array<i32>} : memref<64x384xi32, #tpu.memory_space<vmem>>, vector<16xi32>,
        %parallel_loop3A_1360 = arith.constant 16 : i32
        %parallel_loop3A_1361 = vector.broadcast %parallel_loop3A_1360 : i32 to vector<16xi32>
        %parallel_loop3A_1362 = arith.shli %parallel_loop3A_1359, %parallel_loop3A_1361 : vector<16xi32>
        %parallel_loop3A_1363 = vector.bitcast %parallel_loop3A_1362 : vector<16xi32> to vector<16xf32>
        %parallel_loop3A_1364 = vector.broadcast %parallel_loop3A_116 : i32 to vector<16xi32>
        %parallel_loop3A_1365 = arith.andi %parallel_loop3A_1359, %parallel_loop3A_1364 : vector<16xi32>
        %parallel_loop3A_1366 = vector.bitcast %parallel_loop3A_1365 : vector<16xi32> to vector<16xf32>
        %parallel_loop3A_1367 = arith.constant 32 : i32
        %parallel_loop3A_1368 = arith.addi %parallel_loop3A_1367, %parallel_loop3A_126 : i32
        %parallel_loop3A_1369 = arith.index_cast %parallel_loop3A_1368 : i32 to index
        %parallel_loop3A_1370 = arith.constant 336 : index
        %parallel_loop3A_1371 = tpu.vector_load %arg15[%parallel_loop3A_1369, %parallel_loop3A_1370] {strides = array<i32>} : memref<64x384xi32, #tpu.memory_space<vmem>>, vector<16xi32>,
        %parallel_loop3A_1372 = arith.constant 16 : i32
        %parallel_loop3A_1373 = vector.broadcast %parallel_loop3A_1372 : i32 to vector<16xi32>
        %parallel_loop3A_1374 = arith.shli %parallel_loop3A_1371, %parallel_loop3A_1373 : vector<16xi32>
        %parallel_loop3A_1375 = vector.bitcast %parallel_loop3A_1374 : vector<16xi32> to vector<16xf32>
        %parallel_loop3A_1376 = vector.broadcast %parallel_loop3A_116 : i32 to vector<16xi32>
        %parallel_loop3A_1377 = arith.andi %parallel_loop3A_1371, %parallel_loop3A_1376 : vector<16xi32>
        %parallel_loop3A_1378 = vector.bitcast %parallel_loop3A_1377 : vector<16xi32> to vector<16xf32>
        %parallel_loop3A_1379 = arith.constant 48 : i32
        %parallel_loop3A_1380 = arith.addi %parallel_loop3A_1379, %parallel_loop3A_126 : i32
        %parallel_loop3A_1381 = arith.index_cast %parallel_loop3A_1380 : i32 to index
        %parallel_loop3A_1382 = arith.constant 336 : index
        %parallel_loop3A_1383 = tpu.vector_load %arg15[%parallel_loop3A_1381, %parallel_loop3A_1382] {strides = array<i32>} : memref<64x384xi32, #tpu.memory_space<vmem>>, vector<16xi32>,
        %parallel_loop3A_1384 = arith.constant 16 : i32
        %parallel_loop3A_1385 = vector.broadcast %parallel_loop3A_1384 : i32 to vector<16xi32>
        %parallel_loop3A_1386 = arith.shli %parallel_loop3A_1383, %parallel_loop3A_1385 : vector<16xi32>
        %parallel_loop3A_1387 = vector.bitcast %parallel_loop3A_1386 : vector<16xi32> to vector<16xf32>
        %parallel_loop3A_1388 = vector.broadcast %parallel_loop3A_116 : i32 to vector<16xi32>
        %parallel_loop3A_1389 = arith.andi %parallel_loop3A_1383, %parallel_loop3A_1388 : vector<16xi32>
        %parallel_loop3A_1390 = vector.bitcast %parallel_loop3A_1389 : vector<16xi32> to vector<16xf32>
        %parallel_loop3A_1391 = arith.addf %parallel_loop3A_1351, %parallel_loop3A_1363 : vector<16xf32>
        %parallel_loop3A_1392 = arith.addf %parallel_loop3A_1375, %parallel_loop3A_1387 : vector<16xf32>
        %parallel_loop3A_1393 = arith.addf %parallel_loop3A_1391, %parallel_loop3A_1392 : vector<16xf32>
        %parallel_loop3A_1394 = arith.index_cast %parallel_loop3A_126 : i32 to index
        %parallel_loop3A_1395 = arith.constant 672 : index
        %parallel_loop3A_1396 = tpu.vector_load %arg17[%parallel_loop3A_1394, %parallel_loop3A_1395] {strides = array<i32>} : memref<16x768xf32, #tpu.memory_space<vmem>>, vector<16xf32>,
        tpu.vector_store %arg17[%parallel_loop3A_1394, %parallel_loop3A_1395], %parallel_loop3A_1393 {strides = array<i32>} : memref<16x768xf32, #tpu.memory_space<vmem>>, vector<16xf32>,
        %parallel_loop3A_1397 = arith.addf %parallel_loop3A_1354, %parallel_loop3A_1366 : vector<16xf32>
        %parallel_loop3A_1398 = arith.addf %parallel_loop3A_1378, %parallel_loop3A_1390 : vector<16xf32>
        %parallel_loop3A_1399 = arith.addf %parallel_loop3A_1397, %parallel_loop3A_1398 : vector<16xf32>
        %parallel_loop3A_1400 = arith.index_cast %parallel_loop3A_126 : i32 to index
        %parallel_loop3A_1401 = arith.constant 688 : index
        %parallel_loop3A_1402 = tpu.vector_load %arg17[%parallel_loop3A_1400, %parallel_loop3A_1401] {strides = array<i32>} : memref<16x768xf32, #tpu.memory_space<vmem>>, vector<16xf32>,
        tpu.vector_store %arg17[%parallel_loop3A_1400, %parallel_loop3A_1401], %parallel_loop3A_1399 {strides = array<i32>} : memref<16x768xf32, #tpu.memory_space<vmem>>, vector<16xf32>,
        %parallel_loop3A_1403 = arith.index_cast %parallel_loop3A_126 : i32 to index
        %parallel_loop3A_1404 = arith.constant 352 : index
        %parallel_loop3A_1405 = tpu.vector_load %arg15[%parallel_loop3A_1403, %parallel_loop3A_1404] {strides = array<i32>} : memref<64x384xi32, #tpu.memory_space<vmem>>, vector<16xi32>,
        %parallel_loop3A_1406 = arith.constant 16 : i32
        %parallel_loop3A_1407 = vector.broadcast %parallel_loop3A_1406 : i32 to vector<16xi32>
        %parallel_loop3A_1408 = arith.shli %parallel_loop3A_1405, %parallel_loop3A_1407 : vector<16xi32>
        %parallel_loop3A_1409 = vector.bitcast %parallel_loop3A_1408 : vector<16xi32> to vector<16xf32>
        %parallel_loop3A_1410 = vector.broadcast %parallel_loop3A_116 : i32 to vector<16xi32>
        %parallel_loop3A_1411 = arith.andi %parallel_loop3A_1405, %parallel_loop3A_1410 : vector<16xi32>
        %parallel_loop3A_1412 = vector.bitcast %parallel_loop3A_1411 : vector<16xi32> to vector<16xf32>
        %parallel_loop3A_1413 = arith.constant 16 : i32
        %parallel_loop3A_1414 = arith.addi %parallel_loop3A_1413, %parallel_loop3A_126 : i32
        %parallel_loop3A_1415 = arith.index_cast %parallel_loop3A_1414 : i32 to index
        %parallel_loop3A_1416 = arith.constant 352 : index
        %parallel_loop3A_1417 = tpu.vector_load %arg15[%parallel_loop3A_1415, %parallel_loop3A_1416] {strides = array<i32>} : memref<64x384xi32, #tpu.memory_space<vmem>>, vector<16xi32>,
        %parallel_loop3A_1418 = arith.constant 16 : i32
        %parallel_loop3A_1419 = vector.broadcast %parallel_loop3A_1418 : i32 to vector<16xi32>
        %parallel_loop3A_1420 = arith.shli %parallel_loop3A_1417, %parallel_loop3A_1419 : vector<16xi32>
        %parallel_loop3A_1421 = vector.bitcast %parallel_loop3A_1420 : vector<16xi32> to vector<16xf32>
        %parallel_loop3A_1422 = vector.broadcast %parallel_loop3A_116 : i32 to vector<16xi32>
        %parallel_loop3A_1423 = arith.andi %parallel_loop3A_1417, %parallel_loop3A_1422 : vector<16xi32>
        %parallel_loop3A_1424 = vector.bitcast %parallel_loop3A_1423 : vector<16xi32> to vector<16xf32>
        %parallel_loop3A_1425 = arith.constant 32 : i32
        %parallel_loop3A_1426 = arith.addi %parallel_loop3A_1425, %parallel_loop3A_126 : i32
        %parallel_loop3A_1427 = arith.index_cast %parallel_loop3A_1426 : i32 to index
        %parallel_loop3A_1428 = arith.constant 352 : index
        %parallel_loop3A_1429 = tpu.vector_load %arg15[%parallel_loop3A_1427, %parallel_loop3A_1428] {strides = array<i32>} : memref<64x384xi32, #tpu.memory_space<vmem>>, vector<16xi32>,
        %parallel_loop3A_1430 = arith.constant 16 : i32
        %parallel_loop3A_1431 = vector.broadcast %parallel_loop3A_1430 : i32 to vector<16xi32>
        %parallel_loop3A_1432 = arith.shli %parallel_loop3A_1429, %parallel_loop3A_1431 : vector<16xi32>
        %parallel_loop3A_1433 = vector.bitcast %parallel_loop3A_1432 : vector<16xi32> to vector<16xf32>
        %parallel_loop3A_1434 = vector.broadcast %parallel_loop3A_116 : i32 to vector<16xi32>
        %parallel_loop3A_1435 = arith.andi %parallel_loop3A_1429, %parallel_loop3A_1434 : vector<16xi32>
        %parallel_loop3A_1436 = vector.bitcast %parallel_loop3A_1435 : vector<16xi32> to vector<16xf32>
        %parallel_loop3A_1437 = arith.constant 48 : i32
        %parallel_loop3A_1438 = arith.addi %parallel_loop3A_1437, %parallel_loop3A_126 : i32
        %parallel_loop3A_1439 = arith.index_cast %parallel_loop3A_1438 : i32 to index
        %parallel_loop3A_1440 = arith.constant 352 : index
        %parallel_loop3A_1441 = tpu.vector_load %arg15[%parallel_loop3A_1439, %parallel_loop3A_1440] {strides = array<i32>} : memref<64x384xi32, #tpu.memory_space<vmem>>, vector<16xi32>,
        %parallel_loop3A_1442 = arith.constant 16 : i32
        %parallel_loop3A_1443 = vector.broadcast %parallel_loop3A_1442 : i32 to vector<16xi32>
        %parallel_loop3A_1444 = arith.shli %parallel_loop3A_1441, %parallel_loop3A_1443 : vector<16xi32>
        %parallel_loop3A_1445 = vector.bitcast %parallel_loop3A_1444 : vector<16xi32> to vector<16xf32>
        %parallel_loop3A_1446 = vector.broadcast %parallel_loop3A_116 : i32 to vector<16xi32>
        %parallel_loop3A_1447 = arith.andi %parallel_loop3A_1441, %parallel_loop3A_1446 : vector<16xi32>
        %parallel_loop3A_1448 = vector.bitcast %parallel_loop3A_1447 : vector<16xi32> to vector<16xf32>
        %parallel_loop3A_1449 = arith.addf %parallel_loop3A_1409, %parallel_loop3A_1421 : vector<16xf32>
        %parallel_loop3A_1450 = arith.addf %parallel_loop3A_1433, %parallel_loop3A_1445 : vector<16xf32>
        %parallel_loop3A_1451 = arith.addf %parallel_loop3A_1449, %parallel_loop3A_1450 : vector<16xf32>
        %parallel_loop3A_1452 = arith.index_cast %parallel_loop3A_126 : i32 to index
        %parallel_loop3A_1453 = arith.constant 704 : index
        %parallel_loop3A_1454 = tpu.vector_load %arg17[%parallel_loop3A_1452, %parallel_loop3A_1453] {strides = array<i32>} : memref<16x768xf32, #tpu.memory_space<vmem>>, vector<16xf32>,
        tpu.vector_store %arg17[%parallel_loop3A_1452, %parallel_loop3A_1453], %parallel_loop3A_1451 {strides = array<i32>} : memref<16x768xf32, #tpu.memory_space<vmem>>, vector<16xf32>,
        %parallel_loop3A_1455 = arith.addf %parallel_loop3A_1412, %parallel_loop3A_1424 : vector<16xf32>
        %parallel_loop3A_1456 = arith.addf %parallel_loop3A_1436, %parallel_loop3A_1448 : vector<16xf32>
        %parallel_loop3A_1457 = arith.addf %parallel_loop3A_1455, %parallel_loop3A_1456 : vector<16xf32>
        %parallel_loop3A_1458 = arith.index_cast %parallel_loop3A_126 : i32 to index
        %parallel_loop3A_1459 = arith.constant 720 : index
        %parallel_loop3A_1460 = tpu.vector_load %arg17[%parallel_loop3A_1458, %parallel_loop3A_1459] {strides = array<i32>} : memref<16x768xf32, #tpu.memory_space<vmem>>, vector<16xf32>,
        tpu.vector_store %arg17[%parallel_loop3A_1458, %parallel_loop3A_1459], %parallel_loop3A_1457 {strides = array<i32>} : memref<16x768xf32, #tpu.memory_space<vmem>>, vector<16xf32>,
        %parallel_loop3A_1461 = arith.index_cast %parallel_loop3A_126 : i32 to index
        %parallel_loop3A_1462 = arith.constant 368 : index
        %parallel_loop3A_1463 = tpu.vector_load %arg15[%parallel_loop3A_1461, %parallel_loop3A_1462] {strides = array<i32>} : memref<64x384xi32, #tpu.memory_space<vmem>>, vector<16xi32>,
        %parallel_loop3A_1464 = arith.constant 16 : i32
        %parallel_loop3A_1465 = vector.broadcast %parallel_loop3A_1464 : i32 to vector<16xi32>
        %parallel_loop3A_1466 = arith.shli %parallel_loop3A_1463, %parallel_loop3A_1465 : vector<16xi32>
        %parallel_loop3A_1467 = vector.bitcast %parallel_loop3A_1466 : vector<16xi32> to vector<16xf32>
        %parallel_loop3A_1468 = vector.broadcast %parallel_loop3A_116 : i32 to vector<16xi32>
        %parallel_loop3A_1469 = arith.andi %parallel_loop3A_1463, %parallel_loop3A_1468 : vector<16xi32>
        %parallel_loop3A_1470 = vector.bitcast %parallel_loop3A_1469 : vector<16xi32> to vector<16xf32>
        %parallel_loop3A_1471 = arith.constant 16 : i32
        %parallel_loop3A_1472 = arith.addi %parallel_loop3A_1471, %parallel_loop3A_126 : i32
        %parallel_loop3A_1473 = arith.index_cast %parallel_loop3A_1472 : i32 to index
        %parallel_loop3A_1474 = arith.constant 368 : index
        %parallel_loop3A_1475 = tpu.vector_load %arg15[%parallel_loop3A_1473, %parallel_loop3A_1474] {strides = array<i32>} : memref<64x384xi32, #tpu.memory_space<vmem>>, vector<16xi32>,
        %parallel_loop3A_1476 = arith.constant 16 : i32
        %parallel_loop3A_1477 = vector.broadcast %parallel_loop3A_1476 : i32 to vector<16xi32>
        %parallel_loop3A_1478 = arith.shli %parallel_loop3A_1475, %parallel_loop3A_1477 : vector<16xi32>
        %parallel_loop3A_1479 = vector.bitcast %parallel_loop3A_1478 : vector<16xi32> to vector<16xf32>
        %parallel_loop3A_1480 = vector.broadcast %parallel_loop3A_116 : i32 to vector<16xi32>
        %parallel_loop3A_1481 = arith.andi %parallel_loop3A_1475, %parallel_loop3A_1480 : vector<16xi32>
        %parallel_loop3A_1482 = vector.bitcast %parallel_loop3A_1481 : vector<16xi32> to vector<16xf32>
        %parallel_loop3A_1483 = arith.constant 32 : i32
        %parallel_loop3A_1484 = arith.addi %parallel_loop3A_1483, %parallel_loop3A_126 : i32
        %parallel_loop3A_1485 = arith.index_cast %parallel_loop3A_1484 : i32 to index
        %parallel_loop3A_1486 = arith.constant 368 : index
        %parallel_loop3A_1487 = tpu.vector_load %arg15[%parallel_loop3A_1485, %parallel_loop3A_1486] {strides = array<i32>} : memref<64x384xi32, #tpu.memory_space<vmem>>, vector<16xi32>,
        %parallel_loop3A_1488 = arith.constant 16 : i32
        %parallel_loop3A_1489 = vector.broadcast %parallel_loop3A_1488 : i32 to vector<16xi32>
        %parallel_loop3A_1490 = arith.shli %parallel_loop3A_1487, %parallel_loop3A_1489 : vector<16xi32>
        %parallel_loop3A_1491 = vector.bitcast %parallel_loop3A_1490 : vector<16xi32> to vector<16xf32>
        %parallel_loop3A_1492 = vector.broadcast %parallel_loop3A_116 : i32 to vector<16xi32>
        %parallel_loop3A_1493 = arith.andi %parallel_loop3A_1487, %parallel_loop3A_1492 : vector<16xi32>
        %parallel_loop3A_1494 = vector.bitcast %parallel_loop3A_1493 : vector<16xi32> to vector<16xf32>
        %parallel_loop3A_1495 = arith.constant 48 : i32
        %parallel_loop3A_1496 = arith.addi %parallel_loop3A_1495, %parallel_loop3A_126 : i32
        %parallel_loop3A_1497 = arith.index_cast %parallel_loop3A_1496 : i32 to index
        %parallel_loop3A_1498 = arith.constant 368 : index
        %parallel_loop3A_1499 = tpu.vector_load %arg15[%parallel_loop3A_1497, %parallel_loop3A_1498] {strides = array<i32>} : memref<64x384xi32, #tpu.memory_space<vmem>>, vector<16xi32>,
        %parallel_loop3A_1500 = arith.constant 16 : i32
        %parallel_loop3A_1501 = vector.broadcast %parallel_loop3A_1500 : i32 to vector<16xi32>
        %parallel_loop3A_1502 = arith.shli %parallel_loop3A_1499, %parallel_loop3A_1501 : vector<16xi32>
        %parallel_loop3A_1503 = vector.bitcast %parallel_loop3A_1502 : vector<16xi32> to vector<16xf32>
        %parallel_loop3A_1504 = vector.broadcast %parallel_loop3A_116 : i32 to vector<16xi32>
        %parallel_loop3A_1505 = arith.andi %parallel_loop3A_1499, %parallel_loop3A_1504 : vector<16xi32>
        %parallel_loop3A_1506 = vector.bitcast %parallel_loop3A_1505 : vector<16xi32> to vector<16xf32>
        %parallel_loop3A_1507 = arith.addf %parallel_loop3A_1467, %parallel_loop3A_1479 : vector<16xf32>
        %parallel_loop3A_1508 = arith.addf %parallel_loop3A_1491, %parallel_loop3A_1503 : vector<16xf32>
        %parallel_loop3A_1509 = arith.addf %parallel_loop3A_1507, %parallel_loop3A_1508 : vector<16xf32>
        %parallel_loop3A_1510 = arith.index_cast %parallel_loop3A_126 : i32 to index
        %parallel_loop3A_1511 = arith.constant 736 : index
        %parallel_loop3A_1512 = tpu.vector_load %arg17[%parallel_loop3A_1510, %parallel_loop3A_1511] {strides = array<i32>} : memref<16x768xf32, #tpu.memory_space<vmem>>, vector<16xf32>,
        tpu.vector_store %arg17[%parallel_loop3A_1510, %parallel_loop3A_1511], %parallel_loop3A_1509 {strides = array<i32>} : memref<16x768xf32, #tpu.memory_space<vmem>>, vector<16xf32>,
        %parallel_loop3A_1513 = arith.addf %parallel_loop3A_1470, %parallel_loop3A_1482 : vector<16xf32>
        %parallel_loop3A_1514 = arith.addf %parallel_loop3A_1494, %parallel_loop3A_1506 : vector<16xf32>
        %parallel_loop3A_1515 = arith.addf %parallel_loop3A_1513, %parallel_loop3A_1514 : vector<16xf32>
        %parallel_loop3A_1516 = arith.index_cast %parallel_loop3A_126 : i32 to index
        %parallel_loop3A_1517 = arith.constant 752 : index
        %parallel_loop3A_1518 = tpu.vector_load %arg17[%parallel_loop3A_1516, %parallel_loop3A_1517] {strides = array<i32>} : memref<16x768xf32, #tpu.memory_space<vmem>>, vector<16xf32>,
        tpu.vector_store %arg17[%parallel_loop3A_1516, %parallel_loop3A_1517], %parallel_loop3A_1515 {strides = array<i32>} : memref<16x768xf32, #tpu.memory_space<vmem>>, vector<16xf32>,
      } {sc.loop_unroll_factor = 1 : i64, sc.parallel_access}
      %add3A_117 = arith.constant 1 : i32
      %add3A_118 = arith.addi %mul3A_47, %add3A_117 : i32
      %mul3A_119 = arith.constant 16 : i32
      %mul3A_120 = arith.muli %add3A_118, %mul3A_119 : i32
      %add3A_121 = arith.addi %mul3A_2, %mul3A_120 : i32
      %dma_start3A_122 = arith.constant 0 : i32
      %dma_start3A_123 = tpu.memref_slice %arg7[%add3A_121, %dma_start3A_122] : memref<32768x768xf32, #tpu.memory_space<hbm>> -> memref<16x768xf32, #tpu.memory_space<hbm>>
      %dma_start3A_124 = arith.constant 0 : i32
      %dma_start3A_125 = tpu.memref_slice %arg7[%add3A_121, %dma_start3A_124] : memref<32768x768xf32, #tpu.memory_space<hbm>> -> memref<16x768xf32, #tpu.memory_space<hbm>>
      tpu.enqueue_dma source(%arg17 : memref<16x768xf32, #tpu.memory_space<vmem>>) target(%dma_start3A_125 : memref<16x768xf32, #tpu.memory_space<hbm>>) target_semaphore(%arg21 : memref<!tpu.dma_semaphore, #tpu.memory_space<semaphore_mem>>)
    }
    %scan3A_33 = arith.constant 32 : i32
    %add3A_34 = arith.constant 992 : i32
    %add3A_35 = arith.addi %mul3A_2, %add3A_34 : i32
    %dma_wait3A = arith.constant 0 : i32
    %dma_wait3A_36 = tpu.memref_slice %arg7[%add3A_35, %dma_wait3A] : memref<32768x768xf32, #tpu.memory_space<hbm>> -> memref<16x768xf32, #tpu.memory_space<hbm>>
    %dma_wait3A_37 = arith.constant 0 : i32
    %dma_wait3A_38 = tpu.memref_slice %arg7[%add3A_35, %dma_wait3A_37] : memref<32768x768xf32, #tpu.memory_space<hbm>> -> memref<16x768xf32, #tpu.memory_space<hbm>>
    tpu.wait_dma2 semaphore(%arg20 : memref<!tpu.dma_semaphore, #tpu.memory_space<semaphore_mem>>) src(%arg16 : memref<16x768xf32, #tpu.memory_space<vmem>>) dst(%dma_wait3A_38 : memref<16x768xf32, #tpu.memory_space<hbm>>)
    %add3A_39 = arith.constant 1008 : i32
    %add3A_40 = arith.addi %mul3A_2, %add3A_39 : i32
    %dma_wait3A_41 = arith.constant 0 : i32
    %dma_wait3A_42 = tpu.memref_slice %arg7[%add3A_40, %dma_wait3A_41] : memref<32768x768xf32, #tpu.memory_space<hbm>> -> memref<16x768xf32, #tpu.memory_space<hbm>>
    %dma_wait3A_43 = arith.constant 0 : i32
    %dma_wait3A_44 = tpu.memref_slice %arg7[%add3A_40, %dma_wait3A_43] : memref<32768x768xf32, #tpu.memory_space<hbm>> -> memref<16x768xf32, #tpu.memory_space<hbm>>
    tpu.wait_dma2 semaphore(%arg21 : memref<!tpu.dma_semaphore, #tpu.memory_space<semaphore_mem>>) src(%arg17 : memref<16x768xf32, #tpu.memory_space<vmem>>) dst(%dma_wait3A_44 : memref<16x768xf32, #tpu.memory_space<hbm>>)
    return
  }
}

</mosaic_0001>

<sc_bundles>
// kernel: kernel.3.cloned.1.call-start
scs
__scs_entry_jumppad:
0x0: {  	(pc) =	sbr.rel $0x88, $3  }
0x1: {  	(tag) =	ssettag $0x0;
	lr =	simm.s32 $0x1  }
0x2: {  	[smem:$0x3F9C] =	sst lr;
	_ =	strace $0xD0000000  }
0x3: {  	_ = 	snop  }
0x4: {  	_ = 	snop  }
0x5: {  	_ = 	snop  }
0x6: {  	_ = 	snop  }
0x7: {  	_ = 	snop  }
__scs_overlays_trampoline_lowered:
0x8: {  	[smem:$0x3FAB] =	sst s0  }
0x9: {  	[smem:$0x3FAC] =	sst s1  }
0xa: {  	[smem:$0x3FAD] =	sst s2  }
0xb: {  	[smem:$0x3FAE] =	sst s3  }
0xc: {  	[smem:$0x3FAF] =	sst s4  }
0xd: {  	[smem:$0x3FB0] =	sst s5  }
0xe: {  	[smem:$0x3FB1] =	sst s6  }
0xf: {  	[smem:$0x3FB2] =	sst s7  }
0x10: {  	[smem:$0x3FB3] =	sst s8  }
0x11: {  	[smem:$0x3FB4] =	sst s9;
	s0 =	simm.s32 @!p0 $0x0  }
0x12: {  	s1 =	sld [smem:$0x3F9A];
	s0 =	simm.s32 @p0 $0x1  }
0x13: {  	[smem:$0x3FB5] =	sst s0;
	s0 =	simm.s32 @!p1 $0x0  }
0x14: {  	s2 =	sld [smem:$0x3F99];
	s0 =	simm.s32 @p1 $0x1  }
0x15: {  	[smem:$0x3FB6] =	sst s0;
	s0 =	simm.s32 @!p2 $0x0  }
0x16: {  	s3 =	sld [smem:$0x3FDB];
	s0 =	simm.s32 @p2 $0x1  }
0x17: {  	s4 =	simm.s32 $0x1BF5;
	[smem:$0x3FB8] =	sst s0  }
0x18: {  	s0 =	sld [smem:$0x3F9B];
	_ =	swait.ge [sflag:s4], $0x0  }
0x19: {  	s7 =	sld [smem:$0x3F9C]  }
0x1a: {  	s8 =	sadd.s32 $0xFFFFE003, lr  }
0x1b: {  	s9 =	sadd.s32 $0xFFFFFEF7, lr;
	s5 =	simm.s32 $0xFFFFFFFF;
	p2 =	slt.u32 s8, $0xFFFFF086  }
0x1c: {  	p1 =	slt.u32 s9, $0xF7A;
	s5 =	simm.s32 @!p2 $0x0  }
0x1d: {  	s5 =	simm.s32 @p1 $0x1;
	p0 =	seq.s32 s7, s2  }
0x1e: {  	s7 =	smul.u32 @!p0 $0xF7A, s2;
	p2 =	seq.s32 @!p0 s5, $0x0  }
0x1f: {  	s9 =	smul.u32 $0xF7A, s1;
	s8 =	simm.s32 @!p0 $0x1BF5;
	p2 =	por !p2, p0  }
0x20: {  	[sflag:s8] =	ssyncset.s32 @!p0 $0xFFFFF086;
	s6 =	sadd.s32 @!p0 s3, s7;
	s7 =	simm.s32 @!p0 $0x108  }
0x21: {  	s3 =	sadd.s32 s3, s9;
	s6 =	sadd.s32 @!p0 $0x88, s6;
	s7 =	simm.s32 @p2 $0x1082  }
0x22: {  	[simem:s7], [sflag:s8] =	dma.local @!p0 [hbm:s6], $0xF7A  }
0x23: {  	s9 =	sor.u32 $0xD0000000, s2;
	s6 =	simm.s32 $0x108;
	_ =	swait.ge @!p0 [sflag:s8], $0x0  }
0x24: {  	s3 =	sadd.s32 $0x88, s3;
	s6 =	simm.s32 @!p1 $0x1082;
	[sflag:s4] =	ssyncset.s32 $0xFFFFF086  }
0x25: {  	[simem:s6], [sflag:s4] =	dma.local [hbm:s3], $0xF7A  }
0x26: {  	[smem:$0x3F9C] =	sst s1;
	(tag) =	ssettag s2;
	_ =	strace s9  }
0x27: {  	s1 =	sld [smem:$0x3FAC]  }
0x28: {  	s2 =	sld [smem:$0x3FAD]  }
0x29: {  	s4 =	sld [smem:$0x3FAF]  }
0x2a: {  	p0 =	seq.s32 s5, $0x0;
	s5 =	sld [smem:$0x3FB0]  }
0x2b: {  	s6 =	sld [smem:$0x3FB1]  }
0x2c: {  	s7 =	sld [smem:$0x3FB2]  }
0x2d: {  	s3 =	simm.s32 $0x108;
	s8 =	sld [smem:$0x3FB3]  }
0x2e: {  	s3 =	simm.s32 @!p0 $0x1082;
	s9 =	sld [smem:$0x3FB4]  }
0x2f: {  	lr =	sadd.s32 s0, s3;
	s0 =	sld [smem:$0x3FAB]  }
0x30: {  	s3 =	sld [smem:$0x3FAE]  }
0x31: {  	[smem:$0x3FB7] =	sst s10  }
0x32: {  	s10 =	sld [smem:$0x3FB5];
	_ =	sdelay $0x3  }
0x33: {  	p0 =	seq.s32 s10, $0x1;
	s10 =	sld [smem:$0x3FB7];
	_ =	sdelay $0x3  }
0x34: {  	[smem:$0x3FB7] =	sst s10  }
0x35: {  	s10 =	sld [smem:$0x3FB6];
	_ =	sdelay $0x3  }
0x36: {  	p1 =	seq.s32 s10, $0x1;
	s10 =	sld [smem:$0x3FB7];
	_ =	sdelay $0x3  }
0x37: {  	[smem:$0x3FB7] =	sst s10  }
0x38: {  	s10 =	sld [smem:$0x3FB8]  }
0x39: {  	_ = 	snop;
	(pc) =	sbr.ind lr, $3  }
0x3a: {  	_ = 	snop  }
0x3b: {  	_ = 	snop  }
0x3c: {  	p2 =	seq.s32 s10, $0x1;
	s10 =	sld [smem:$0x3FB7]  }
0x3d: {  	_ =	shalt  }
0x3e: {  	_ =	shalt  }
0x3f: {  	_ =	shalt  }
0x40: {  	_ =	shalt  }
0x41: {  	_ =	shalt  }
0x42: {  	_ =	shalt  }
0x43: {  	_ =	shalt  }
0x44: {  	_ =	shalt  }
0x45: {  	_ =	shalt  }
0x46: {  	_ =	shalt  }
0x47: {  	_ =	shalt  }
0x48: {  	_ =	shalt  }
0x49: {  	_ =	shalt  }
0x4a: {  	_ =	shalt  }
0x4b: {  	_ =	shalt  }
0x4c: {  	_ =	shalt  }
0x4d: {  	_ =	shalt  }
0x4e: {  	_ =	shalt  }
0x4f: {  	_ =	shalt  }
0x50: {  	_ =	shalt  }
0x51: {  	_ =	shalt  }
0x52: {  	_ =	shalt  }
0x53: {  	_ =	shalt  }
0x54: {  	_ =	shalt  }
0x55: {  	_ =	shalt  }
0x56: {  	_ =	shalt  }
0x57: {  	_ =	shalt  }
0x58: {  	_ =	shalt  }
0x59: {  	_ =	shalt  }
0x5a: {  	_ =	shalt  }
0x5b: {  	_ =	shalt  }
0x5c: {  	_ =	shalt  }
0x5d: {  	_ =	shalt  }
0x5e: {  	_ =	shalt  }
0x5f: {  	_ =	shalt  }
0x60: {  	_ =	shalt  }
0x61: {  	_ =	shalt  }
0x62: {  	_ =	shalt  }
0x63: {  	_ =	shalt  }
0x64: {  	_ =	shalt  }
0x65: {  	_ =	shalt  }
0x66: {  	_ =	shalt  }
0x67: {  	_ =	shalt  }
0x68: {  	_ =	shalt  }
0x69: {  	_ =	shalt  }
0x6a: {  	_ =	shalt  }
0x6b: {  	_ =	shalt  }
0x6c: {  	_ =	shalt  }
0x6d: {  	_ =	shalt  }
0x6e: {  	_ =	shalt  }
0x6f: {  	_ =	shalt  }
0x70: {  	_ =	shalt  }
0x71: {  	_ =	shalt  }
0x72: {  	_ =	shalt  }
0x73: {  	_ =	shalt  }
0x74: {  	_ =	shalt  }
0x75: {  	_ =	shalt  }
0x76: {  	_ =	shalt  }
0x77: {  	_ =	shalt  }
0x78: {  	_ =	shalt  }
0x79: {  	_ =	shalt  }
0x7a: {  	_ =	shalt  }
0x7b: {  	_ =	shalt  }
0x7c: {  	_ =	shalt  }
0x7d: {  	_ =	shalt  }
0x7e: {  	_ =	shalt  }
0x7f: {  	_ =	shalt  }
0x80: {  	_ =	shalt  }
0x81: {  	_ =	shalt  }
0x82: {  	_ =	shalt  }
0x83: {  	_ =	shalt  }
0x84: {  	_ =	shalt  }
0x85: {  	_ =	shalt  }
0x86: {  	_ =	shalt  }
0x87: {  	_ =	shalt  }
.Lfunc_end0:
.L_simem_size_0:
called_computation_lowered:
.L_overlay_start_0:
0x88: {  	s2 =	sld [smem:$0x3FD9]  }
0x89: {  	s3 =	sld [smem:$0x3FFE];
	_ =	sdelay $0x1  }
0x8a: {  	s1 =	srdreg.scid  }
0x8b: {  	s0 =	sand.u32 $0x1, s1  }
0x8c: {  	s17 =	sshll.u32 s0, $0xA;
	s2 =	sadd.s32 s3, s2  }
0x8d: {  	s2 =	sadd.s32 s2, s17  }
0x8e: {  	[smem:$0x3FC3] =	sst s2  }
0x8f: {  	_ = 	snop  }
0x90: {  	s2 =	sld [smem:$0x3FD0];
	(tm) =	ssettm $0x1  }
0x91: {  	s18 =	sld [smem:$0x3FFB];
	_ =	sdelay $0x3  }
0x92: {  	_ =	strace s18  }
0x93: {  	s3 =	sld [smem:$0x3FFC];
	_ =	sdelay $0x3  }
0x94: {  	_ =	strace s3  }
0x95: {  	s3 =	sld [smem:$0x3FFD];
	_ =	sdelay $0x3  }
0x96: {  	_ =	strace s3  }
0x97: {  	_ =	strace $0x8FFFFFFF  }
0x98: {  	s19 =	sld [smem:$0x3FDB];
	_ =	sdelay $0x1  }
0x99: {  	s4 =	simm.s32 $_scs_section_size  }
0x9a: {  	s5 =	simm.s32 $_size__tile_overlayer_lowered;
	s6 =	simm.s32 $_tile_overlayer_lowered  }
0x9b: {  	s22 =	simm.s32 $0x1BFF;
	s21 =	sshll.u32 s6, $0x1;
	s3 =	sadd.s32 s4, s19  }
0x9c: {  	s7 =	simm.s32 $0x0;
	s20 =	sshll.u32 s5, $0x1;
	s5 =	sadd.s32 s21, s3  }
0x9d: {  	[timem:s7], [sflag:s22] =	dma.local [hbm:s5], s20  }
0x9e: {  	_ =	swait.ge [sflag:s22], s20  }
0x9f: {  	s4 =	ssub.s32 $0x0, s20;
	[sflag:s22] =	ssyncset.done $0x0  }
0xa0: {  	[sflag:s22] =	ssyncadd.s32 s4;
	_ =	sdelay $0x1  }
0xa1: {  	s23 =	simm.s32 $0x1B8B  }
0xa2: {  	_ =	swait.ge [sflag:s23], $0x1  }
0xa3: {  	[sflag:s23] =	ssyncset.done $0x0  }
0xa4: {  	s25 =	simm.s32 $0x1B8E;
	s24 =	sld [smem:$0x3FFE];
	[sflag:s23] =	ssyncadd.s32 $0xFFFFFFFF  }
0xa5: {  	s26 =	simm.s32 $execute0_lowered;
	[smem:$0x3FD2] =	sst s25  }
0xa6: {  	s5 =	sshll.u32 s26, $0x1;
	_ =	strace $0x80000046;
	[dreg:$0x1] =	wrdreg $0xFFFFFFFF  }
0xa7: {  	s28 =	simm.s32 $_size_execute0_lowered;
	s3 =	sadd.s32 s3, s5;
	[dreg:$0x0] =	wrdreg $0x0  }
0xa8: {  	s5 =	sshll.u32 s28, $0x1;
	[dreg:$0x2] =	wrdreg s3  }
0xa9: {  	[dreg:$0x3] =	wrdreg s5  }
0xaa: {  	[dreg:$0x4] =	wrdreg $0xC0  }
0xab: {  	_ =	task [dreg:s7], $0x5FFFF  }
0xac: {  	[dreg:$0x1] =	wrdreg $0xFFFFFFFF  }
0xad: {  	[dreg:$0x0] =	wrdreg $0x60  }
0xae: {  	[dreg:$0x2] =	wrdreg s24  }
0xaf: {  	[dreg:$0x3] =	wrdreg s2  }
0xb0: {  	[dreg:$0x4] =	wrdreg $0x9  }
0xb1: {  	_ =	task.clear_ibuf [dreg:s7], $0x5FFFF;
	_ =	strace $0x90000046  }
0xb2: {  	s29 =	simm.s32 $0x9;
	_ =	strace $0x80000048  }
0xb3: {  	_ =	swait.ge [sflag:s29], $0x1  }
0xb4: {  	[sflag:s29] =	ssyncadd.s32 $0xFFFFFFFF  }
0xb5: {  	_ =	strace $0x90000048  }
0xb6: {  	_ =	sfence  }
0xb7: {  	s30 =	sld [smem:$0x0];
	_ =	sdelay $0x2  }
0xb8: {  	s31 =	sshll.u32 s1, $0xD;
	s1 =	sshrl.u32 s1, $0x2  }
0xb9: {  	s3 =	sand.u32 $0x4000, s31;
	s1 =	sadd.s32 s1, s30  }
0xba: {  	s0 =	sor.u32 s3, s0;
	s1 =	sshll.u32 s1, $0x11  }
0xbb: {  	s0 =	sor.u32 s1, s0  }
0xbc: {  	s0 =	sadd.s32 $0x8F2B, s0  }
0xbd: {  	[sflag:s0] =	ssyncadd.remote.s32 $0x1  }
0xbe: {  	_ =	sfence.sel $0xFFFF  }
0xbf: {  	[dreg:$0x0] =	wrdreg $0xFFFFFFFF;
	(pc) =	sbr.abs _section_cstart, $3  }
0xc0: {  	[dreg:$0x1] =	wrdreg $0xFFFFFFFF  }
0xc1: {  	_ =	task.clear_ibuf [dreg:s7], $0x2FFFF;
	_ =	strace $0x9FFFFFFF  }
0xc2: {  	(tm) =	ssettm $0x7FFFFFFF  }
0xc3: {  	_ =	shalt  }
tec
execute0_lowered:
.L_overlay_start_1:
0x0: {  	(tag) =	ssettag $0x1  }
0x1: {  	s0 =	srdreg.scid  }
0x2: {  	s1 =	rddreg [dreg:$0x0];
	s3 =	stileid.u32  }
0x3: {  	s2 =	rddreg [dreg:$0x1];
	s11 =	simm.s32 $0xA100;
	s12 =	simm.s32 $0xA900  }
0x4: {  	s16 =	simm.s32 $0xAD00;
	s17 =	simm.s32 $0xB500;
	s18 =	simm.s32 $0xB900  }
0x5: {  	s19 =	simm.s32 $0xC100;
	s20 =	simm.s32 $0xC500;
	s21 =	simm.s32 $0xCD00  }
0x6: {  	s22 =	simm.s32 $0x1;
	s23 =	simm.s32 $0xD100;
	s0 =	sand.u32 $0x1, s0  }
0x7: {  	s4 =	sshll.u32 s3, $0xB;
	s5 =	sshll.u32 s0, $0xA;
	s0 =	ssub.s32 $0x2, s0  }
0x8: {  	s24 =	simm.s32 $0x2;
	s4 =	sor.u32 s5, s4;
	s7 =	sshrl.u32 s0, $0x1  }
0x9: {  	s3 =	simm.s32 $0x0;
	s5 =	sshrl.u32 s4, $0x3;
	s0 =	ssub.s32 s0, s7  }
0xa: {  	[smem:$0x7FF] =	sst s3;
	s6 =	sadd.s32 s5, s1;
	s0 =	smax.u32 s0, $0x1  }
0xb: {  	_ =	strace $0x80000047;
	s29 =	sadd.s32 $0x3800, s6;
	[dreg:$0x7] =	wrdreg s0  }
0xc: {  	s25 =	simm.s32 $0x4;
	s30 =	sadd.s32 $0x2800, s6;
	[dreg:$0x3] =	wrdreg s29  }
0xd: {  	v2 =	vlaneseq.u32;
	s26 =	simm.s32 $0x10100;
	s31 =	sadd.s32 $0x1800, s6;
	[dreg:$0x4] =	wrdreg s30  }
0xe: {  	vm0 =	vmmov $0xffff;
	vm1 =	vmmov $0xff;
	s10 =	sadd.s32 $0x4900, s1;
	v1 =	vshrl.u32 v2, $0x3;
	s6 =	sadd.s32 $0x800, s6;
	[dreg:$0x5] =	wrdreg s31  }
0xf: {  	v0 =	vand.u32 $0x7, v2;
	v2 =	vor.u32 $0x8, v2;
	v1 =	vmul.u32 $0x8, v1;
	s5 =	sadd.s32 $0x4800, s1;
	s1 =	simm.s32 $0x0;
	[dreg:$0x6] =	wrdreg s6  }
.LBB2_1:
0x10: {  	[dreg:$0x8] =	wrdreg s1  }
0x11: {  	s0 =	rddreg [dreg:$0x3];
	s30 =	simm.s32 $0x5  }
0x12: {  	[tilespmem:s3], [sflag:$0x5] =	stream.linear.gather [hbm4b:s0+s3], $0x400, $0x38;
	[tilespmem:$0x13100] =	vst v63  }
0x13: {  	_ =	swait.ge [sflag:s30], $0x400  }
0x14: {  	[sflag:s30] =	ssyncset.done $0x0  }
0x15: {  	s6 =	simm.s32 $0x400;
	s31 =	rddreg [dreg:$0x4];
	[sflag:s30] =	ssyncadd.s32 $0xFFFFFC00  }
0x16: {  	[tilespmem:s6], [sflag:$0x5] =	stream.linear.gather [hbm4b:s31+s3], $0x400, $0x38;
	[tilespmem:$0x13100] =	vst v63  }
0x17: {  	_ =	swait.ge [sflag:s30], $0x400  }
0x18: {  	[sflag:s30] =	ssyncset.done $0x0  }
0x19: {  	s8 =	simm.s32 $0x800;
	s7 =	rddreg [dreg:$0x5];
	[sflag:s30] =	ssyncadd.s32 $0xFFFFFC00  }
0x1a: {  	[tilespmem:s8], [sflag:$0x5] =	stream.linear.gather [hbm4b:s7+s3], $0x400, $0x38;
	[tilespmem:$0x13100] =	vst v63  }
0x1b: {  	_ =	swait.ge [sflag:s30], $0x400  }
0x1c: {  	[sflag:s30] =	ssyncset.done $0x0  }
0x1d: {  	s13 =	simm.s32 $0xC00;
	s9 =	rddreg [dreg:$0x6];
	[sflag:s30] =	ssyncadd.s32 $0xFFFFFC00  }
0x1e: {  	[tilespmem:s13], [sflag:$0x5] =	stream.linear.gather [hbm4b:s9+s3], $0x400, $0x38;
	[tilespmem:$0x13100] =	vst v63  }
0x1f: {  	_ =	swait.ge [sflag:s30], $0x400  }
0x20: {  	[sflag:s30] =	ssyncset.done $0x0  }
0x21: {  	[sflag:s30] =	ssyncadd.s32 $0xFFFFFC00  }
0x22: {  	v3 =	vld [tilespmem:$0x0];
	_ =	sdelay $0x4  }
0x23: {  	v4 =	vshrl.u32 v3, $0x3  }
0x24: {  	v5 =	vld [tilespmem:$0x400];
	v4 =	vmul.u32 $0x18, v4  }
0x25: {  	v6 =	vld [tilespmem:$0x800];
	v7 =	vand.u32 $0x7, v3  }
0x26: {  	v8 =	vld [tilespmem:$0xC00];
	v4 =	vor.u32 v7, v4  }
0x27: {  	v7 =	vperm.xlane v4, v0;
	_ =	sdelay $0x1  }
0x28: {  	v7 =	vadd.s32 v1, v7  }
0x29: {  	[tilespmem:$0x1000] =	vst v3;
	v3 =	vsub.s32 v6, v3;
	v60 =	vadd.s32 $0x400, v5  }
0x2a: {  	v5 =	vsub.s32 v8, v5;
	[tilespmem:$0x1010] =	vst v60;
	v3 =	vadd.s32 $0x800, v3;
	v4 =	vperm.xlane v4, v2  }
0x2b: {  	[tilespmem:$0x1020] =	vst v3;
	v3 =	vadd.s32 $0xC00, v5  }
0x2c: {  	s14 =	simm.s32 $0x1100;
	[tilespmem:$0x1030] =	vst v3;
	v3 =	vadd.s32 v1, v4  }
0x2d: {  	[tilespmem:s14], [sflag:$0x1] =	stream.indirect_vreg.gather [hbm4b:s5+s3], $0x80, v7, vm0, $0xb8;
	[tilespmem:$0x13100] =	vst v63  }
0x2e: {  	s15 =	simm.s32 $0x1900  }
0x2f: {  	[tilespmem:s15], [sflag:$0x1] =	stream.indirect_vreg.gather [hbm4b:s10+s3], $0x80, v7, vm1, $0xb8;
	[tilespmem:$0x13100] =	vst v63  }
0x30: {  	s29 =	simm.s32 $0x1D00  }
0x31: {  	[tilespmem:s29], [sflag:$0x1] =	stream.indirect_vreg.gather [hbm4b:s5+s3], $0x80, v3, vm0, $0xb8;
	[tilespmem:$0x13100] =	vst v63  }
0x32: {  	s30 =	simm.s32 $0x2500  }
0x33: {  	[tilespmem:s30], [sflag:$0x1] =	stream.indirect_vreg.gather [hbm4b:s10+s3], $0x80, v3, vm1, $0xb8;
	[tilespmem:$0x13100] =	vst v63  }
0x34: {  	v3 =	vld [tilespmem:$0x1010];
	_ =	sdelay $0x4  }
0x35: {  	v61 =	vshrl.u32 v3, $0x3  }
0x36: {  	v4 =	vmul.u32 $0x18, v61  }
0x37: {  	v3 =	vand.u32 $0x7, v3  }
0x38: {  	v3 =	vor.u32 v3, v4  }
0x39: {  	v4 =	vperm.xlane v3, v0;
	_ =	sdelay $0x1  }
0x3a: {  	v4 =	vadd.s32 v1, v4;
	_ =	sdelay $0x1  }
0x3b: {  	v3 =	vperm.xlane v3, v2;
	_ =	sdelay $0x1  }
0x3c: {  	s31 =	simm.s32 $0x2900;
	v3 =	vadd.s32 v1, v3  }
0x3d: {  	[tilespmem:s31], [sflag:$0x1] =	stream.indirect_vreg.gather [hbm4b:s5+s3], $0x80, v4, vm0, $0xb8;
	[tilespmem:$0x13100] =	vst v63  }
0x3e: {  	s1 =	simm.s32 $0x3100  }
0x3f: {  	[tilespmem:s1], [sflag:$0x1] =	stream.indirect_vreg.gather [hbm4b:s10+s3], $0x80, v4, vm1, $0xb8;
	[tilespmem:$0x13100] =	vst v63  }
0x40: {  	s6 =	simm.s32 $0x3500  }
0x41: {  	[tilespmem:s6], [sflag:$0x1] =	stream.indirect_vreg.gather [hbm4b:s5+s3], $0x80, v3, vm0, $0xb8;
	[tilespmem:$0x13100] =	vst v63  }
0x42: {  	s7 =	simm.s32 $0x3D00  }
0x43: {  	[tilespmem:s7], [sflag:$0x1] =	stream.indirect_vreg.gather [hbm4b:s10+s3], $0x80, v3, vm1, $0xb8;
	[tilespmem:$0x13100] =	vst v63  }
0x44: {  	v3 =	vld [tilespmem:$0x1020];
	_ =	sdelay $0x4  }
0x45: {  	v62 =	vshrl.u32 v3, $0x3  }
0x46: {  	v4 =	vmul.u32 $0x18, v62  }
0x47: {  	v3 =	vand.u32 $0x7, v3  }
0x48: {  	v3 =	vor.u32 v3, v4  }
0x49: {  	v4 =	vperm.xlane v3, v0;
	_ =	sdelay $0x1  }
0x4a: {  	v4 =	vadd.s32 v1, v4;
	_ =	sdelay $0x1  }
0x4b: {  	v3 =	vperm.xlane v3, v2;
	_ =	sdelay $0x1  }
0x4c: {  	s8 =	simm.s32 $0x4100;
	v3 =	vadd.s32 v1, v3  }
0x4d: {  	[tilespmem:s8], [sflag:$0x1] =	stream.indirect_vreg.gather [hbm4b:s5+s3], $0x80, v4, vm0, $0xb8;
	[tilespmem:$0x13100] =	vst v63  }
0x4e: {  	s9 =	simm.s32 $0x4900  }
0x4f: {  	[tilespmem:s9], [sflag:$0x1] =	stream.indirect_vreg.gather [hbm4b:s10+s3], $0x80, v4, vm1, $0xb8;
	[tilespmem:$0x13100] =	vst v63  }
0x50: {  	s13 =	simm.s32 $0x4D00  }
0x51: {  	[tilespmem:s13], [sflag:$0x1] =	stream.indirect_vreg.gather [hbm4b:s5+s3], $0x80, v3, vm0, $0xb8;
	[tilespmem:$0x13100] =	vst v63  }
0x52: {  	s14 =	simm.s32 $0x5500  }
0x53: {  	[tilespmem:s14], [sflag:$0x1] =	stream.indirect_vreg.gather [hbm4b:s10+s3], $0x80, v3, vm1, $0xb8;
	[tilespmem:$0x13100] =	vst v63  }
0x54: {  	v3 =	vld [tilespmem:$0x1030];
	_ =	sdelay $0x4  }
0x55: {  	v63 =	vshrl.u32 v3, $0x3  }
0x56: {  	v4 =	vmul.u32 $0x18, v63  }
0x57: {  	v3 =	vand.u32 $0x7, v3  }
0x58: {  	v3 =	vor.u32 v3, v4  }
0x59: {  	v4 =	vperm.xlane v3, v0;
	_ =	sdelay $0x1  }
0x5a: {  	v4 =	vadd.s32 v1, v4;
	_ =	sdelay $0x1  }
0x5b: {  	v3 =	vperm.xlane v3, v2;
	_ =	sdelay $0x1  }
0x5c: {  	s15 =	simm.s32 $0x5900;
	v3 =	vadd.s32 v1, v3  }
0x5d: {  	[tilespmem:s15], [sflag:$0x1] =	stream.indirect_vreg.gather [hbm4b:s5+s3], $0x80, v4, vm0, $0xb8;
	[tilespmem:$0x13100] =	vst v63  }
0x5e: {  	s29 =	simm.s32 $0x6100  }
0x5f: {  	[tilespmem:s29], [sflag:$0x1] =	stream.indirect_vreg.gather [hbm4b:s10+s3], $0x80, v4, vm1, $0xb8;
	[tilespmem:$0x13100] =	vst v63  }
0x60: {  	s30 =	simm.s32 $0x6500  }
0x61: {  	[tilespmem:s30], [sflag:$0x1] =	stream.indirect_vreg.gather [hbm4b:s5+s3], $0x80, v3, vm0, $0xb8;
	[tilespmem:$0x13100] =	vst v63  }
0x62: {  	s28 =	simm.s32 $0x0;
	s31 =	simm.s32 $0x6D00  }
0x63: {  	[tilespmem:s31], [sflag:$0x1] =	stream.indirect_vreg.gather [hbm4b:s10+s3], $0x80, v3, vm1, $0xb8;
	[tilespmem:$0x13100] =	vst v63  }
.LBB2_2:
0x64: {  	s30 =	sshll.u32 s28, $0x5  }
0x65: {  	v3 =	vld [tilespmem:s30+$0x10]  }
0x66: {  	v4 =	vld [tilespmem:s30+$0x410];
	_ =	sdelay $0x4  }
0x67: {  	[tilespmem:$0x1080] =	vst v3;
	v5 =	vadd.s32 $0x400, v4  }
0x68: {  	[tilespmem:$0x1090] =	vst v5  }
0x69: {  	v5 =	vld [tilespmem:s30+$0x810];
	_ =	sdelay $0x4  }
0x6a: {  	v6 =	vshrl.u32 v3, $0x3;
	v5 =	vsub.s32 v5, v3  }
0x6b: {  	v6 =	vmul.u32 $0x18, v6;
	v5 =	vadd.s32 $0x800, v5  }
0x6c: {  	v3 =	vand.u32 $0x7, v3;
	[tilespmem:$0x10A0] =	vst v5  }
0x6d: {  	v3 =	vor.u32 v3, v6;
	v5 =	vld [tilespmem:s30+$0xC10]  }
0x6e: {  	v6 =	vperm.xlane v3, v0;
	_ =	sdelay $0x1  }
0x6f: {  	v6 =	vadd.s32 v1, v6;
	_ =	sdelay $0x1  }
0x70: {  	v3 =	vperm.xlane v3, v2;
	v4 =	vsub.s32 v5, v4  }
0x71: {  	v4 =	vadd.s32 $0xC00, v4  }
0x72: {  	s0 =	simm.s32 $0x7100;
	v3 =	vadd.s32 v1, v3;
	[tilespmem:$0x10B0] =	vst v4  }
0x73: {  	[tilespmem:s0], [sflag:$0x2] =	stream.indirect_vreg.gather [hbm4b:s5+s3], $0x80, v6, vm0, $0xb8;
	[tilespmem:$0x13100] =	vst v63  }
0x74: {  	s9 =	simm.s32 $0x7900  }
0x75: {  	[tilespmem:s9], [sflag:$0x2] =	stream.indirect_vreg.gather [hbm4b:s10+s3], $0x80, v6, vm1, $0xb8;
	[tilespmem:$0x13100] =	vst v63  }
0x76: {  	s13 =	simm.s32 $0x7D00  }
0x77: {  	[tilespmem:s13], [sflag:$0x2] =	stream.indirect_vreg.gather [hbm4b:s5+s3], $0x80, v3, vm0, $0xb8;
	[tilespmem:$0x13100] =	vst v63  }
0x78: {  	s14 =	simm.s32 $0x8500  }
0x79: {  	[tilespmem:s14], [sflag:$0x2] =	stream.indirect_vreg.gather [hbm4b:s10+s3], $0x80, v3, vm1, $0xb8;
	[tilespmem:$0x13100] =	vst v63  }
0x7a: {  	v3 =	vld [tilespmem:$0x1090];
	_ =	sdelay $0x4  }
0x7b: {  	v4 =	vshrl.u32 v3, $0x3  }
0x7c: {  	v4 =	vmul.u32 $0x18, v4  }
0x7d: {  	v3 =	vand.u32 $0x7, v3  }
0x7e: {  	v3 =	vor.u32 v3, v4  }
0x7f: {  	v4 =	vperm.xlane v3, v0;
	_ =	sdelay $0x1  }
0x80: {  	v4 =	vadd.s32 v1, v4;
	_ =	sdelay $0x1  }
0x81: {  	v3 =	vperm.xlane v3, v2;
	_ =	sdelay $0x1  }
0x82: {  	s15 =	simm.s32 $0x8900;
	v3 =	vadd.s32 v1, v3  }
0x83: {  	[tilespmem:s15], [sflag:$0x2] =	stream.indirect_vreg.gather [hbm4b:s5+s3], $0x80, v4, vm0, $0xb8;
	[tilespmem:$0x13100] =	vst v63  }
0x84: {  	s1 =	simm.s32 $0x9100  }
0x85: {  	[tilespmem:s1], [sflag:$0x2] =	stream.indirect_vreg.gather [hbm4b:s10+s3], $0x80, v4, vm1, $0xb8;
	[tilespmem:$0x13100] =	vst v63  }
0x86: {  	s6 =	simm.s32 $0x9500  }
0x87: {  	[tilespmem:s6], [sflag:$0x2] =	stream.indirect_vreg.gather [hbm4b:s5+s3], $0x80, v3, vm0, $0xb8;
	[tilespmem:$0x13100] =	vst v63  }
0x88: {  	s7 =	simm.s32 $0x9D00  }
0x89: {  	[tilespmem:s7], [sflag:$0x2] =	stream.indirect_vreg.gather [hbm4b:s10+s3], $0x80, v3, vm1, $0xb8;
	[tilespmem:$0x13100] =	vst v63  }
0x8a: {  	v3 =	vld [tilespmem:$0x10A0];
	_ =	sdelay $0x4  }
0x8b: {  	v4 =	vshrl.u32 v3, $0x3  }
0x8c: {  	v4 =	vmul.u32 $0x18, v4  }
0x8d: {  	v3 =	vand.u32 $0x7, v3  }
0x8e: {  	v3 =	vor.u32 v3, v4  }
0x8f: {  	v4 =	vperm.xlane v3, v0;
	_ =	sdelay $0x1  }
0x90: {  	v4 =	vadd.s32 v1, v4;
	_ =	sdelay $0x1  }
0x91: {  	v3 =	vperm.xlane v3, v2;
	_ =	sdelay $0x1  }
0x92: {  	v3 =	vadd.s32 v1, v3  }
0x93: {  	[tilespmem:s11], [sflag:$0x2] =	stream.indirect_vreg.gather [hbm4b:s5+s3], $0x80, v4, vm0, $0xb8;
	[tilespmem:$0x13100] =	vst v63  }
0x94: {  	_ = 	snop  }
0x95: {  	[tilespmem:s12], [sflag:$0x2] =	stream.indirect_vreg.gather [hbm4b:s10+s3], $0x80, v4, vm1, $0xb8;
	[tilespmem:$0x13100] =	vst v63  }
0x96: {  	_ = 	snop  }
0x97: {  	[tilespmem:s16], [sflag:$0x2] =	stream.indirect_vreg.gather [hbm4b:s5+s3], $0x80, v3, vm0, $0xb8;
	[tilespmem:$0x13100] =	vst v63  }
0x98: {  	_ = 	snop  }
0x99: {  	[tilespmem:s17], [sflag:$0x2] =	stream.indirect_vreg.gather [hbm4b:s10+s3], $0x80, v3, vm1, $0xb8;
	[tilespmem:$0x13100] =	vst v63  }
0x9a: {  	v3 =	vld [tilespmem:$0x10B0];
	_ =	sdelay $0x4  }
0x9b: {  	v4 =	vshrl.u32 v3, $0x3  }
0x9c: {  	v4 =	vmul.u32 $0x18, v4  }
0x9d: {  	v3 =	vand.u32 $0x7, v3  }
0x9e: {  	v3 =	vor.u32 v3, v4  }
0x9f: {  	v4 =	vperm.xlane v3, v0;
	_ =	sdelay $0x1  }
0xa0: {  	v4 =	vadd.s32 v1, v4;
	_ =	sdelay $0x1  }
0xa1: {  	v3 =	vperm.xlane v3, v2;
	_ =	sdelay $0x1  }
0xa2: {  	v3 =	vadd.s32 v1, v3  }
0xa3: {  	[tilespmem:s18], [sflag:$0x2] =	stream.indirect_vreg.gather [hbm4b:s5+s3], $0x80, v4, vm0, $0xb8;
	[tilespmem:$0x13100] =	vst v63  }
0xa4: {  	_ = 	snop  }
0xa5: {  	[tilespmem:s19], [sflag:$0x2] =	stream.indirect_vreg.gather [hbm4b:s10+s3], $0x80, v4, vm1, $0xb8;
	[tilespmem:$0x13100] =	vst v63  }
0xa6: {  	_ = 	snop  }
0xa7: {  	[tilespmem:s20], [sflag:$0x2] =	stream.indirect_vreg.gather [hbm4b:s5+s3], $0x80, v3, vm0, $0xb8;
	[tilespmem:$0x13100] =	vst v63  }
0xa8: {  	_ = 	snop  }
0xa9: {  	[tilespmem:s21], [sflag:$0x2] =	stream.indirect_vreg.gather [hbm4b:s10+s3], $0x80, v3, vm1, $0xb8;
	[tilespmem:$0x13100] =	vst v63  }
0xaa: {  	_ =	swait.ge [sflag:s22], $0x6000  }
0xab: {  	p0 =	seq.s32 s28, $0x0;
	s8 =	simm.s32 $0x0;
	[sflag:s22] =	ssyncset.done $0x0  }
0xac: {  	s1 =	simm.s32 @!p0 $0x3;
	s6 =	smul.u32 $0x3000, s8;
	[sflag:s22] =	ssyncadd.s32 $0xFFFFA000  }
0xad: {  	s7 =	simm.s32 $0x0;
	_ =	swait.ge @!p0 [sflag:s1], $0x3000  }
0xae: {  	s6 =	sshra.s32 s6, $0x2;
	s7 =	sand.u32 $0x380, s7;
	[sflag:s1] =	ssyncset.done @!p0 $0x0  }
0xaf: {  	[sflag:s1] =	ssyncadd.s32 @!p0 $0xFFFFD000;
	s1 =	sor.u32 s7, s6  }
0xb0: {  	v3 =	vld [tilespmem:s1+$0x1100]  }
0xb1: {  	v4 =	vld [tilespmem:s1+$0x2900]  }
0xb2: {  	v5 =	vld [tilespmem:s1+$0x4100]  }
0xb3: {  	v6 =	vld [tilespmem:s1+$0x5900];
	_ =	sdelay $0x2  }
0xb4: {  	v7 =	vshll.u32 v3, $0x10  }
0xb5: {  	v3 =	vand.u32 $0xFFFF0000, v3;
	v8 =	vshll.u32 v4, $0x10;
	v4 =	vand.u32 $0xFFFF0000, v4  }
0xb6: {  	v9 =	vshll.u32 v5, $0x10;
	v5 =	vand.u32 $0xFFFF0000, v5;
	v10 =	vshll.u32 v6, $0x10  }
0xb7: {  	s0 =	smul.u32 $0x6000, s8;
	v6 =	vand.u32 $0xFFFF0000, v6;
	v7 =	vadd.f32 v8, v7;
	v8 =	vadd.f32 v10, v9  }
0xb8: {  	v3 =	vadd.f32 v4, v3;
	v4 =	vadd.f32 v6, v5  }
0xb9: {  	s0 =	sshra.s32 s0, $0x2;
	v5 =	vadd.f32 v8, v7  }
0xba: {  	s31 =	sor.u32 s7, s0;
	v3 =	vadd.f32 v4, v3  }
0xbb: {  	[tilespmem:s31+$0xD100] =	vst v5  }
0xbc: {  	[tilespmem:s31+$0xD110] =	vst v3  }
0xbd: {  	v3 =	vld [tilespmem:s1+$0x1110]  }
0xbe: {  	v4 =	vld [tilespmem:s1+$0x2910]  }
0xbf: {  	v5 =	vld [tilespmem:s1+$0x4110]  }
0xc0: {  	v6 =	vld [tilespmem:s1+$0x5910];
	_ =	sdelay $0x2  }
0xc1: {  	v7 =	vshll.u32 v3, $0x10  }
0xc2: {  	v3 =	vand.u32 $0xFFFF0000, v3;
	v8 =	vshll.u32 v4, $0x10;
	v4 =	vand.u32 $0xFFFF0000, v4  }
0xc3: {  	v9 =	vshll.u32 v5, $0x10;
	v5 =	vand.u32 $0xFFFF0000, v5;
	v10 =	vshll.u32 v6, $0x10  }
0xc4: {  	v6 =	vand.u32 $0xFFFF0000, v6;
	v7 =	vadd.f32 v8, v7;
	v8 =	vadd.f32 v10, v9  }
0xc5: {  	v3 =	vadd.f32 v4, v3;
	v4 =	vadd.f32 v6, v5  }
0xc6: {  	v5 =	vadd.f32 v8, v7  }
0xc7: {  	v3 =	vadd.f32 v4, v3  }
0xc8: {  	[tilespmem:s31+$0xD120] =	vst v5  }
0xc9: {  	[tilespmem:s31+$0xD130] =	vst v3  }
0xca: {  	v3 =	vld [tilespmem:s1+$0x1120]  }
0xcb: {  	v4 =	vld [tilespmem:s1+$0x2920]  }
0xcc: {  	v5 =	vld [tilespmem:s1+$0x4120]  }
0xcd: {  	v6 =	vld [tilespmem:s1+$0x5920];
	_ =	sdelay $0x2  }
0xce: {  	v7 =	vshll.u32 v3, $0x10  }
0xcf: {  	v3 =	vand.u32 $0xFFFF0000, v3;
	v8 =	vshll.u32 v4, $0x10;
	v4 =	vand.u32 $0xFFFF0000, v4  }
0xd0: {  	v9 =	vshll.u32 v5, $0x10;
	v5 =	vand.u32 $0xFFFF0000, v5;
	v10 =	vshll.u32 v6, $0x10  }
0xd1: {  	v6 =	vand.u32 $0xFFFF0000, v6;
	v7 =	vadd.f32 v8, v7;
	v8 =	vadd.f32 v10, v9  }
0xd2: {  	v3 =	vadd.f32 v4, v3;
	v4 =	vadd.f32 v6, v5  }
0xd3: {  	v5 =	vadd.f32 v8, v7  }
0xd4: {  	v3 =	vadd.f32 v4, v3  }
0xd5: {  	[tilespmem:s31+$0xD140] =	vst v5  }
0xd6: {  	[tilespmem:s31+$0xD150] =	vst v3  }
0xd7: {  	v3 =	vld [tilespmem:s1+$0x1130]  }
0xd8: {  	v4 =	vld [tilespmem:s1+$0x2930]  }
0xd9: {  	v5 =	vld [tilespmem:s1+$0x4130]  }
0xda: {  	v6 =	vld [tilespmem:s1+$0x5930];
	_ =	sdelay $0x2  }
0xdb: {  	v7 =	vshll.u32 v3, $0x10  }
0xdc: {  	v3 =	vand.u32 $0xFFFF0000, v3;
	v8 =	vshll.u32 v4, $0x10;
	v4 =	vand.u32 $0xFFFF0000, v4  }
0xdd: {  	v9 =	vshll.u32 v5, $0x10;
	v5 =	vand.u32 $0xFFFF0000, v5;
	v10 =	vshll.u32 v6, $0x10  }
0xde: {  	v6 =	vand.u32 $0xFFFF0000, v6;
	v7 =	vadd.f32 v8, v7;
	v8 =	vadd.f32 v10, v9  }
0xdf: {  	v3 =	vadd.f32 v4, v3;
	v4 =	vadd.f32 v6, v5  }
0xe0: {  	v5 =	vadd.f32 v8, v7  }
0xe1: {  	v3 =	vadd.f32 v4, v3  }
0xe2: {  	[tilespmem:s31+$0xD160] =	vst v5  }
0xe3: {  	[tilespmem:s31+$0xD170] =	vst v3  }
0xe4: {  	v3 =	vld [tilespmem:s1+$0x1140]  }
0xe5: {  	v4 =	vld [tilespmem:s1+$0x2940]  }
0xe6: {  	v5 =	vld [tilespmem:s1+$0x4140]  }
0xe7: {  	v6 =	vld [tilespmem:s1+$0x5940];
	_ =	sdelay $0x2  }
0xe8: {  	v7 =	vshll.u32 v3, $0x10  }
0xe9: {  	v3 =	vand.u32 $0xFFFF0000, v3;
	v8 =	vshll.u32 v4, $0x10;
	v4 =	vand.u32 $0xFFFF0000, v4  }
0xea: {  	v9 =	vshll.u32 v5, $0x10;
	v5 =	vand.u32 $0xFFFF0000, v5;
	v10 =	vshll.u32 v6, $0x10  }
0xeb: {  	v6 =	vand.u32 $0xFFFF0000, v6;
	v7 =	vadd.f32 v8, v7;
	v8 =	vadd.f32 v10, v9  }
0xec: {  	v3 =	vadd.f32 v4, v3;
	v4 =	vadd.f32 v6, v5  }
0xed: {  	v5 =	vadd.f32 v8, v7  }
0xee: {  	v3 =	vadd.f32 v4, v3  }
0xef: {  	[tilespmem:s31+$0xD500] =	vst v5  }
0xf0: {  	[tilespmem:s31+$0xD510] =	vst v3  }
0xf1: {  	v3 =	vld [tilespmem:s1+$0x1150]  }
0xf2: {  	v4 =	vld [tilespmem:s1+$0x2950]  }
0xf3: {  	v5 =	vld [tilespmem:s1+$0x4150]  }
0xf4: {  	v6 =	vld [tilespmem:s1+$0x5950];
	_ =	sdelay $0x2  }
0xf5: {  	v7 =	vshll.u32 v3, $0x10  }
0xf6: {  	v3 =	vand.u32 $0xFFFF0000, v3;
	v8 =	vshll.u32 v4, $0x10;
	v4 =	vand.u32 $0xFFFF0000, v4  }
0xf7: {  	v9 =	vshll.u32 v5, $0x10;
	v5 =	vand.u32 $0xFFFF0000, v5;
	v10 =	vshll.u32 v6, $0x10  }
0xf8: {  	v6 =	vand.u32 $0xFFFF0000, v6;
	v7 =	vadd.f32 v8, v7;
	v8 =	vadd.f32 v10, v9  }
0xf9: {  	v3 =	vadd.f32 v4, v3;
	v4 =	vadd.f32 v6, v5  }
0xfa: {  	v5 =	vadd.f32 v8, v7  }
0xfb: {  	v3 =	vadd.f32 v4, v3  }
0xfc: {  	[tilespmem:s31+$0xD520] =	vst v5  }
0xfd: {  	[tilespmem:s31+$0xD530] =	vst v3  }
0xfe: {  	v3 =	vld [tilespmem:s1+$0x1160]  }
0xff: {  	v4 =	vld [tilespmem:s1+$0x2960]  }
0x100: {  	v5 =	vld [tilespmem:s1+$0x4160]  }
0x101: {  	v6 =	vld [tilespmem:s1+$0x5960];
	_ =	sdelay $0x2  }
0x102: {  	v7 =	vshll.u32 v3, $0x10  }
0x103: {  	v3 =	vand.u32 $0xFFFF0000, v3;
	v8 =	vshll.u32 v4, $0x10;
	v4 =	vand.u32 $0xFFFF0000, v4  }
0x104: {  	v9 =	vshll.u32 v5, $0x10;
	v5 =	vand.u32 $0xFFFF0000, v5;
	v10 =	vshll.u32 v6, $0x10  }
0x105: {  	v6 =	vand.u32 $0xFFFF0000, v6;
	v7 =	vadd.f32 v8, v7;
	v8 =	vadd.f32 v10, v9  }
0x106: {  	v3 =	vadd.f32 v4, v3;
	v4 =	vadd.f32 v6, v5  }
0x107: {  	v5 =	vadd.f32 v8, v7  }
0x108: {  	v3 =	vadd.f32 v4, v3  }
0x109: {  	[tilespmem:s31+$0xD540] =	vst v5  }
0x10a: {  	[tilespmem:s31+$0xD550] =	vst v3  }
0x10b: {  	v3 =	vld [tilespmem:s1+$0x1170]  }
0x10c: {  	v4 =	vld [tilespmem:s1+$0x2970]  }
0x10d: {  	v5 =	vld [tilespmem:s1+$0x4170]  }
0x10e: {  	v6 =	vld [tilespmem:s1+$0x5970];
	_ =	sdelay $0x2  }
0x10f: {  	v7 =	vshll.u32 v3, $0x10  }
0x110: {  	v3 =	vand.u32 $0xFFFF0000, v3;
	v8 =	vshll.u32 v4, $0x10;
	v4 =	vand.u32 $0xFFFF0000, v4  }
0x111: {  	v9 =	vshll.u32 v5, $0x10;
	v5 =	vand.u32 $0xFFFF0000, v5;
	v10 =	vshll.u32 v6, $0x10  }
0x112: {  	v6 =	vand.u32 $0xFFFF0000, v6;
	v7 =	vadd.f32 v8, v7;
	v8 =	vadd.f32 v10, v9  }
0x113: {  	v3 =	vadd.f32 v4, v3;
	v4 =	vadd.f32 v6, v5  }
0x114: {  	v5 =	vadd.f32 v8, v7  }
0x115: {  	v3 =	vadd.f32 v4, v3  }
0x116: {  	[tilespmem:s31+$0xD560] =	vst v5  }
0x117: {  	[tilespmem:s31+$0xD570] =	vst v3  }
0x118: {  	v3 =	vld [tilespmem:s1+$0x1500]  }
0x119: {  	v4 =	vld [tilespmem:s1+$0x2D00]  }
0x11a: {  	v5 =	vld [tilespmem:s1+$0x4500]  }
0x11b: {  	v6 =	vld [tilespmem:s1+$0x5D00];
	_ =	sdelay $0x2  }
0x11c: {  	v7 =	vshll.u32 v3, $0x10  }
0x11d: {  	v3 =	vand.u32 $0xFFFF0000, v3;
	v8 =	vshll.u32 v4, $0x10;
	v4 =	vand.u32 $0xFFFF0000, v4  }
0x11e: {  	v9 =	vshll.u32 v5, $0x10;
	v5 =	vand.u32 $0xFFFF0000, v5;
	v10 =	vshll.u32 v6, $0x10  }
0x11f: {  	v6 =	vand.u32 $0xFFFF0000, v6;
	v7 =	vadd.f32 v8, v7;
	v8 =	vadd.f32 v10, v9  }
0x120: {  	v3 =	vadd.f32 v4, v3;
	v4 =	vadd.f32 v6, v5  }
0x121: {  	v5 =	vadd.f32 v8, v7  }
0x122: {  	v3 =	vadd.f32 v4, v3  }
0x123: {  	[tilespmem:s31+$0xD900] =	vst v5  }
0x124: {  	[tilespmem:s31+$0xD910] =	vst v3  }
0x125: {  	v3 =	vld [tilespmem:s1+$0x1510]  }
0x126: {  	v4 =	vld [tilespmem:s1+$0x2D10]  }
0x127: {  	v5 =	vld [tilespmem:s1+$0x4510]  }
0x128: {  	v6 =	vld [tilespmem:s1+$0x5D10]  }
0x129: {  	s9 =	simm.s32 $0x0  }
0x12a: {  	s13 =	smul.u32 $0x3000, s9  }
0x12b: {  	s14 =	simm.s32 $0x80;
	v7 =	vshll.u32 v3, $0x10  }
0x12c: {  	s15 =	sand.u32 $0x380, s14;
	s0 =	sshra.s32 s13, $0x2;
	v3 =	vand.u32 $0xFFFF0000, v3;
	v8 =	vshll.u32 v4, $0x10;
	v4 =	vand.u32 $0xFFFF0000, v4  }
0x12d: {  	s0 =	sor.u32 s15, s0;
	v9 =	vshll.u32 v5, $0x10;
	v5 =	vand.u32 $0xFFFF0000, v5;
	v10 =	vshll.u32 v6, $0x10  }
0x12e: {  	v11 =	vld [tilespmem:s0+$0x1100];
	v6 =	vand.u32 $0xFFFF0000, v6;
	v7 =	vadd.f32 v8, v7;
	v8 =	vadd.f32 v10, v9  }
0x12f: {  	v9 =	vld [tilespmem:s0+$0x2900];
	v3 =	vadd.f32 v4, v3;
	v4 =	vadd.f32 v6, v5  }
0x130: {  	v5 =	vld [tilespmem:s0+$0x4100];
	v6 =	vadd.f32 v8, v7  }
0x131: {  	v7 =	vld [tilespmem:s0+$0x5900];
	v3 =	vadd.f32 v4, v3  }
0x132: {  	[tilespmem:s31+$0xD920] =	vst v6  }
0x133: {  	[tilespmem:s31+$0xD930] =	vst v3  }
0x134: {  	v3 =	vshll.u32 v11, $0x10;
	v4 =	vld [tilespmem:s1+$0x1520]  }
0x135: {  	v6 =	vand.u32 $0xFFFF0000, v11;
	v8 =	vshll.u32 v9, $0x10;
	v9 =	vand.u32 $0xFFFF0000, v9;
	v10 =	vld [tilespmem:s1+$0x2D20]  }
0x136: {  	v11 =	vshll.u32 v5, $0x10;
	v5 =	vand.u32 $0xFFFF0000, v5;
	v13 =	vld [tilespmem:s1+$0x4520];
	v12 =	vshll.u32 v7, $0x10  }
0x137: {  	s6 =	smul.u32 $0x6000, s9;
	v3 =	vadd.f32 v8, v3;
	v7 =	vand.u32 $0xFFFF0000, v7;
	v8 =	vadd.f32 v12, v11;
	v11 =	vld [tilespmem:s1+$0x5D20]  }
0x138: {  	v6 =	vadd.f32 v9, v6;
	v5 =	vadd.f32 v7, v5  }
0x139: {  	s6 =	sshra.s32 s6, $0x2;
	v3 =	vadd.f32 v8, v3  }
0x13a: {  	s13 =	sor.u32 s15, s6;
	v5 =	vadd.f32 v5, v6;
	v6 =	vshll.u32 v4, $0x10  }
0x13b: {  	v7 =	vand.u32 $0xFFFF0000, v10;
	v8 =	vand.u32 $0xFFFF0000, v13;
	[tilespmem:s13+$0xD100] =	vst v3;
	v3 =	vand.u32 $0xFFFF0000, v4  }
0x13c: {  	v4 =	vshll.u32 v10, $0x10;
	[tilespmem:s13+$0xD110] =	vst v5;
	v5 =	vshll.u32 v13, $0x10;
	v9 =	vshll.u32 v11, $0x10  }
0x13d: {  	v10 =	vld [tilespmem:s0+$0x1110];
	v11 =	vand.u32 $0xFFFF0000, v11;
	v4 =	vadd.f32 v4, v6;
	v5 =	vadd.f32 v9, v5  }
0x13e: {  	v6 =	vld [tilespmem:s0+$0x2910];
	v3 =	vadd.f32 v7, v3;
	v7 =	vadd.f32 v11, v8  }
0x13f: {  	v8 =	vld [tilespmem:s0+$0x4110];
	v4 =	vadd.f32 v5, v4  }
0x140: {  	v5 =	vld [tilespmem:s0+$0x5910];
	v3 =	vadd.f32 v7, v3  }
0x141: {  	[tilespmem:s31+$0xD940] =	vst v4  }
0x142: {  	[tilespmem:s31+$0xD950] =	vst v3  }
0x143: {  	v3 =	vshll.u32 v10, $0x10;
	v4 =	vld [tilespmem:s1+$0x1530]  }
0x144: {  	v7 =	vand.u32 $0xFFFF0000, v10;
	v9 =	vshll.u32 v6, $0x10;
	v6 =	vand.u32 $0xFFFF0000, v6;
	v10 =	vld [tilespmem:s1+$0x2D30]  }
0x145: {  	v11 =	vshll.u32 v8, $0x10;
	v8 =	vand.u32 $0xFFFF0000, v8;
	v54 =	vld [tilespmem:s1+$0x4530];
	v53 =	vshll.u32 v5, $0x10  }
0x146: {  	v3 =	vadd.f32 v9, v3;
	v5 =	vand.u32 $0xFFFF0000, v5;
	v9 =	vadd.f32 v53, v11;
	v11 =	vld [tilespmem:s1+$0x5D30]  }
0x147: {  	v6 =	vadd.f32 v6, v7;
	v5 =	vadd.f32 v5, v8  }
0x148: {  	v3 =	vadd.f32 v9, v3  }
0x149: {  	v5 =	vadd.f32 v5, v6;
	v6 =	vshll.u32 v4, $0x10  }
0x14a: {  	v7 =	vand.u32 $0xFFFF0000, v10;
	v8 =	vand.u32 $0xFFFF0000, v54;
	[tilespmem:s13+$0xD120] =	vst v3;
	v3 =	vand.u32 $0xFFFF0000, v4  }
0x14b: {  	v4 =	vshll.u32 v10, $0x10;
	[tilespmem:s13+$0xD130] =	vst v5;
	v5 =	vshll.u32 v54, $0x10;
	v9 =	vshll.u32 v11, $0x10  }
0x14c: {  	v10 =	vld [tilespmem:s0+$0x1120];
	v11 =	vand.u32 $0xFFFF0000, v11;
	v4 =	vadd.f32 v4, v6;
	v5 =	vadd.f32 v9, v5  }
0x14d: {  	v6 =	vld [tilespmem:s0+$0x2920];
	v3 =	vadd.f32 v7, v3;
	v7 =	vadd.f32 v11, v8  }
0x14e: {  	v8 =	vld [tilespmem:s0+$0x4120];
	v4 =	vadd.f32 v5, v4  }
0x14f: {  	v5 =	vld [tilespmem:s0+$0x5920];
	v3 =	vadd.f32 v7, v3  }
0x150: {  	[tilespmem:s31+$0xD960] =	vst v4  }
0x151: {  	[tilespmem:s31+$0xD970] =	vst v3  }
0x152: {  	v3 =	vshll.u32 v10, $0x10;
	v4 =	vld [tilespmem:s1+$0x1540]  }
0x153: {  	v7 =	vand.u32 $0xFFFF0000, v10;
	v9 =	vshll.u32 v6, $0x10;
	v6 =	vand.u32 $0xFFFF0000, v6;
	v10 =	vld [tilespmem:s1+$0x2D40]  }
0x154: {  	v11 =	vshll.u32 v8, $0x10;
	v8 =	vand.u32 $0xFFFF0000, v8;
	v56 =	vld [tilespmem:s1+$0x4540];
	v55 =	vshll.u32 v5, $0x10  }
0x155: {  	v3 =	vadd.f32 v9, v3;
	v5 =	vand.u32 $0xFFFF0000, v5;
	v9 =	vadd.f32 v55, v11;
	v11 =	vld [tilespmem:s1+$0x5D40]  }
0x156: {  	v6 =	vadd.f32 v6, v7;
	v5 =	vadd.f32 v5, v8  }
0x157: {  	v3 =	vadd.f32 v9, v3  }
0x158: {  	v5 =	vadd.f32 v5, v6;
	v6 =	vshll.u32 v4, $0x10  }
0x159: {  	v7 =	vand.u32 $0xFFFF0000, v10;
	v8 =	vand.u32 $0xFFFF0000, v56;
	[tilespmem:s13+$0xD140] =	vst v3;
	v3 =	vand.u32 $0xFFFF0000, v4  }
0x15a: {  	v4 =	vshll.u32 v10, $0x10;
	[tilespmem:s13+$0xD150] =	vst v5;
	v5 =	vshll.u32 v56, $0x10;
	v9 =	vshll.u32 v11, $0x10  }
0x15b: {  	v10 =	vld [tilespmem:s0+$0x1130];
	v11 =	vand.u32 $0xFFFF0000, v11;
	v4 =	vadd.f32 v4, v6;
	v5 =	vadd.f32 v9, v5  }
0x15c: {  	v3 =	vadd.f32 v7, v3;
	v7 =	vld [tilespmem:s0+$0x2930];
	v6 =	vadd.f32 v11, v8  }
0x15d: {  	v8 =	vld [tilespmem:s0+$0x4130];
	v4 =	vadd.f32 v5, v4  }
0x15e: {  	v3 =	vadd.f32 v6, v3;
	v5 =	vld [tilespmem:s0+$0x5930]  }
0x15f: {  	[tilespmem:s31+$0xDD00] =	vst v4  }
0x160: {  	[tilespmem:s31+$0xDD10] =	vst v3  }
0x161: {  	v3 =	vshll.u32 v10, $0x10;
	v4 =	vld [tilespmem:s1+$0x1550]  }
0x162: {  	v6 =	vand.u32 $0xFFFF0000, v10;
	v9 =	vshll.u32 v7, $0x10;
	v7 =	vand.u32 $0xFFFF0000, v7;
	v10 =	vld [tilespmem:s1+$0x2D50]  }
0x163: {  	v11 =	vshll.u32 v8, $0x10;
	v8 =	vand.u32 $0xFFFF0000, v8;
	v58 =	vld [tilespmem:s1+$0x4550];
	v57 =	vshll.u32 v5, $0x10  }
0x164: {  	v3 =	vadd.f32 v9, v3;
	v5 =	vand.u32 $0xFFFF0000, v5;
	v9 =	vadd.f32 v57, v11;
	v11 =	vld [tilespmem:s1+$0x5D50]  }
0x165: {  	v6 =	vadd.f32 v7, v6;
	v5 =	vadd.f32 v5, v8  }
0x166: {  	v3 =	vadd.f32 v9, v3  }
0x167: {  	v5 =	vadd.f32 v5, v6;
	v6 =	vshll.u32 v4, $0x10  }
0x168: {  	v7 =	vand.u32 $0xFFFF0000, v10;
	v8 =	vand.u32 $0xFFFF0000, v58;
	[tilespmem:s13+$0xD160] =	vst v3;
	v3 =	vand.u32 $0xFFFF0000, v4  }
0x169: {  	v4 =	vshll.u32 v10, $0x10;
	[tilespmem:s13+$0xD170] =	vst v5;
	v5 =	vshll.u32 v58, $0x10;
	v9 =	vshll.u32 v11, $0x10  }
0x16a: {  	v10 =	vld [tilespmem:s0+$0x1140];
	v11 =	vand.u32 $0xFFFF0000, v11;
	v4 =	vadd.f32 v4, v6;
	v5 =	vadd.f32 v9, v5  }
0x16b: {  	v6 =	vld [tilespmem:s0+$0x2940];
	v3 =	vadd.f32 v7, v3;
	v7 =	vadd.f32 v11, v8  }
0x16c: {  	v8 =	vld [tilespmem:s0+$0x4140];
	v4 =	vadd.f32 v5, v4  }
0x16d: {  	v5 =	vld [tilespmem:s0+$0x5940];
	v3 =	vadd.f32 v7, v3  }
0x16e: {  	[tilespmem:s31+$0xDD20] =	vst v4  }
0x16f: {  	[tilespmem:s31+$0xDD30] =	vst v3  }
0x170: {  	v3 =	vshll.u32 v10, $0x10;
	v4 =	vld [tilespmem:s1+$0x1560]  }
0x171: {  	v7 =	vand.u32 $0xFFFF0000, v10;
	v9 =	vshll.u32 v6, $0x10;
	v6 =	vand.u32 $0xFFFF0000, v6;
	v10 =	vld [tilespmem:s1+$0x2D60]  }
0x172: {  	v11 =	vshll.u32 v8, $0x10;
	v8 =	vand.u32 $0xFFFF0000, v8;
	v60 =	vld [tilespmem:s1+$0x4560];
	v59 =	vshll.u32 v5, $0x10  }
0x173: {  	v3 =	vadd.f32 v9, v3;
	v5 =	vand.u32 $0xFFFF0000, v5;
	v9 =	vadd.f32 v59, v11;
	v11 =	vld [tilespmem:s1+$0x5D60]  }
0x174: {  	v6 =	vadd.f32 v6, v7;
	v5 =	vadd.f32 v5, v8  }
0x175: {  	v3 =	vadd.f32 v9, v3  }
0x176: {  	v5 =	vadd.f32 v5, v6;
	v6 =	vshll.u32 v4, $0x10  }
0x177: {  	v7 =	vand.u32 $0xFFFF0000, v10;
	v8 =	vand.u32 $0xFFFF0000, v60;
	[tilespmem:s13+$0xD500] =	vst v3;
	v3 =	vand.u32 $0xFFFF0000, v4  }
0x178: {  	v4 =	vshll.u32 v10, $0x10;
	[tilespmem:s13+$0xD510] =	vst v5;
	v5 =	vshll.u32 v60, $0x10;
	v9 =	vshll.u32 v11, $0x10  }
0x179: {  	v10 =	vld [tilespmem:s0+$0x1150];
	v11 =	vand.u32 $0xFFFF0000, v11;
	v4 =	vadd.f32 v4, v6;
	v5 =	vadd.f32 v9, v5  }
0x17a: {  	v6 =	vld [tilespmem:s0+$0x2950];
	v3 =	vadd.f32 v7, v3;
	v7 =	vadd.f32 v11, v8  }
0x17b: {  	v8 =	vld [tilespmem:s0+$0x4150];
	v4 =	vadd.f32 v5, v4  }
0x17c: {  	v5 =	vld [tilespmem:s0+$0x5950];
	v3 =	vadd.f32 v7, v3  }
0x17d: {  	[tilespmem:s31+$0xDD40] =	vst v4  }
0x17e: {  	[tilespmem:s31+$0xDD50] =	vst v3  }
0x17f: {  	v3 =	vshll.u32 v10, $0x10;
	v4 =	vld [tilespmem:s1+$0x1570]  }
0x180: {  	v7 =	vand.u32 $0xFFFF0000, v10;
	v9 =	vshll.u32 v6, $0x10;
	v6 =	vand.u32 $0xFFFF0000, v6;
	v10 =	vld [tilespmem:s1+$0x2D70]  }
0x181: {  	v11 =	vshll.u32 v8, $0x10;
	v8 =	vand.u32 $0xFFFF0000, v8;
	v62 =	vld [tilespmem:s1+$0x4570];
	v61 =	vshll.u32 v5, $0x10  }
0x182: {  	v3 =	vadd.f32 v9, v3;
	v5 =	vand.u32 $0xFFFF0000, v5;
	v9 =	vadd.f32 v61, v11;
	v11 =	vld [tilespmem:s1+$0x5D70]  }
0x183: {  	v6 =	vadd.f32 v6, v7;
	v5 =	vadd.f32 v5, v8  }
0x184: {  	v3 =	vadd.f32 v9, v3  }
0x185: {  	v5 =	vadd.f32 v5, v6;
	v6 =	vshll.u32 v4, $0x10  }
0x186: {  	v9 =	vand.u32 $0xFFFF0000, v4;
	v4 =	vshll.u32 v62, $0x10;
	v63 =	vand.u32 $0xFFFF0000, v62;
	[tilespmem:s13+$0xD520] =	vst v3  }
0x187: {  	v3 =	vshll.u32 v10, $0x10;
	v10 =	vand.u32 $0xFFFF0000, v10;
	[tilespmem:s13+$0xD530] =	vst v5;
	v5 =	vshll.u32 v11, $0x10  }
0x188: {  	v7 =	vld [tilespmem:s0+$0x1160];
	v11 =	vand.u32 $0xFFFF0000, v11;
	v3 =	vadd.f32 v3, v6;
	v4 =	vadd.f32 v5, v4  }
0x189: {  	s29 =	sor.u32 $0x10, s30;
	s15 =	simm.s32 $0x2;
	v8 =	vld [tilespmem:s0+$0x2960];
	v5 =	vadd.f32 v10, v9;
	v6 =	vadd.f32 v11, v63  }
.LBB2_3:
0x18a: {  	p1 =	sne.s32 s15, $0xF;
	v9 =	vld [tilespmem:s0+$0x4160];
	v3 =	vadd.f32 v4, v3  }
0x18b: {  	v4 =	vld [tilespmem:s0+$0x5960];
	v5 =	vadd.f32 v6, v5  }
0x18c: {  	[tilespmem:s31+$0xDD60] =	vst v3  }
0x18d: {  	[tilespmem:s31+$0xDD70] =	vst v5  }
0x18e: {  	v3 =	vshll.u32 v7, $0x10;
	v5 =	vld [tilespmem:s1+$0x1900]  }
0x18f: {  	v6 =	vand.u32 $0xFFFF0000, v7;
	v7 =	vshll.u32 v8, $0x10;
	v8 =	vand.u32 $0xFFFF0000, v8;
	v10 =	vld [tilespmem:s1+$0x3100]  }
0x190: {  	v11 =	vshll.u32 v9, $0x10;
	v9 =	vand.u32 $0xFFFF0000, v9;
	v12 =	vshll.u32 v4, $0x10;
	v13 =	vld [tilespmem:s1+$0x4900]  }
0x191: {  	s8 =	sshrl.u32 s15, $0x3;
	v3 =	vadd.f32 v7, v3;
	v4 =	vand.u32 $0xFFFF0000, v4;
	v7 =	vadd.f32 v12, v11;
	v11 =	vld [tilespmem:s1+$0x6100]  }
0x192: {  	s6 =	smul.u32 $0x3000, s8;
	v6 =	vadd.f32 v8, v6;
	v4 =	vadd.f32 v4, v9  }
0x193: {  	s14 =	sadd.s32 $0x80, s14;
	v3 =	vadd.f32 v7, v3  }
0x194: {  	s7 =	sand.u32 $0x380, s14;
	s6 =	sshra.s32 s6, $0x2;
	v4 =	vadd.f32 v4, v6;
	v6 =	vshll.u32 v5, $0x10  }
0x195: {  	s6 =	sor.u32 s7, s6;
	v7 =	vand.u32 $0xFFFF0000, v10;
	[tilespmem:s13+$0xD540] =	vst v3;
	v3 =	vand.u32 $0xFFFF0000, v5;
	v5 =	vshll.u32 v10, $0x10  }
0x196: {  	v9 =	vand.u32 $0xFFFF0000, v13;
	v8 =	vld [tilespmem:s6+$0x1100];
	[tilespmem:s13+$0xD550] =	vst v4;
	v4 =	vshll.u32 v13, $0x10;
	v10 =	vshll.u32 v11, $0x10  }
0x197: {  	v11 =	vand.u32 $0xFFFF0000, v11;
	v5 =	vadd.f32 v5, v6;
	v12 =	vld [tilespmem:s0+$0x1170];
	v4 =	vadd.f32 v10, v4  }
0x198: {  	v3 =	vadd.f32 v7, v3;
	v7 =	vadd.f32 v11, v9;
	v6 =	vld [tilespmem:s0+$0x2970]  }
0x199: {  	v9 =	vld [tilespmem:s0+$0x4170];
	v4 =	vadd.f32 v4, v5  }
0x19a: {  	v3 =	vadd.f32 v7, v3;
	v5 =	vld [tilespmem:s0+$0x5970]  }
0x19b: {  	v7 =	vld [tilespmem:s6+$0x2900];
	[tilespmem:s31+$0xE100] =	vst v4  }
0x19c: {  	v4 =	vld [tilespmem:s6+$0x4100];
	[tilespmem:s31+$0xE110] =	vst v3  }
0x19d: {  	v3 =	vshll.u32 v8, $0x10;
	v10 =	vshll.u32 v12, $0x10;
	v11 =	vld [tilespmem:s1+$0x1910]  }
0x19e: {  	v12 =	vand.u32 $0xFFFF0000, v12;
	v13 =	vshll.u32 v6, $0x10;
	v6 =	vand.u32 $0xFFFF0000, v6;
	v14 =	vld [tilespmem:s1+$0x3110]  }
0x19f: {  	v15 =	vshll.u32 v9, $0x10;
	v9 =	vand.u32 $0xFFFF0000, v9;
	v16 =	vshll.u32 v5, $0x10;
	v17 =	vld [tilespmem:s1+$0x4910]  }
0x1a0: {  	v10 =	vadd.f32 v13, v10;
	v5 =	vand.u32 $0xFFFF0000, v5;
	v13 =	vadd.f32 v16, v15;
	v15 =	vld [tilespmem:s1+$0x6110]  }
0x1a1: {  	v8 =	vand.u32 $0xFFFF0000, v8;
	v6 =	vadd.f32 v6, v12;
	v5 =	vadd.f32 v5, v9  }
0x1a2: {  	v9 =	vshll.u32 v7, $0x10;
	v7 =	vand.u32 $0xFFFF0000, v7;
	v10 =	vadd.f32 v13, v10  }
0x1a3: {  	v12 =	vshll.u32 v4, $0x10;
	v5 =	vadd.f32 v5, v6;
	v6 =	vshll.u32 v11, $0x10;
	v13 =	vld [tilespmem:s6+$0x5900]  }
0x1a4: {  	[tilespmem:s13+$0xD560] =	vst v10;
	v10 =	vand.u32 $0xFFFF0000, v11;
	v11 =	vshll.u32 v14, $0x10;
	v14 =	vand.u32 $0xFFFF0000, v14  }
0x1a5: {  	v16 =	vand.u32 $0xFFFF0000, v17;
	[tilespmem:s13+$0xD570] =	vst v5;
	v5 =	vshll.u32 v17, $0x10;
	v17 =	vshll.u32 v15, $0x10  }
0x1a6: {  	v15 =	vand.u32 $0xFFFF0000, v15;
	v6 =	vadd.f32 v11, v6;
	v18 =	vld [tilespmem:s0+$0x1500];
	v5 =	vadd.f32 v17, v5  }
0x1a7: {  	v4 =	vand.u32 $0xFFFF0000, v4;
	v10 =	vadd.f32 v14, v10;
	v14 =	vadd.f32 v15, v16;
	v11 =	vld [tilespmem:s0+$0x2D00]  }
0x1a8: {  	v3 =	vadd.f32 v9, v3;
	v15 =	vshll.u32 v13, $0x10;
	v9 =	vld [tilespmem:s0+$0x4500];
	v5 =	vadd.f32 v5, v6  }
0x1a9: {  	v6 =	vand.u32 $0xFFFF0000, v13;
	v10 =	vadd.f32 v14, v10;
	v12 =	vadd.f32 v15, v12;
	v13 =	vld [tilespmem:s0+$0x5D00]  }
0x1aa: {  	v7 =	vadd.f32 v7, v8;
	v4 =	vadd.f32 v6, v4;
	[tilespmem:s31+$0xE120] =	vst v5  }
0x1ab: {  	[tilespmem:s31+$0xE130] =	vst v10  }
0x1ac: {  	v3 =	vadd.f32 v12, v3;
	v4 =	vadd.f32 v4, v7;
	v5 =	vshll.u32 v18, $0x10;
	v6 =	vld [tilespmem:s1+$0x1920]  }
0x1ad: {  	s8 =	smul.u32 $0x6000, s8;
	v7 =	vand.u32 $0xFFFF0000, v18;
	v8 =	vshll.u32 v11, $0x10;
	v10 =	vand.u32 $0xFFFF0000, v11;
	v11 =	vld [tilespmem:s1+$0x3120]  }
0x1ae: {  	v12 =	vshll.u32 v9, $0x10;
	v9 =	vand.u32 $0xFFFF0000, v9;
	v14 =	vshll.u32 v13, $0x10;
	v15 =	vld [tilespmem:s1+$0x4920]  }
0x1af: {  	s8 =	sshra.s32 s8, $0x2;
	v5 =	vadd.f32 v8, v5;
	v13 =	vand.u32 $0xFFFF0000, v13;
	v8 =	vadd.f32 v14, v12;
	v12 =	vld [tilespmem:s1+$0x6120]  }
0x1b0: {  	s7 =	sor.u32 s7, s8;
	v7 =	vadd.f32 v10, v7;
	v9 =	vadd.f32 v13, v9  }
0x1b1: {  	[tilespmem:s7+$0xD100] =	vst v3;
	v3 =	vadd.f32 v8, v5  }
0x1b2: {  	v5 =	vshll.u32 v6, $0x10;
	[tilespmem:s7+$0xD110] =	vst v4;
	v4 =	vadd.f32 v9, v7  }
0x1b3: {  	v7 =	vand.u32 $0xFFFF0000, v11;
	[tilespmem:s13+$0xD900] =	vst v3;
	v3 =	vand.u32 $0xFFFF0000, v6;
	v6 =	vshll.u32 v11, $0x10  }
0x1b4: {  	v9 =	vand.u32 $0xFFFF0000, v15;
	v8 =	vld [tilespmem:s6+$0x1110];
	[tilespmem:s13+$0xD910] =	vst v4;
	v4 =	vshll.u32 v15, $0x10;
	v10 =	vshll.u32 v12, $0x10  }
0x1b5: {  	v12 =	vand.u32 $0xFFFF0000, v12;
	v5 =	vadd.f32 v6, v5;
	v11 =	vld [tilespmem:s0+$0x1510];
	v4 =	vadd.f32 v10, v4  }
0x1b6: {  	v3 =	vadd.f32 v7, v3;
	v7 =	vadd.f32 v12, v9;
	v6 =	vld [tilespmem:s0+$0x2D10]  }
0x1b7: {  	v9 =	vld [tilespmem:s0+$0x4510];
	v4 =	vadd.f32 v4, v5  }
0x1b8: {  	v3 =	vadd.f32 v7, v3;
	v5 =	vld [tilespmem:s0+$0x5D10]  }
0x1b9: {  	v7 =	vld [tilespmem:s6+$0x2910];
	[tilespmem:s31+$0xE140] =	vst v4  }
0x1ba: {  	v4 =	vld [tilespmem:s6+$0x4110];
	[tilespmem:s31+$0xE150] =	vst v3  }
0x1bb: {  	v3 =	vshll.u32 v8, $0x10;
	v10 =	vshll.u32 v11, $0x10;
	v12 =	vld [tilespmem:s1+$0x1930]  }
0x1bc: {  	v11 =	vand.u32 $0xFFFF0000, v11;
	v13 =	vshll.u32 v6, $0x10;
	v6 =	vand.u32 $0xFFFF0000, v6;
	v14 =	vld [tilespmem:s1+$0x3130]  }
0x1bd: {  	v15 =	vshll.u32 v9, $0x10;
	v9 =	vand.u32 $0xFFFF0000, v9;
	v16 =	vshll.u32 v5, $0x10;
	v17 =	vld [tilespmem:s1+$0x4930]  }
0x1be: {  	v10 =	vadd.f32 v13, v10;
	v5 =	vand.u32 $0xFFFF0000, v5;
	v13 =	vadd.f32 v16, v15;
	v15 =	vld [tilespmem:s1+$0x6130]  }
0x1bf: {  	v8 =	vand.u32 $0xFFFF0000, v8;
	v6 =	vadd.f32 v6, v11;
	v5 =	vadd.f32 v5, v9  }
0x1c0: {  	v9 =	vshll.u32 v7, $0x10;
	v7 =	vand.u32 $0xFFFF0000, v7;
	v10 =	vadd.f32 v13, v10  }
0x1c1: {  	v11 =	vshll.u32 v4, $0x10;
	v5 =	vadd.f32 v5, v6;
	v6 =	vshll.u32 v12, $0x10;
	v13 =	vld [tilespmem:s6+$0x5910]  }
0x1c2: {  	[tilespmem:s13+$0xD920] =	vst v10;
	v10 =	vand.u32 $0xFFFF0000, v12;
	v12 =	vshll.u32 v14, $0x10;
	v14 =	vand.u32 $0xFFFF0000, v14  }
0x1c3: {  	v16 =	vand.u32 $0xFFFF0000, v17;
	[tilespmem:s13+$0xD930] =	vst v5;
	v5 =	vshll.u32 v17, $0x10;
	v17 =	vshll.u32 v15, $0x10  }
0x1c4: {  	v15 =	vand.u32 $0xFFFF0000, v15;
	v6 =	vadd.f32 v12, v6;
	v18 =	vld [tilespmem:s0+$0x1520];
	v5 =	vadd.f32 v17, v5  }
0x1c5: {  	v4 =	vand.u32 $0xFFFF0000, v4;
	v10 =	vadd.f32 v14, v10;
	v14 =	vadd.f32 v15, v16;
	v12 =	vld [tilespmem:s0+$0x2D20]  }
0x1c6: {  	v3 =	vadd.f32 v9, v3;
	v15 =	vshll.u32 v13, $0x10;
	v9 =	vld [tilespmem:s0+$0x4520];
	v5 =	vadd.f32 v5, v6  }
0x1c7: {  	v6 =	vand.u32 $0xFFFF0000, v13;
	v10 =	vadd.f32 v14, v10;
	v11 =	vadd.f32 v15, v11;
	v13 =	vld [tilespmem:s0+$0x5D20]  }
0x1c8: {  	v7 =	vadd.f32 v7, v8;
	v4 =	vadd.f32 v6, v4;
	[tilespmem:s31+$0xE160] =	vst v5  }
0x1c9: {  	[tilespmem:s31+$0xE170] =	vst v10  }
0x1ca: {  	v3 =	vadd.f32 v11, v3;
	v4 =	vadd.f32 v4, v7;
	v5 =	vshll.u32 v18, $0x10;
	v6 =	vld [tilespmem:s1+$0x1940]  }
0x1cb: {  	v7 =	vand.u32 $0xFFFF0000, v18;
	v8 =	vshll.u32 v12, $0x10;
	v10 =	vand.u32 $0xFFFF0000, v12;
	v11 =	vld [tilespmem:s1+$0x3140]  }
0x1cc: {  	v12 =	vshll.u32 v9, $0x10;
	v9 =	vand.u32 $0xFFFF0000, v9;
	v14 =	vshll.u32 v13, $0x10;
	v15 =	vld [tilespmem:s1+$0x4940]  }
0x1cd: {  	v5 =	vadd.f32 v8, v5;
	[tilespmem:s7+$0xD120] =	vst v3;
	v3 =	vand.u32 $0xFFFF0000, v13;
	v8 =	vadd.f32 v14, v12;
	v12 =	vld [tilespmem:s1+$0x6140]  }
0x1ce: {  	[tilespmem:s7+$0xD130] =	vst v4;
	v4 =	vadd.f32 v10, v7;
	v3 =	vadd.f32 v3, v9  }
0x1cf: {  	v7 =	vld [tilespmem:s6+$0x1120];
	v5 =	vadd.f32 v8, v5  }
0x1d0: {  	v8 =	vld [tilespmem:s6+$0x2920];
	v3 =	vadd.f32 v3, v4;
	v4 =	vshll.u32 v6, $0x10  }
0x1d1: {  	v10 =	vand.u32 $0xFFFF0000, v11;
	v9 =	vld [tilespmem:s6+$0x4120];
	[tilespmem:s13+$0xD940] =	vst v5;
	v5 =	vand.u32 $0xFFFF0000, v6;
	v6 =	vshll.u32 v11, $0x10  }
0x1d2: {  	v13 =	vand.u32 $0xFFFF0000, v15;
	v11 =	vld [tilespmem:s6+$0x5920];
	[tilespmem:s13+$0xD950] =	vst v3;
	v3 =	vshll.u32 v15, $0x10;
	v14 =	vshll.u32 v12, $0x10  }
0x1d3: {  	v12 =	vand.u32 $0xFFFF0000, v12;
	v4 =	vadd.f32 v6, v4;
	v15 =	vld [tilespmem:s0+$0x1530];
	v3 =	vadd.f32 v14, v3  }
0x1d4: {  	v5 =	vadd.f32 v10, v5;
	v10 =	vadd.f32 v12, v13;
	v6 =	vld [tilespmem:s0+$0x2D30]  }
0x1d5: {  	v12 =	vshll.u32 v7, $0x10;
	v7 =	vand.u32 $0xFFFF0000, v7;
	v13 =	vld [tilespmem:s0+$0x4530];
	v3 =	vadd.f32 v3, v4  }
0x1d6: {  	v4 =	vshll.u32 v8, $0x10;
	v8 =	vand.u32 $0xFFFF0000, v8;
	v5 =	vadd.f32 v10, v5;
	v14 =	vld [tilespmem:s0+$0x5D30]  }
0x1d7: {  	v10 =	vshll.u32 v9, $0x10;
	v9 =	vand.u32 $0xFFFF0000, v9;
	v16 =	vshll.u32 v11, $0x10;
	[tilespmem:s31+$0xE500] =	vst v3  }
0x1d8: {  	v4 =	vadd.f32 v4, v12;
	v3 =	vand.u32 $0xFFFF0000, v11;
	v10 =	vadd.f32 v16, v10;
	[tilespmem:s31+$0xE510] =	vst v5  }
0x1d9: {  	v5 =	vadd.f32 v8, v7;
	v3 =	vadd.f32 v3, v9;
	v7 =	vshll.u32 v15, $0x10;
	v8 =	vld [tilespmem:s1+$0x1950]  }
0x1da: {  	v9 =	vand.u32 $0xFFFF0000, v15;
	v11 =	vshll.u32 v6, $0x10;
	v6 =	vand.u32 $0xFFFF0000, v6;
	v12 =	vld [tilespmem:s1+$0x3150]  }
0x1db: {  	v15 =	vshll.u32 v13, $0x10;
	v13 =	vand.u32 $0xFFFF0000, v13;
	v16 =	vshll.u32 v14, $0x10;
	v17 =	vld [tilespmem:s1+$0x4950]  }
0x1dc: {  	v7 =	vadd.f32 v11, v7;
	v14 =	vand.u32 $0xFFFF0000, v14;
	v11 =	vadd.f32 v16, v15;
	v15 =	vld [tilespmem:s1+$0x6150]  }
0x1dd: {  	v6 =	vadd.f32 v6, v9;
	v9 =	vadd.f32 v14, v13  }
0x1de: {  	v4 =	vadd.f32 v10, v4;
	v7 =	vadd.f32 v11, v7  }
0x1df: {  	v3 =	vadd.f32 v3, v5;
	v5 =	vadd.f32 v9, v6;
	v6 =	vshll.u32 v8, $0x10  }
0x1e0: {  	v9 =	vand.u32 $0xFFFF0000, v12;
	[tilespmem:s13+$0xD960] =	vst v7;
	v7 =	vand.u32 $0xFFFF0000, v8;
	v8 =	vshll.u32 v12, $0x10  }
0x1e1: {  	v10 =	vand.u32 $0xFFFF0000, v17;
	[tilespmem:s13+$0xD970] =	vst v5;
	v5 =	vshll.u32 v17, $0x10;
	v11 =	vshll.u32 v15, $0x10  }
0x1e2: {  	v13 =	vand.u32 $0xFFFF0000, v15;
	v6 =	vadd.f32 v8, v6;
	v12 =	vld [tilespmem:s0+$0x1540];
	v5 =	vadd.f32 v11, v5  }
0x1e3: {  	v7 =	vadd.f32 v9, v7;
	v9 =	vadd.f32 v13, v10;
	v8 =	vld [tilespmem:s0+$0x2D40]  }
0x1e4: {  	[tilespmem:s7+$0xD140] =	vst v4;
	v4 =	vld [tilespmem:s0+$0x4540];
	v5 =	vadd.f32 v5, v6  }
0x1e5: {  	v6 =	vadd.f32 v9, v7;
	[tilespmem:s7+$0xD150] =	vst v3;
	v3 =	vld [tilespmem:s0+$0x5D40]  }
0x1e6: {  	[tilespmem:s31+$0xE520] =	vst v5  }
0x1e7: {  	v5 =	vld [tilespmem:s6+$0x1130];
	[tilespmem:s31+$0xE530] =	vst v6  }
0x1e8: {  	v6 =	vshll.u32 v12, $0x10;
	v7 =	vld [tilespmem:s1+$0x1960]  }
0x1e9: {  	v9 =	vand.u32 $0xFFFF0000, v12;
	v10 =	vshll.u32 v8, $0x10;
	v8 =	vand.u32 $0xFFFF0000, v8;
	v11 =	vld [tilespmem:s1+$0x3160]  }
0x1ea: {  	v12 =	vshll.u32 v4, $0x10;
	v4 =	vand.u32 $0xFFFF0000, v4;
	v13 =	vshll.u32 v3, $0x10;
	v14 =	vld [tilespmem:s1+$0x4960]  }
0x1eb: {  	v6 =	vadd.f32 v10, v6;
	v3 =	vand.u32 $0xFFFF0000, v3;
	v10 =	vadd.f32 v13, v12;
	v12 =	vld [tilespmem:s1+$0x6160]  }
0x1ec: {  	v8 =	vadd.f32 v8, v9;
	v3 =	vadd.f32 v3, v4  }
0x1ed: {  	v4 =	vshll.u32 v5, $0x10;
	v5 =	vand.u32 $0xFFFF0000, v5;
	v9 =	vld [tilespmem:s6+$0x2930]  }
0x1ee: {  	v6 =	vadd.f32 v10, v6;
	v3 =	vadd.f32 v3, v8;
	v8 =	vshll.u32 v7, $0x10;
	v13 =	vld [tilespmem:s6+$0x4130]  }
0x1ef: {  	v7 =	vand.u32 $0xFFFF0000, v7;
	v15 =	vshll.u32 v11, $0x10;
	v11 =	vand.u32 $0xFFFF0000, v11;
	v10 =	vld [tilespmem:s6+$0x5930]  }
0x1f0: {  	[tilespmem:s13+$0xDD00] =	vst v6;
	v6 =	vshll.u32 v14, $0x10;
	v14 =	vand.u32 $0xFFFF0000, v14;
	v16 =	vshll.u32 v12, $0x10  }
0x1f1: {  	v8 =	vadd.f32 v15, v8;
	[tilespmem:s13+$0xDD10] =	vst v3;
	v3 =	vand.u32 $0xFFFF0000, v12;
	v6 =	vadd.f32 v16, v6  }
0x1f2: {  	v7 =	vadd.f32 v11, v7;
	v12 =	vshll.u32 v9, $0x10;
	v15 =	vld [tilespmem:s0+$0x1550];
	v3 =	vadd.f32 v3, v14  }
0x1f3: {  	v9 =	vand.u32 $0xFFFF0000, v9;
	v11 =	vshll.u32 v13, $0x10;
	v14 =	vld [tilespmem:s0+$0x2D50];
	v6 =	vadd.f32 v6, v8  }
0x1f4: {  	v8 =	vand.u32 $0xFFFF0000, v13;
	v13 =	vshll.u32 v10, $0x10;
	v16 =	vld [tilespmem:s0+$0x4550];
	v3 =	vadd.f32 v3, v7  }
0x1f5: {  	v4 =	vadd.f32 v12, v4;
	v7 =	vand.u32 $0xFFFF0000, v10;
	v10 =	vadd.f32 v13, v11;
	v11 =	vld [tilespmem:s0+$0x5D50];
	[tilespmem:s31+$0xE540] =	vst v6  }
0x1f6: {  	v5 =	vadd.f32 v9, v5;
	v6 =	vadd.f32 v7, v8;
	[tilespmem:s31+$0xE550] =	vst v3  }
0x1f7: {  	v3 =	vadd.f32 v10, v4;
	v4 =	vld [tilespmem:s1+$0x1970]  }
0x1f8: {  	v5 =	vadd.f32 v6, v5;
	v6 =	vshll.u32 v15, $0x10;
	v7 =	vld [tilespmem:s1+$0x3170]  }
0x1f9: {  	v8 =	vshll.u32 v14, $0x10;
	v9 =	vand.u32 $0xFFFF0000, v14;
	[tilespmem:s7+$0xD160] =	vst v3;
	v3 =	vand.u32 $0xFFFF0000, v15;
	v10 =	vld [tilespmem:s1+$0x4970]  }
0x1fa: {  	v12 =	vand.u32 $0xFFFF0000, v16;
	[tilespmem:s7+$0xD170] =	vst v5;
	v5 =	vshll.u32 v16, $0x10;
	v13 =	vshll.u32 v11, $0x10;
	v14 =	vld [tilespmem:s1+$0x6170];
	s1 =	smov.u32 s0;
	s0 =	smov.u32 s6  }
0x1fb: {  	v6 =	vadd.f32 v8, v6;
	v11 =	vand.u32 $0xFFFF0000, v11;
	v15 =	vld [tilespmem:s0+$0x1140];
	v5 =	vadd.f32 v13, v5  }
0x1fc: {  	v3 =	vadd.f32 v9, v3;
	v9 =	vadd.f32 v11, v12;
	v8 =	vld [tilespmem:s0+$0x2940];
	v11 =	vshll.u32 v4, $0x10  }
0x1fd: {  	v12 =	vld [tilespmem:s0+$0x4140];
	v5 =	vadd.f32 v5, v6;
	v6 =	vshll.u32 v7, $0x10  }
0x1fe: {  	v4 =	vand.u32 $0xFFFF0000, v4;
	v3 =	vadd.f32 v9, v3;
	v13 =	vld [tilespmem:s0+$0x5940];
	v9 =	vshll.u32 v10, $0x10  }
0x1ff: {  	[tilespmem:s13+$0xDD20] =	vst v5;
	v5 =	vand.u32 $0xFFFF0000, v7;
	v7 =	vand.u32 $0xFFFF0000, v10;
	v10 =	vand.u32 $0xFFFF0000, v14  }
0x200: {  	[tilespmem:s13+$0xDD30] =	vst v3;
	v3 =	vshll.u32 v14, $0x10;
	v4 =	vadd.f32 v5, v4;
	v5 =	vadd.f32 v10, v7  }
0x201: {  	v6 =	vadd.f32 v6, v11;
	v7 =	vshll.u32 v15, $0x10;
	v10 =	vand.u32 $0xFFFF0000, v15;
	v14 =	vld [tilespmem:s1+$0x1560]  }
0x202: {  	v11 =	vshll.u32 v8, $0x10;
	v8 =	vand.u32 $0xFFFF0000, v8;
	v15 =	vld [tilespmem:s1+$0x2D60];
	v4 =	vadd.f32 v5, v4  }
0x203: {  	v5 =	vshll.u32 v12, $0x10;
	v12 =	vand.u32 $0xFFFF0000, v12;
	v16 =	vshll.u32 v13, $0x10;
	v17 =	vld [tilespmem:s1+$0x4560]  }
0x204: {  	v7 =	vadd.f32 v11, v7;
	v13 =	vand.u32 $0xFFFF0000, v13;
	v5 =	vadd.f32 v16, v5;
	v11 =	vld [tilespmem:s1+$0x5D60];
	[tilespmem:s31+$0xE570] =	vst v4  }
0x205: {  	v4 =	vadd.f32 v8, v10;
	v8 =	vadd.f32 v13, v12  }
0x206: {  	v3 =	vadd.f32 v3, v9;
	v5 =	vadd.f32 v5, v7  }
0x207: {  	v4 =	vadd.f32 v8, v4;
	v7 =	vshll.u32 v14, $0x10  }
0x208: {  	v8 =	vshll.u32 v15, $0x10;
	v9 =	vand.u32 $0xFFFF0000, v15;
	[tilespmem:s7+$0xD500] =	vst v5;
	v5 =	vand.u32 $0xFFFF0000, v14  }
0x209: {  	v10 =	vand.u32 $0xFFFF0000, v17;
	[tilespmem:s7+$0xD510] =	vst v4;
	v4 =	vshll.u32 v17, $0x10;
	v12 =	vshll.u32 v11, $0x10  }
0x20a: {  	v7 =	vadd.f32 v8, v7;
	v11 =	vand.u32 $0xFFFF0000, v11;
	v13 =	vld [tilespmem:s0+$0x1150];
	v4 =	vadd.f32 v12, v4  }
0x20b: {  	v5 =	vadd.f32 v9, v5;
	v9 =	vadd.f32 v11, v10;
	v8 =	vld [tilespmem:s0+$0x2950]  }
0x20c: {  	v3 =	vadd.f32 v3, v6;
	v10 =	vld [tilespmem:s0+$0x4150];
	v4 =	vadd.f32 v4, v7  }
0x20d: {  	v5 =	vadd.f32 v9, v5;
	v6 =	vld [tilespmem:s0+$0x5950]  }
0x20e: {  	[tilespmem:s13+$0xDD40] =	vst v4  }
0x20f: {  	[tilespmem:s13+$0xDD50] =	vst v5  }
0x210: {  	v4 =	vshll.u32 v13, $0x10;
	v5 =	vld [tilespmem:s1+$0x1570];
	[tilespmem:s31+$0xE560] =	vst v3;
	s31 =	smov.u32 s13;
	s13 =	smov.u32 s7  }
0x211: {  	v3 =	vand.u32 $0xFFFF0000, v13;
	v7 =	vshll.u32 v8, $0x10;
	v8 =	vand.u32 $0xFFFF0000, v8;
	v9 =	vld [tilespmem:s1+$0x2D70]  }
0x212: {  	v11 =	vshll.u32 v10, $0x10;
	v10 =	vand.u32 $0xFFFF0000, v10;
	v12 =	vshll.u32 v6, $0x10;
	v13 =	vld [tilespmem:s1+$0x4570]  }
0x213: {  	v4 =	vadd.f32 v7, v4;
	v6 =	vand.u32 $0xFFFF0000, v6;
	v7 =	vadd.f32 v12, v11;
	v11 =	vld [tilespmem:s1+$0x5D70]  }
0x214: {  	v3 =	vadd.f32 v8, v3;
	v6 =	vadd.f32 v6, v10  }
0x215: {  	v4 =	vadd.f32 v7, v4  }
.Ltmp0:
0x216: {  	v3 =	vadd.f32 v6, v3;
	v6 =	vshll.u32 v5, $0x10;
	(pc) =	sbr.rel @p1 .LBB2_3-.Ltmp0, $4  }
0x217: {  	v5 =	vand.u32 $0xFFFF0000, v5;
	[tilespmem:s13+$0xD520] =	vst v4;
	v4 =	vshll.u32 v9, $0x10;
	v9 =	vand.u32 $0xFFFF0000, v9  }
0x218: {  	v8 =	vshll.u32 v13, $0x10;
	v10 =	vand.u32 $0xFFFF0000, v13;
	[tilespmem:s13+$0xD530] =	vst v3;
	v12 =	vshll.u32 v11, $0x10  }
0x219: {  	v11 =	vand.u32 $0xFFFF0000, v11;
	v3 =	vadd.f32 v4, v6;
	v7 =	vld [tilespmem:s0+$0x1160];
	v4 =	vadd.f32 v12, v8  }
0x21a: {  	s15 =	sadd.s32 $0x1, s15;
	v5 =	vadd.f32 v9, v5;
	v6 =	vadd.f32 v11, v10;
	v8 =	vld [tilespmem:s0+$0x2960]  }
0x21b: {  	v9 =	vld [tilespmem:s0+$0x4160]  }
0x21c: {  	v10 =	vld [tilespmem:s0+$0x5960];
	_ =	sdelay $0x2  }
0x21d: {  	v11 =	vshll.u32 v7, $0x10  }
0x21e: {  	v20 =	vand.u32 $0xFFFF0000, v7;
	v12 =	vshll.u32 v8, $0x10;
	v21 =	vand.u32 $0xFFFF0000, v8  }
0x21f: {  	v13 =	vshll.u32 v9, $0x10;
	v9 =	vand.u32 $0xFFFF0000, v9;
	v14 =	vshll.u32 v10, $0x10  }
0x220: {  	v10 =	vand.u32 $0xFFFF0000, v10;
	v11 =	vadd.f32 v12, v11;
	v22 =	vadd.f32 v14, v13  }
0x221: {  	v7 =	vadd.f32 v21, v20;
	v23 =	vadd.f32 v10, v9  }
0x222: {  	v24 =	vadd.f32 v22, v11  }
0x223: {  	v7 =	vadd.f32 v23, v7  }
0x224: {  	[tilespmem:s13+$0xD540] =	vst v24  }
0x225: {  	[tilespmem:s13+$0xD550] =	vst v7  }
0x226: {  	v7 =	vld [tilespmem:s0+$0x1170]  }
0x227: {  	v25 =	vld [tilespmem:s0+$0x2970]  }
0x228: {  	v9 =	vld [tilespmem:s0+$0x4170]  }
0x229: {  	v26 =	vld [tilespmem:s0+$0x5970];
	_ =	sdelay $0x2  }
0x22a: {  	v27 =	vshll.u32 v7, $0x10  }
0x22b: {  	v7 =	vand.u32 $0xFFFF0000, v7;
	v28 =	vshll.u32 v25, $0x10;
	v8 =	vand.u32 $0xFFFF0000, v25  }
0x22c: {  	v29 =	vshll.u32 v9, $0x10;
	v9 =	vand.u32 $0xFFFF0000, v9;
	v30 =	vshll.u32 v26, $0x10  }
0x22d: {  	v10 =	vand.u32 $0xFFFF0000, v26;
	v11 =	vadd.f32 v28, v27;
	v31 =	vadd.f32 v30, v29  }
0x22e: {  	v7 =	vadd.f32 v8, v7;
	v32 =	vadd.f32 v10, v9  }
0x22f: {  	v33 =	vadd.f32 v31, v11  }
0x230: {  	v7 =	vadd.f32 v32, v7  }
0x231: {  	[tilespmem:s13+$0xD560] =	vst v33  }
0x232: {  	[tilespmem:s13+$0xD570] =	vst v7  }
0x233: {  	v7 =	vld [tilespmem:s0+$0x1500]  }
0x234: {  	v34 =	vld [tilespmem:s0+$0x2D00]  }
0x235: {  	v9 =	vld [tilespmem:s0+$0x4500]  }
0x236: {  	v35 =	vld [tilespmem:s0+$0x5D00];
	_ =	sdelay $0x2  }
0x237: {  	v36 =	vshll.u32 v7, $0x10  }
0x238: {  	v7 =	vand.u32 $0xFFFF0000, v7;
	v37 =	vshll.u32 v34, $0x10;
	v8 =	vand.u32 $0xFFFF0000, v34  }
0x239: {  	v38 =	vshll.u32 v9, $0x10;
	v9 =	vand.u32 $0xFFFF0000, v9;
	v39 =	vshll.u32 v35, $0x10  }
0x23a: {  	v10 =	vand.u32 $0xFFFF0000, v35;
	v11 =	vadd.f32 v37, v36;
	v40 =	vadd.f32 v39, v38  }
0x23b: {  	v7 =	vadd.f32 v8, v7;
	v41 =	vadd.f32 v10, v9  }
0x23c: {  	v42 =	vadd.f32 v40, v11  }
0x23d: {  	v7 =	vadd.f32 v41, v7  }
0x23e: {  	[tilespmem:s13+$0xD900] =	vst v42  }
0x23f: {  	[tilespmem:s13+$0xD910] =	vst v7  }
0x240: {  	v7 =	vld [tilespmem:s0+$0x1510]  }
0x241: {  	v43 =	vld [tilespmem:s0+$0x2D10]  }
0x242: {  	v9 =	vld [tilespmem:s0+$0x4510]  }
0x243: {  	v44 =	vld [tilespmem:s0+$0x5D10];
	_ =	sdelay $0x2  }
0x244: {  	v45 =	vshll.u32 v7, $0x10  }
0x245: {  	v7 =	vand.u32 $0xFFFF0000, v7;
	v46 =	vshll.u32 v43, $0x10;
	v8 =	vand.u32 $0xFFFF0000, v43  }
0x246: {  	v47 =	vshll.u32 v9, $0x10;
	v9 =	vand.u32 $0xFFFF0000, v9;
	v48 =	vshll.u32 v44, $0x10  }
0x247: {  	v10 =	vand.u32 $0xFFFF0000, v44;
	v11 =	vadd.f32 v46, v45;
	v49 =	vadd.f32 v48, v47  }
0x248: {  	v7 =	vadd.f32 v8, v7;
	v50 =	vadd.f32 v10, v9  }
0x249: {  	v51 =	vadd.f32 v49, v11  }
0x24a: {  	v7 =	vadd.f32 v50, v7  }
0x24b: {  	[tilespmem:s13+$0xD920] =	vst v51  }
0x24c: {  	[tilespmem:s13+$0xD930] =	vst v7  }
0x24d: {  	v7 =	vld [tilespmem:s0+$0x1520]  }
0x24e: {  	v52 =	vld [tilespmem:s0+$0x2D20]  }
0x24f: {  	v9 =	vld [tilespmem:s0+$0x4520]  }
0x250: {  	v53 =	vld [tilespmem:s0+$0x5D20];
	_ =	sdelay $0x2  }
0x251: {  	v54 =	vshll.u32 v7, $0x10  }
0x252: {  	v7 =	vand.u32 $0xFFFF0000, v7;
	v55 =	vshll.u32 v52, $0x10;
	v8 =	vand.u32 $0xFFFF0000, v52  }
0x253: {  	v56 =	vshll.u32 v9, $0x10;
	v9 =	vand.u32 $0xFFFF0000, v9;
	v57 =	vshll.u32 v53, $0x10  }
0x254: {  	v10 =	vand.u32 $0xFFFF0000, v53;
	v11 =	vadd.f32 v55, v54;
	v58 =	vadd.f32 v57, v56  }
0x255: {  	v7 =	vadd.f32 v8, v7;
	v59 =	vadd.f32 v10, v9  }
0x256: {  	v60 =	vadd.f32 v58, v11  }
0x257: {  	v7 =	vadd.f32 v59, v7  }
0x258: {  	[tilespmem:s13+$0xD940] =	vst v60  }
0x259: {  	[tilespmem:s13+$0xD950] =	vst v7  }
0x25a: {  	v7 =	vld [tilespmem:s0+$0x1530]  }
0x25b: {  	v61 =	vld [tilespmem:s0+$0x2D30]  }
0x25c: {  	v9 =	vld [tilespmem:s0+$0x4530]  }
0x25d: {  	v62 =	vld [tilespmem:s0+$0x5D30];
	_ =	sdelay $0x2  }
0x25e: {  	v63 =	vshll.u32 v7, $0x10  }
0x25f: {  	v7 =	vand.u32 $0xFFFF0000, v7;
	v16 =	vshll.u32 v61, $0x10;
	v8 =	vand.u32 $0xFFFF0000, v61  }
0x260: {  	v17 =	vshll.u32 v9, $0x10;
	v9 =	vand.u32 $0xFFFF0000, v9;
	v18 =	vshll.u32 v62, $0x10  }
0x261: {  	v10 =	vand.u32 $0xFFFF0000, v62;
	v11 =	vadd.f32 v16, v63;
	v19 =	vadd.f32 v18, v17  }
0x262: {  	v7 =	vadd.f32 v8, v7;
	v20 =	vadd.f32 v10, v9  }
0x263: {  	v21 =	vadd.f32 v19, v11  }
0x264: {  	v7 =	vadd.f32 v20, v7  }
0x265: {  	[tilespmem:s13+$0xD960] =	vst v21  }
0x266: {  	[tilespmem:s13+$0xD970] =	vst v7  }
0x267: {  	v7 =	vld [tilespmem:s0+$0x1540]  }
0x268: {  	v22 =	vld [tilespmem:s0+$0x2D40]  }
0x269: {  	v9 =	vld [tilespmem:s0+$0x4540]  }
0x26a: {  	v23 =	vld [tilespmem:s0+$0x5D40];
	_ =	sdelay $0x2  }
0x26b: {  	v24 =	vshll.u32 v7, $0x10  }
0x26c: {  	v7 =	vand.u32 $0xFFFF0000, v7;
	v25 =	vshll.u32 v22, $0x10;
	v8 =	vand.u32 $0xFFFF0000, v22  }
0x26d: {  	v26 =	vshll.u32 v9, $0x10;
	v9 =	vand.u32 $0xFFFF0000, v9;
	v27 =	vshll.u32 v23, $0x10  }
0x26e: {  	v10 =	vand.u32 $0xFFFF0000, v23;
	v11 =	vadd.f32 v25, v24;
	v28 =	vadd.f32 v27, v26  }
0x26f: {  	v7 =	vadd.f32 v8, v7;
	v29 =	vadd.f32 v10, v9  }
0x270: {  	v30 =	vadd.f32 v28, v11  }
0x271: {  	v7 =	vadd.f32 v29, v7  }
0x272: {  	[tilespmem:s13+$0xDD00] =	vst v30  }
0x273: {  	[tilespmem:s13+$0xDD10] =	vst v7  }
0x274: {  	v7 =	vld [tilespmem:s0+$0x1550]  }
0x275: {  	v31 =	vld [tilespmem:s0+$0x2D50]  }
0x276: {  	v9 =	vld [tilespmem:s0+$0x4550]  }
0x277: {  	v32 =	vld [tilespmem:s0+$0x5D50];
	_ =	sdelay $0x2  }
0x278: {  	v33 =	vshll.u32 v7, $0x10  }
0x279: {  	v7 =	vand.u32 $0xFFFF0000, v7;
	v34 =	vshll.u32 v31, $0x10;
	v8 =	vand.u32 $0xFFFF0000, v31  }
0x27a: {  	v35 =	vshll.u32 v9, $0x10;
	v9 =	vand.u32 $0xFFFF0000, v9;
	v36 =	vshll.u32 v32, $0x10  }
0x27b: {  	v10 =	vand.u32 $0xFFFF0000, v32;
	v11 =	vadd.f32 v34, v33;
	v37 =	vadd.f32 v36, v35  }
0x27c: {  	v7 =	vadd.f32 v8, v7;
	v38 =	vadd.f32 v10, v9  }
0x27d: {  	v39 =	vadd.f32 v37, v11  }
0x27e: {  	v7 =	vadd.f32 v38, v7  }
0x27f: {  	[tilespmem:s13+$0xDD20] =	vst v39  }
0x280: {  	[tilespmem:s13+$0xDD30] =	vst v7  }
0x281: {  	v7 =	vld [tilespmem:s0+$0x1560]  }
0x282: {  	v40 =	vld [tilespmem:s0+$0x2D60]  }
0x283: {  	v9 =	vld [tilespmem:s0+$0x4560]  }
0x284: {  	v41 =	vld [tilespmem:s0+$0x5D60];
	_ =	sdelay $0x2  }
0x285: {  	v42 =	vshll.u32 v7, $0x10  }
0x286: {  	v7 =	vand.u32 $0xFFFF0000, v7;
	v43 =	vshll.u32 v40, $0x10;
	v8 =	vand.u32 $0xFFFF0000, v40  }
0x287: {  	v44 =	vshll.u32 v9, $0x10;
	v9 =	vand.u32 $0xFFFF0000, v9;
	v45 =	vshll.u32 v41, $0x10  }
0x288: {  	v10 =	vand.u32 $0xFFFF0000, v41;
	v11 =	vadd.f32 v43, v42;
	v46 =	vadd.f32 v45, v44  }
0x289: {  	v7 =	vadd.f32 v8, v7;
	v47 =	vadd.f32 v10, v9  }
0x28a: {  	v48 =	vadd.f32 v46, v11  }
0x28b: {  	v7 =	vadd.f32 v47, v7  }
0x28c: {  	[tilespmem:s13+$0xDD40] =	vst v48  }
0x28d: {  	[tilespmem:s13+$0xDD50] =	vst v7  }
0x28e: {  	v7 =	vld [tilespmem:s0+$0x1570]  }
0x28f: {  	v49 =	vld [tilespmem:s0+$0x2D70]  }
0x290: {  	v9 =	vld [tilespmem:s0+$0x4570]  }
0x291: {  	v50 =	vld [tilespmem:s0+$0x5D70]  }
0x292: {  	v3 =	vadd.f32 v4, v3  }
0x293: {  	v51 =	vadd.f32 v6, v5  }
0x294: {  	[tilespmem:s31+$0xDD60] =	vst v3;
	v52 =	vshll.u32 v7, $0x10  }
0x295: {  	[tilespmem:s31+$0xDD70] =	vst v51;
	v3 =	vand.u32 $0xFFFF0000, v7;
	v53 =	vshll.u32 v49, $0x10;
	v54 =	vand.u32 $0xFFFF0000, v49  }
0x296: {  	v58 =	vld [tilespmem:s1+$0x1900];
	v55 =	vshll.u32 v9, $0x10;
	v56 =	vand.u32 $0xFFFF0000, v9;
	v57 =	vshll.u32 v50, $0x10  }
0x297: {  	v59 =	vld [tilespmem:s1+$0x3100];
	v10 =	vand.u32 $0xFFFF0000, v50;
	v5 =	vadd.f32 v53, v52;
	v4 =	vadd.f32 v57, v55  }
0x298: {  	v61 =	vld [tilespmem:s1+$0x4900];
	v3 =	vadd.f32 v54, v3;
	v60 =	vadd.f32 v10, v56  }
0x299: {  	v62 =	vld [tilespmem:s1+$0x6100];
	v4 =	vadd.f32 v4, v5  }
0x29a: {  	v3 =	vadd.f32 v60, v3  }
0x29b: {  	[tilespmem:s13+$0xDD60] =	vst v4  }
0x29c: {  	[tilespmem:s13+$0xDD70] =	vst v3  }
0x29d: {  	v6 =	vand.u32 $0xFFFF0000, v59;
	v4 =	vld [tilespmem:s0+$0x1900]  }
0x29e: {  	v63 =	vand.u32 $0xFFFF0000, v58;
	v18 =	vshll.u32 v61, $0x10;
	v19 =	vshll.u32 v62, $0x10;
	v17 =	vld [tilespmem:s0+$0x3100]  }
0x29f: {  	v16 =	vshll.u32 v59, $0x10;
	v21 =	vadd.f32 v19, v18;
	v3 =	vshll.u32 v58, $0x10;
	v20 =	vld [tilespmem:s0+$0x4900]  }
0x2a0: {  	v8 =	vand.u32 $0xFFFF0000, v61;
	v5 =	vand.u32 $0xFFFF0000, v62;
	v3 =	vadd.f32 v16, v3;
	v22 =	vld [tilespmem:s0+$0x6100]  }
0x2a1: {  	v6 =	vadd.f32 v6, v63;
	v5 =	vadd.f32 v5, v8  }
0x2a2: {  	v3 =	vadd.f32 v21, v3  }
0x2a3: {  	v5 =	vadd.f32 v5, v6;
	v23 =	vshll.u32 v4, $0x10  }
0x2a4: {  	[tilespmem:s31+$0xE100] =	vst v3;
	v3 =	vand.u32 $0xFFFF0000, v4;
	v24 =	vshll.u32 v17, $0x10;
	v25 =	vand.u32 $0xFFFF0000, v17  }
0x2a5: {  	[tilespmem:s31+$0xE110] =	vst v5;
	v26 =	vshll.u32 v20, $0x10;
	v27 =	vand.u32 $0xFFFF0000, v20;
	v28 =	vshll.u32 v22, $0x10  }
0x2a6: {  	v29 =	vld [tilespmem:s1+$0x1910];
	v11 =	vand.u32 $0xFFFF0000, v22;
	v4 =	vadd.f32 v24, v23;
	v5 =	vadd.f32 v28, v26  }
0x2a7: {  	v30 =	vld [tilespmem:s1+$0x3110];
	v3 =	vadd.f32 v25, v3;
	v31 =	vadd.f32 v11, v27  }
0x2a8: {  	v32 =	vld [tilespmem:s1+$0x4910];
	v4 =	vadd.f32 v5, v4  }
0x2a9: {  	v33 =	vld [tilespmem:s1+$0x6110];
	v3 =	vadd.f32 v31, v3  }
0x2aa: {  	[tilespmem:s13+$0xE100] =	vst v4  }
0x2ab: {  	[tilespmem:s13+$0xE110] =	vst v3  }
0x2ac: {  	v3 =	vshll.u32 v29, $0x10;
	v4 =	vld [tilespmem:s0+$0x1910]  }
0x2ad: {  	v34 =	vand.u32 $0xFFFF0000, v29;
	v35 =	vshll.u32 v30, $0x10;
	v6 =	vand.u32 $0xFFFF0000, v30;
	v36 =	vld [tilespmem:s0+$0x3110]  }
0x2ae: {  	v37 =	vshll.u32 v32, $0x10;
	v8 =	vand.u32 $0xFFFF0000, v32;
	v38 =	vshll.u32 v33, $0x10;
	v39 =	vld [tilespmem:s0+$0x4910]  }
0x2af: {  	v5 =	vand.u32 $0xFFFF0000, v33;
	v3 =	vadd.f32 v35, v3;
	v40 =	vadd.f32 v38, v37;
	v41 =	vld [tilespmem:s0+$0x6110]  }
0x2b0: {  	v6 =	vadd.f32 v6, v34;
	v5 =	vadd.f32 v5, v8  }
0x2b1: {  	v3 =	vadd.f32 v40, v3  }
0x2b2: {  	v5 =	vadd.f32 v5, v6;
	v42 =	vshll.u32 v4, $0x10  }
0x2b3: {  	[tilespmem:s31+$0xE120] =	vst v3;
	v3 =	vand.u32 $0xFFFF0000, v4;
	v43 =	vshll.u32 v36, $0x10;
	v44 =	vand.u32 $0xFFFF0000, v36  }
0x2b4: {  	[tilespmem:s31+$0xE130] =	vst v5;
	v45 =	vshll.u32 v39, $0x10;
	v46 =	vand.u32 $0xFFFF0000, v39;
	v47 =	vshll.u32 v41, $0x10  }
0x2b5: {  	v48 =	vld [tilespmem:s1+$0x1920];
	v11 =	vand.u32 $0xFFFF0000, v41;
	v4 =	vadd.f32 v43, v42;
	v5 =	vadd.f32 v47, v45  }
0x2b6: {  	v49 =	vld [tilespmem:s1+$0x3120];
	v3 =	vadd.f32 v44, v3;
	v50 =	vadd.f32 v11, v46  }
0x2b7: {  	v51 =	vld [tilespmem:s1+$0x4920];
	v4 =	vadd.f32 v5, v4  }
0x2b8: {  	v52 =	vld [tilespmem:s1+$0x6120];
	v3 =	vadd.f32 v50, v3  }
0x2b9: {  	[tilespmem:s13+$0xE120] =	vst v4  }
0x2ba: {  	[tilespmem:s13+$0xE130] =	vst v3  }
0x2bb: {  	v3 =	vshll.u32 v48, $0x10;
	v4 =	vld [tilespmem:s0+$0x1920]  }
0x2bc: {  	v53 =	vand.u32 $0xFFFF0000, v48;
	v54 =	vshll.u32 v49, $0x10;
	v6 =	vand.u32 $0xFFFF0000, v49;
	v55 =	vld [tilespmem:s0+$0x3120]  }
0x2bd: {  	v56 =	vshll.u32 v51, $0x10;
	v8 =	vand.u32 $0xFFFF0000, v51;
	v57 =	vshll.u32 v52, $0x10;
	v58 =	vld [tilespmem:s0+$0x4920]  }
0x2be: {  	v5 =	vand.u32 $0xFFFF0000, v52;
	v3 =	vadd.f32 v54, v3;
	v59 =	vadd.f32 v57, v56;
	v60 =	vld [tilespmem:s0+$0x6120]  }
0x2bf: {  	v6 =	vadd.f32 v6, v53;
	v5 =	vadd.f32 v5, v8  }
0x2c0: {  	v3 =	vadd.f32 v59, v3  }
0x2c1: {  	v5 =	vadd.f32 v5, v6;
	v61 =	vshll.u32 v4, $0x10  }
0x2c2: {  	[tilespmem:s31+$0xE140] =	vst v3;
	v3 =	vand.u32 $0xFFFF0000, v4;
	v62 =	vshll.u32 v55, $0x10;
	v63 =	vand.u32 $0xFFFF0000, v55  }
0x2c3: {  	[tilespmem:s31+$0xE150] =	vst v5;
	v12 =	vshll.u32 v58, $0x10;
	v14 =	vand.u32 $0xFFFF0000, v58;
	v15 =	vshll.u32 v60, $0x10  }
0x2c4: {  	v16 =	vld [tilespmem:s1+$0x1930];
	v11 =	vand.u32 $0xFFFF0000, v60;
	v4 =	vadd.f32 v62, v61;
	v5 =	vadd.f32 v15, v12  }
0x2c5: {  	v17 =	vld [tilespmem:s1+$0x3130];
	v3 =	vadd.f32 v63, v3;
	v18 =	vadd.f32 v11, v14  }
0x2c6: {  	v19 =	vld [tilespmem:s1+$0x4930];
	v4 =	vadd.f32 v5, v4  }
0x2c7: {  	v20 =	vld [tilespmem:s1+$0x6130];
	v3 =	vadd.f32 v18, v3  }
0x2c8: {  	[tilespmem:s13+$0xE140] =	vst v4  }
0x2c9: {  	[tilespmem:s13+$0xE150] =	vst v3  }
0x2ca: {  	v3 =	vshll.u32 v16, $0x10;
	v4 =	vld [tilespmem:s0+$0x1930]  }
0x2cb: {  	v21 =	vand.u32 $0xFFFF0000, v16;
	v22 =	vshll.u32 v17, $0x10;
	v6 =	vand.u32 $0xFFFF0000, v17;
	v23 =	vld [tilespmem:s0+$0x3130]  }
0x2cc: {  	v24 =	vshll.u32 v19, $0x10;
	v8 =	vand.u32 $0xFFFF0000, v19;
	v25 =	vshll.u32 v20, $0x10;
	v26 =	vld [tilespmem:s0+$0x4930]  }
0x2cd: {  	v5 =	vand.u32 $0xFFFF0000, v20;
	v3 =	vadd.f32 v22, v3;
	v27 =	vadd.f32 v25, v24;
	v28 =	vld [tilespmem:s0+$0x6130]  }
0x2ce: {  	v6 =	vadd.f32 v6, v21;
	v5 =	vadd.f32 v5, v8  }
0x2cf: {  	v3 =	vadd.f32 v27, v3  }
0x2d0: {  	v5 =	vadd.f32 v5, v6;
	v29 =	vshll.u32 v4, $0x10  }
0x2d1: {  	[tilespmem:s31+$0xE160] =	vst v3;
	v3 =	vand.u32 $0xFFFF0000, v4;
	v30 =	vshll.u32 v23, $0x10;
	v31 =	vand.u32 $0xFFFF0000, v23  }
0x2d2: {  	[tilespmem:s31+$0xE170] =	vst v5;
	v32 =	vshll.u32 v26, $0x10;
	v33 =	vand.u32 $0xFFFF0000, v26;
	v34 =	vshll.u32 v28, $0x10  }
0x2d3: {  	v35 =	vld [tilespmem:s1+$0x1940];
	v11 =	vand.u32 $0xFFFF0000, v28;
	v4 =	vadd.f32 v30, v29;
	v5 =	vadd.f32 v34, v32  }
0x2d4: {  	v36 =	vld [tilespmem:s1+$0x3140];
	v3 =	vadd.f32 v31, v3;
	v37 =	vadd.f32 v11, v33  }
0x2d5: {  	v38 =	vld [tilespmem:s1+$0x4940];
	v4 =	vadd.f32 v5, v4  }
0x2d6: {  	v39 =	vld [tilespmem:s1+$0x6140];
	v3 =	vadd.f32 v37, v3  }
0x2d7: {  	[tilespmem:s13+$0xE160] =	vst v4  }
0x2d8: {  	[tilespmem:s13+$0xE170] =	vst v3  }
0x2d9: {  	v3 =	vshll.u32 v35, $0x10;
	v4 =	vld [tilespmem:s0+$0x1940]  }
0x2da: {  	v40 =	vand.u32 $0xFFFF0000, v35;
	v41 =	vshll.u32 v36, $0x10;
	v6 =	vand.u32 $0xFFFF0000, v36;
	v42 =	vld [tilespmem:s0+$0x3140]  }
0x2db: {  	v43 =	vshll.u32 v38, $0x10;
	v8 =	vand.u32 $0xFFFF0000, v38;
	v44 =	vshll.u32 v39, $0x10;
	v45 =	vld [tilespmem:s0+$0x4940]  }
0x2dc: {  	v5 =	vand.u32 $0xFFFF0000, v39;
	v3 =	vadd.f32 v41, v3;
	v46 =	vadd.f32 v44, v43;
	v47 =	vld [tilespmem:s0+$0x6140]  }
0x2dd: {  	v6 =	vadd.f32 v6, v40;
	v5 =	vadd.f32 v5, v8  }
0x2de: {  	v3 =	vadd.f32 v46, v3  }
0x2df: {  	v5 =	vadd.f32 v5, v6;
	v48 =	vshll.u32 v4, $0x10  }
0x2e0: {  	[tilespmem:s31+$0xE500] =	vst v3;
	v3 =	vand.u32 $0xFFFF0000, v4;
	v49 =	vshll.u32 v42, $0x10;
	v50 =	vand.u32 $0xFFFF0000, v42  }
0x2e1: {  	[tilespmem:s31+$0xE510] =	vst v5;
	v51 =	vshll.u32 v45, $0x10;
	v52 =	vand.u32 $0xFFFF0000, v45;
	v53 =	vshll.u32 v47, $0x10  }
0x2e2: {  	v54 =	vld [tilespmem:s1+$0x1950];
	v11 =	vand.u32 $0xFFFF0000, v47;
	v4 =	vadd.f32 v49, v48;
	v5 =	vadd.f32 v53, v51  }
0x2e3: {  	v55 =	vld [tilespmem:s1+$0x3150];
	v3 =	vadd.f32 v50, v3;
	v56 =	vadd.f32 v11, v52  }
0x2e4: {  	v57 =	vld [tilespmem:s1+$0x4950];
	v4 =	vadd.f32 v5, v4  }
0x2e5: {  	v58 =	vld [tilespmem:s1+$0x6150];
	v3 =	vadd.f32 v56, v3  }
0x2e6: {  	[tilespmem:s13+$0xE500] =	vst v4  }
0x2e7: {  	[tilespmem:s13+$0xE510] =	vst v3  }
0x2e8: {  	v3 =	vshll.u32 v54, $0x10;
	v4 =	vld [tilespmem:s0+$0x1950]  }
0x2e9: {  	v59 =	vand.u32 $0xFFFF0000, v54;
	v60 =	vshll.u32 v55, $0x10;
	v6 =	vand.u32 $0xFFFF0000, v55;
	v61 =	vld [tilespmem:s0+$0x3150]  }
0x2ea: {  	v62 =	vshll.u32 v57, $0x10;
	v8 =	vand.u32 $0xFFFF0000, v57;
	v63 =	vshll.u32 v58, $0x10;
	v16 =	vld [tilespmem:s0+$0x4950]  }
0x2eb: {  	v5 =	vand.u32 $0xFFFF0000, v58;
	v3 =	vadd.f32 v60, v3;
	v17 =	vadd.f32 v63, v62;
	v18 =	vld [tilespmem:s0+$0x6150]  }
0x2ec: {  	v6 =	vadd.f32 v6, v59;
	v5 =	vadd.f32 v5, v8  }
0x2ed: {  	v3 =	vadd.f32 v17, v3  }
0x2ee: {  	v5 =	vadd.f32 v5, v6;
	v19 =	vshll.u32 v4, $0x10  }
0x2ef: {  	[tilespmem:s31+$0xE520] =	vst v3;
	v3 =	vand.u32 $0xFFFF0000, v4;
	v20 =	vshll.u32 v61, $0x10;
	v21 =	vand.u32 $0xFFFF0000, v61  }
0x2f0: {  	[tilespmem:s31+$0xE530] =	vst v5;
	v22 =	vshll.u32 v16, $0x10;
	v23 =	vand.u32 $0xFFFF0000, v16;
	v24 =	vshll.u32 v18, $0x10  }
0x2f1: {  	v25 =	vld [tilespmem:s1+$0x1960];
	v11 =	vand.u32 $0xFFFF0000, v18;
	v4 =	vadd.f32 v20, v19;
	v5 =	vadd.f32 v24, v22  }
0x2f2: {  	v26 =	vld [tilespmem:s1+$0x3160];
	v3 =	vadd.f32 v21, v3;
	v27 =	vadd.f32 v11, v23  }
0x2f3: {  	v28 =	vld [tilespmem:s1+$0x4960];
	v4 =	vadd.f32 v5, v4  }
0x2f4: {  	v29 =	vld [tilespmem:s1+$0x6160];
	v3 =	vadd.f32 v27, v3  }
0x2f5: {  	[tilespmem:s13+$0xE520] =	vst v4  }
0x2f6: {  	[tilespmem:s13+$0xE530] =	vst v3  }
0x2f7: {  	v3 =	vshll.u32 v25, $0x10;
	v4 =	vld [tilespmem:s0+$0x1960]  }
0x2f8: {  	v30 =	vand.u32 $0xFFFF0000, v25;
	v31 =	vshll.u32 v26, $0x10;
	v6 =	vand.u32 $0xFFFF0000, v26;
	v32 =	vld [tilespmem:s0+$0x3160]  }
0x2f9: {  	v33 =	vshll.u32 v28, $0x10;
	v8 =	vand.u32 $0xFFFF0000, v28;
	v34 =	vshll.u32 v29, $0x10;
	v35 =	vld [tilespmem:s0+$0x4960]  }
0x2fa: {  	v5 =	vand.u32 $0xFFFF0000, v29;
	v3 =	vadd.f32 v31, v3;
	v36 =	vadd.f32 v34, v33;
	v37 =	vld [tilespmem:s0+$0x6160]  }
0x2fb: {  	v6 =	vadd.f32 v6, v30;
	v5 =	vadd.f32 v5, v8  }
0x2fc: {  	v3 =	vadd.f32 v36, v3  }
0x2fd: {  	v5 =	vadd.f32 v5, v6;
	v38 =	vshll.u32 v4, $0x10  }
0x2fe: {  	[tilespmem:s31+$0xE540] =	vst v3;
	v3 =	vand.u32 $0xFFFF0000, v4;
	v39 =	vshll.u32 v32, $0x10;
	v40 =	vand.u32 $0xFFFF0000, v32  }
0x2ff: {  	[tilespmem:s31+$0xE550] =	vst v5;
	v41 =	vshll.u32 v35, $0x10;
	v42 =	vand.u32 $0xFFFF0000, v35;
	v43 =	vshll.u32 v37, $0x10  }
0x300: {  	v44 =	vld [tilespmem:s1+$0x1970];
	v11 =	vand.u32 $0xFFFF0000, v37;
	v4 =	vadd.f32 v39, v38;
	v5 =	vadd.f32 v43, v41  }
0x301: {  	v45 =	vld [tilespmem:s1+$0x3170];
	v3 =	vadd.f32 v40, v3;
	v46 =	vadd.f32 v11, v42  }
0x302: {  	v47 =	vld [tilespmem:s1+$0x4970];
	v4 =	vadd.f32 v5, v4  }
0x303: {  	v48 =	vld [tilespmem:s1+$0x6170];
	v3 =	vadd.f32 v46, v3  }
0x304: {  	[tilespmem:s13+$0xE540] =	vst v4  }
0x305: {  	[tilespmem:s13+$0xE550] =	vst v3  }
0x306: {  	v3 =	vshll.u32 v44, $0x10;
	v4 =	vld [tilespmem:s0+$0x1970]  }
0x307: {  	v49 =	vshll.u32 v45, $0x10;
	v50 =	vand.u32 $0xFFFF0000, v44;
	v51 =	vshll.u32 v47, $0x10;
	v52 =	vld [tilespmem:s0+$0x3170]  }
0x308: {  	v6 =	vand.u32 $0xFFFF0000, v45;
	v8 =	vand.u32 $0xFFFF0000, v47;
	v53 =	vand.u32 $0xFFFF0000, v48;
	v54 =	vld [tilespmem:s0+$0x4970]  }
0x309: {  	v5 =	vshll.u32 v48, $0x10;
	v6 =	vadd.f32 v6, v50;
	v8 =	vadd.f32 v53, v8;
	v55 =	vld [tilespmem:s0+$0x6170]  }
0x30a: {  	v3 =	vadd.f32 v49, v3;
	v5 =	vadd.f32 v5, v51;
	_ =	sdelay $0x1  }
0x30b: {  	v6 =	vadd.f32 v8, v6;
	v3 =	vadd.f32 v5, v3;
	v56 =	vshll.u32 v4, $0x10  }
0x30c: {  	v57 =	vshll.u32 v52, $0x10;
	v4 =	vand.u32 $0xFFFF0000, v4;
	v58 =	vshll.u32 v54, $0x10  }
0x30d: {  	v59 =	vand.u32 $0xFFFF0000, v52;
	v60 =	vand.u32 $0xFFFF0000, v54;
	v61 =	vand.u32 $0xFFFF0000, v55  }
0x30e: {  	v9 =	vshll.u32 v55, $0x10;
	v4 =	vadd.f32 v59, v4;
	v62 =	vadd.f32 v61, v60  }
0x30f: {  	s15 =	sor.u32 s4, s30;
	p1 =	sne.s32 s28, $0x1F;
	v5 =	vadd.f32 v57, v56;
	v63 =	vadd.f32 v9, v58  }
.Ltmp1:
0x310: {  	s0 =	sshrl.u32 s15, $0x3;
	[tilespmem:s31+$0xE570] =	vst v6;
	v4 =	vadd.f32 v62, v4;
	(pc) =	sbr.rel @p1 .LBB2_6-.Ltmp1, $4  }
0x311: {  	s0 =	smul.u32 $0x300, s0;
	[tilespmem:s31+$0xE560] =	vst v3;
	v3 =	vadd.f32 v63, v5  }
0x312: {  	[tilespmem:s13+$0xE570] =	vst v4  }
0x313: {  	s0 =	sadd.s32 s2, s0;
	[tilespmem:s13+$0xE560] =	vst v3  }
0x314: {  	[hbm4b:s0+s3] =	stream.linear.scatter [tilespmem:s23], [sflag:$0x3], $0x3000, $0x38;
	[tilespmem:$0x13100] =	vst v63  }
.Ltmp2:
0x315: {  	(pc) =	sbr.rel .LBB2_7-.Ltmp2, $4  }
0x316: {  	_ = 	snop  }
0x317: {  	_ =	swait.ge [sflag:s24], $0x6000  }
0x318: {  	[sflag:s24] =	ssyncset.done $0x0  }
0x319: {  	[sflag:s24] =	ssyncadd.s32 $0xFFFFA000  }
.LBB2_6:
0x31a: {  	v3 =	vld [tilespmem:s30+$0x20]  }
0x31b: {  	v4 =	vld [tilespmem:s30+$0x420];
	_ =	sdelay $0x4  }
0x31c: {  	[tilespmem:$0x1000] =	vst v3;
	v5 =	vadd.s32 $0x400, v4  }
0x31d: {  	[tilespmem:$0x1010] =	vst v5  }
0x31e: {  	v5 =	vld [tilespmem:s30+$0x820];
	_ =	sdelay $0x4  }
0x31f: {  	v6 =	vshrl.u32 v3, $0x3;
	v5 =	vsub.s32 v5, v3  }
0x320: {  	v6 =	vmul.u32 $0x18, v6;
	v5 =	vadd.s32 $0x800, v5  }
0x321: {  	v3 =	vand.u32 $0x7, v3;
	[tilespmem:$0x1020] =	vst v5  }
0x322: {  	v3 =	vor.u32 v3, v6;
	v5 =	vld [tilespmem:s30+$0xC20]  }
0x323: {  	v6 =	vperm.xlane v3, v0;
	_ =	sdelay $0x1  }
0x324: {  	v6 =	vadd.s32 v1, v6;
	_ =	sdelay $0x1  }
0x325: {  	v3 =	vperm.xlane v3, v2;
	v4 =	vsub.s32 v5, v4  }
0x326: {  	v4 =	vadd.s32 $0xC00, v4  }
0x327: {  	s0 =	simm.s32 $0x1100;
	v3 =	vadd.s32 v1, v3;
	[tilespmem:$0x1030] =	vst v4  }
0x328: {  	[tilespmem:s0], [sflag:$0x1] =	stream.indirect_vreg.gather [hbm4b:s5+s3], $0x80, v6, vm0, $0xb8;
	[tilespmem:$0x13100] =	vst v63  }
0x329: {  	s13 =	simm.s32 $0x1900  }
0x32a: {  	[tilespmem:s13], [sflag:$0x1] =	stream.indirect_vreg.gather [hbm4b:s10+s3], $0x80, v6, vm1, $0xb8;
	[tilespmem:$0x13100] =	vst v63  }
0x32b: {  	s14 =	simm.s32 $0x1D00  }
0x32c: {  	[tilespmem:s14], [sflag:$0x1] =	stream.indirect_vreg.gather [hbm4b:s5+s3], $0x80, v3, vm0, $0xb8;
	[tilespmem:$0x13100] =	vst v63  }
0x32d: {  	s15 =	simm.s32 $0x2500  }
0x32e: {  	[tilespmem:s15], [sflag:$0x1] =	stream.indirect_vreg.gather [hbm4b:s10+s3], $0x80, v3, vm1, $0xb8;
	[tilespmem:$0x13100] =	vst v63  }
0x32f: {  	v3 =	vld [tilespmem:$0x1010];
	_ =	sdelay $0x4  }
0x330: {  	v61 =	vshrl.u32 v3, $0x3  }
0x331: {  	v4 =	vmul.u32 $0x18, v61  }
0x332: {  	v3 =	vand.u32 $0x7, v3  }
0x333: {  	v3 =	vor.u32 v3, v4  }
0x334: {  	v4 =	vperm.xlane v3, v0;
	_ =	sdelay $0x1  }
0x335: {  	v4 =	vadd.s32 v1, v4;
	_ =	sdelay $0x1  }
0x336: {  	v3 =	vperm.xlane v3, v2;
	_ =	sdelay $0x1  }
0x337: {  	s30 =	simm.s32 $0x2900;
	v3 =	vadd.s32 v1, v3  }
0x338: {  	[tilespmem:s30], [sflag:$0x1] =	stream.indirect_vreg.gather [hbm4b:s5+s3], $0x80, v4, vm0, $0xb8;
	[tilespmem:$0x13100] =	vst v63  }
0x339: {  	s31 =	simm.s32 $0x3100  }
0x33a: {  	[tilespmem:s31], [sflag:$0x1] =	stream.indirect_vreg.gather [hbm4b:s10+s3], $0x80, v4, vm1, $0xb8;
	[tilespmem:$0x13100] =	vst v63  }
0x33b: {  	s1 =	simm.s32 $0x3500  }
0x33c: {  	[tilespmem:s1], [sflag:$0x1] =	stream.indirect_vreg.gather [hbm4b:s5+s3], $0x80, v3, vm0, $0xb8;
	[tilespmem:$0x13100] =	vst v63  }
0x33d: {  	s6 =	simm.s32 $0x3D00  }
0x33e: {  	[tilespmem:s6], [sflag:$0x1] =	stream.indirect_vreg.gather [hbm4b:s10+s3], $0x80, v3, vm1, $0xb8;
	[tilespmem:$0x13100] =	vst v63  }
0x33f: {  	v3 =	vld [tilespmem:$0x1020];
	_ =	sdelay $0x4  }
0x340: {  	v62 =	vshrl.u32 v3, $0x3  }
0x341: {  	v4 =	vmul.u32 $0x18, v62  }
0x342: {  	v3 =	vand.u32 $0x7, v3  }
0x343: {  	v3 =	vor.u32 v3, v4  }
0x344: {  	v4 =	vperm.xlane v3, v0;
	_ =	sdelay $0x1  }
0x345: {  	v4 =	vadd.s32 v1, v4;
	_ =	sdelay $0x1  }
0x346: {  	v3 =	vperm.xlane v3, v2;
	_ =	sdelay $0x1  }
0x347: {  	s7 =	simm.s32 $0x4100;
	v3 =	vadd.s32 v1, v3  }
0x348: {  	[tilespmem:s7], [sflag:$0x1] =	stream.indirect_vreg.gather [hbm4b:s5+s3], $0x80, v4, vm0, $0xb8;
	[tilespmem:$0x13100] =	vst v63  }
0x349: {  	s8 =	simm.s32 $0x4900  }
0x34a: {  	[tilespmem:s8], [sflag:$0x1] =	stream.indirect_vreg.gather [hbm4b:s10+s3], $0x80, v4, vm1, $0xb8;
	[tilespmem:$0x13100] =	vst v63  }
0x34b: {  	s9 =	simm.s32 $0x4D00  }
0x34c: {  	[tilespmem:s9], [sflag:$0x1] =	stream.indirect_vreg.gather [hbm4b:s5+s3], $0x80, v3, vm0, $0xb8;
	[tilespmem:$0x13100] =	vst v63  }
0x34d: {  	s13 =	simm.s32 $0x5500  }
0x34e: {  	[tilespmem:s13], [sflag:$0x1] =	stream.indirect_vreg.gather [hbm4b:s10+s3], $0x80, v3, vm1, $0xb8;
	[tilespmem:$0x13100] =	vst v63  }
0x34f: {  	v3 =	vld [tilespmem:$0x1030];
	_ =	sdelay $0x4  }
0x350: {  	v63 =	vshrl.u32 v3, $0x3  }
0x351: {  	v4 =	vmul.u32 $0x18, v63  }
0x352: {  	v3 =	vand.u32 $0x7, v3  }
0x353: {  	v3 =	vor.u32 v3, v4  }
0x354: {  	v4 =	vperm.xlane v3, v0;
	_ =	sdelay $0x1  }
0x355: {  	v4 =	vadd.s32 v1, v4;
	_ =	sdelay $0x1  }
0x356: {  	v3 =	vperm.xlane v3, v2;
	_ =	sdelay $0x1  }
0x357: {  	s14 =	simm.s32 $0x5900;
	v3 =	vadd.s32 v1, v3  }
0x358: {  	[tilespmem:s14], [sflag:$0x1] =	stream.indirect_vreg.gather [hbm4b:s5+s3], $0x80, v4, vm0, $0xb8;
	[tilespmem:$0x13100] =	vst v63  }
0x359: {  	s15 =	simm.s32 $0x6100  }
0x35a: {  	[tilespmem:s15], [sflag:$0x1] =	stream.indirect_vreg.gather [hbm4b:s10+s3], $0x80, v4, vm1, $0xb8;
	[tilespmem:$0x13100] =	vst v63  }
0x35b: {  	s30 =	simm.s32 $0x6500  }
0x35c: {  	[tilespmem:s30], [sflag:$0x1] =	stream.indirect_vreg.gather [hbm4b:s5+s3], $0x80, v3, vm0, $0xb8;
	[tilespmem:$0x13100] =	vst v63  }
.Ltmp3:
0x35d: {  	s31 =	simm.s32 $0x6D00;
	(pc) =	sbr.rel @p0 .LBB2_8-.Ltmp3, $4  }
0x35e: {  	[tilespmem:s31], [sflag:$0x1] =	stream.indirect_vreg.gather [hbm4b:s10+s3], $0x80, v3, vm1, $0xb8;
	[tilespmem:$0x13100] =	vst v63  }
0x35f: {  	_ =	swait.ge [sflag:s24], $0x6000  }
0x360: {  	[sflag:s24] =	ssyncset.done $0x0  }
0x361: {  	[sflag:s24] =	ssyncadd.s32 $0xFFFFA000  }
.LBB2_7:
0x362: {  	_ =	swait.ge [sflag:s25], $0x3000  }
0x363: {  	[sflag:s25] =	ssyncset.done $0x0  }
0x364: {  	[sflag:s25] =	ssyncadd.s32 $0xFFFFD000  }
.LBB2_8:
0x365: {  	s0 =	simm.s32 $0x0  }
0x366: {  	s1 =	smul.u32 $0x3000, s0  }
0x367: {  	s6 =	simm.s32 $0x0  }
0x368: {  	s6 =	sand.u32 $0x380, s6;
	s1 =	sshra.s32 s1, $0x2  }
0x369: {  	s30 =	sor.u32 s6, s1  }
0x36a: {  	v3 =	vld [tilespmem:s30+$0x7100]  }
0x36b: {  	v4 =	vld [tilespmem:s30+$0x8900]  }
0x36c: {  	v5 =	vld [tilespmem:s30+$0xA100]  }
0x36d: {  	v6 =	vld [tilespmem:s30+$0xB900];
	_ =	sdelay $0x2  }
0x36e: {  	v7 =	vshll.u32 v3, $0x10  }
0x36f: {  	v3 =	vand.u32 $0xFFFF0000, v3;
	v8 =	vshll.u32 v4, $0x10;
	v4 =	vand.u32 $0xFFFF0000, v4  }
0x370: {  	v9 =	vshll.u32 v5, $0x10;
	v5 =	vand.u32 $0xFFFF0000, v5;
	v10 =	vshll.u32 v6, $0x10  }
0x371: {  	s0 =	smul.u32 $0x6000, s0;
	v6 =	vand.u32 $0xFFFF0000, v6;
	v7 =	vadd.f32 v8, v7;
	v8 =	vadd.f32 v10, v9  }
0x372: {  	v3 =	vadd.f32 v4, v3;
	v4 =	vadd.f32 v6, v5  }
0x373: {  	s0 =	sshra.s32 s0, $0x2;
	v5 =	vadd.f32 v8, v7  }
0x374: {  	s1 =	sor.u32 s6, s0;
	v3 =	vadd.f32 v4, v3  }
0x375: {  	s0 =	sadd.s32 $0x10100, s1;
	[tilespmem:s1+$0x10100] =	vst v5  }
0x376: {  	[tilespmem:s0+$0x10] =	vst v3  }
0x377: {  	v3 =	vld [tilespmem:s30+$0x7110]  }
0x378: {  	v4 =	vld [tilespmem:s30+$0x8910]  }
0x379: {  	v5 =	vld [tilespmem:s30+$0xA110]  }
0x37a: {  	v6 =	vld [tilespmem:s30+$0xB910];
	_ =	sdelay $0x2  }
0x37b: {  	v7 =	vshll.u32 v3, $0x10  }
0x37c: {  	v3 =	vand.u32 $0xFFFF0000, v3;
	v8 =	vshll.u32 v4, $0x10;
	v4 =	vand.u32 $0xFFFF0000, v4  }
0x37d: {  	v9 =	vshll.u32 v5, $0x10;
	v5 =	vand.u32 $0xFFFF0000, v5;
	v10 =	vshll.u32 v6, $0x10  }
0x37e: {  	v6 =	vand.u32 $0xFFFF0000, v6;
	v7 =	vadd.f32 v8, v7;
	v8 =	vadd.f32 v10, v9  }
0x37f: {  	v3 =	vadd.f32 v4, v3;
	v4 =	vadd.f32 v6, v5  }
0x380: {  	v5 =	vadd.f32 v8, v7  }
0x381: {  	v3 =	vadd.f32 v4, v3  }
0x382: {  	[tilespmem:s0+$0x20] =	vst v5  }
0x383: {  	[tilespmem:s0+$0x30] =	vst v3  }
0x384: {  	v3 =	vld [tilespmem:s30+$0x7120]  }
0x385: {  	v4 =	vld [tilespmem:s30+$0x8920]  }
0x386: {  	v5 =	vld [tilespmem:s30+$0xA120]  }
0x387: {  	v6 =	vld [tilespmem:s30+$0xB920];
	_ =	sdelay $0x2  }
0x388: {  	v7 =	vshll.u32 v3, $0x10  }
0x389: {  	v3 =	vand.u32 $0xFFFF0000, v3;
	v8 =	vshll.u32 v4, $0x10;
	v4 =	vand.u32 $0xFFFF0000, v4  }
0x38a: {  	v9 =	vshll.u32 v5, $0x10;
	v5 =	vand.u32 $0xFFFF0000, v5;
	v10 =	vshll.u32 v6, $0x10  }
0x38b: {  	v6 =	vand.u32 $0xFFFF0000, v6;
	v7 =	vadd.f32 v8, v7;
	v8 =	vadd.f32 v10, v9  }
0x38c: {  	v3 =	vadd.f32 v4, v3;
	v4 =	vadd.f32 v6, v5  }
0x38d: {  	v5 =	vadd.f32 v8, v7  }
0x38e: {  	v3 =	vadd.f32 v4, v3  }
0x38f: {  	[tilespmem:s0+$0x40] =	vst v5  }
0x390: {  	[tilespmem:s0+$0x50] =	vst v3  }
0x391: {  	v3 =	vld [tilespmem:s30+$0x7130]  }
0x392: {  	v4 =	vld [tilespmem:s30+$0x8930]  }
0x393: {  	v5 =	vld [tilespmem:s30+$0xA130]  }
0x394: {  	v6 =	vld [tilespmem:s30+$0xB930];
	_ =	sdelay $0x2  }
0x395: {  	v7 =	vshll.u32 v3, $0x10  }
0x396: {  	v3 =	vand.u32 $0xFFFF0000, v3;
	v8 =	vshll.u32 v4, $0x10;
	v4 =	vand.u32 $0xFFFF0000, v4  }
0x397: {  	v9 =	vshll.u32 v5, $0x10;
	v5 =	vand.u32 $0xFFFF0000, v5;
	v10 =	vshll.u32 v6, $0x10  }
0x398: {  	v6 =	vand.u32 $0xFFFF0000, v6;
	v7 =	vadd.f32 v8, v7;
	v8 =	vadd.f32 v10, v9  }
0x399: {  	v3 =	vadd.f32 v4, v3;
	v4 =	vadd.f32 v6, v5  }
0x39a: {  	v5 =	vadd.f32 v8, v7  }
0x39b: {  	v3 =	vadd.f32 v4, v3  }
0x39c: {  	[tilespmem:s0+$0x60] =	vst v5  }
0x39d: {  	[tilespmem:s0+$0x70] =	vst v3  }
0x39e: {  	v3 =	vld [tilespmem:s30+$0x7140]  }
0x39f: {  	v4 =	vld [tilespmem:s30+$0x8940]  }
0x3a0: {  	v5 =	vld [tilespmem:s30+$0xA140]  }
0x3a1: {  	v6 =	vld [tilespmem:s30+$0xB940];
	_ =	sdelay $0x2  }
0x3a2: {  	v7 =	vshll.u32 v3, $0x10  }
0x3a3: {  	v3 =	vand.u32 $0xFFFF0000, v3;
	v8 =	vshll.u32 v4, $0x10;
	v4 =	vand.u32 $0xFFFF0000, v4  }
0x3a4: {  	v9 =	vshll.u32 v5, $0x10;
	v5 =	vand.u32 $0xFFFF0000, v5;
	v10 =	vshll.u32 v6, $0x10  }
0x3a5: {  	v6 =	vand.u32 $0xFFFF0000, v6;
	v7 =	vadd.f32 v8, v7;
	v8 =	vadd.f32 v10, v9  }
0x3a6: {  	v3 =	vadd.f32 v4, v3;
	v4 =	vadd.f32 v6, v5  }
0x3a7: {  	v5 =	vadd.f32 v8, v7  }
0x3a8: {  	v3 =	vadd.f32 v4, v3  }
0x3a9: {  	[tilespmem:s0+$0x400] =	vst v5  }
0x3aa: {  	[tilespmem:s0+$0x410] =	vst v3  }
0x3ab: {  	v3 =	vld [tilespmem:s30+$0x7150]  }
0x3ac: {  	v4 =	vld [tilespmem:s30+$0x8950]  }
0x3ad: {  	v5 =	vld [tilespmem:s30+$0xA150]  }
0x3ae: {  	v6 =	vld [tilespmem:s30+$0xB950];
	_ =	sdelay $0x2  }
0x3af: {  	v7 =	vshll.u32 v3, $0x10  }
0x3b0: {  	v3 =	vand.u32 $0xFFFF0000, v3;
	v8 =	vshll.u32 v4, $0x10;
	v4 =	vand.u32 $0xFFFF0000, v4  }
0x3b1: {  	v9 =	vshll.u32 v5, $0x10;
	v5 =	vand.u32 $0xFFFF0000, v5;
	v10 =	vshll.u32 v6, $0x10  }
0x3b2: {  	v6 =	vand.u32 $0xFFFF0000, v6;
	v7 =	vadd.f32 v8, v7;
	v8 =	vadd.f32 v10, v9  }
0x3b3: {  	v3 =	vadd.f32 v4, v3;
	v4 =	vadd.f32 v6, v5  }
0x3b4: {  	v5 =	vadd.f32 v8, v7  }
0x3b5: {  	v3 =	vadd.f32 v4, v3  }
0x3b6: {  	[tilespmem:s0+$0x420] =	vst v5  }
0x3b7: {  	[tilespmem:s0+$0x430] =	vst v3  }
0x3b8: {  	v3 =	vld [tilespmem:s30+$0x7160]  }
0x3b9: {  	v4 =	vld [tilespmem:s30+$0x8960]  }
0x3ba: {  	v5 =	vld [tilespmem:s30+$0xA160]  }
0x3bb: {  	v6 =	vld [tilespmem:s30+$0xB960];
	_ =	sdelay $0x2  }
0x3bc: {  	v7 =	vshll.u32 v3, $0x10  }
0x3bd: {  	v3 =	vand.u32 $0xFFFF0000, v3;
	v8 =	vshll.u32 v4, $0x10;
	v4 =	vand.u32 $0xFFFF0000, v4  }
0x3be: {  	v9 =	vshll.u32 v5, $0x10;
	v5 =	vand.u32 $0xFFFF0000, v5;
	v10 =	vshll.u32 v6, $0x10  }
0x3bf: {  	v6 =	vand.u32 $0xFFFF0000, v6;
	v7 =	vadd.f32 v8, v7;
	v8 =	vadd.f32 v10, v9  }
0x3c0: {  	v3 =	vadd.f32 v4, v3;
	v4 =	vadd.f32 v6, v5  }
0x3c1: {  	v5 =	vadd.f32 v8, v7  }
0x3c2: {  	v3 =	vadd.f32 v4, v3  }
0x3c3: {  	[tilespmem:s0+$0x440] =	vst v5  }
0x3c4: {  	[tilespmem:s0+$0x450] =	vst v3  }
0x3c5: {  	v3 =	vld [tilespmem:s30+$0x7170]  }
0x3c6: {  	v4 =	vld [tilespmem:s30+$0x8970]  }
0x3c7: {  	v5 =	vld [tilespmem:s30+$0xA170]  }
0x3c8: {  	v6 =	vld [tilespmem:s30+$0xB970];
	_ =	sdelay $0x2  }
0x3c9: {  	v7 =	vshll.u32 v3, $0x10  }
0x3ca: {  	v3 =	vand.u32 $0xFFFF0000, v3;
	v8 =	vshll.u32 v4, $0x10;
	v4 =	vand.u32 $0xFFFF0000, v4  }
0x3cb: {  	v9 =	vshll.u32 v5, $0x10;
	v5 =	vand.u32 $0xFFFF0000, v5;
	v10 =	vshll.u32 v6, $0x10  }
0x3cc: {  	v6 =	vand.u32 $0xFFFF0000, v6;
	v7 =	vadd.f32 v8, v7;
	v8 =	vadd.f32 v10, v9  }
0x3cd: {  	v3 =	vadd.f32 v4, v3;
	v4 =	vadd.f32 v6, v5  }
0x3ce: {  	v5 =	vadd.f32 v8, v7  }
0x3cf: {  	v3 =	vadd.f32 v4, v3  }
0x3d0: {  	[tilespmem:s0+$0x460] =	vst v5  }
0x3d1: {  	[tilespmem:s0+$0x470] =	vst v3  }
0x3d2: {  	v3 =	vld [tilespmem:s30+$0x7500]  }
0x3d3: {  	v4 =	vld [tilespmem:s30+$0x8D00]  }
0x3d4: {  	v5 =	vld [tilespmem:s30+$0xA500]  }
0x3d5: {  	v6 =	vld [tilespmem:s30+$0xBD00];
	_ =	sdelay $0x2  }
0x3d6: {  	v7 =	vshll.u32 v3, $0x10  }
0x3d7: {  	v3 =	vand.u32 $0xFFFF0000, v3;
	v8 =	vshll.u32 v4, $0x10;
	v4 =	vand.u32 $0xFFFF0000, v4  }
0x3d8: {  	v9 =	vshll.u32 v5, $0x10;
	v5 =	vand.u32 $0xFFFF0000, v5;
	v10 =	vshll.u32 v6, $0x10  }
0x3d9: {  	v6 =	vand.u32 $0xFFFF0000, v6;
	v7 =	vadd.f32 v8, v7;
	v8 =	vadd.f32 v10, v9  }
0x3da: {  	v3 =	vadd.f32 v4, v3;
	v4 =	vadd.f32 v6, v5  }
0x3db: {  	v5 =	vadd.f32 v8, v7  }
0x3dc: {  	v3 =	vadd.f32 v4, v3  }
0x3dd: {  	s6 =	sadd.s32 $0x10900, s1;
	[tilespmem:s1+$0x10900] =	vst v5  }
0x3de: {  	[tilespmem:s6+$0x10] =	vst v3  }
0x3df: {  	v3 =	vld [tilespmem:s30+$0x7510]  }
0x3e0: {  	v4 =	vld [tilespmem:s30+$0x8D10]  }
0x3e1: {  	v5 =	vld [tilespmem:s30+$0xA510]  }
0x3e2: {  	v6 =	vld [tilespmem:s30+$0xBD10]  }
0x3e3: {  	s15 =	simm.s32 $0x0  }
0x3e4: {  	s7 =	smul.u32 $0x3000, s15  }
0x3e5: {  	s13 =	simm.s32 $0x80;
	v7 =	vshll.u32 v3, $0x10  }
0x3e6: {  	s8 =	sand.u32 $0x380, s13;
	s7 =	sshra.s32 s7, $0x2;
	v3 =	vand.u32 $0xFFFF0000, v3;
	v8 =	vshll.u32 v4, $0x10;
	v4 =	vand.u32 $0xFFFF0000, v4  }
0x3e7: {  	s31 =	sor.u32 s8, s7;
	v9 =	vshll.u32 v5, $0x10;
	v5 =	vand.u32 $0xFFFF0000, v5;
	v10 =	vshll.u32 v6, $0x10  }
0x3e8: {  	v11 =	vld [tilespmem:s31+$0x7100];
	v6 =	vand.u32 $0xFFFF0000, v6;
	v7 =	vadd.f32 v8, v7;
	v8 =	vadd.f32 v10, v9  }
0x3e9: {  	v9 =	vld [tilespmem:s31+$0x8900];
	v3 =	vadd.f32 v4, v3;
	v4 =	vadd.f32 v6, v5  }
0x3ea: {  	v5 =	vld [tilespmem:s31+$0xA100];
	v6 =	vadd.f32 v8, v7  }
0x3eb: {  	v7 =	vld [tilespmem:s31+$0xB900];
	v3 =	vadd.f32 v4, v3  }
0x3ec: {  	[tilespmem:s6+$0x20] =	vst v6  }
0x3ed: {  	[tilespmem:s6+$0x30] =	vst v3  }
0x3ee: {  	v3 =	vshll.u32 v11, $0x10;
	v4 =	vld [tilespmem:s30+$0x7520]  }
0x3ef: {  	v6 =	vand.u32 $0xFFFF0000, v11;
	v8 =	vshll.u32 v9, $0x10;
	v9 =	vand.u32 $0xFFFF0000, v9;
	v10 =	vld [tilespmem:s30+$0x8D20]  }
0x3f0: {  	v11 =	vshll.u32 v5, $0x10;
	v5 =	vand.u32 $0xFFFF0000, v5;
	v13 =	vld [tilespmem:s30+$0xA520];
	v12 =	vshll.u32 v7, $0x10  }
0x3f1: {  	s0 =	smul.u32 $0x6000, s15;
	v3 =	vadd.f32 v8, v3;
	v7 =	vand.u32 $0xFFFF0000, v7;
	v8 =	vadd.f32 v12, v11;
	v11 =	vld [tilespmem:s30+$0xBD20]  }
0x3f2: {  	v6 =	vadd.f32 v9, v6;
	v5 =	vadd.f32 v7, v5  }
0x3f3: {  	s0 =	sshra.s32 s0, $0x2;
	v3 =	vadd.f32 v8, v3  }
0x3f4: {  	s0 =	sor.u32 s8, s0;
	v5 =	vadd.f32 v5, v6;
	v6 =	vshll.u32 v4, $0x10  }
0x3f5: {  	s14 =	sadd.s32 $0x10100, s0;
	v7 =	vand.u32 $0xFFFF0000, v10;
	v8 =	vand.u32 $0xFFFF0000, v13;
	[tilespmem:s0+$0x10100] =	vst v3;
	v3 =	vand.u32 $0xFFFF0000, v4  }
0x3f6: {  	v4 =	vshll.u32 v10, $0x10;
	[tilespmem:s14+$0x10] =	vst v5;
	v5 =	vshll.u32 v13, $0x10;
	v9 =	vshll.u32 v11, $0x10  }
0x3f7: {  	v11 =	vand.u32 $0xFFFF0000, v11;
	v4 =	vadd.f32 v4, v6;
	v10 =	vld [tilespmem:s31+$0x7110];
	v5 =	vadd.f32 v9, v5  }
0x3f8: {  	v3 =	vadd.f32 v7, v3;
	v6 =	vld [tilespmem:s31+$0x8910];
	v7 =	vadd.f32 v11, v8  }
0x3f9: {  	v8 =	vld [tilespmem:s31+$0xA110];
	v4 =	vadd.f32 v5, v4  }
0x3fa: {  	v5 =	vld [tilespmem:s31+$0xB910];
	v3 =	vadd.f32 v7, v3  }
0x3fb: {  	[tilespmem:s6+$0x40] =	vst v4  }
0x3fc: {  	[tilespmem:s6+$0x50] =	vst v3  }
0x3fd: {  	v3 =	vshll.u32 v10, $0x10;
	v4 =	vld [tilespmem:s30+$0x7530]  }
0x3fe: {  	v7 =	vand.u32 $0xFFFF0000, v10;
	v9 =	vshll.u32 v6, $0x10;
	v6 =	vand.u32 $0xFFFF0000, v6;
	v10 =	vld [tilespmem:s30+$0x8D30]  }
0x3ff: {  	v11 =	vshll.u32 v8, $0x10;
	v8 =	vand.u32 $0xFFFF0000, v8;
	v54 =	vld [tilespmem:s30+$0xA530];
	v53 =	vshll.u32 v5, $0x10  }
0x400: {  	v3 =	vadd.f32 v9, v3;
	v5 =	vand.u32 $0xFFFF0000, v5;
	v9 =	vadd.f32 v53, v11;
	v11 =	vld [tilespmem:s30+$0xBD30]  }
0x401: {  	v6 =	vadd.f32 v6, v7;
	v5 =	vadd.f32 v5, v8  }
0x402: {  	v3 =	vadd.f32 v9, v3  }
0x403: {  	v5 =	vadd.f32 v5, v6;
	v6 =	vshll.u32 v4, $0x10  }
0x404: {  	v7 =	vand.u32 $0xFFFF0000, v10;
	v8 =	vand.u32 $0xFFFF0000, v54;
	[tilespmem:s14+$0x20] =	vst v3;
	v3 =	vand.u32 $0xFFFF0000, v4  }
0x405: {  	v4 =	vshll.u32 v10, $0x10;
	[tilespmem:s14+$0x30] =	vst v5;
	v5 =	vshll.u32 v54, $0x10;
	v9 =	vshll.u32 v11, $0x10  }
0x406: {  	v10 =	vld [tilespmem:s31+$0x7120];
	v11 =	vand.u32 $0xFFFF0000, v11;
	v4 =	vadd.f32 v4, v6;
	v5 =	vadd.f32 v9, v5  }
0x407: {  	v6 =	vld [tilespmem:s31+$0x8920];
	v3 =	vadd.f32 v7, v3;
	v7 =	vadd.f32 v11, v8  }
0x408: {  	v8 =	vld [tilespmem:s31+$0xA120];
	v4 =	vadd.f32 v5, v4  }
0x409: {  	v5 =	vld [tilespmem:s31+$0xB920];
	v3 =	vadd.f32 v7, v3  }
0x40a: {  	[tilespmem:s6+$0x60] =	vst v4  }
0x40b: {  	[tilespmem:s6+$0x70] =	vst v3  }
0x40c: {  	v3 =	vshll.u32 v10, $0x10;
	v4 =	vld [tilespmem:s30+$0x7540]  }
0x40d: {  	v7 =	vand.u32 $0xFFFF0000, v10;
	v9 =	vshll.u32 v6, $0x10;
	v6 =	vand.u32 $0xFFFF0000, v6;
	v10 =	vld [tilespmem:s30+$0x8D40]  }
0x40e: {  	v11 =	vshll.u32 v8, $0x10;
	v8 =	vand.u32 $0xFFFF0000, v8;
	v56 =	vld [tilespmem:s30+$0xA540];
	v55 =	vshll.u32 v5, $0x10  }
0x40f: {  	v3 =	vadd.f32 v9, v3;
	v5 =	vand.u32 $0xFFFF0000, v5;
	v9 =	vadd.f32 v55, v11;
	v11 =	vld [tilespmem:s30+$0xBD40]  }
0x410: {  	v6 =	vadd.f32 v6, v7;
	v5 =	vadd.f32 v5, v8  }
0x411: {  	v3 =	vadd.f32 v9, v3  }
0x412: {  	v5 =	vadd.f32 v5, v6;
	v6 =	vshll.u32 v4, $0x10  }
0x413: {  	v7 =	vand.u32 $0xFFFF0000, v10;
	v8 =	vand.u32 $0xFFFF0000, v56;
	[tilespmem:s14+$0x40] =	vst v3;
	v3 =	vand.u32 $0xFFFF0000, v4  }
0x414: {  	v4 =	vshll.u32 v10, $0x10;
	[tilespmem:s14+$0x50] =	vst v5;
	v5 =	vshll.u32 v56, $0x10;
	v9 =	vshll.u32 v11, $0x10  }
0x415: {  	v10 =	vld [tilespmem:s31+$0x7130];
	v11 =	vand.u32 $0xFFFF0000, v11;
	v4 =	vadd.f32 v4, v6;
	v5 =	vadd.f32 v9, v5  }
0x416: {  	v3 =	vadd.f32 v7, v3;
	v7 =	vld [tilespmem:s31+$0x8930];
	v6 =	vadd.f32 v11, v8  }
0x417: {  	v8 =	vld [tilespmem:s31+$0xA130];
	v4 =	vadd.f32 v5, v4  }
0x418: {  	v3 =	vadd.f32 v6, v3;
	v5 =	vld [tilespmem:s31+$0xB930]  }
0x419: {  	s6 =	sadd.s32 $0x10D00, s1;
	[tilespmem:s1+$0x10D00] =	vst v4  }
0x41a: {  	[tilespmem:s6+$0x10] =	vst v3  }
0x41b: {  	v6 =	vand.u32 $0xFFFF0000, v10;
	v4 =	vld [tilespmem:s30+$0x7550]  }
0x41c: {  	v9 =	vshll.u32 v7, $0x10;
	v7 =	vand.u32 $0xFFFF0000, v7;
	v3 =	vshll.u32 v10, $0x10;
	v10 =	vld [tilespmem:s30+$0x8D50]  }
0x41d: {  	v11 =	vshll.u32 v8, $0x10;
	v8 =	vand.u32 $0xFFFF0000, v8;
	v58 =	vld [tilespmem:s30+$0xA550];
	v57 =	vshll.u32 v5, $0x10  }
0x41e: {  	v3 =	vadd.f32 v9, v3;
	v5 =	vand.u32 $0xFFFF0000, v5;
	v9 =	vadd.f32 v57, v11;
	v11 =	vld [tilespmem:s30+$0xBD50]  }
0x41f: {  	v6 =	vadd.f32 v7, v6;
	v5 =	vadd.f32 v5, v8  }
0x420: {  	v3 =	vadd.f32 v9, v3  }
0x421: {  	v5 =	vadd.f32 v5, v6;
	v6 =	vshll.u32 v4, $0x10  }
0x422: {  	v7 =	vand.u32 $0xFFFF0000, v10;
	v8 =	vand.u32 $0xFFFF0000, v58;
	[tilespmem:s14+$0x60] =	vst v3;
	v3 =	vand.u32 $0xFFFF0000, v4  }
0x423: {  	v4 =	vshll.u32 v10, $0x10;
	[tilespmem:s14+$0x70] =	vst v5;
	v5 =	vshll.u32 v58, $0x10;
	v9 =	vshll.u32 v11, $0x10  }
0x424: {  	v10 =	vld [tilespmem:s31+$0x7140];
	v11 =	vand.u32 $0xFFFF0000, v11;
	v4 =	vadd.f32 v4, v6;
	v5 =	vadd.f32 v9, v5  }
0x425: {  	v6 =	vld [tilespmem:s31+$0x8940];
	v3 =	vadd.f32 v7, v3;
	v7 =	vadd.f32 v11, v8  }
0x426: {  	v8 =	vld [tilespmem:s31+$0xA140];
	v4 =	vadd.f32 v5, v4  }
0x427: {  	v5 =	vld [tilespmem:s31+$0xB940];
	v3 =	vadd.f32 v7, v3  }
0x428: {  	[tilespmem:s6+$0x20] =	vst v4  }
0x429: {  	[tilespmem:s6+$0x30] =	vst v3  }
0x42a: {  	v3 =	vshll.u32 v10, $0x10;
	v4 =	vld [tilespmem:s30+$0x7560]  }
0x42b: {  	v7 =	vand.u32 $0xFFFF0000, v10;
	v9 =	vshll.u32 v6, $0x10;
	v6 =	vand.u32 $0xFFFF0000, v6;
	v10 =	vld [tilespmem:s30+$0x8D60]  }
0x42c: {  	v11 =	vshll.u32 v8, $0x10;
	v8 =	vand.u32 $0xFFFF0000, v8;
	v60 =	vld [tilespmem:s30+$0xA560];
	v59 =	vshll.u32 v5, $0x10  }
0x42d: {  	v3 =	vadd.f32 v9, v3;
	v5 =	vand.u32 $0xFFFF0000, v5;
	v9 =	vadd.f32 v59, v11;
	v11 =	vld [tilespmem:s30+$0xBD60]  }
0x42e: {  	v6 =	vadd.f32 v6, v7;
	v5 =	vadd.f32 v5, v8  }
0x42f: {  	v3 =	vadd.f32 v9, v3  }
0x430: {  	v5 =	vadd.f32 v5, v6;
	v6 =	vshll.u32 v4, $0x10  }
0x431: {  	v7 =	vand.u32 $0xFFFF0000, v10;
	v8 =	vand.u32 $0xFFFF0000, v60;
	[tilespmem:s14+$0x400] =	vst v3;
	v3 =	vand.u32 $0xFFFF0000, v4  }
0x432: {  	v4 =	vshll.u32 v10, $0x10;
	[tilespmem:s14+$0x410] =	vst v5;
	v5 =	vshll.u32 v60, $0x10;
	v9 =	vshll.u32 v11, $0x10  }
0x433: {  	v10 =	vld [tilespmem:s31+$0x7150];
	v11 =	vand.u32 $0xFFFF0000, v11;
	v4 =	vadd.f32 v4, v6;
	v5 =	vadd.f32 v9, v5  }
0x434: {  	v6 =	vld [tilespmem:s31+$0x8950];
	v3 =	vadd.f32 v7, v3;
	v7 =	vadd.f32 v11, v8  }
0x435: {  	v8 =	vld [tilespmem:s31+$0xA150];
	v4 =	vadd.f32 v5, v4  }
0x436: {  	v5 =	vld [tilespmem:s31+$0xB950];
	v3 =	vadd.f32 v7, v3  }
0x437: {  	[tilespmem:s6+$0x40] =	vst v4  }
0x438: {  	[tilespmem:s6+$0x50] =	vst v3  }
0x439: {  	v3 =	vshll.u32 v10, $0x10;
	v4 =	vld [tilespmem:s30+$0x7570]  }
0x43a: {  	v7 =	vand.u32 $0xFFFF0000, v10;
	v9 =	vshll.u32 v6, $0x10;
	v6 =	vand.u32 $0xFFFF0000, v6;
	v10 =	vld [tilespmem:s30+$0x8D70]  }
0x43b: {  	v11 =	vshll.u32 v8, $0x10;
	v8 =	vand.u32 $0xFFFF0000, v8;
	v62 =	vld [tilespmem:s30+$0xA570];
	v61 =	vshll.u32 v5, $0x10  }
0x43c: {  	v3 =	vadd.f32 v9, v3;
	v5 =	vand.u32 $0xFFFF0000, v5;
	v9 =	vadd.f32 v61, v11;
	v11 =	vld [tilespmem:s30+$0xBD70]  }
0x43d: {  	v6 =	vadd.f32 v6, v7;
	v5 =	vadd.f32 v5, v8  }
0x43e: {  	v3 =	vadd.f32 v9, v3  }
0x43f: {  	v5 =	vadd.f32 v5, v6;
	v6 =	vshll.u32 v4, $0x10  }
0x440: {  	v9 =	vand.u32 $0xFFFF0000, v4;
	v4 =	vshll.u32 v62, $0x10;
	v63 =	vand.u32 $0xFFFF0000, v62;
	[tilespmem:s14+$0x420] =	vst v3  }
0x441: {  	v3 =	vshll.u32 v10, $0x10;
	v10 =	vand.u32 $0xFFFF0000, v10;
	[tilespmem:s14+$0x430] =	vst v5;
	v5 =	vshll.u32 v11, $0x10  }
0x442: {  	v7 =	vld [tilespmem:s31+$0x7160];
	v11 =	vand.u32 $0xFFFF0000, v11;
	v3 =	vadd.f32 v3, v6;
	v4 =	vadd.f32 v5, v4  }
0x443: {  	s28 =	sadd.s32 $0x1, s28;
	s15 =	simm.s32 $0x2;
	v8 =	vld [tilespmem:s31+$0x8960];
	v5 =	vadd.f32 v10, v9;
	v6 =	vadd.f32 v11, v63  }
.LBB2_9:
0x444: {  	p0 =	sne.s32 s15, $0xF;
	v9 =	vld [tilespmem:s31+$0xA160];
	v3 =	vadd.f32 v4, v3  }
0x445: {  	v4 =	vld [tilespmem:s31+$0xB960];
	v5 =	vadd.f32 v6, v5  }
0x446: {  	[tilespmem:s6+$0x60] =	vst v3  }
0x447: {  	[tilespmem:s6+$0x70] =	vst v5  }
0x448: {  	v3 =	vshll.u32 v7, $0x10;
	v5 =	vld [tilespmem:s30+$0x7900]  }
0x449: {  	v6 =	vand.u32 $0xFFFF0000, v7;
	v7 =	vshll.u32 v8, $0x10;
	v8 =	vand.u32 $0xFFFF0000, v8;
	v10 =	vld [tilespmem:s30+$0x9100]  }
0x44a: {  	v11 =	vshll.u32 v9, $0x10;
	v9 =	vand.u32 $0xFFFF0000, v9;
	v12 =	vshll.u32 v4, $0x10;
	v13 =	vld [tilespmem:s30+$0xA900]  }
0x44b: {  	s9 =	sshrl.u32 s15, $0x3;
	v3 =	vadd.f32 v7, v3;
	v4 =	vand.u32 $0xFFFF0000, v4;
	v7 =	vadd.f32 v12, v11;
	v11 =	vld [tilespmem:s30+$0xC100]  }
0x44c: {  	s7 =	smul.u32 $0x3000, s9;
	v6 =	vadd.f32 v8, v6;
	v4 =	vadd.f32 v4, v9  }
0x44d: {  	s13 =	sadd.s32 $0x80, s13;
	v3 =	vadd.f32 v7, v3  }
0x44e: {  	s6 =	sand.u32 $0x380, s13;
	s7 =	sshra.s32 s7, $0x2;
	v4 =	vadd.f32 v4, v6;
	v6 =	vshll.u32 v5, $0x10  }
0x44f: {  	s7 =	sor.u32 s6, s7;
	v7 =	vand.u32 $0xFFFF0000, v10;
	[tilespmem:s14+$0x440] =	vst v3;
	v3 =	vand.u32 $0xFFFF0000, v5;
	v5 =	vshll.u32 v10, $0x10  }
0x450: {  	v9 =	vand.u32 $0xFFFF0000, v13;
	v8 =	vld [tilespmem:s7+$0x7100];
	[tilespmem:s14+$0x450] =	vst v4;
	v4 =	vshll.u32 v13, $0x10;
	v10 =	vshll.u32 v11, $0x10  }
0x451: {  	v11 =	vand.u32 $0xFFFF0000, v11;
	v5 =	vadd.f32 v5, v6;
	v12 =	vld [tilespmem:s31+$0x7170];
	v4 =	vadd.f32 v10, v4  }
0x452: {  	v3 =	vadd.f32 v7, v3;
	v7 =	vadd.f32 v11, v9;
	v6 =	vld [tilespmem:s31+$0x8970]  }
0x453: {  	v9 =	vld [tilespmem:s31+$0xA170];
	v4 =	vadd.f32 v4, v5  }
0x454: {  	v3 =	vadd.f32 v7, v3;
	v5 =	vld [tilespmem:s31+$0xB970]  }
0x455: {  	s8 =	sadd.s32 $0x11100, s1;
	v7 =	vld [tilespmem:s7+$0x8900];
	[tilespmem:s1+$0x11100] =	vst v4  }
0x456: {  	v4 =	vld [tilespmem:s7+$0xA100];
	[tilespmem:s8+$0x10] =	vst v3  }
0x457: {  	v3 =	vshll.u32 v8, $0x10;
	v10 =	vshll.u32 v12, $0x10;
	v11 =	vld [tilespmem:s30+$0x7910]  }
0x458: {  	v12 =	vand.u32 $0xFFFF0000, v12;
	v13 =	vshll.u32 v6, $0x10;
	v6 =	vand.u32 $0xFFFF0000, v6;
	v14 =	vld [tilespmem:s30+$0x9110]  }
0x459: {  	v15 =	vshll.u32 v9, $0x10;
	v9 =	vand.u32 $0xFFFF0000, v9;
	v16 =	vshll.u32 v5, $0x10;
	v17 =	vld [tilespmem:s30+$0xA910]  }
0x45a: {  	v10 =	vadd.f32 v13, v10;
	v5 =	vand.u32 $0xFFFF0000, v5;
	v13 =	vadd.f32 v16, v15;
	v15 =	vld [tilespmem:s30+$0xC110]  }
0x45b: {  	v8 =	vand.u32 $0xFFFF0000, v8;
	v6 =	vadd.f32 v6, v12;
	v5 =	vadd.f32 v5, v9  }
0x45c: {  	v9 =	vshll.u32 v7, $0x10;
	v7 =	vand.u32 $0xFFFF0000, v7;
	v10 =	vadd.f32 v13, v10  }
0x45d: {  	v12 =	vshll.u32 v4, $0x10;
	v5 =	vadd.f32 v5, v6;
	v6 =	vshll.u32 v11, $0x10;
	v13 =	vld [tilespmem:s7+$0xB900]  }
0x45e: {  	[tilespmem:s14+$0x460] =	vst v10;
	v10 =	vand.u32 $0xFFFF0000, v11;
	v11 =	vshll.u32 v14, $0x10;
	v14 =	vand.u32 $0xFFFF0000, v14  }
0x45f: {  	v16 =	vand.u32 $0xFFFF0000, v17;
	[tilespmem:s14+$0x470] =	vst v5;
	v5 =	vshll.u32 v17, $0x10;
	v17 =	vshll.u32 v15, $0x10  }
0x460: {  	v15 =	vand.u32 $0xFFFF0000, v15;
	v6 =	vadd.f32 v11, v6;
	v18 =	vld [tilespmem:s31+$0x7500];
	v5 =	vadd.f32 v17, v5  }
0x461: {  	v4 =	vand.u32 $0xFFFF0000, v4;
	v10 =	vadd.f32 v14, v10;
	v14 =	vadd.f32 v15, v16;
	v11 =	vld [tilespmem:s31+$0x8D00]  }
0x462: {  	v3 =	vadd.f32 v9, v3;
	v15 =	vshll.u32 v13, $0x10;
	v9 =	vld [tilespmem:s31+$0xA500];
	v5 =	vadd.f32 v5, v6  }
0x463: {  	v6 =	vand.u32 $0xFFFF0000, v13;
	v10 =	vadd.f32 v14, v10;
	v12 =	vadd.f32 v15, v12;
	v13 =	vld [tilespmem:s31+$0xBD00]  }
0x464: {  	v7 =	vadd.f32 v7, v8;
	v4 =	vadd.f32 v6, v4;
	[tilespmem:s8+$0x20] =	vst v5  }
0x465: {  	[tilespmem:s8+$0x30] =	vst v10  }
0x466: {  	v3 =	vadd.f32 v12, v3;
	v4 =	vadd.f32 v4, v7;
	v5 =	vshll.u32 v18, $0x10;
	v6 =	vld [tilespmem:s30+$0x7920]  }
0x467: {  	s9 =	smul.u32 $0x6000, s9;
	v7 =	vand.u32 $0xFFFF0000, v18;
	v8 =	vshll.u32 v11, $0x10;
	v10 =	vand.u32 $0xFFFF0000, v11;
	v11 =	vld [tilespmem:s30+$0x9120]  }
0x468: {  	v12 =	vshll.u32 v9, $0x10;
	v9 =	vand.u32 $0xFFFF0000, v9;
	v14 =	vshll.u32 v13, $0x10;
	v15 =	vld [tilespmem:s30+$0xA920]  }
0x469: {  	s9 =	sshra.s32 s9, $0x2;
	v5 =	vadd.f32 v8, v5;
	v13 =	vand.u32 $0xFFFF0000, v13;
	v8 =	vadd.f32 v14, v12;
	v12 =	vld [tilespmem:s30+$0xC120]  }
0x46a: {  	s9 =	sor.u32 s6, s9;
	v7 =	vadd.f32 v10, v7;
	v9 =	vadd.f32 v13, v9  }
0x46b: {  	s14 =	sadd.s32 $0x10100, s9;
	[tilespmem:s9+$0x10100] =	vst v3;
	v3 =	vadd.f32 v8, v5  }
0x46c: {  	v5 =	vshll.u32 v6, $0x10;
	[tilespmem:s14+$0x10] =	vst v4;
	v4 =	vadd.f32 v9, v7  }
0x46d: {  	s6 =	sadd.s32 $0x10900, s0;
	v7 =	vand.u32 $0xFFFF0000, v11;
	[tilespmem:s0+$0x10900] =	vst v3;
	v3 =	vand.u32 $0xFFFF0000, v6;
	v6 =	vshll.u32 v11, $0x10  }
0x46e: {  	v9 =	vand.u32 $0xFFFF0000, v15;
	v8 =	vld [tilespmem:s7+$0x7110];
	[tilespmem:s6+$0x10] =	vst v4;
	v4 =	vshll.u32 v15, $0x10;
	v10 =	vshll.u32 v12, $0x10  }
0x46f: {  	v12 =	vand.u32 $0xFFFF0000, v12;
	v5 =	vadd.f32 v6, v5;
	v11 =	vld [tilespmem:s31+$0x7510];
	v4 =	vadd.f32 v10, v4  }
0x470: {  	v3 =	vadd.f32 v7, v3;
	v7 =	vadd.f32 v12, v9;
	v6 =	vld [tilespmem:s31+$0x8D10]  }
0x471: {  	v9 =	vld [tilespmem:s31+$0xA510];
	v4 =	vadd.f32 v4, v5  }
0x472: {  	v3 =	vadd.f32 v7, v3;
	v5 =	vld [tilespmem:s31+$0xBD10]  }
0x473: {  	v7 =	vld [tilespmem:s7+$0x8910];
	[tilespmem:s8+$0x40] =	vst v4  }
0x474: {  	v4 =	vld [tilespmem:s7+$0xA110];
	[tilespmem:s8+$0x50] =	vst v3  }
0x475: {  	v3 =	vshll.u32 v8, $0x10;
	v10 =	vshll.u32 v11, $0x10;
	v12 =	vld [tilespmem:s30+$0x7930]  }
0x476: {  	v11 =	vand.u32 $0xFFFF0000, v11;
	v13 =	vshll.u32 v6, $0x10;
	v6 =	vand.u32 $0xFFFF0000, v6;
	v14 =	vld [tilespmem:s30+$0x9130]  }
0x477: {  	v15 =	vshll.u32 v9, $0x10;
	v9 =	vand.u32 $0xFFFF0000, v9;
	v16 =	vshll.u32 v5, $0x10;
	v17 =	vld [tilespmem:s30+$0xA930]  }
0x478: {  	v10 =	vadd.f32 v13, v10;
	v5 =	vand.u32 $0xFFFF0000, v5;
	v13 =	vadd.f32 v16, v15;
	v15 =	vld [tilespmem:s30+$0xC130]  }
0x479: {  	v8 =	vand.u32 $0xFFFF0000, v8;
	v6 =	vadd.f32 v6, v11;
	v5 =	vadd.f32 v5, v9  }
0x47a: {  	v9 =	vshll.u32 v7, $0x10;
	v7 =	vand.u32 $0xFFFF0000, v7;
	v10 =	vadd.f32 v13, v10  }
0x47b: {  	v11 =	vshll.u32 v4, $0x10;
	v5 =	vadd.f32 v5, v6;
	v6 =	vshll.u32 v12, $0x10;
	v13 =	vld [tilespmem:s7+$0xB910]  }
0x47c: {  	[tilespmem:s6+$0x20] =	vst v10;
	v10 =	vand.u32 $0xFFFF0000, v12;
	v12 =	vshll.u32 v14, $0x10;
	v14 =	vand.u32 $0xFFFF0000, v14  }
0x47d: {  	v16 =	vand.u32 $0xFFFF0000, v17;
	[tilespmem:s6+$0x30] =	vst v5;
	v5 =	vshll.u32 v17, $0x10;
	v17 =	vshll.u32 v15, $0x10  }
0x47e: {  	v15 =	vand.u32 $0xFFFF0000, v15;
	v6 =	vadd.f32 v12, v6;
	v18 =	vld [tilespmem:s31+$0x7520];
	v5 =	vadd.f32 v17, v5  }
0x47f: {  	v4 =	vand.u32 $0xFFFF0000, v4;
	v10 =	vadd.f32 v14, v10;
	v14 =	vadd.f32 v15, v16;
	v12 =	vld [tilespmem:s31+$0x8D20]  }
0x480: {  	v3 =	vadd.f32 v9, v3;
	v15 =	vshll.u32 v13, $0x10;
	v9 =	vld [tilespmem:s31+$0xA520];
	v5 =	vadd.f32 v5, v6  }
0x481: {  	v6 =	vand.u32 $0xFFFF0000, v13;
	v10 =	vadd.f32 v14, v10;
	v11 =	vadd.f32 v15, v11;
	v13 =	vld [tilespmem:s31+$0xBD20]  }
0x482: {  	v7 =	vadd.f32 v7, v8;
	v4 =	vadd.f32 v6, v4;
	[tilespmem:s8+$0x60] =	vst v5  }
0x483: {  	[tilespmem:s8+$0x70] =	vst v10  }
0x484: {  	v3 =	vadd.f32 v11, v3;
	v4 =	vadd.f32 v4, v7;
	v5 =	vshll.u32 v18, $0x10;
	v6 =	vld [tilespmem:s30+$0x7940]  }
0x485: {  	v7 =	vand.u32 $0xFFFF0000, v18;
	v8 =	vshll.u32 v12, $0x10;
	v10 =	vand.u32 $0xFFFF0000, v12;
	v11 =	vld [tilespmem:s30+$0x9140]  }
0x486: {  	v12 =	vshll.u32 v9, $0x10;
	v9 =	vand.u32 $0xFFFF0000, v9;
	v14 =	vshll.u32 v13, $0x10;
	v15 =	vld [tilespmem:s30+$0xA940]  }
0x487: {  	v5 =	vadd.f32 v8, v5;
	[tilespmem:s14+$0x20] =	vst v3;
	v3 =	vand.u32 $0xFFFF0000, v13;
	v8 =	vadd.f32 v14, v12;
	v12 =	vld [tilespmem:s30+$0xC140]  }
0x488: {  	[tilespmem:s14+$0x30] =	vst v4;
	v4 =	vadd.f32 v10, v7;
	v3 =	vadd.f32 v3, v9  }
0x489: {  	v7 =	vld [tilespmem:s7+$0x7120];
	v5 =	vadd.f32 v8, v5  }
0x48a: {  	v8 =	vld [tilespmem:s7+$0x8920];
	v3 =	vadd.f32 v3, v4;
	v4 =	vshll.u32 v6, $0x10  }
0x48b: {  	v10 =	vand.u32 $0xFFFF0000, v11;
	v9 =	vld [tilespmem:s7+$0xA120];
	[tilespmem:s6+$0x40] =	vst v5;
	v5 =	vand.u32 $0xFFFF0000, v6;
	v6 =	vshll.u32 v11, $0x10  }
0x48c: {  	v13 =	vand.u32 $0xFFFF0000, v15;
	v11 =	vld [tilespmem:s7+$0xB920];
	[tilespmem:s6+$0x50] =	vst v3;
	v3 =	vshll.u32 v15, $0x10;
	v14 =	vshll.u32 v12, $0x10  }
0x48d: {  	v12 =	vand.u32 $0xFFFF0000, v12;
	v4 =	vadd.f32 v6, v4;
	v15 =	vld [tilespmem:s31+$0x7530];
	v3 =	vadd.f32 v14, v3  }
0x48e: {  	v5 =	vadd.f32 v10, v5;
	v10 =	vadd.f32 v12, v13;
	v6 =	vld [tilespmem:s31+$0x8D30]  }
0x48f: {  	v12 =	vshll.u32 v7, $0x10;
	v7 =	vand.u32 $0xFFFF0000, v7;
	v13 =	vld [tilespmem:s31+$0xA530];
	v3 =	vadd.f32 v3, v4  }
0x490: {  	v4 =	vshll.u32 v8, $0x10;
	v8 =	vand.u32 $0xFFFF0000, v8;
	v5 =	vadd.f32 v10, v5;
	v14 =	vld [tilespmem:s31+$0xBD30]  }
0x491: {  	s8 =	sadd.s32 $0x11500, s1;
	v10 =	vshll.u32 v9, $0x10;
	v9 =	vand.u32 $0xFFFF0000, v9;
	v16 =	vshll.u32 v11, $0x10;
	[tilespmem:s1+$0x11500] =	vst v3;
	s1 =	smov.u32 s0;
	s0 =	smov.u32 s9  }
0x492: {  	v4 =	vadd.f32 v4, v12;
	v3 =	vand.u32 $0xFFFF0000, v11;
	v10 =	vadd.f32 v16, v10;
	[tilespmem:s8+$0x10] =	vst v5  }
0x493: {  	v5 =	vadd.f32 v8, v7;
	v3 =	vadd.f32 v3, v9;
	v7 =	vshll.u32 v15, $0x10;
	v8 =	vld [tilespmem:s30+$0x7950]  }
0x494: {  	v9 =	vand.u32 $0xFFFF0000, v15;
	v11 =	vshll.u32 v6, $0x10;
	v6 =	vand.u32 $0xFFFF0000, v6;
	v12 =	vld [tilespmem:s30+$0x9150]  }
0x495: {  	v15 =	vshll.u32 v13, $0x10;
	v13 =	vand.u32 $0xFFFF0000, v13;
	v16 =	vshll.u32 v14, $0x10;
	v17 =	vld [tilespmem:s30+$0xA950]  }
0x496: {  	v7 =	vadd.f32 v11, v7;
	v14 =	vand.u32 $0xFFFF0000, v14;
	v11 =	vadd.f32 v16, v15;
	v15 =	vld [tilespmem:s30+$0xC150]  }
0x497: {  	v6 =	vadd.f32 v6, v9;
	v9 =	vadd.f32 v14, v13  }
0x498: {  	v4 =	vadd.f32 v10, v4;
	v7 =	vadd.f32 v11, v7  }
0x499: {  	v3 =	vadd.f32 v3, v5;
	v5 =	vadd.f32 v9, v6;
	v6 =	vshll.u32 v8, $0x10  }
0x49a: {  	v9 =	vand.u32 $0xFFFF0000, v12;
	[tilespmem:s6+$0x60] =	vst v7;
	v7 =	vand.u32 $0xFFFF0000, v8;
	v8 =	vshll.u32 v12, $0x10  }
0x49b: {  	v10 =	vand.u32 $0xFFFF0000, v17;
	[tilespmem:s6+$0x70] =	vst v5;
	v5 =	vshll.u32 v17, $0x10;
	v11 =	vshll.u32 v15, $0x10  }
0x49c: {  	v13 =	vand.u32 $0xFFFF0000, v15;
	v6 =	vadd.f32 v8, v6;
	v12 =	vld [tilespmem:s31+$0x7540];
	v5 =	vadd.f32 v11, v5  }
0x49d: {  	v7 =	vadd.f32 v9, v7;
	v9 =	vadd.f32 v13, v10;
	v8 =	vld [tilespmem:s31+$0x8D40]  }
0x49e: {  	[tilespmem:s14+$0x40] =	vst v4;
	v4 =	vld [tilespmem:s31+$0xA540];
	v5 =	vadd.f32 v5, v6  }
0x49f: {  	v6 =	vadd.f32 v9, v7;
	[tilespmem:s14+$0x50] =	vst v3;
	v3 =	vld [tilespmem:s31+$0xBD40]  }
0x4a0: {  	[tilespmem:s8+$0x20] =	vst v5  }
0x4a1: {  	v5 =	vld [tilespmem:s7+$0x7130];
	[tilespmem:s8+$0x30] =	vst v6  }
0x4a2: {  	v6 =	vshll.u32 v12, $0x10;
	v7 =	vld [tilespmem:s30+$0x7960]  }
0x4a3: {  	v9 =	vand.u32 $0xFFFF0000, v12;
	v10 =	vshll.u32 v8, $0x10;
	v8 =	vand.u32 $0xFFFF0000, v8;
	v11 =	vld [tilespmem:s30+$0x9160]  }
0x4a4: {  	v12 =	vshll.u32 v4, $0x10;
	v4 =	vand.u32 $0xFFFF0000, v4;
	v13 =	vshll.u32 v3, $0x10;
	v14 =	vld [tilespmem:s30+$0xA960]  }
0x4a5: {  	v6 =	vadd.f32 v10, v6;
	v3 =	vand.u32 $0xFFFF0000, v3;
	v10 =	vadd.f32 v13, v12;
	v12 =	vld [tilespmem:s30+$0xC160]  }
0x4a6: {  	v8 =	vadd.f32 v8, v9;
	v3 =	vadd.f32 v3, v4  }
0x4a7: {  	v4 =	vshll.u32 v5, $0x10;
	v5 =	vand.u32 $0xFFFF0000, v5;
	v9 =	vld [tilespmem:s7+$0x8930]  }
0x4a8: {  	v6 =	vadd.f32 v10, v6;
	v3 =	vadd.f32 v3, v8;
	v8 =	vshll.u32 v7, $0x10;
	v13 =	vld [tilespmem:s7+$0xA130]  }
0x4a9: {  	v7 =	vand.u32 $0xFFFF0000, v7;
	v15 =	vshll.u32 v11, $0x10;
	v11 =	vand.u32 $0xFFFF0000, v11;
	v10 =	vld [tilespmem:s7+$0xB930]  }
0x4aa: {  	s6 =	sadd.s32 $0x10D00, s1;
	[tilespmem:s1+$0x10D00] =	vst v6;
	v6 =	vshll.u32 v14, $0x10;
	v14 =	vand.u32 $0xFFFF0000, v14;
	v16 =	vshll.u32 v12, $0x10  }
0x4ab: {  	v8 =	vadd.f32 v15, v8;
	[tilespmem:s6+$0x10] =	vst v3;
	v3 =	vand.u32 $0xFFFF0000, v12;
	v6 =	vadd.f32 v16, v6  }
0x4ac: {  	v7 =	vadd.f32 v11, v7;
	v12 =	vshll.u32 v9, $0x10;
	v15 =	vld [tilespmem:s31+$0x7550];
	v3 =	vadd.f32 v3, v14  }
0x4ad: {  	v9 =	vand.u32 $0xFFFF0000, v9;
	v11 =	vshll.u32 v13, $0x10;
	v14 =	vld [tilespmem:s31+$0x8D50];
	v6 =	vadd.f32 v6, v8  }
0x4ae: {  	v8 =	vand.u32 $0xFFFF0000, v13;
	v13 =	vshll.u32 v10, $0x10;
	v16 =	vld [tilespmem:s31+$0xA550];
	v3 =	vadd.f32 v3, v7  }
0x4af: {  	v4 =	vadd.f32 v12, v4;
	v7 =	vand.u32 $0xFFFF0000, v10;
	v10 =	vadd.f32 v13, v11;
	v11 =	vld [tilespmem:s31+$0xBD50];
	[tilespmem:s8+$0x40] =	vst v6  }
0x4b0: {  	v5 =	vadd.f32 v9, v5;
	v6 =	vadd.f32 v7, v8;
	[tilespmem:s8+$0x50] =	vst v3  }
0x4b1: {  	v3 =	vadd.f32 v10, v4;
	v4 =	vld [tilespmem:s30+$0x7970]  }
0x4b2: {  	v5 =	vadd.f32 v6, v5;
	v6 =	vshll.u32 v15, $0x10;
	v7 =	vld [tilespmem:s30+$0x9170]  }
0x4b3: {  	v8 =	vshll.u32 v14, $0x10;
	v9 =	vand.u32 $0xFFFF0000, v14;
	[tilespmem:s14+$0x60] =	vst v3;
	v3 =	vand.u32 $0xFFFF0000, v15;
	v10 =	vld [tilespmem:s30+$0xA970]  }
0x4b4: {  	v12 =	vand.u32 $0xFFFF0000, v16;
	[tilespmem:s14+$0x70] =	vst v5;
	v5 =	vshll.u32 v16, $0x10;
	v13 =	vshll.u32 v11, $0x10;
	v14 =	vld [tilespmem:s30+$0xC170];
	s30 =	smov.u32 s31;
	s31 =	smov.u32 s7  }
0x4b5: {  	v6 =	vadd.f32 v8, v6;
	v11 =	vand.u32 $0xFFFF0000, v11;
	v15 =	vld [tilespmem:s31+$0x7140];
	v5 =	vadd.f32 v13, v5  }
0x4b6: {  	v3 =	vadd.f32 v9, v3;
	v9 =	vadd.f32 v11, v12;
	v8 =	vld [tilespmem:s31+$0x8940];
	v11 =	vshll.u32 v4, $0x10  }
0x4b7: {  	v12 =	vld [tilespmem:s31+$0xA140];
	v5 =	vadd.f32 v5, v6;
	v6 =	vshll.u32 v7, $0x10  }
0x4b8: {  	v4 =	vand.u32 $0xFFFF0000, v4;
	v3 =	vadd.f32 v9, v3;
	v13 =	vld [tilespmem:s31+$0xB940];
	v9 =	vshll.u32 v10, $0x10  }
0x4b9: {  	[tilespmem:s6+$0x20] =	vst v5;
	v5 =	vand.u32 $0xFFFF0000, v7;
	v7 =	vand.u32 $0xFFFF0000, v10;
	v10 =	vand.u32 $0xFFFF0000, v14  }
0x4ba: {  	[tilespmem:s6+$0x30] =	vst v3;
	v3 =	vshll.u32 v14, $0x10;
	v4 =	vadd.f32 v5, v4;
	v5 =	vadd.f32 v10, v7  }
0x4bb: {  	v6 =	vadd.f32 v6, v11;
	v7 =	vshll.u32 v15, $0x10;
	v10 =	vand.u32 $0xFFFF0000, v15;
	v14 =	vld [tilespmem:s30+$0x7560]  }
0x4bc: {  	v11 =	vshll.u32 v8, $0x10;
	v8 =	vand.u32 $0xFFFF0000, v8;
	v15 =	vld [tilespmem:s30+$0x8D60];
	v4 =	vadd.f32 v5, v4  }
0x4bd: {  	v5 =	vshll.u32 v12, $0x10;
	v12 =	vand.u32 $0xFFFF0000, v12;
	v16 =	vshll.u32 v13, $0x10;
	v17 =	vld [tilespmem:s30+$0xA560]  }
0x4be: {  	v7 =	vadd.f32 v11, v7;
	v13 =	vand.u32 $0xFFFF0000, v13;
	v5 =	vadd.f32 v16, v5;
	v11 =	vld [tilespmem:s30+$0xBD60];
	[tilespmem:s8+$0x70] =	vst v4  }
0x4bf: {  	v4 =	vadd.f32 v8, v10;
	v8 =	vadd.f32 v13, v12  }
0x4c0: {  	v3 =	vadd.f32 v3, v9;
	v5 =	vadd.f32 v5, v7  }
0x4c1: {  	v4 =	vadd.f32 v8, v4;
	v7 =	vshll.u32 v14, $0x10  }
0x4c2: {  	v8 =	vshll.u32 v15, $0x10;
	v9 =	vand.u32 $0xFFFF0000, v15;
	[tilespmem:s14+$0x400] =	vst v5;
	v5 =	vand.u32 $0xFFFF0000, v14  }
0x4c3: {  	v10 =	vand.u32 $0xFFFF0000, v17;
	[tilespmem:s14+$0x410] =	vst v4;
	v4 =	vshll.u32 v17, $0x10;
	v12 =	vshll.u32 v11, $0x10  }
0x4c4: {  	v7 =	vadd.f32 v8, v7;
	v11 =	vand.u32 $0xFFFF0000, v11;
	v13 =	vld [tilespmem:s31+$0x7150];
	v4 =	vadd.f32 v12, v4  }
0x4c5: {  	v5 =	vadd.f32 v9, v5;
	v9 =	vadd.f32 v11, v10;
	v8 =	vld [tilespmem:s31+$0x8950]  }
0x4c6: {  	v3 =	vadd.f32 v3, v6;
	v10 =	vld [tilespmem:s31+$0xA150];
	v4 =	vadd.f32 v4, v7  }
0x4c7: {  	v5 =	vadd.f32 v9, v5;
	v6 =	vld [tilespmem:s31+$0xB950]  }
0x4c8: {  	[tilespmem:s6+$0x40] =	vst v4  }
0x4c9: {  	[tilespmem:s6+$0x50] =	vst v5  }
0x4ca: {  	v4 =	vshll.u32 v13, $0x10;
	v5 =	vld [tilespmem:s30+$0x7570];
	[tilespmem:s8+$0x60] =	vst v3  }
0x4cb: {  	v3 =	vand.u32 $0xFFFF0000, v13;
	v7 =	vshll.u32 v8, $0x10;
	v8 =	vand.u32 $0xFFFF0000, v8;
	v9 =	vld [tilespmem:s30+$0x8D70]  }
0x4cc: {  	v11 =	vshll.u32 v10, $0x10;
	v10 =	vand.u32 $0xFFFF0000, v10;
	v12 =	vshll.u32 v6, $0x10;
	v13 =	vld [tilespmem:s30+$0xA570]  }
0x4cd: {  	v4 =	vadd.f32 v7, v4;
	v6 =	vand.u32 $0xFFFF0000, v6;
	v7 =	vadd.f32 v12, v11;
	v11 =	vld [tilespmem:s30+$0xBD70]  }
0x4ce: {  	v3 =	vadd.f32 v8, v3;
	v6 =	vadd.f32 v6, v10  }
0x4cf: {  	v4 =	vadd.f32 v7, v4  }
.Ltmp4:
0x4d0: {  	v3 =	vadd.f32 v6, v3;
	v6 =	vshll.u32 v5, $0x10;
	(pc) =	sbr.rel @p0 .LBB2_9-.Ltmp4, $4  }
0x4d1: {  	v5 =	vand.u32 $0xFFFF0000, v5;
	[tilespmem:s14+$0x420] =	vst v4;
	v4 =	vshll.u32 v9, $0x10;
	v9 =	vand.u32 $0xFFFF0000, v9  }
0x4d2: {  	v8 =	vshll.u32 v13, $0x10;
	v10 =	vand.u32 $0xFFFF0000, v13;
	[tilespmem:s14+$0x430] =	vst v3;
	v12 =	vshll.u32 v11, $0x10  }
0x4d3: {  	v11 =	vand.u32 $0xFFFF0000, v11;
	v3 =	vadd.f32 v4, v6;
	v7 =	vld [tilespmem:s31+$0x7160];
	v4 =	vadd.f32 v12, v8  }
0x4d4: {  	s15 =	sadd.s32 $0x1, s15;
	v5 =	vadd.f32 v9, v5;
	v6 =	vadd.f32 v11, v10;
	v8 =	vld [tilespmem:s31+$0x8960]  }
0x4d5: {  	v9 =	vld [tilespmem:s31+$0xA160]  }
0x4d6: {  	v10 =	vld [tilespmem:s31+$0xB960];
	_ =	sdelay $0x2  }
0x4d7: {  	v11 =	vshll.u32 v7, $0x10  }
0x4d8: {  	v20 =	vand.u32 $0xFFFF0000, v7;
	v12 =	vshll.u32 v8, $0x10;
	v21 =	vand.u32 $0xFFFF0000, v8  }
0x4d9: {  	v13 =	vshll.u32 v9, $0x10;
	v9 =	vand.u32 $0xFFFF0000, v9;
	v14 =	vshll.u32 v10, $0x10  }
0x4da: {  	v10 =	vand.u32 $0xFFFF0000, v10;
	v11 =	vadd.f32 v12, v11;
	v22 =	vadd.f32 v14, v13  }
0x4db: {  	v7 =	vadd.f32 v21, v20;
	v23 =	vadd.f32 v10, v9  }
0x4dc: {  	v24 =	vadd.f32 v22, v11  }
0x4dd: {  	v7 =	vadd.f32 v23, v7  }
0x4de: {  	[tilespmem:s14+$0x440] =	vst v24  }
0x4df: {  	[tilespmem:s14+$0x450] =	vst v7  }
0x4e0: {  	v7 =	vld [tilespmem:s31+$0x7170]  }
0x4e1: {  	v25 =	vld [tilespmem:s31+$0x8970]  }
0x4e2: {  	v9 =	vld [tilespmem:s31+$0xA170]  }
0x4e3: {  	v26 =	vld [tilespmem:s31+$0xB970];
	_ =	sdelay $0x2  }
0x4e4: {  	v27 =	vshll.u32 v7, $0x10  }
0x4e5: {  	v7 =	vand.u32 $0xFFFF0000, v7;
	v28 =	vshll.u32 v25, $0x10;
	v8 =	vand.u32 $0xFFFF0000, v25  }
0x4e6: {  	v29 =	vshll.u32 v9, $0x10;
	v9 =	vand.u32 $0xFFFF0000, v9;
	v30 =	vshll.u32 v26, $0x10  }
0x4e7: {  	v10 =	vand.u32 $0xFFFF0000, v26;
	v11 =	vadd.f32 v28, v27;
	v31 =	vadd.f32 v30, v29  }
0x4e8: {  	v7 =	vadd.f32 v8, v7;
	v32 =	vadd.f32 v10, v9  }
0x4e9: {  	v33 =	vadd.f32 v31, v11  }
0x4ea: {  	v7 =	vadd.f32 v32, v7  }
0x4eb: {  	[tilespmem:s14+$0x460] =	vst v33  }
0x4ec: {  	[tilespmem:s14+$0x470] =	vst v7  }
0x4ed: {  	v7 =	vld [tilespmem:s31+$0x7500]  }
0x4ee: {  	v34 =	vld [tilespmem:s31+$0x8D00]  }
0x4ef: {  	v9 =	vld [tilespmem:s31+$0xA500]  }
0x4f0: {  	v35 =	vld [tilespmem:s31+$0xBD00];
	_ =	sdelay $0x2  }
0x4f1: {  	v36 =	vshll.u32 v7, $0x10  }
0x4f2: {  	v7 =	vand.u32 $0xFFFF0000, v7;
	v37 =	vshll.u32 v34, $0x10;
	v8 =	vand.u32 $0xFFFF0000, v34  }
0x4f3: {  	v38 =	vshll.u32 v9, $0x10;
	v9 =	vand.u32 $0xFFFF0000, v9;
	v39 =	vshll.u32 v35, $0x10  }
0x4f4: {  	v10 =	vand.u32 $0xFFFF0000, v35;
	v11 =	vadd.f32 v37, v36;
	v40 =	vadd.f32 v39, v38  }
0x4f5: {  	v7 =	vadd.f32 v8, v7;
	v41 =	vadd.f32 v10, v9  }
0x4f6: {  	v42 =	vadd.f32 v40, v11  }
0x4f7: {  	v7 =	vadd.f32 v41, v7  }
0x4f8: {  	s7 =	sadd.s32 $0x10900, s0;
	[tilespmem:s0+$0x10900] =	vst v42  }
0x4f9: {  	[tilespmem:s7+$0x10] =	vst v7  }
0x4fa: {  	v7 =	vld [tilespmem:s31+$0x7510]  }
0x4fb: {  	v43 =	vld [tilespmem:s31+$0x8D10]  }
0x4fc: {  	v9 =	vld [tilespmem:s31+$0xA510]  }
0x4fd: {  	v44 =	vld [tilespmem:s31+$0xBD10];
	_ =	sdelay $0x2  }
0x4fe: {  	v45 =	vshll.u32 v7, $0x10  }
0x4ff: {  	v7 =	vand.u32 $0xFFFF0000, v7;
	v46 =	vshll.u32 v43, $0x10;
	v8 =	vand.u32 $0xFFFF0000, v43  }
0x500: {  	v47 =	vshll.u32 v9, $0x10;
	v9 =	vand.u32 $0xFFFF0000, v9;
	v48 =	vshll.u32 v44, $0x10  }
0x501: {  	v10 =	vand.u32 $0xFFFF0000, v44;
	v11 =	vadd.f32 v46, v45;
	v49 =	vadd.f32 v48, v47  }
0x502: {  	v7 =	vadd.f32 v8, v7;
	v50 =	vadd.f32 v10, v9  }
0x503: {  	v51 =	vadd.f32 v49, v11  }
0x504: {  	v7 =	vadd.f32 v50, v7  }
0x505: {  	[tilespmem:s7+$0x20] =	vst v51  }
0x506: {  	[tilespmem:s7+$0x30] =	vst v7  }
0x507: {  	v7 =	vld [tilespmem:s31+$0x7520]  }
0x508: {  	v52 =	vld [tilespmem:s31+$0x8D20]  }
0x509: {  	v9 =	vld [tilespmem:s31+$0xA520]  }
0x50a: {  	v53 =	vld [tilespmem:s31+$0xBD20];
	_ =	sdelay $0x2  }
0x50b: {  	v54 =	vshll.u32 v7, $0x10  }
0x50c: {  	v7 =	vand.u32 $0xFFFF0000, v7;
	v55 =	vshll.u32 v52, $0x10;
	v8 =	vand.u32 $0xFFFF0000, v52  }
0x50d: {  	v56 =	vshll.u32 v9, $0x10;
	v9 =	vand.u32 $0xFFFF0000, v9;
	v57 =	vshll.u32 v53, $0x10  }
0x50e: {  	v10 =	vand.u32 $0xFFFF0000, v53;
	v11 =	vadd.f32 v55, v54;
	v58 =	vadd.f32 v57, v56  }
0x50f: {  	v7 =	vadd.f32 v8, v7;
	v59 =	vadd.f32 v10, v9  }
0x510: {  	v60 =	vadd.f32 v58, v11  }
0x511: {  	v7 =	vadd.f32 v59, v7  }
0x512: {  	[tilespmem:s7+$0x40] =	vst v60  }
0x513: {  	[tilespmem:s7+$0x50] =	vst v7  }
0x514: {  	v7 =	vld [tilespmem:s31+$0x7530]  }
0x515: {  	v61 =	vld [tilespmem:s31+$0x8D30]  }
0x516: {  	v9 =	vld [tilespmem:s31+$0xA530]  }
0x517: {  	v62 =	vld [tilespmem:s31+$0xBD30];
	_ =	sdelay $0x2  }
0x518: {  	v63 =	vshll.u32 v7, $0x10  }
0x519: {  	v7 =	vand.u32 $0xFFFF0000, v7;
	v16 =	vshll.u32 v61, $0x10;
	v8 =	vand.u32 $0xFFFF0000, v61  }
0x51a: {  	v17 =	vshll.u32 v9, $0x10;
	v9 =	vand.u32 $0xFFFF0000, v9;
	v18 =	vshll.u32 v62, $0x10  }
0x51b: {  	v10 =	vand.u32 $0xFFFF0000, v62;
	v11 =	vadd.f32 v16, v63;
	v19 =	vadd.f32 v18, v17  }
0x51c: {  	v7 =	vadd.f32 v8, v7;
	v20 =	vadd.f32 v10, v9  }
0x51d: {  	v21 =	vadd.f32 v19, v11  }
0x51e: {  	v7 =	vadd.f32 v20, v7  }
0x51f: {  	[tilespmem:s7+$0x60] =	vst v21  }
0x520: {  	[tilespmem:s7+$0x70] =	vst v7  }
0x521: {  	v7 =	vld [tilespmem:s31+$0x7540]  }
0x522: {  	v22 =	vld [tilespmem:s31+$0x8D40]  }
0x523: {  	v9 =	vld [tilespmem:s31+$0xA540]  }
0x524: {  	v23 =	vld [tilespmem:s31+$0xBD40];
	_ =	sdelay $0x2  }
0x525: {  	v24 =	vshll.u32 v7, $0x10  }
0x526: {  	v7 =	vand.u32 $0xFFFF0000, v7;
	v25 =	vshll.u32 v22, $0x10;
	v8 =	vand.u32 $0xFFFF0000, v22  }
0x527: {  	v26 =	vshll.u32 v9, $0x10;
	v9 =	vand.u32 $0xFFFF0000, v9;
	v27 =	vshll.u32 v23, $0x10  }
0x528: {  	v10 =	vand.u32 $0xFFFF0000, v23;
	v11 =	vadd.f32 v25, v24;
	v28 =	vadd.f32 v27, v26  }
0x529: {  	v7 =	vadd.f32 v8, v7;
	v29 =	vadd.f32 v10, v9  }
0x52a: {  	v30 =	vadd.f32 v28, v11  }
0x52b: {  	v7 =	vadd.f32 v29, v7  }
0x52c: {  	s8 =	sadd.s32 $0x10D00, s0;
	[tilespmem:s0+$0x10D00] =	vst v30  }
0x52d: {  	[tilespmem:s8+$0x10] =	vst v7  }
0x52e: {  	v7 =	vld [tilespmem:s31+$0x7550]  }
0x52f: {  	v31 =	vld [tilespmem:s31+$0x8D50]  }
0x530: {  	v9 =	vld [tilespmem:s31+$0xA550]  }
0x531: {  	v32 =	vld [tilespmem:s31+$0xBD50];
	_ =	sdelay $0x2  }
0x532: {  	v33 =	vshll.u32 v7, $0x10  }
0x533: {  	v7 =	vand.u32 $0xFFFF0000, v7;
	v34 =	vshll.u32 v31, $0x10;
	v8 =	vand.u32 $0xFFFF0000, v31  }
0x534: {  	v35 =	vshll.u32 v9, $0x10;
	v9 =	vand.u32 $0xFFFF0000, v9;
	v36 =	vshll.u32 v32, $0x10  }
0x535: {  	v10 =	vand.u32 $0xFFFF0000, v32;
	v11 =	vadd.f32 v34, v33;
	v37 =	vadd.f32 v36, v35  }
0x536: {  	v7 =	vadd.f32 v8, v7;
	v38 =	vadd.f32 v10, v9  }
0x537: {  	v39 =	vadd.f32 v37, v11  }
0x538: {  	v7 =	vadd.f32 v38, v7  }
0x539: {  	[tilespmem:s8+$0x20] =	vst v39  }
0x53a: {  	[tilespmem:s8+$0x30] =	vst v7  }
0x53b: {  	v7 =	vld [tilespmem:s31+$0x7560]  }
0x53c: {  	v40 =	vld [tilespmem:s31+$0x8D60]  }
0x53d: {  	v9 =	vld [tilespmem:s31+$0xA560]  }
0x53e: {  	v41 =	vld [tilespmem:s31+$0xBD60];
	_ =	sdelay $0x2  }
0x53f: {  	v42 =	vshll.u32 v7, $0x10  }
0x540: {  	v7 =	vand.u32 $0xFFFF0000, v7;
	v43 =	vshll.u32 v40, $0x10;
	v8 =	vand.u32 $0xFFFF0000, v40  }
0x541: {  	v44 =	vshll.u32 v9, $0x10;
	v9 =	vand.u32 $0xFFFF0000, v9;
	v45 =	vshll.u32 v41, $0x10  }
0x542: {  	v10 =	vand.u32 $0xFFFF0000, v41;
	v11 =	vadd.f32 v43, v42;
	v46 =	vadd.f32 v45, v44  }
0x543: {  	v7 =	vadd.f32 v8, v7;
	v47 =	vadd.f32 v10, v9  }
0x544: {  	v48 =	vadd.f32 v46, v11  }
0x545: {  	v7 =	vadd.f32 v47, v7  }
0x546: {  	[tilespmem:s8+$0x40] =	vst v48  }
0x547: {  	[tilespmem:s8+$0x50] =	vst v7  }
0x548: {  	v7 =	vld [tilespmem:s31+$0x7570]  }
0x549: {  	v49 =	vld [tilespmem:s31+$0x8D70]  }
0x54a: {  	v9 =	vld [tilespmem:s31+$0xA570]  }
0x54b: {  	v50 =	vld [tilespmem:s31+$0xBD70]  }
0x54c: {  	v3 =	vadd.f32 v4, v3  }
0x54d: {  	v51 =	vadd.f32 v6, v5  }
0x54e: {  	[tilespmem:s6+$0x60] =	vst v3;
	v52 =	vshll.u32 v7, $0x10  }
0x54f: {  	[tilespmem:s6+$0x70] =	vst v51;
	v3 =	vand.u32 $0xFFFF0000, v7;
	v53 =	vshll.u32 v49, $0x10;
	v54 =	vand.u32 $0xFFFF0000, v49  }
0x550: {  	v58 =	vld [tilespmem:s30+$0x7900];
	v55 =	vshll.u32 v9, $0x10;
	v56 =	vand.u32 $0xFFFF0000, v9;
	v57 =	vshll.u32 v50, $0x10  }
0x551: {  	v59 =	vld [tilespmem:s30+$0x9100];
	v10 =	vand.u32 $0xFFFF0000, v50;
	v5 =	vadd.f32 v53, v52;
	v4 =	vadd.f32 v57, v55  }
0x552: {  	v61 =	vld [tilespmem:s30+$0xA900];
	v3 =	vadd.f32 v54, v3;
	v60 =	vadd.f32 v10, v56  }
0x553: {  	v62 =	vld [tilespmem:s30+$0xC100];
	v4 =	vadd.f32 v4, v5  }
0x554: {  	v3 =	vadd.f32 v60, v3  }
0x555: {  	[tilespmem:s8+$0x60] =	vst v4  }
0x556: {  	[tilespmem:s8+$0x70] =	vst v3  }
0x557: {  	v6 =	vand.u32 $0xFFFF0000, v59;
	v4 =	vld [tilespmem:s31+$0x7900]  }
0x558: {  	v63 =	vand.u32 $0xFFFF0000, v58;
	v18 =	vshll.u32 v61, $0x10;
	v19 =	vshll.u32 v62, $0x10;
	v17 =	vld [tilespmem:s31+$0x9100]  }
0x559: {  	v16 =	vshll.u32 v59, $0x10;
	v21 =	vadd.f32 v19, v18;
	v3 =	vshll.u32 v58, $0x10;
	v20 =	vld [tilespmem:s31+$0xA900]  }
0x55a: {  	v8 =	vand.u32 $0xFFFF0000, v61;
	v5 =	vand.u32 $0xFFFF0000, v62;
	v3 =	vadd.f32 v16, v3;
	v22 =	vld [tilespmem:s31+$0xC100]  }
0x55b: {  	v6 =	vadd.f32 v6, v63;
	v5 =	vadd.f32 v5, v8  }
0x55c: {  	v3 =	vadd.f32 v21, v3  }
0x55d: {  	v5 =	vadd.f32 v5, v6;
	v23 =	vshll.u32 v4, $0x10  }
0x55e: {  	s9 =	sadd.s32 $0x11100, s1;
	[tilespmem:s1+$0x11100] =	vst v3;
	v3 =	vand.u32 $0xFFFF0000, v4;
	v24 =	vshll.u32 v17, $0x10;
	v25 =	vand.u32 $0xFFFF0000, v17  }
0x55f: {  	[tilespmem:s9+$0x10] =	vst v5;
	v26 =	vshll.u32 v20, $0x10;
	v27 =	vand.u32 $0xFFFF0000, v20;
	v28 =	vshll.u32 v22, $0x10  }
0x560: {  	v11 =	vand.u32 $0xFFFF0000, v22;
	v29 =	vld [tilespmem:s30+$0x7910];
	v4 =	vadd.f32 v24, v23;
	v5 =	vadd.f32 v28, v26  }
0x561: {  	v30 =	vld [tilespmem:s30+$0x9110];
	v3 =	vadd.f32 v25, v3;
	v31 =	vadd.f32 v11, v27  }
0x562: {  	v32 =	vld [tilespmem:s30+$0xA910];
	v4 =	vadd.f32 v5, v4  }
0x563: {  	v33 =	vld [tilespmem:s30+$0xC110];
	v3 =	vadd.f32 v31, v3  }
0x564: {  	s13 =	sadd.s32 $0x11100, s0;
	[tilespmem:s0+$0x11100] =	vst v4  }
0x565: {  	[tilespmem:s13+$0x10] =	vst v3  }
0x566: {  	v3 =	vshll.u32 v29, $0x10;
	v4 =	vld [tilespmem:s31+$0x7910]  }
0x567: {  	v34 =	vand.u32 $0xFFFF0000, v29;
	v35 =	vshll.u32 v30, $0x10;
	v6 =	vand.u32 $0xFFFF0000, v30;
	v36 =	vld [tilespmem:s31+$0x9110]  }
0x568: {  	v37 =	vshll.u32 v32, $0x10;
	v8 =	vand.u32 $0xFFFF0000, v32;
	v38 =	vshll.u32 v33, $0x10;
	v39 =	vld [tilespmem:s31+$0xA910]  }
0x569: {  	v5 =	vand.u32 $0xFFFF0000, v33;
	v3 =	vadd.f32 v35, v3;
	v40 =	vadd.f32 v38, v37;
	v41 =	vld [tilespmem:s31+$0xC110]  }
0x56a: {  	v6 =	vadd.f32 v6, v34;
	v5 =	vadd.f32 v5, v8  }
0x56b: {  	v3 =	vadd.f32 v40, v3  }
0x56c: {  	v5 =	vadd.f32 v5, v6;
	v42 =	vshll.u32 v4, $0x10  }
0x56d: {  	[tilespmem:s9+$0x20] =	vst v3;
	v3 =	vand.u32 $0xFFFF0000, v4;
	v43 =	vshll.u32 v36, $0x10;
	v44 =	vand.u32 $0xFFFF0000, v36  }
0x56e: {  	[tilespmem:s9+$0x30] =	vst v5;
	v45 =	vshll.u32 v39, $0x10;
	v46 =	vand.u32 $0xFFFF0000, v39;
	v47 =	vshll.u32 v41, $0x10  }
0x56f: {  	v48 =	vld [tilespmem:s30+$0x7920];
	v11 =	vand.u32 $0xFFFF0000, v41;
	v4 =	vadd.f32 v43, v42;
	v5 =	vadd.f32 v47, v45  }
0x570: {  	v49 =	vld [tilespmem:s30+$0x9120];
	v3 =	vadd.f32 v44, v3;
	v50 =	vadd.f32 v11, v46  }
0x571: {  	v51 =	vld [tilespmem:s30+$0xA920];
	v4 =	vadd.f32 v5, v4  }
0x572: {  	v52 =	vld [tilespmem:s30+$0xC120];
	v3 =	vadd.f32 v50, v3  }
0x573: {  	[tilespmem:s13+$0x20] =	vst v4  }
0x574: {  	[tilespmem:s13+$0x30] =	vst v3  }
0x575: {  	v3 =	vshll.u32 v48, $0x10;
	v4 =	vld [tilespmem:s31+$0x7920]  }
0x576: {  	v53 =	vand.u32 $0xFFFF0000, v48;
	v54 =	vshll.u32 v49, $0x10;
	v6 =	vand.u32 $0xFFFF0000, v49;
	v55 =	vld [tilespmem:s31+$0x9120]  }
0x577: {  	v56 =	vshll.u32 v51, $0x10;
	v8 =	vand.u32 $0xFFFF0000, v51;
	v57 =	vshll.u32 v52, $0x10;
	v58 =	vld [tilespmem:s31+$0xA920]  }
0x578: {  	v5 =	vand.u32 $0xFFFF0000, v52;
	v3 =	vadd.f32 v54, v3;
	v59 =	vadd.f32 v57, v56;
	v60 =	vld [tilespmem:s31+$0xC120]  }
0x579: {  	v6 =	vadd.f32 v6, v53;
	v5 =	vadd.f32 v5, v8  }
0x57a: {  	v3 =	vadd.f32 v59, v3  }
0x57b: {  	v5 =	vadd.f32 v5, v6;
	v61 =	vshll.u32 v4, $0x10  }
0x57c: {  	[tilespmem:s9+$0x40] =	vst v3;
	v3 =	vand.u32 $0xFFFF0000, v4;
	v62 =	vshll.u32 v55, $0x10;
	v63 =	vand.u32 $0xFFFF0000, v55  }
0x57d: {  	[tilespmem:s9+$0x50] =	vst v5;
	v12 =	vshll.u32 v58, $0x10;
	v14 =	vand.u32 $0xFFFF0000, v58;
	v15 =	vshll.u32 v60, $0x10  }
0x57e: {  	v16 =	vld [tilespmem:s30+$0x7930];
	v11 =	vand.u32 $0xFFFF0000, v60;
	v4 =	vadd.f32 v62, v61;
	v5 =	vadd.f32 v15, v12  }
0x57f: {  	v17 =	vld [tilespmem:s30+$0x9130];
	v3 =	vadd.f32 v63, v3;
	v18 =	vadd.f32 v11, v14  }
0x580: {  	v19 =	vld [tilespmem:s30+$0xA930];
	v4 =	vadd.f32 v5, v4  }
0x581: {  	v20 =	vld [tilespmem:s30+$0xC130];
	v3 =	vadd.f32 v18, v3  }
0x582: {  	[tilespmem:s13+$0x40] =	vst v4  }
0x583: {  	[tilespmem:s13+$0x50] =	vst v3  }
0x584: {  	v3 =	vshll.u32 v16, $0x10;
	v4 =	vld [tilespmem:s31+$0x7930]  }
0x585: {  	v21 =	vand.u32 $0xFFFF0000, v16;
	v22 =	vshll.u32 v17, $0x10;
	v6 =	vand.u32 $0xFFFF0000, v17;
	v23 =	vld [tilespmem:s31+$0x9130]  }
0x586: {  	v24 =	vshll.u32 v19, $0x10;
	v8 =	vand.u32 $0xFFFF0000, v19;
	v25 =	vshll.u32 v20, $0x10;
	v26 =	vld [tilespmem:s31+$0xA930]  }
0x587: {  	v5 =	vand.u32 $0xFFFF0000, v20;
	v3 =	vadd.f32 v22, v3;
	v27 =	vadd.f32 v25, v24;
	v28 =	vld [tilespmem:s31+$0xC130]  }
0x588: {  	v6 =	vadd.f32 v6, v21;
	v5 =	vadd.f32 v5, v8  }
0x589: {  	v3 =	vadd.f32 v27, v3  }
0x58a: {  	v5 =	vadd.f32 v5, v6;
	v29 =	vshll.u32 v4, $0x10  }
0x58b: {  	[tilespmem:s9+$0x60] =	vst v3;
	v3 =	vand.u32 $0xFFFF0000, v4;
	v30 =	vshll.u32 v23, $0x10;
	v31 =	vand.u32 $0xFFFF0000, v23  }
0x58c: {  	[tilespmem:s9+$0x70] =	vst v5;
	v32 =	vshll.u32 v26, $0x10;
	v33 =	vand.u32 $0xFFFF0000, v26;
	v34 =	vshll.u32 v28, $0x10  }
0x58d: {  	v35 =	vld [tilespmem:s30+$0x7940];
	v11 =	vand.u32 $0xFFFF0000, v28;
	v4 =	vadd.f32 v30, v29;
	v5 =	vadd.f32 v34, v32  }
0x58e: {  	v36 =	vld [tilespmem:s30+$0x9140];
	v3 =	vadd.f32 v31, v3;
	v37 =	vadd.f32 v11, v33  }
0x58f: {  	v38 =	vld [tilespmem:s30+$0xA940];
	v4 =	vadd.f32 v5, v4  }
0x590: {  	v39 =	vld [tilespmem:s30+$0xC140];
	v3 =	vadd.f32 v37, v3  }
0x591: {  	[tilespmem:s13+$0x60] =	vst v4  }
0x592: {  	[tilespmem:s13+$0x70] =	vst v3  }
0x593: {  	v3 =	vshll.u32 v35, $0x10;
	v4 =	vld [tilespmem:s31+$0x7940]  }
0x594: {  	v40 =	vand.u32 $0xFFFF0000, v35;
	v41 =	vshll.u32 v36, $0x10;
	v6 =	vand.u32 $0xFFFF0000, v36;
	v42 =	vld [tilespmem:s31+$0x9140]  }
0x595: {  	v43 =	vshll.u32 v38, $0x10;
	v8 =	vand.u32 $0xFFFF0000, v38;
	v44 =	vshll.u32 v39, $0x10;
	v45 =	vld [tilespmem:s31+$0xA940]  }
0x596: {  	v5 =	vand.u32 $0xFFFF0000, v39;
	v3 =	vadd.f32 v41, v3;
	v46 =	vadd.f32 v44, v43;
	v47 =	vld [tilespmem:s31+$0xC140]  }
0x597: {  	v6 =	vadd.f32 v6, v40;
	v5 =	vadd.f32 v5, v8  }
0x598: {  	v3 =	vadd.f32 v46, v3  }
0x599: {  	v5 =	vadd.f32 v5, v6;
	v48 =	vshll.u32 v4, $0x10  }
0x59a: {  	s14 =	sadd.s32 $0x11500, s1;
	[tilespmem:s1+$0x11500] =	vst v3;
	v3 =	vand.u32 $0xFFFF0000, v4;
	v49 =	vshll.u32 v42, $0x10;
	v50 =	vand.u32 $0xFFFF0000, v42  }
0x59b: {  	[tilespmem:s14+$0x10] =	vst v5;
	v51 =	vshll.u32 v45, $0x10;
	v52 =	vand.u32 $0xFFFF0000, v45;
	v53 =	vshll.u32 v47, $0x10  }
0x59c: {  	v11 =	vand.u32 $0xFFFF0000, v47;
	v54 =	vld [tilespmem:s30+$0x7950];
	v4 =	vadd.f32 v49, v48;
	v5 =	vadd.f32 v53, v51  }
0x59d: {  	v55 =	vld [tilespmem:s30+$0x9150];
	v3 =	vadd.f32 v50, v3;
	v56 =	vadd.f32 v11, v52  }
0x59e: {  	v57 =	vld [tilespmem:s30+$0xA950];
	v4 =	vadd.f32 v5, v4  }
0x59f: {  	v58 =	vld [tilespmem:s30+$0xC150];
	v3 =	vadd.f32 v56, v3  }
0x5a0: {  	s15 =	sadd.s32 $0x11500, s0;
	[tilespmem:s0+$0x11500] =	vst v4  }
0x5a1: {  	[tilespmem:s15+$0x10] =	vst v3  }
0x5a2: {  	v3 =	vshll.u32 v54, $0x10;
	v4 =	vld [tilespmem:s31+$0x7950]  }
0x5a3: {  	v59 =	vand.u32 $0xFFFF0000, v54;
	v60 =	vshll.u32 v55, $0x10;
	v6 =	vand.u32 $0xFFFF0000, v55;
	v61 =	vld [tilespmem:s31+$0x9150]  }
0x5a4: {  	v62 =	vshll.u32 v57, $0x10;
	v8 =	vand.u32 $0xFFFF0000, v57;
	v63 =	vshll.u32 v58, $0x10;
	v16 =	vld [tilespmem:s31+$0xA950]  }
0x5a5: {  	v5 =	vand.u32 $0xFFFF0000, v58;
	v3 =	vadd.f32 v60, v3;
	v17 =	vadd.f32 v63, v62;
	v18 =	vld [tilespmem:s31+$0xC150]  }
0x5a6: {  	v6 =	vadd.f32 v6, v59;
	v5 =	vadd.f32 v5, v8  }
0x5a7: {  	v3 =	vadd.f32 v17, v3  }
0x5a8: {  	v5 =	vadd.f32 v5, v6;
	v19 =	vshll.u32 v4, $0x10  }
0x5a9: {  	[tilespmem:s14+$0x20] =	vst v3;
	v3 =	vand.u32 $0xFFFF0000, v4;
	v20 =	vshll.u32 v61, $0x10;
	v21 =	vand.u32 $0xFFFF0000, v61  }
0x5aa: {  	[tilespmem:s14+$0x30] =	vst v5;
	v22 =	vshll.u32 v16, $0x10;
	v23 =	vand.u32 $0xFFFF0000, v16;
	v24 =	vshll.u32 v18, $0x10  }
0x5ab: {  	v25 =	vld [tilespmem:s30+$0x7960];
	v11 =	vand.u32 $0xFFFF0000, v18;
	v4 =	vadd.f32 v20, v19;
	v5 =	vadd.f32 v24, v22  }
0x5ac: {  	v26 =	vld [tilespmem:s30+$0x9160];
	v3 =	vadd.f32 v21, v3;
	v27 =	vadd.f32 v11, v23  }
0x5ad: {  	v28 =	vld [tilespmem:s30+$0xA960];
	v4 =	vadd.f32 v5, v4  }
0x5ae: {  	v29 =	vld [tilespmem:s30+$0xC160];
	v3 =	vadd.f32 v27, v3  }
0x5af: {  	[tilespmem:s15+$0x20] =	vst v4  }
0x5b0: {  	[tilespmem:s15+$0x30] =	vst v3  }
0x5b1: {  	v3 =	vshll.u32 v25, $0x10;
	v4 =	vld [tilespmem:s31+$0x7960]  }
0x5b2: {  	v30 =	vand.u32 $0xFFFF0000, v25;
	v31 =	vshll.u32 v26, $0x10;
	v6 =	vand.u32 $0xFFFF0000, v26;
	v32 =	vld [tilespmem:s31+$0x9160]  }
0x5b3: {  	v33 =	vshll.u32 v28, $0x10;
	v8 =	vand.u32 $0xFFFF0000, v28;
	v34 =	vshll.u32 v29, $0x10;
	v35 =	vld [tilespmem:s31+$0xA960]  }
0x5b4: {  	v5 =	vand.u32 $0xFFFF0000, v29;
	v3 =	vadd.f32 v31, v3;
	v36 =	vadd.f32 v34, v33;
	v37 =	vld [tilespmem:s31+$0xC160]  }
0x5b5: {  	v6 =	vadd.f32 v6, v30;
	v5 =	vadd.f32 v5, v8  }
0x5b6: {  	v3 =	vadd.f32 v36, v3  }
0x5b7: {  	v5 =	vadd.f32 v5, v6;
	v38 =	vshll.u32 v4, $0x10  }
0x5b8: {  	[tilespmem:s14+$0x40] =	vst v3;
	v3 =	vand.u32 $0xFFFF0000, v4;
	v39 =	vshll.u32 v32, $0x10;
	v40 =	vand.u32 $0xFFFF0000, v32  }
0x5b9: {  	[tilespmem:s14+$0x50] =	vst v5;
	v41 =	vshll.u32 v35, $0x10;
	v42 =	vand.u32 $0xFFFF0000, v35;
	v43 =	vshll.u32 v37, $0x10  }
0x5ba: {  	v44 =	vld [tilespmem:s30+$0x7970];
	v11 =	vand.u32 $0xFFFF0000, v37;
	v4 =	vadd.f32 v39, v38;
	v5 =	vadd.f32 v43, v41  }
0x5bb: {  	v45 =	vld [tilespmem:s30+$0x9170];
	v3 =	vadd.f32 v40, v3;
	v46 =	vadd.f32 v11, v42  }
0x5bc: {  	v47 =	vld [tilespmem:s30+$0xA970];
	v4 =	vadd.f32 v5, v4  }
0x5bd: {  	v48 =	vld [tilespmem:s30+$0xC170];
	v3 =	vadd.f32 v46, v3  }
0x5be: {  	[tilespmem:s15+$0x40] =	vst v4  }
0x5bf: {  	[tilespmem:s15+$0x50] =	vst v3  }
0x5c0: {  	v3 =	vshll.u32 v44, $0x10;
	v4 =	vld [tilespmem:s31+$0x7970]  }
0x5c1: {  	v49 =	vshll.u32 v45, $0x10;
	v50 =	vand.u32 $0xFFFF0000, v44;
	v51 =	vshll.u32 v47, $0x10;
	v52 =	vld [tilespmem:s31+$0x9170]  }
0x5c2: {  	v6 =	vand.u32 $0xFFFF0000, v45;
	v8 =	vand.u32 $0xFFFF0000, v47;
	v53 =	vand.u32 $0xFFFF0000, v48;
	v54 =	vld [tilespmem:s31+$0xA970]  }
0x5c3: {  	v5 =	vshll.u32 v48, $0x10;
	v6 =	vadd.f32 v6, v50;
	v8 =	vadd.f32 v53, v8;
	v55 =	vld [tilespmem:s31+$0xC170]  }
0x5c4: {  	v3 =	vadd.f32 v49, v3;
	v5 =	vadd.f32 v5, v51;
	_ =	sdelay $0x1  }
0x5c5: {  	v6 =	vadd.f32 v8, v6;
	v3 =	vadd.f32 v5, v3;
	v56 =	vshll.u32 v4, $0x10  }
0x5c6: {  	v57 =	vshll.u32 v52, $0x10;
	v4 =	vand.u32 $0xFFFF0000, v4;
	v58 =	vshll.u32 v54, $0x10  }
0x5c7: {  	v59 =	vand.u32 $0xFFFF0000, v52;
	v60 =	vand.u32 $0xFFFF0000, v54;
	v61 =	vand.u32 $0xFFFF0000, v55  }
0x5c8: {  	v9 =	vshll.u32 v55, $0x10;
	v4 =	vadd.f32 v59, v4;
	v62 =	vadd.f32 v61, v60  }
0x5c9: {  	p0 =	sne.s32 s28, $0x20;
	s31 =	sor.u32 s4, s29;
	v5 =	vadd.f32 v57, v56;
	v63 =	vadd.f32 v9, v58  }
.Ltmp5:
0x5ca: {  	s0 =	sshrl.u32 s31, $0x3;
	[tilespmem:s14+$0x70] =	vst v6;
	v4 =	vadd.f32 v62, v4;
	(pc) =	sbr.rel @p0 .LBB2_2-.Ltmp5, $4  }
0x5cb: {  	s0 =	smul.u32 $0x300, s0;
	[tilespmem:s14+$0x60] =	vst v3;
	v3 =	vadd.f32 v63, v5  }
0x5cc: {  	[tilespmem:s15+$0x70] =	vst v4  }
0x5cd: {  	s0 =	sadd.s32 s2, s0;
	[tilespmem:s15+$0x60] =	vst v3  }
0x5ce: {  	[hbm4b:s0+s3] =	stream.linear.scatter [tilespmem:s26], [sflag:$0x4], $0x3000, $0x38;
	[tilespmem:$0x13100] =	vst v63  }
0x5cf: {  	s0 =	simm.s32 $0x3  }
0x5d0: {  	_ =	swait.ge [sflag:s0], $0x3000  }
0x5d1: {  	[sflag:s0] =	ssyncset.done $0x0  }
0x5d2: {  	[sflag:s0] =	ssyncadd.s32 $0xFFFFD000  }
0x5d3: {  	_ =	swait.ge [sflag:s25], $0x3000  }
0x5d4: {  	s1 =	rddreg [dreg:$0x8]  }
0x5d5: {  	s31 =	rddreg [dreg:$0x7];
	s1 =	sadd.s32 $0x1, s1  }
0x5d6: {  	p0 =	sne.s32 s1, s31  }
.Ltmp6:
0x5d7: {  	_ = 	snop;
	(pc) =	sbr.rel @p0 .LBB2_1-.Ltmp6, $3  }
0x5d8: {  	_ =	sdelay $0x1  }
0x5d9: {  	[sflag:s25] =	ssyncset.done $0x0  }
0x5da: {  	[sflag:s25] =	ssyncadd.s32 $0xFFFFD000  }
0x5db: {  	_ =	sfence.sel $0x180000  }
0x5dc: {  	[bflag:$0x0] =	sbarrier.arrive $0xFFFF  }
0x5dd: {  	_ =	strace $0x90000047  }
0x5de: {  	s0 =	stileid.u32;
	[bflag:$0x2] =	sbarrier.arrive $0xFFFF  }
0x5df: {  	p0 =	sne.s32 s0, $0x0;
	s0 =	rddreg [dreg:$0x2]  }
0x5e0: {  	s0 =	sadd.s32 @!p0 $0x100000, s0  }
0x5e1: {  	[sflag:s0] =	ssyncadd.tile.s32 @!p0 $0x1;
	_ =	shalt  }
.Lfunc_end2:
_tile_overlayer_lowered:
.L_overlay_start_2:
0x5e2: {  	(tag) =	ssettag $0x2  }
0x5e3: {  	s0 =	rddreg [dreg:$0x0];
	s2 =	stileid.u32  }
0x5e4: {  	s1 =	rddreg [dreg:$0x1];
	p0 =	sne.s32 s2, $0x0  }
0x5e5: {  	s3 =	rddreg [dreg:$0x2];
	[bflag:$0x3] =	sbarrier.arrive $0xFFFF;
	s2 =	simm.s32 @!p0 $0x1C05  }
0x5e6: {  	[timem:s3], [sflag:s2] =	dma.local @!p0 [hbm:s0], s1  }
0x5e7: {  	s0 =	simm.s32 @!p0 $0x5  }
0x5e8: {  	_ =	swait.ge @!p0 [sflag:s0], s1  }
0x5e9: {  	s1 =	ssub.s32 @!p0 $0x0, s1;
	[sflag:s0] =	ssyncset.done @!p0 $0x0  }
0x5ea: {  	[sflag:s0] =	ssyncadd.s32 @!p0 s1  }
0x5eb: {  	[bflag:$0x3] =	sbarrier.arrive $0xFFFF  }
0x5ec: {  	_ =	shalt  }

</sc_bundles>
